<compile_context>
chip_gen: v7x
topology: tpu7x:2x2x1
jax: 0.10.2.dev20260603
libtpu: 0.0.44.dev20260713+nightly
codegen_flags: <defaults>
</compile_context>

<pallas_src>
import functools

import jax
import jax.numpy as jnp
from jax import lax
from jax.experimental import pallas as pl
from jax.experimental.pallas import tpu as pltpu
from jax.experimental.pallas import tpu_sc as plsc

NC = 2
NS = 16
NW = NC * NS

TBLK = 65536


def _transpose_body(x_ref, o_ref):
    for k in range(TBLK // 512):
        x3 = x_ref[:, 512 * k:512 * (k + 1)].reshape(32, 4, 128)
        a = x3.transpose(1, 0, 2).reshape(128, 128)
        o_ref[pl.ds(128 * k, 128), :] = a.T


@functools.lru_cache(maxsize=None)
def _build_transpose(V: int, D: int):
    grid = (V + TBLK - 1) // TBLK
    rows_blk = TBLK // 4
    return pl.pallas_call(
        _transpose_body,
        grid=(grid,),
        in_specs=[pl.BlockSpec((D, TBLK), lambda g: (0, g))],
        out_specs=pl.BlockSpec((rows_blk, 128), lambda g: (g, 0)),
        out_shape=jax.ShapeDtypeStruct((grid * rows_blk, 128),
                                       jnp.float32),
    )


def _outpack_body(x_ref, o_ref):
    FB, Q, _ = x_ref.shape
    D = o_ref.shape[1]
    for ff in range(FB):
        for j in range(Q // 128):
            zt = x_ref[ff, pl.ds(128 * j, 128), :].T
            for u in range(128 // D):
                o_ref[ff, :, pl.ds(Q * u + 128 * j, 128)] = (
                    zt[D * u:D * (u + 1), :])


@functools.lru_cache(maxsize=None)
def _build_outpack(B: int, F: int, D: int):
    Q = B * D // 128
    FB = 2
    assert F % FB == 0
    return pl.pallas_call(
        _outpack_body,
        grid=(F // FB,),
        in_specs=[pl.BlockSpec((FB, Q, 128), lambda f: (f, 0, 0))],
        out_specs=pl.BlockSpec((FB, D, B), lambda f: (f, 0, 0)),
        out_shape=jax.ShapeDtypeStruct((F, D, B), jnp.float32),
    )


@functools.lru_cache(maxsize=None)
def _build_gather(B: int, F: int, VP: int, D: int):
    assert B % NW == 0 and F % 2 == 0
    C = B // NW
    Q = B * D // 128
    mesh = plsc.VectorSubcoreMesh(core_axis_name="c", subcore_axis_name="s")

    @functools.partial(
        pl.kernel,
        mesh=mesh,
        out_type=jax.ShapeDtypeStruct((F, Q, 128), jnp.float32),
        compiler_params=pltpu.CompilerParams(use_tc_tiling_on_sc=False,
                                             needs_layout_passes=False),
        scratch_types=[
            pltpu.VMEM((C,), jnp.int32),
            pltpu.VMEM((C,), jnp.int32),
            pltpu.VMEM((C, D), jnp.float32),
            pltpu.VMEM((C, D), jnp.float32),
            pltpu.SemaphoreType.DMA,
            pltpu.SemaphoreType.DMA,
            pltpu.SemaphoreType.DMA,
            pltpu.SemaphoreType.DMA,
        ],
    )
    def gather_kernel(idx_hbm, table_hbm, out_hbm, idx_a, idx_b,
                      rows_a, rows_b, gsem0, gsem1, ssem0, ssem1):
        wid = lax.axis_index("s") * NC + lax.axis_index("c")
        b0 = wid * C
        u = wid // (Q // C)
        q0 = (wid % (Q // C)) * C
        idx_v = [idx_a, idx_b]
        rows_v = [rows_a, rows_b]
        gsem = [gsem0, gsem1]
        ssem = [ssem0, ssem1]

        def permute(ref):
            def body(i, _):
                v = ref[pl.ds(i * 16, 16)]
                m = (v & -512) | ((v & 127) << 2) | ((v >> 7) & 3)
                ref[pl.ds(i * 16, 16)] = m
                return _
            lax.fori_loop(0, C // 16, body, None)

        def issue_gather(f_next, nbuf):
            pltpu.sync_copy(idx_hbm.at[f_next, pl.ds(b0, C)], idx_v[nbuf])
            permute(idx_v[nbuf])
            pltpu.async_copy(table_hbm.at[idx_v[nbuf]], rows_v[nbuf],
                             gsem[nbuf])

        def wait_gather(buf):
            pltpu.make_async_copy(table_hbm.at[idx_v[buf]], rows_v[buf],
                                  gsem[buf]).wait()

        def store(f, buf):
            pltpu.async_copy(
                rows_v[buf],
                out_hbm.at[f, pl.ds(q0, C), pl.ds(u * D, D)], ssem[buf])

        def wait_store(f_old, buf):
            pltpu.make_async_copy(
                rows_v[buf],
                out_hbm.at[f_old, pl.ds(q0, C), pl.ds(u * D, D)],
                ssem[buf]).wait()

        issue_gather(0, 0)

        def pair_body(p, carry):
            for b in range(2):
                f = 2 * p + b
                if b == 0:
                    @pl.when(p > 0)
                    def _():
                        wait_store(f - 1, 1)
                else:
                    wait_store(f - 1, 0)
                issue_gather(f + 1, 1 - b)
                wait_gather(b)
                store(f, b)
            return carry

        lax.fori_loop(0, F // 2 - 1, pair_body, None)
        for f in (F - 2, F - 1):
            b = f % 2
            wait_store(f - 1, 1 - b)
            if f + 1 < F:
                issue_gather(f + 1, 1 - b)
            wait_gather(b)
            store(f, b)
        wait_store(F - 1, 1)

    return gather_kernel


def kernel(global_indices, table):
    B, F = global_indices.shape
    V, D = table.shape
    tt = table.T
    scratch = _build_transpose(V, D)(tt)
    tlin = scratch.reshape(-1, D)
    idxT = global_indices.T.astype(jnp.int32)
    pack = _build_gather(B, F, tlin.shape[0], D)(idxT, tlin)
    out3 = _build_outpack(B, F, D)(pack)
    return jnp.transpose(out3, (2, 0, 1))

# --- scband reference (transcript-rebuilt; emitter-appended) ---
"""Pipeline reference for scband-custom-embedding-collection-13761075216722 (READ-ONLY COPY).

The authoritative reference and input builder live on the scoring server;
editing this copy changes nothing except your own understanding.
"""

import jax, jax.numpy as jnp
import numpy as np

VOCAB = 1000000
EMBED_DIM = 32
BATCH = 16384
N_FIELDS = 26


def setup_inputs(seed: int = 0) -> dict:
    key = jax.random.key(seed)
    k_idx, k_tab = jax.random.split(key)
    global_indices = jax.random.randint(k_idx, (BATCH, N_FIELDS), 0, VOCAB, dtype=jnp.int64)
    # nn.Embedding weight initialized uniform_(-0.01, 0.01) per the module
    table = jax.random.uniform(k_tab, (VOCAB, EMBED_DIM), dtype=jnp.float32, minval=-0.01, maxval=0.01)
    return {"global_indices": global_indices, "table": table}


def reference(global_indices, table):
    # Single-rank (world_size=1) ROW_WISE shard: row_start=0, row_end=VOCAB.
    # Faithful to _lookup_one_table: mask indices into the local row range,
    # gather local rows (global - row_start), zero-fill misses (none here).
    row_start = 0
    row_end = table.shape[0]
    flat = global_indices.reshape(-1)
    mask = (flat >= row_start) & (flat < row_end)
    local = jnp.where(mask, flat - row_start, 0)
    emb = jnp.take(table, local, axis=0)
    out = jnp.where(mask[:, None], emb, jnp.zeros_like(emb))
    return out.reshape(global_indices.shape + (table.shape[1],))

if __name__ == "__main__":
    import jax
    _d = setup_inputs()
    print(jax.jit(kernel)(*tuple(_d.values())))

</pallas_src>

<mosaic_0001>
#map = affine_map<(d0, d1) -> (0, 0)>
#map1 = affine_map<(d0, d1) -> (0, 0, 0)>
module attributes {stable_mosaic.version = 14 : i64} {
  func.func @gather_kernel(%arg0: i32, %arg1: i32, %arg2: memref<26x16384xi32, #tpu.memory_space<hbm>>, %arg3: memref<1048576x32xf32, #tpu.memory_space<hbm>>, %arg4: memref<26x4096x128xf32, #tpu.memory_space<hbm>>, %arg5: memref<512xi32, #tpu.memory_space<vmem>>, %arg6: memref<512xi32, #tpu.memory_space<vmem>>, %arg7: memref<512x32xf32, #tpu.memory_space<vmem>>, %arg8: memref<512x32xf32, #tpu.memory_space<vmem>>, %arg9: memref<!tpu.dma_semaphore, #tpu.memory_space<semaphore_mem>>, %arg10: memref<!tpu.dma_semaphore, #tpu.memory_space<semaphore_mem>>, %arg11: memref<!tpu.dma_semaphore, #tpu.memory_space<semaphore_mem>>, %arg12: memref<!tpu.dma_semaphore, #tpu.memory_space<semaphore_mem>>) attributes {dimension_semantics = [#tpu.dimension_semantics<core_parallel>, #tpu.dimension_semantics<subcore_parallel>], iteration_bounds = array<i64: 2, 16>, scalar_prefetch = 0 : i64, scratch_operands = 8 : i64, tpu.core_type = #tpu.core_type<sc_vector_subcore>, window_params = [{transform_indices = #map}, {transform_indices = #map}, {transform_indices = #map1}]} {
    %mul3A = arith.constant 2 : i32
    %mul3A_0 = arith.muli %arg1, %mul3A : i32
    %add3A = arith.addi %mul3A_0, %arg0 : i32
    %mul3A_1 = arith.constant 512 : i32
    %mul3A_2 = arith.muli %add3A, %mul3A_1 : i32
    %jit3A = arith.constant 8 : i32
    %div3A = arith.divsi %add3A, %jit3A : i32
    %sign3A = arith.constant 0 : i32
    %sign3A_3 = arith.cmpi sgt, %add3A, %sign3A : i32
    %sign3A_4 = arith.extui %sign3A_3 : i1 to i32
    %sign3A_5 = arith.constant 0 : i32
    %sign3A_6 = arith.cmpi slt, %add3A, %sign3A_5 : i32
    %sign3A_7 = arith.extui %sign3A_6 : i1 to i32
    %sign3A_8 = arith.subi %sign3A_4, %sign3A_7 : i32
    %sign3A_9 = arith.constant 0 : i32
    %sign3A_10 = arith.cmpi sgt, %jit3A, %sign3A_9 : i32
    %sign3A_11 = arith.extui %sign3A_10 : i1 to i32
    %sign3A_12 = arith.constant 0 : i32
    %sign3A_13 = arith.cmpi slt, %jit3A, %sign3A_12 : i32
    %sign3A_14 = arith.extui %sign3A_13 : i1 to i32
    %sign3A_15 = arith.subi %sign3A_11, %sign3A_14 : i32
    %ne3A = arith.cmpi ne, %sign3A_8, %sign3A_15 : i32
    %rem3A = arith.remsi %add3A, %jit3A : i32
    %ne3A_16 = arith.constant 0 : i32
    %ne3A_17 = arith.cmpi ne, %rem3A, %ne3A_16 : i32
    %and3A = arith.andi %ne3A, %ne3A_17 : i1
    %sub3A = arith.constant 1 : i32
    %sub3A_18 = arith.subi %div3A, %sub3A : i32
    %select_n3A = arith.select %and3A, %sub3A_18, %div3A : i32
    %jit3A_19 = arith.constant 8 : i32
    %eq3A = arith.constant 0 : i32
    %eq3A_20 = arith.cmpi eq, %jit3A_19, %eq3A : i32
    %jit3A_21 = arith.constant 1 : i32
    %select_n3A_22 = arith.select %eq3A_20, %jit3A_21, %jit3A_19 : i32
    %rem3A_23 = arith.remsi %add3A, %select_n3A_22 : i32
    %ne3A_24 = arith.constant 0 : i32
    %ne3A_25 = arith.cmpi ne, %rem3A_23, %ne3A_24 : i32
    %lt3A = arith.constant 0 : i32
    %lt3A_26 = arith.cmpi slt, %rem3A_23, %lt3A : i32
    %lt3A_27 = arith.constant 0 : i32
    %lt3A_28 = arith.cmpi slt, %select_n3A_22, %lt3A_27 : i32
    %ne3A_29 = arith.xori %lt3A_26, %lt3A_28 : i1
    %and3A_30 = arith.andi %ne3A_29, %ne3A_25 : i1
    %add3A_31 = arith.addi %rem3A_23, %select_n3A_22 : i32
    %select_n3A_32 = arith.select %and3A_30, %add3A_31, %rem3A_23 : i32
    %mul3A_33 = arith.constant 512 : i32
    %mul3A_34 = arith.muli %select_n3A_32, %mul3A_33 : i32
    %run_scoped3A = arith.constant 0 : i32
    "tpu.region"() ({
      %run_scoped3A_95 = tpu.sem_alloc : memref<!tpu.dma_semaphore, #tpu.memory_space<semaphore_mem>>
      %dma_start3A_96 = tpu.memref_slice %arg2[%run_scoped3A, %mul3A_2] : memref<26x16384xi32, #tpu.memory_space<hbm>> -> memref<1x512xi32, #tpu.memory_space<hbm>>
      %dma_start3A_97 = tpu.memref_squeeze %dma_start3A_96 : memref<1x512xi32, #tpu.memory_space<hbm>> -> memref<512xi32, #tpu.memory_space<hbm>>
      %dma_start3A_98 = tpu.memref_slice %arg2[%run_scoped3A, %mul3A_2] : memref<26x16384xi32, #tpu.memory_space<hbm>> -> memref<1x512xi32, #tpu.memory_space<hbm>>
      %dma_start3A_99 = tpu.memref_squeeze %dma_start3A_98 : memref<1x512xi32, #tpu.memory_space<hbm>> -> memref<512xi32, #tpu.memory_space<hbm>>
      tpu.enqueue_dma source(%dma_start3A_99 : memref<512xi32, #tpu.memory_space<hbm>>) target(%arg5 : memref<512xi32, #tpu.memory_space<vmem>>) target_semaphore(%run_scoped3A_95 : memref<!tpu.dma_semaphore, #tpu.memory_space<semaphore_mem>>)
      %dma_wait3A_100 = tpu.memref_slice %arg2[%run_scoped3A, %mul3A_2] : memref<26x16384xi32, #tpu.memory_space<hbm>> -> memref<1x512xi32, #tpu.memory_space<hbm>>
      %dma_wait3A_101 = tpu.memref_squeeze %dma_wait3A_100 : memref<1x512xi32, #tpu.memory_space<hbm>> -> memref<512xi32, #tpu.memory_space<hbm>>
      %dma_wait3A_102 = tpu.memref_slice %arg2[%run_scoped3A, %mul3A_2] : memref<26x16384xi32, #tpu.memory_space<hbm>> -> memref<1x512xi32, #tpu.memory_space<hbm>>
      %dma_wait3A_103 = tpu.memref_squeeze %dma_wait3A_102 : memref<1x512xi32, #tpu.memory_space<hbm>> -> memref<512xi32, #tpu.memory_space<hbm>>
      tpu.wait_dma2 semaphore(%run_scoped3A_95 : memref<!tpu.dma_semaphore, #tpu.memory_space<semaphore_mem>>) src(%dma_wait3A_103 : memref<512xi32, #tpu.memory_space<hbm>>) dst(%arg5 : memref<512xi32, #tpu.memory_space<vmem>>)
      tpu.yield
    }) : () -> ()
    %scan3A = arith.constant 0 : i32
    %scan3A_35 = arith.constant 32 : i32
    %scan3A_36 = arith.addi %scan3A, %scan3A_35 : i32
    %scan3A_37 = arith.constant 1 : i32
    scf.for %scan3A_95 = %scan3A to %scan3A_36 step %scan3A_37  : i32 {
      %mul3A_96 = arith.constant 16 : i32
      %mul3A_97 = arith.muli %scan3A_95, %mul3A_96 : i32
      %get3A = arith.index_cast %mul3A_97 : i32 to index
      %get3A_98 = tpu.vector_load %arg5[%get3A] {strides = array<i32>} : memref<512xi32, #tpu.memory_space<vmem>>, vector<16xi32>,
      %and3A_99 = arith.constant -512 : i32
      %and3A_100 = vector.broadcast %and3A_99 : i32 to vector<16xi32>
      %and3A_101 = arith.andi %get3A_98, %and3A_100 : vector<16xi32>
      %and3A_102 = arith.constant 127 : i32
      %and3A_103 = vector.broadcast %and3A_102 : i32 to vector<16xi32>
      %and3A_104 = arith.andi %get3A_98, %and3A_103 : vector<16xi32>
      %shift_left3A = arith.constant 2 : i32
      %shift_left3A_105 = vector.broadcast %shift_left3A : i32 to vector<16xi32>
      %shift_left3A_106 = arith.shli %and3A_104, %shift_left3A_105 : vector<16xi32>
      %or3A = arith.ori %and3A_101, %shift_left3A_106 : vector<16xi32>
      %shift_right_arithmetic3A = arith.constant 7 : i32
      %shift_right_arithmetic3A_107 = vector.broadcast %shift_right_arithmetic3A : i32 to vector<16xi32>
      %shift_right_arithmetic3A_108 = arith.shrsi %get3A_98, %shift_right_arithmetic3A_107 : vector<16xi32>
      %and3A_109 = arith.constant 3 : i32
      %and3A_110 = vector.broadcast %and3A_109 : i32 to vector<16xi32>
      %and3A_111 = arith.andi %shift_right_arithmetic3A_108, %and3A_110 : vector<16xi32>
      %or3A_112 = arith.ori %or3A, %and3A_111 : vector<16xi32>
      %mul3A_113 = arith.constant 16 : i32
      %mul3A_114 = arith.muli %scan3A_95, %mul3A_113 : i32
      %swap3A = arith.index_cast %mul3A_114 : i32 to index
      %swap3A_115 = tpu.vector_load %arg5[%swap3A] {strides = array<i32>} : memref<512xi32, #tpu.memory_space<vmem>>, vector<16xi32>,
      tpu.vector_store %arg5[%swap3A], %or3A_112 {strides = array<i32>} : memref<512xi32, #tpu.memory_space<vmem>>, vector<16xi32>,
    }
    %scan3A_38 = arith.constant 32 : i32
    %dma_start3A = arith.constant 0 : i32
    %dma_start3A_39 = arith.constant 0 : i32
    %dma_start3A_40 = tpu.memref_slice %arg3[%dma_start3A, %dma_start3A_39] : memref<1048576x32xf32, #tpu.memory_space<hbm>> -> memref<1048576x32xf32, #tpu.memory_space<hbm>>
    tpu.enqueue_indirect_dma source(%dma_start3A_40 : memref<1048576x32xf32, #tpu.memory_space<hbm>>) target(%arg7 : memref<512x32xf32, #tpu.memory_space<vmem>>) offsets(%arg5 : memref<512xi32, #tpu.memory_space<vmem>>) semaphore(%arg9 : memref<!tpu.dma_semaphore, #tpu.memory_space<semaphore_mem>>)
    %scan3A_41 = arith.constant 0 : i32
    %scan3A_42 = arith.constant 12 : i32
    %scan3A_43 = arith.addi %scan3A_41, %scan3A_42 : i32
    %scan3A_44 = arith.constant 1 : i32
    scf.for %scan3A_95 = %scan3A_41 to %scan3A_43 step %scan3A_44  : i32 {
      %mul3A_96 = arith.constant 2 : i32
      %mul3A_97 = arith.muli %mul3A_96, %scan3A_95 : i32
      %add3A_98 = arith.constant 0 : i32
      %add3A_99 = arith.addi %mul3A_97, %add3A_98 : i32
      %gt3A = arith.constant 0 : i32
      %gt3A_100 = arith.cmpi sgt, %scan3A_95, %gt3A : i32
      %convert_element_type3A = arith.extui %gt3A_100 : i1 to i32
      %cond3A = arith.constant 0 : i32
      %cond3A_101 = arith.cmpi ne, %convert_element_type3A, %cond3A : i32
      scf.if %cond3A_101 {
        %sub3A_152 = arith.constant 1 : i32
        %sub3A_153 = arith.subi %add3A_99, %sub3A_152 : i32
        %mul3A_154 = arith.constant 32 : i32
        %mul3A_155 = arith.muli %select_n3A, %mul3A_154 : i32
        %dma_wait3A_156 = tpu.memref_slice %arg4[%sub3A_153, %mul3A_34, %mul3A_155] : memref<26x4096x128xf32, #tpu.memory_space<hbm>> -> memref<1x512x32xf32, #tpu.memory_space<hbm>>
        %dma_wait3A_157 = tpu.memref_squeeze %dma_wait3A_156 : memref<1x512x32xf32, #tpu.memory_space<hbm>> -> memref<512x32xf32, #tpu.memory_space<hbm>>
        %dma_wait3A_158 = tpu.memref_slice %arg4[%sub3A_153, %mul3A_34, %mul3A_155] : memref<26x4096x128xf32, #tpu.memory_space<hbm>> -> memref<1x512x32xf32, #tpu.memory_space<hbm>>
        %dma_wait3A_159 = tpu.memref_squeeze %dma_wait3A_158 : memref<1x512x32xf32, #tpu.memory_space<hbm>> -> memref<512x32xf32, #tpu.memory_space<hbm>>
        tpu.wait_dma2 semaphore(%arg12 : memref<!tpu.dma_semaphore, #tpu.memory_space<semaphore_mem>>) src(%arg8 : memref<512x32xf32, #tpu.memory_space<vmem>>) dst(%dma_wait3A_159 : memref<512x32xf32, #tpu.memory_space<hbm>>)
      } else {
      }
      %add3A_102 = arith.constant 1 : i32
      %add3A_103 = arith.addi %add3A_99, %add3A_102 : i32
      "tpu.region"() ({
        %run_scoped3A_152 = tpu.sem_alloc : memref<!tpu.dma_semaphore, #tpu.memory_space<semaphore_mem>>
        %dma_start3A_153 = tpu.memref_slice %arg2[%add3A_103, %mul3A_2] : memref<26x16384xi32, #tpu.memory_space<hbm>> -> memref<1x512xi32, #tpu.memory_space<hbm>>
        %dma_start3A_154 = tpu.memref_squeeze %dma_start3A_153 : memref<1x512xi32, #tpu.memory_space<hbm>> -> memref<512xi32, #tpu.memory_space<hbm>>
        %dma_start3A_155 = tpu.memref_slice %arg2[%add3A_103, %mul3A_2] : memref<26x16384xi32, #tpu.memory_space<hbm>> -> memref<1x512xi32, #tpu.memory_space<hbm>>
        %dma_start3A_156 = tpu.memref_squeeze %dma_start3A_155 : memref<1x512xi32, #tpu.memory_space<hbm>> -> memref<512xi32, #tpu.memory_space<hbm>>
        tpu.enqueue_dma source(%dma_start3A_156 : memref<512xi32, #tpu.memory_space<hbm>>) target(%arg6 : memref<512xi32, #tpu.memory_space<vmem>>) target_semaphore(%run_scoped3A_152 : memref<!tpu.dma_semaphore, #tpu.memory_space<semaphore_mem>>)
        %dma_wait3A_157 = tpu.memref_slice %arg2[%add3A_103, %mul3A_2] : memref<26x16384xi32, #tpu.memory_space<hbm>> -> memref<1x512xi32, #tpu.memory_space<hbm>>
        %dma_wait3A_158 = tpu.memref_squeeze %dma_wait3A_157 : memref<1x512xi32, #tpu.memory_space<hbm>> -> memref<512xi32, #tpu.memory_space<hbm>>
        %dma_wait3A_159 = tpu.memref_slice %arg2[%add3A_103, %mul3A_2] : memref<26x16384xi32, #tpu.memory_space<hbm>> -> memref<1x512xi32, #tpu.memory_space<hbm>>
        %dma_wait3A_160 = tpu.memref_squeeze %dma_wait3A_159 : memref<1x512xi32, #tpu.memory_space<hbm>> -> memref<512xi32, #tpu.memory_space<hbm>>
        tpu.wait_dma2 semaphore(%run_scoped3A_152 : memref<!tpu.dma_semaphore, #tpu.memory_space<semaphore_mem>>) src(%dma_wait3A_160 : memref<512xi32, #tpu.memory_space<hbm>>) dst(%arg6 : memref<512xi32, #tpu.memory_space<vmem>>)
        tpu.yield
      }) : () -> ()
      %scan3A_104 = arith.constant 0 : i32
      %scan3A_105 = arith.constant 32 : i32
      %scan3A_106 = arith.addi %scan3A_104, %scan3A_105 : i32
      %scan3A_107 = arith.constant 1 : i32
      scf.for %scan3A_152 = %scan3A_104 to %scan3A_106 step %scan3A_107  : i32 {
        %mul3A_153 = arith.constant 16 : i32
        %mul3A_154 = arith.muli %scan3A_152, %mul3A_153 : i32
        %get3A = arith.index_cast %mul3A_154 : i32 to index
        %get3A_155 = tpu.vector_load %arg6[%get3A] {strides = array<i32>} : memref<512xi32, #tpu.memory_space<vmem>>, vector<16xi32>,
        %and3A_156 = arith.constant -512 : i32
        %and3A_157 = vector.broadcast %and3A_156 : i32 to vector<16xi32>
        %and3A_158 = arith.andi %get3A_155, %and3A_157 : vector<16xi32>
        %and3A_159 = arith.constant 127 : i32
        %and3A_160 = vector.broadcast %and3A_159 : i32 to vector<16xi32>
        %and3A_161 = arith.andi %get3A_155, %and3A_160 : vector<16xi32>
        %shift_left3A = arith.constant 2 : i32
        %shift_left3A_162 = vector.broadcast %shift_left3A : i32 to vector<16xi32>
        %shift_left3A_163 = arith.shli %and3A_161, %shift_left3A_162 : vector<16xi32>
        %or3A = arith.ori %and3A_158, %shift_left3A_163 : vector<16xi32>
        %shift_right_arithmetic3A = arith.constant 7 : i32
        %shift_right_arithmetic3A_164 = vector.broadcast %shift_right_arithmetic3A : i32 to vector<16xi32>
        %shift_right_arithmetic3A_165 = arith.shrsi %get3A_155, %shift_right_arithmetic3A_164 : vector<16xi32>
        %and3A_166 = arith.constant 3 : i32
        %and3A_167 = vector.broadcast %and3A_166 : i32 to vector<16xi32>
        %and3A_168 = arith.andi %shift_right_arithmetic3A_165, %and3A_167 : vector<16xi32>
        %or3A_169 = arith.ori %or3A, %and3A_168 : vector<16xi32>
        %mul3A_170 = arith.constant 16 : i32
        %mul3A_171 = arith.muli %scan3A_152, %mul3A_170 : i32
        %swap3A = arith.index_cast %mul3A_171 : i32 to index
        %swap3A_172 = tpu.vector_load %arg6[%swap3A] {strides = array<i32>} : memref<512xi32, #tpu.memory_space<vmem>>, vector<16xi32>,
        tpu.vector_store %arg6[%swap3A], %or3A_169 {strides = array<i32>} : memref<512xi32, #tpu.memory_space<vmem>>, vector<16xi32>,
      }
      %scan3A_108 = arith.constant 32 : i32
      %dma_start3A_109 = arith.constant 0 : i32
      %dma_start3A_110 = arith.constant 0 : i32
      %dma_start3A_111 = tpu.memref_slice %arg3[%dma_start3A_109, %dma_start3A_110] : memref<1048576x32xf32, #tpu.memory_space<hbm>> -> memref<1048576x32xf32, #tpu.memory_space<hbm>>
      tpu.enqueue_indirect_dma source(%dma_start3A_111 : memref<1048576x32xf32, #tpu.memory_space<hbm>>) target(%arg8 : memref<512x32xf32, #tpu.memory_space<vmem>>) offsets(%arg6 : memref<512xi32, #tpu.memory_space<vmem>>) semaphore(%arg10 : memref<!tpu.dma_semaphore, #tpu.memory_space<semaphore_mem>>)
      %dma_wait3A_112 = arith.constant 0 : i32
      %dma_wait3A_113 = arith.constant 0 : i32
      %dma_wait3A_114 = tpu.memref_slice %arg3[%dma_wait3A_112, %dma_wait3A_113] : memref<1048576x32xf32, #tpu.memory_space<hbm>> -> memref<1048576x32xf32, #tpu.memory_space<hbm>>
      tpu.wait_indirect_dma semaphore(%arg9 : memref<!tpu.dma_semaphore, #tpu.memory_space<semaphore_mem>>) src(%dma_wait3A_114 : memref<1048576x32xf32, #tpu.memory_space<hbm>>) dst(%arg7 : memref<512x32xf32, #tpu.memory_space<vmem>>)
      %mul3A_115 = arith.constant 32 : i32
      %mul3A_116 = arith.muli %select_n3A, %mul3A_115 : i32
      %dma_start3A_117 = tpu.memref_slice %arg4[%add3A_99, %mul3A_34, %mul3A_116] : memref<26x4096x128xf32, #tpu.memory_space<hbm>> -> memref<1x512x32xf32, #tpu.memory_space<hbm>>
      %dma_start3A_118 = tpu.memref_squeeze %dma_start3A_117 : memref<1x512x32xf32, #tpu.memory_space<hbm>> -> memref<512x32xf32, #tpu.memory_space<hbm>>
      %dma_start3A_119 = tpu.memref_slice %arg4[%add3A_99, %mul3A_34, %mul3A_116] : memref<26x4096x128xf32, #tpu.memory_space<hbm>> -> memref<1x512x32xf32, #tpu.memory_space<hbm>>
      %dma_start3A_120 = tpu.memref_squeeze %dma_start3A_119 : memref<1x512x32xf32, #tpu.memory_space<hbm>> -> memref<512x32xf32, #tpu.memory_space<hbm>>
      tpu.enqueue_dma source(%arg7 : memref<512x32xf32, #tpu.memory_space<vmem>>) target(%dma_start3A_120 : memref<512x32xf32, #tpu.memory_space<hbm>>) target_semaphore(%arg11 : memref<!tpu.dma_semaphore, #tpu.memory_space<semaphore_mem>>)
      %mul3A_121 = arith.constant 2 : i32
      %mul3A_122 = arith.muli %mul3A_121, %scan3A_95 : i32
      %add3A_123 = arith.constant 1 : i32
      %add3A_124 = arith.addi %mul3A_122, %add3A_123 : i32
      %sub3A_125 = arith.constant 1 : i32
      %sub3A_126 = arith.subi %add3A_124, %sub3A_125 : i32
      %mul3A_127 = arith.constant 32 : i32
      %mul3A_128 = arith.muli %select_n3A, %mul3A_127 : i32
      %dma_wait3A_129 = tpu.memref_slice %arg4[%sub3A_126, %mul3A_34, %mul3A_128] : memref<26x4096x128xf32, #tpu.memory_space<hbm>> -> memref<1x512x32xf32, #tpu.memory_space<hbm>>
      %dma_wait3A_130 = tpu.memref_squeeze %dma_wait3A_129 : memref<1x512x32xf32, #tpu.memory_space<hbm>> -> memref<512x32xf32, #tpu.memory_space<hbm>>
      %dma_wait3A_131 = tpu.memref_slice %arg4[%sub3A_126, %mul3A_34, %mul3A_128] : memref<26x4096x128xf32, #tpu.memory_space<hbm>> -> memref<1x512x32xf32, #tpu.memory_space<hbm>>
      %dma_wait3A_132 = tpu.memref_squeeze %dma_wait3A_131 : memref<1x512x32xf32, #tpu.memory_space<hbm>> -> memref<512x32xf32, #tpu.memory_space<hbm>>
      tpu.wait_dma2 semaphore(%arg11 : memref<!tpu.dma_semaphore, #tpu.memory_space<semaphore_mem>>) src(%arg7 : memref<512x32xf32, #tpu.memory_space<vmem>>) dst(%dma_wait3A_132 : memref<512x32xf32, #tpu.memory_space<hbm>>)
      %add3A_133 = arith.constant 1 : i32
      %add3A_134 = arith.addi %add3A_124, %add3A_133 : i32
      "tpu.region"() ({
        %run_scoped3A_152 = tpu.sem_alloc : memref<!tpu.dma_semaphore, #tpu.memory_space<semaphore_mem>>
        %dma_start3A_153 = tpu.memref_slice %arg2[%add3A_134, %mul3A_2] : memref<26x16384xi32, #tpu.memory_space<hbm>> -> memref<1x512xi32, #tpu.memory_space<hbm>>
        %dma_start3A_154 = tpu.memref_squeeze %dma_start3A_153 : memref<1x512xi32, #tpu.memory_space<hbm>> -> memref<512xi32, #tpu.memory_space<hbm>>
        %dma_start3A_155 = tpu.memref_slice %arg2[%add3A_134, %mul3A_2] : memref<26x16384xi32, #tpu.memory_space<hbm>> -> memref<1x512xi32, #tpu.memory_space<hbm>>
        %dma_start3A_156 = tpu.memref_squeeze %dma_start3A_155 : memref<1x512xi32, #tpu.memory_space<hbm>> -> memref<512xi32, #tpu.memory_space<hbm>>
        tpu.enqueue_dma source(%dma_start3A_156 : memref<512xi32, #tpu.memory_space<hbm>>) target(%arg5 : memref<512xi32, #tpu.memory_space<vmem>>) target_semaphore(%run_scoped3A_152 : memref<!tpu.dma_semaphore, #tpu.memory_space<semaphore_mem>>)
        %dma_wait3A_157 = tpu.memref_slice %arg2[%add3A_134, %mul3A_2] : memref<26x16384xi32, #tpu.memory_space<hbm>> -> memref<1x512xi32, #tpu.memory_space<hbm>>
        %dma_wait3A_158 = tpu.memref_squeeze %dma_wait3A_157 : memref<1x512xi32, #tpu.memory_space<hbm>> -> memref<512xi32, #tpu.memory_space<hbm>>
        %dma_wait3A_159 = tpu.memref_slice %arg2[%add3A_134, %mul3A_2] : memref<26x16384xi32, #tpu.memory_space<hbm>> -> memref<1x512xi32, #tpu.memory_space<hbm>>
        %dma_wait3A_160 = tpu.memref_squeeze %dma_wait3A_159 : memref<1x512xi32, #tpu.memory_space<hbm>> -> memref<512xi32, #tpu.memory_space<hbm>>
        tpu.wait_dma2 semaphore(%run_scoped3A_152 : memref<!tpu.dma_semaphore, #tpu.memory_space<semaphore_mem>>) src(%dma_wait3A_160 : memref<512xi32, #tpu.memory_space<hbm>>) dst(%arg5 : memref<512xi32, #tpu.memory_space<vmem>>)
        tpu.yield
      }) : () -> ()
      %scan3A_135 = arith.constant 0 : i32
      %scan3A_136 = arith.constant 32 : i32
      %scan3A_137 = arith.addi %scan3A_135, %scan3A_136 : i32
      %scan3A_138 = arith.constant 1 : i32
      scf.for %scan3A_152 = %scan3A_135 to %scan3A_137 step %scan3A_138  : i32 {
        %mul3A_153 = arith.constant 16 : i32
        %mul3A_154 = arith.muli %scan3A_152, %mul3A_153 : i32
        %get3A = arith.index_cast %mul3A_154 : i32 to index
        %get3A_155 = tpu.vector_load %arg5[%get3A] {strides = array<i32>} : memref<512xi32, #tpu.memory_space<vmem>>, vector<16xi32>,
        %and3A_156 = arith.constant -512 : i32
        %and3A_157 = vector.broadcast %and3A_156 : i32 to vector<16xi32>
        %and3A_158 = arith.andi %get3A_155, %and3A_157 : vector<16xi32>
        %and3A_159 = arith.constant 127 : i32
        %and3A_160 = vector.broadcast %and3A_159 : i32 to vector<16xi32>
        %and3A_161 = arith.andi %get3A_155, %and3A_160 : vector<16xi32>
        %shift_left3A = arith.constant 2 : i32
        %shift_left3A_162 = vector.broadcast %shift_left3A : i32 to vector<16xi32>
        %shift_left3A_163 = arith.shli %and3A_161, %shift_left3A_162 : vector<16xi32>
        %or3A = arith.ori %and3A_158, %shift_left3A_163 : vector<16xi32>
        %shift_right_arithmetic3A = arith.constant 7 : i32
        %shift_right_arithmetic3A_164 = vector.broadcast %shift_right_arithmetic3A : i32 to vector<16xi32>
        %shift_right_arithmetic3A_165 = arith.shrsi %get3A_155, %shift_right_arithmetic3A_164 : vector<16xi32>
        %and3A_166 = arith.constant 3 : i32
        %and3A_167 = vector.broadcast %and3A_166 : i32 to vector<16xi32>
        %and3A_168 = arith.andi %shift_right_arithmetic3A_165, %and3A_167 : vector<16xi32>
        %or3A_169 = arith.ori %or3A, %and3A_168 : vector<16xi32>
        %mul3A_170 = arith.constant 16 : i32
        %mul3A_171 = arith.muli %scan3A_152, %mul3A_170 : i32
        %swap3A = arith.index_cast %mul3A_171 : i32 to index
        %swap3A_172 = tpu.vector_load %arg5[%swap3A] {strides = array<i32>} : memref<512xi32, #tpu.memory_space<vmem>>, vector<16xi32>,
        tpu.vector_store %arg5[%swap3A], %or3A_169 {strides = array<i32>} : memref<512xi32, #tpu.memory_space<vmem>>, vector<16xi32>,
      }
      %scan3A_139 = arith.constant 32 : i32
      %dma_start3A_140 = arith.constant 0 : i32
      %dma_start3A_141 = arith.constant 0 : i32
      %dma_start3A_142 = tpu.memref_slice %arg3[%dma_start3A_140, %dma_start3A_141] : memref<1048576x32xf32, #tpu.memory_space<hbm>> -> memref<1048576x32xf32, #tpu.memory_space<hbm>>
      tpu.enqueue_indirect_dma source(%dma_start3A_142 : memref<1048576x32xf32, #tpu.memory_space<hbm>>) target(%arg7 : memref<512x32xf32, #tpu.memory_space<vmem>>) offsets(%arg5 : memref<512xi32, #tpu.memory_space<vmem>>) semaphore(%arg9 : memref<!tpu.dma_semaphore, #tpu.memory_space<semaphore_mem>>)
      %dma_wait3A_143 = arith.constant 0 : i32
      %dma_wait3A_144 = arith.constant 0 : i32
      %dma_wait3A_145 = tpu.memref_slice %arg3[%dma_wait3A_143, %dma_wait3A_144] : memref<1048576x32xf32, #tpu.memory_space<hbm>> -> memref<1048576x32xf32, #tpu.memory_space<hbm>>
      tpu.wait_indirect_dma semaphore(%arg10 : memref<!tpu.dma_semaphore, #tpu.memory_space<semaphore_mem>>) src(%dma_wait3A_145 : memref<1048576x32xf32, #tpu.memory_space<hbm>>) dst(%arg8 : memref<512x32xf32, #tpu.memory_space<vmem>>)
      %mul3A_146 = arith.constant 32 : i32
      %mul3A_147 = arith.muli %select_n3A, %mul3A_146 : i32
      %dma_start3A_148 = tpu.memref_slice %arg4[%add3A_124, %mul3A_34, %mul3A_147] : memref<26x4096x128xf32, #tpu.memory_space<hbm>> -> memref<1x512x32xf32, #tpu.memory_space<hbm>>
      %dma_start3A_149 = tpu.memref_squeeze %dma_start3A_148 : memref<1x512x32xf32, #tpu.memory_space<hbm>> -> memref<512x32xf32, #tpu.memory_space<hbm>>
      %dma_start3A_150 = tpu.memref_slice %arg4[%add3A_124, %mul3A_34, %mul3A_147] : memref<26x4096x128xf32, #tpu.memory_space<hbm>> -> memref<1x512x32xf32, #tpu.memory_space<hbm>>
      %dma_start3A_151 = tpu.memref_squeeze %dma_start3A_150 : memref<1x512x32xf32, #tpu.memory_space<hbm>> -> memref<512x32xf32, #tpu.memory_space<hbm>>
      tpu.enqueue_dma source(%arg8 : memref<512x32xf32, #tpu.memory_space<vmem>>) target(%dma_start3A_151 : memref<512x32xf32, #tpu.memory_space<hbm>>) target_semaphore(%arg12 : memref<!tpu.dma_semaphore, #tpu.memory_space<semaphore_mem>>)
    }
    %scan3A_45 = arith.constant 12 : i32
    %mul3A_46 = arith.constant 32 : i32
    %mul3A_47 = arith.muli %select_n3A, %mul3A_46 : i32
    %dma_wait3A = arith.constant 23 : i32
    %dma_wait3A_48 = tpu.memref_slice %arg4[%dma_wait3A, %mul3A_34, %mul3A_47] : memref<26x4096x128xf32, #tpu.memory_space<hbm>> -> memref<1x512x32xf32, #tpu.memory_space<hbm>>
    %dma_wait3A_49 = tpu.memref_squeeze %dma_wait3A_48 : memref<1x512x32xf32, #tpu.memory_space<hbm>> -> memref<512x32xf32, #tpu.memory_space<hbm>>
    %dma_wait3A_50 = tpu.memref_slice %arg4[%dma_wait3A, %mul3A_34, %mul3A_47] : memref<26x4096x128xf32, #tpu.memory_space<hbm>> -> memref<1x512x32xf32, #tpu.memory_space<hbm>>
    %dma_wait3A_51 = tpu.memref_squeeze %dma_wait3A_50 : memref<1x512x32xf32, #tpu.memory_space<hbm>> -> memref<512x32xf32, #tpu.memory_space<hbm>>
    tpu.wait_dma2 semaphore(%arg12 : memref<!tpu.dma_semaphore, #tpu.memory_space<semaphore_mem>>) src(%arg8 : memref<512x32xf32, #tpu.memory_space<vmem>>) dst(%dma_wait3A_51 : memref<512x32xf32, #tpu.memory_space<hbm>>)
    %run_scoped3A_52 = arith.constant 25 : i32
    "tpu.region"() ({
      %run_scoped3A_95 = tpu.sem_alloc : memref<!tpu.dma_semaphore, #tpu.memory_space<semaphore_mem>>
      %dma_start3A_96 = tpu.memref_slice %arg2[%run_scoped3A_52, %mul3A_2] : memref<26x16384xi32, #tpu.memory_space<hbm>> -> memref<1x512xi32, #tpu.memory_space<hbm>>
      %dma_start3A_97 = tpu.memref_squeeze %dma_start3A_96 : memref<1x512xi32, #tpu.memory_space<hbm>> -> memref<512xi32, #tpu.memory_space<hbm>>
      %dma_start3A_98 = tpu.memref_slice %arg2[%run_scoped3A_52, %mul3A_2] : memref<26x16384xi32, #tpu.memory_space<hbm>> -> memref<1x512xi32, #tpu.memory_space<hbm>>
      %dma_start3A_99 = tpu.memref_squeeze %dma_start3A_98 : memref<1x512xi32, #tpu.memory_space<hbm>> -> memref<512xi32, #tpu.memory_space<hbm>>
      tpu.enqueue_dma source(%dma_start3A_99 : memref<512xi32, #tpu.memory_space<hbm>>) target(%arg6 : memref<512xi32, #tpu.memory_space<vmem>>) target_semaphore(%run_scoped3A_95 : memref<!tpu.dma_semaphore, #tpu.memory_space<semaphore_mem>>)
      %dma_wait3A_100 = tpu.memref_slice %arg2[%run_scoped3A_52, %mul3A_2] : memref<26x16384xi32, #tpu.memory_space<hbm>> -> memref<1x512xi32, #tpu.memory_space<hbm>>
      %dma_wait3A_101 = tpu.memref_squeeze %dma_wait3A_100 : memref<1x512xi32, #tpu.memory_space<hbm>> -> memref<512xi32, #tpu.memory_space<hbm>>
      %dma_wait3A_102 = tpu.memref_slice %arg2[%run_scoped3A_52, %mul3A_2] : memref<26x16384xi32, #tpu.memory_space<hbm>> -> memref<1x512xi32, #tpu.memory_space<hbm>>
      %dma_wait3A_103 = tpu.memref_squeeze %dma_wait3A_102 : memref<1x512xi32, #tpu.memory_space<hbm>> -> memref<512xi32, #tpu.memory_space<hbm>>
      tpu.wait_dma2 semaphore(%run_scoped3A_95 : memref<!tpu.dma_semaphore, #tpu.memory_space<semaphore_mem>>) src(%dma_wait3A_103 : memref<512xi32, #tpu.memory_space<hbm>>) dst(%arg6 : memref<512xi32, #tpu.memory_space<vmem>>)
      tpu.yield
    }) : () -> ()
    %scan3A_53 = arith.constant 0 : i32
    %scan3A_54 = arith.constant 32 : i32
    %scan3A_55 = arith.addi %scan3A_53, %scan3A_54 : i32
    %scan3A_56 = arith.constant 1 : i32
    scf.for %scan3A_95 = %scan3A_53 to %scan3A_55 step %scan3A_56  : i32 {
      %mul3A_96 = arith.constant 16 : i32
      %mul3A_97 = arith.muli %scan3A_95, %mul3A_96 : i32
      %get3A = arith.index_cast %mul3A_97 : i32 to index
      %get3A_98 = tpu.vector_load %arg6[%get3A] {strides = array<i32>} : memref<512xi32, #tpu.memory_space<vmem>>, vector<16xi32>,
      %and3A_99 = arith.constant -512 : i32
      %and3A_100 = vector.broadcast %and3A_99 : i32 to vector<16xi32>
      %and3A_101 = arith.andi %get3A_98, %and3A_100 : vector<16xi32>
      %and3A_102 = arith.constant 127 : i32
      %and3A_103 = vector.broadcast %and3A_102 : i32 to vector<16xi32>
      %and3A_104 = arith.andi %get3A_98, %and3A_103 : vector<16xi32>
      %shift_left3A = arith.constant 2 : i32
      %shift_left3A_105 = vector.broadcast %shift_left3A : i32 to vector<16xi32>
      %shift_left3A_106 = arith.shli %and3A_104, %shift_left3A_105 : vector<16xi32>
      %or3A = arith.ori %and3A_101, %shift_left3A_106 : vector<16xi32>
      %shift_right_arithmetic3A = arith.constant 7 : i32
      %shift_right_arithmetic3A_107 = vector.broadcast %shift_right_arithmetic3A : i32 to vector<16xi32>
      %shift_right_arithmetic3A_108 = arith.shrsi %get3A_98, %shift_right_arithmetic3A_107 : vector<16xi32>
      %and3A_109 = arith.constant 3 : i32
      %and3A_110 = vector.broadcast %and3A_109 : i32 to vector<16xi32>
      %and3A_111 = arith.andi %shift_right_arithmetic3A_108, %and3A_110 : vector<16xi32>
      %or3A_112 = arith.ori %or3A, %and3A_111 : vector<16xi32>
      %mul3A_113 = arith.constant 16 : i32
      %mul3A_114 = arith.muli %scan3A_95, %mul3A_113 : i32
      %swap3A = arith.index_cast %mul3A_114 : i32 to index
      %swap3A_115 = tpu.vector_load %arg6[%swap3A] {strides = array<i32>} : memref<512xi32, #tpu.memory_space<vmem>>, vector<16xi32>,
      tpu.vector_store %arg6[%swap3A], %or3A_112 {strides = array<i32>} : memref<512xi32, #tpu.memory_space<vmem>>, vector<16xi32>,
    }
    %scan3A_57 = arith.constant 32 : i32
    %dma_start3A_58 = arith.constant 0 : i32
    %dma_start3A_59 = arith.constant 0 : i32
    %dma_start3A_60 = tpu.memref_slice %arg3[%dma_start3A_58, %dma_start3A_59] : memref<1048576x32xf32, #tpu.memory_space<hbm>> -> memref<1048576x32xf32, #tpu.memory_space<hbm>>
    tpu.enqueue_indirect_dma source(%dma_start3A_60 : memref<1048576x32xf32, #tpu.memory_space<hbm>>) target(%arg8 : memref<512x32xf32, #tpu.memory_space<vmem>>) offsets(%arg6 : memref<512xi32, #tpu.memory_space<vmem>>) semaphore(%arg10 : memref<!tpu.dma_semaphore, #tpu.memory_space<semaphore_mem>>)
    %dma_wait3A_61 = arith.constant 0 : i32
    %dma_wait3A_62 = arith.constant 0 : i32
    %dma_wait3A_63 = tpu.memref_slice %arg3[%dma_wait3A_61, %dma_wait3A_62] : memref<1048576x32xf32, #tpu.memory_space<hbm>> -> memref<1048576x32xf32, #tpu.memory_space<hbm>>
    tpu.wait_indirect_dma semaphore(%arg9 : memref<!tpu.dma_semaphore, #tpu.memory_space<semaphore_mem>>) src(%dma_wait3A_63 : memref<1048576x32xf32, #tpu.memory_space<hbm>>) dst(%arg7 : memref<512x32xf32, #tpu.memory_space<vmem>>)
    %mul3A_64 = arith.constant 32 : i32
    %mul3A_65 = arith.muli %select_n3A, %mul3A_64 : i32
    %dma_start3A_66 = arith.constant 24 : i32
    %dma_start3A_67 = tpu.memref_slice %arg4[%dma_start3A_66, %mul3A_34, %mul3A_65] : memref<26x4096x128xf32, #tpu.memory_space<hbm>> -> memref<1x512x32xf32, #tpu.memory_space<hbm>>
    %dma_start3A_68 = tpu.memref_squeeze %dma_start3A_67 : memref<1x512x32xf32, #tpu.memory_space<hbm>> -> memref<512x32xf32, #tpu.memory_space<hbm>>
    %dma_start3A_69 = tpu.memref_slice %arg4[%dma_start3A_66, %mul3A_34, %mul3A_65] : memref<26x4096x128xf32, #tpu.memory_space<hbm>> -> memref<1x512x32xf32, #tpu.memory_space<hbm>>
    %dma_start3A_70 = tpu.memref_squeeze %dma_start3A_69 : memref<1x512x32xf32, #tpu.memory_space<hbm>> -> memref<512x32xf32, #tpu.memory_space<hbm>>
    tpu.enqueue_dma source(%arg7 : memref<512x32xf32, #tpu.memory_space<vmem>>) target(%dma_start3A_70 : memref<512x32xf32, #tpu.memory_space<hbm>>) target_semaphore(%arg11 : memref<!tpu.dma_semaphore, #tpu.memory_space<semaphore_mem>>)
    %mul3A_71 = arith.constant 32 : i32
    %mul3A_72 = arith.muli %select_n3A, %mul3A_71 : i32
    %dma_wait3A_73 = arith.constant 24 : i32
    %dma_wait3A_74 = tpu.memref_slice %arg4[%dma_wait3A_73, %mul3A_34, %mul3A_72] : memref<26x4096x128xf32, #tpu.memory_space<hbm>> -> memref<1x512x32xf32, #tpu.memory_space<hbm>>
    %dma_wait3A_75 = tpu.memref_squeeze %dma_wait3A_74 : memref<1x512x32xf32, #tpu.memory_space<hbm>> -> memref<512x32xf32, #tpu.memory_space<hbm>>
    %dma_wait3A_76 = tpu.memref_slice %arg4[%dma_wait3A_73, %mul3A_34, %mul3A_72] : memref<26x4096x128xf32, #tpu.memory_space<hbm>> -> memref<1x512x32xf32, #tpu.memory_space<hbm>>
    %dma_wait3A_77 = tpu.memref_squeeze %dma_wait3A_76 : memref<1x512x32xf32, #tpu.memory_space<hbm>> -> memref<512x32xf32, #tpu.memory_space<hbm>>
    tpu.wait_dma2 semaphore(%arg11 : memref<!tpu.dma_semaphore, #tpu.memory_space<semaphore_mem>>) src(%arg7 : memref<512x32xf32, #tpu.memory_space<vmem>>) dst(%dma_wait3A_77 : memref<512x32xf32, #tpu.memory_space<hbm>>)
    %dma_wait3A_78 = arith.constant 0 : i32
    %dma_wait3A_79 = arith.constant 0 : i32
    %dma_wait3A_80 = tpu.memref_slice %arg3[%dma_wait3A_78, %dma_wait3A_79] : memref<1048576x32xf32, #tpu.memory_space<hbm>> -> memref<1048576x32xf32, #tpu.memory_space<hbm>>
    tpu.wait_indirect_dma semaphore(%arg10 : memref<!tpu.dma_semaphore, #tpu.memory_space<semaphore_mem>>) src(%dma_wait3A_80 : memref<1048576x32xf32, #tpu.memory_space<hbm>>) dst(%arg8 : memref<512x32xf32, #tpu.memory_space<vmem>>)
    %mul3A_81 = arith.constant 32 : i32
    %mul3A_82 = arith.muli %select_n3A, %mul3A_81 : i32
    %dma_start3A_83 = arith.constant 25 : i32
    %dma_start3A_84 = tpu.memref_slice %arg4[%dma_start3A_83, %mul3A_34, %mul3A_82] : memref<26x4096x128xf32, #tpu.memory_space<hbm>> -> memref<1x512x32xf32, #tpu.memory_space<hbm>>
    %dma_start3A_85 = tpu.memref_squeeze %dma_start3A_84 : memref<1x512x32xf32, #tpu.memory_space<hbm>> -> memref<512x32xf32, #tpu.memory_space<hbm>>
    %dma_start3A_86 = tpu.memref_slice %arg4[%dma_start3A_83, %mul3A_34, %mul3A_82] : memref<26x4096x128xf32, #tpu.memory_space<hbm>> -> memref<1x512x32xf32, #tpu.memory_space<hbm>>
    %dma_start3A_87 = tpu.memref_squeeze %dma_start3A_86 : memref<1x512x32xf32, #tpu.memory_space<hbm>> -> memref<512x32xf32, #tpu.memory_space<hbm>>
    tpu.enqueue_dma source(%arg8 : memref<512x32xf32, #tpu.memory_space<vmem>>) target(%dma_start3A_87 : memref<512x32xf32, #tpu.memory_space<hbm>>) target_semaphore(%arg12 : memref<!tpu.dma_semaphore, #tpu.memory_space<semaphore_mem>>)
    %mul3A_88 = arith.constant 32 : i32
    %mul3A_89 = arith.muli %select_n3A, %mul3A_88 : i32
    %dma_wait3A_90 = arith.constant 25 : i32
    %dma_wait3A_91 = tpu.memref_slice %arg4[%dma_wait3A_90, %mul3A_34, %mul3A_89] : memref<26x4096x128xf32, #tpu.memory_space<hbm>> -> memref<1x512x32xf32, #tpu.memory_space<hbm>>
    %dma_wait3A_92 = tpu.memref_squeeze %dma_wait3A_91 : memref<1x512x32xf32, #tpu.memory_space<hbm>> -> memref<512x32xf32, #tpu.memory_space<hbm>>
    %dma_wait3A_93 = tpu.memref_slice %arg4[%dma_wait3A_90, %mul3A_34, %mul3A_89] : memref<26x4096x128xf32, #tpu.memory_space<hbm>> -> memref<1x512x32xf32, #tpu.memory_space<hbm>>
    %dma_wait3A_94 = tpu.memref_squeeze %dma_wait3A_93 : memref<1x512x32xf32, #tpu.memory_space<hbm>> -> memref<512x32xf32, #tpu.memory_space<hbm>>
    tpu.wait_dma2 semaphore(%arg12 : memref<!tpu.dma_semaphore, #tpu.memory_space<semaphore_mem>>) src(%arg8 : memref<512x32xf32, #tpu.memory_space<vmem>>) dst(%dma_wait3A_94 : memref<512x32xf32, #tpu.memory_space<hbm>>)
    return
  }
}

module attributes {stable_mosaic.version = 14 : i64} {
  func.func @_transpose_body(%arg0: i32, %arg1: memref<32x65536xf32, #tpu.memory_space<vmem>>, %arg2: memref<16384x128xf32, #tpu.memory_space<vmem>>) attributes {dimension_semantics = [#tpu.dimension_semantics<arbitrary>], iteration_bounds = array<i64: 16>, scalar_prefetch = 0 : i64, scratch_operands = 0 : i64, tpu.core_type = #tpu.core_type<tc>, window_params = [{transform_indices = @transform_0, window_bounds = array<i64: 32, 65536>}, {transform_indices = @transform_1, window_bounds = array<i64: 16384, 128>}]} {
    %get3A = arith.constant 0 : index
    %get3A_0 = arith.constant 0 : index
    %get3A_1 = vector.load %arg1[%get3A, %get3A_0] : memref<32x65536xf32, #tpu.memory_space<vmem>>, vector<32x512xf32>
    %reshape3A = vector.shape_cast %get3A_1 : vector<32x512xf32> to vector<32x4x128xf32>
    %transpose3A = tpu.transpose %reshape3A, [1, 0, 2] : vector<32x4x128xf32> -> vector<4x32x128xf32>
    %reshape3A_2 = vector.shape_cast %transpose3A : vector<4x32x128xf32> to vector<128x128xf32>
    %transpose3A_3 = tpu.transpose %reshape3A_2, [1, 0] : vector<128x128xf32> -> vector<128x128xf32>
    %swap3A = arith.constant 0 : index
    %swap3A_4 = arith.constant 0 : index
    %swap3A_5 = vector.load %arg2[%swap3A, %swap3A_4] : memref<16384x128xf32, #tpu.memory_space<vmem>>, vector<128x128xf32>
    tpu.vector_store %arg2[%swap3A, %swap3A_4], %transpose3A_3 {strides = array<i32>} : memref<16384x128xf32, #tpu.memory_space<vmem>>, vector<128x128xf32>,
    %get3A_6 = arith.constant 0 : index
    %get3A_7 = arith.constant 512 : index
    %get3A_8 = vector.load %arg1[%get3A_6, %get3A_7] : memref<32x65536xf32, #tpu.memory_space<vmem>>, vector<32x512xf32>
    %reshape3A_9 = vector.shape_cast %get3A_8 : vector<32x512xf32> to vector<32x4x128xf32>
    %transpose3A_10 = tpu.transpose %reshape3A_9, [1, 0, 2] : vector<32x4x128xf32> -> vector<4x32x128xf32>
    %reshape3A_11 = vector.shape_cast %transpose3A_10 : vector<4x32x128xf32> to vector<128x128xf32>
    %transpose3A_12 = tpu.transpose %reshape3A_11, [1, 0] : vector<128x128xf32> -> vector<128x128xf32>
    %swap3A_13 = arith.constant 128 : index
    %swap3A_14 = arith.constant 0 : index
    %swap3A_15 = vector.load %arg2[%swap3A_13, %swap3A_14] : memref<16384x128xf32, #tpu.memory_space<vmem>>, vector<128x128xf32>
    tpu.vector_store %arg2[%swap3A_13, %swap3A_14], %transpose3A_12 {strides = array<i32>} : memref<16384x128xf32, #tpu.memory_space<vmem>>, vector<128x128xf32>,
    %get3A_16 = arith.constant 0 : index
    %get3A_17 = arith.constant 1024 : index
    %get3A_18 = vector.load %arg1[%get3A_16, %get3A_17] : memref<32x65536xf32, #tpu.memory_space<vmem>>, vector<32x512xf32>
    %reshape3A_19 = vector.shape_cast %get3A_18 : vector<32x512xf32> to vector<32x4x128xf32>
    %transpose3A_20 = tpu.transpose %reshape3A_19, [1, 0, 2] : vector<32x4x128xf32> -> vector<4x32x128xf32>
    %reshape3A_21 = vector.shape_cast %transpose3A_20 : vector<4x32x128xf32> to vector<128x128xf32>
    %transpose3A_22 = tpu.transpose %reshape3A_21, [1, 0] : vector<128x128xf32> -> vector<128x128xf32>
    %swap3A_23 = arith.constant 256 : index
    %swap3A_24 = arith.constant 0 : index
    %swap3A_25 = vector.load %arg2[%swap3A_23, %swap3A_24] : memref<16384x128xf32, #tpu.memory_space<vmem>>, vector<128x128xf32>
    tpu.vector_store %arg2[%swap3A_23, %swap3A_24], %transpose3A_22 {strides = array<i32>} : memref<16384x128xf32, #tpu.memory_space<vmem>>, vector<128x128xf32>,
    %get3A_26 = arith.constant 0 : index
    %get3A_27 = arith.constant 1536 : index
    %get3A_28 = vector.load %arg1[%get3A_26, %get3A_27] : memref<32x65536xf32, #tpu.memory_space<vmem>>, vector<32x512xf32>
    %reshape3A_29 = vector.shape_cast %get3A_28 : vector<32x512xf32> to vector<32x4x128xf32>
    %transpose3A_30 = tpu.transpose %reshape3A_29, [1, 0, 2] : vector<32x4x128xf32> -> vector<4x32x128xf32>
    %reshape3A_31 = vector.shape_cast %transpose3A_30 : vector<4x32x128xf32> to vector<128x128xf32>
    %transpose3A_32 = tpu.transpose %reshape3A_31, [1, 0] : vector<128x128xf32> -> vector<128x128xf32>
    %swap3A_33 = arith.constant 384 : index
    %swap3A_34 = arith.constant 0 : index
    %swap3A_35 = vector.load %arg2[%swap3A_33, %swap3A_34] : memref<16384x128xf32, #tpu.memory_space<vmem>>, vector<128x128xf32>
    tpu.vector_store %arg2[%swap3A_33, %swap3A_34], %transpose3A_32 {strides = array<i32>} : memref<16384x128xf32, #tpu.memory_space<vmem>>, vector<128x128xf32>,
    %get3A_36 = arith.constant 0 : index
    %get3A_37 = arith.constant 2048 : index
    %get3A_38 = vector.load %arg1[%get3A_36, %get3A_37] : memref<32x65536xf32, #tpu.memory_space<vmem>>, vector<32x512xf32>
    %reshape3A_39 = vector.shape_cast %get3A_38 : vector<32x512xf32> to vector<32x4x128xf32>
    %transpose3A_40 = tpu.transpose %reshape3A_39, [1, 0, 2] : vector<32x4x128xf32> -> vector<4x32x128xf32>
    %reshape3A_41 = vector.shape_cast %transpose3A_40 : vector<4x32x128xf32> to vector<128x128xf32>
    %transpose3A_42 = tpu.transpose %reshape3A_41, [1, 0] : vector<128x128xf32> -> vector<128x128xf32>
    %swap3A_43 = arith.constant 512 : index
    %swap3A_44 = arith.constant 0 : index
    %swap3A_45 = vector.load %arg2[%swap3A_43, %swap3A_44] : memref<16384x128xf32, #tpu.memory_space<vmem>>, vector<128x128xf32>
    tpu.vector_store %arg2[%swap3A_43, %swap3A_44], %transpose3A_42 {strides = array<i32>} : memref<16384x128xf32, #tpu.memory_space<vmem>>, vector<128x128xf32>,
    %get3A_46 = arith.constant 0 : index
    %get3A_47 = arith.constant 2560 : index
    %get3A_48 = vector.load %arg1[%get3A_46, %get3A_47] : memref<32x65536xf32, #tpu.memory_space<vmem>>, vector<32x512xf32>
    %reshape3A_49 = vector.shape_cast %get3A_48 : vector<32x512xf32> to vector<32x4x128xf32>
    %transpose3A_50 = tpu.transpose %reshape3A_49, [1, 0, 2] : vector<32x4x128xf32> -> vector<4x32x128xf32>
    %reshape3A_51 = vector.shape_cast %transpose3A_50 : vector<4x32x128xf32> to vector<128x128xf32>
    %transpose3A_52 = tpu.transpose %reshape3A_51, [1, 0] : vector<128x128xf32> -> vector<128x128xf32>
    %swap3A_53 = arith.constant 640 : index
    %swap3A_54 = arith.constant 0 : index
    %swap3A_55 = vector.load %arg2[%swap3A_53, %swap3A_54] : memref<16384x128xf32, #tpu.memory_space<vmem>>, vector<128x128xf32>
    tpu.vector_store %arg2[%swap3A_53, %swap3A_54], %transpose3A_52 {strides = array<i32>} : memref<16384x128xf32, #tpu.memory_space<vmem>>, vector<128x128xf32>,
    %get3A_56 = arith.constant 0 : index
    %get3A_57 = arith.constant 3072 : index
    %get3A_58 = vector.load %arg1[%get3A_56, %get3A_57] : memref<32x65536xf32, #tpu.memory_space<vmem>>, vector<32x512xf32>
    %reshape3A_59 = vector.shape_cast %get3A_58 : vector<32x512xf32> to vector<32x4x128xf32>
    %transpose3A_60 = tpu.transpose %reshape3A_59, [1, 0, 2] : vector<32x4x128xf32> -> vector<4x32x128xf32>
    %reshape3A_61 = vector.shape_cast %transpose3A_60 : vector<4x32x128xf32> to vector<128x128xf32>
    %transpose3A_62 = tpu.transpose %reshape3A_61, [1, 0] : vector<128x128xf32> -> vector<128x128xf32>
    %swap3A_63 = arith.constant 768 : index
    %swap3A_64 = arith.constant 0 : index
    %swap3A_65 = vector.load %arg2[%swap3A_63, %swap3A_64] : memref<16384x128xf32, #tpu.memory_space<vmem>>, vector<128x128xf32>
    tpu.vector_store %arg2[%swap3A_63, %swap3A_64], %transpose3A_62 {strides = array<i32>} : memref<16384x128xf32, #tpu.memory_space<vmem>>, vector<128x128xf32>,
    %get3A_66 = arith.constant 0 : index
    %get3A_67 = arith.constant 3584 : index
    %get3A_68 = vector.load %arg1[%get3A_66, %get3A_67] : memref<32x65536xf32, #tpu.memory_space<vmem>>, vector<32x512xf32>
    %reshape3A_69 = vector.shape_cast %get3A_68 : vector<32x512xf32> to vector<32x4x128xf32>
    %transpose3A_70 = tpu.transpose %reshape3A_69, [1, 0, 2] : vector<32x4x128xf32> -> vector<4x32x128xf32>
    %reshape3A_71 = vector.shape_cast %transpose3A_70 : vector<4x32x128xf32> to vector<128x128xf32>
    %transpose3A_72 = tpu.transpose %reshape3A_71, [1, 0] : vector<128x128xf32> -> vector<128x128xf32>
    %swap3A_73 = arith.constant 896 : index
    %swap3A_74 = arith.constant 0 : index
    %swap3A_75 = vector.load %arg2[%swap3A_73, %swap3A_74] : memref<16384x128xf32, #tpu.memory_space<vmem>>, vector<128x128xf32>
    tpu.vector_store %arg2[%swap3A_73, %swap3A_74], %transpose3A_72 {strides = array<i32>} : memref<16384x128xf32, #tpu.memory_space<vmem>>, vector<128x128xf32>,
    %get3A_76 = arith.constant 0 : index
    %get3A_77 = arith.constant 4096 : index
    %get3A_78 = vector.load %arg1[%get3A_76, %get3A_77] : memref<32x65536xf32, #tpu.memory_space<vmem>>, vector<32x512xf32>
    %reshape3A_79 = vector.shape_cast %get3A_78 : vector<32x512xf32> to vector<32x4x128xf32>
    %transpose3A_80 = tpu.transpose %reshape3A_79, [1, 0, 2] : vector<32x4x128xf32> -> vector<4x32x128xf32>
    %reshape3A_81 = vector.shape_cast %transpose3A_80 : vector<4x32x128xf32> to vector<128x128xf32>
    %transpose3A_82 = tpu.transpose %reshape3A_81, [1, 0] : vector<128x128xf32> -> vector<128x128xf32>
    %swap3A_83 = arith.constant 1024 : index
    %swap3A_84 = arith.constant 0 : index
    %swap3A_85 = vector.load %arg2[%swap3A_83, %swap3A_84] : memref<16384x128xf32, #tpu.memory_space<vmem>>, vector<128x128xf32>
    tpu.vector_store %arg2[%swap3A_83, %swap3A_84], %transpose3A_82 {strides = array<i32>} : memref<16384x128xf32, #tpu.memory_space<vmem>>, vector<128x128xf32>,
    %get3A_86 = arith.constant 0 : index
    %get3A_87 = arith.constant 4608 : index
    %get3A_88 = vector.load %arg1[%get3A_86, %get3A_87] : memref<32x65536xf32, #tpu.memory_space<vmem>>, vector<32x512xf32>
    %reshape3A_89 = vector.shape_cast %get3A_88 : vector<32x512xf32> to vector<32x4x128xf32>
    %transpose3A_90 = tpu.transpose %reshape3A_89, [1, 0, 2] : vector<32x4x128xf32> -> vector<4x32x128xf32>
    %reshape3A_91 = vector.shape_cast %transpose3A_90 : vector<4x32x128xf32> to vector<128x128xf32>
    %transpose3A_92 = tpu.transpose %reshape3A_91, [1, 0] : vector<128x128xf32> -> vector<128x128xf32>
    %swap3A_93 = arith.constant 1152 : index
    %swap3A_94 = arith.constant 0 : index
    %swap3A_95 = vector.load %arg2[%swap3A_93, %swap3A_94] : memref<16384x128xf32, #tpu.memory_space<vmem>>, vector<128x128xf32>
    tpu.vector_store %arg2[%swap3A_93, %swap3A_94], %transpose3A_92 {strides = array<i32>} : memref<16384x128xf32, #tpu.memory_space<vmem>>, vector<128x128xf32>,
    %get3A_96 = arith.constant 0 : index
    %get3A_97 = arith.constant 5120 : index
    %get3A_98 = vector.load %arg1[%get3A_96, %get3A_97] : memref<32x65536xf32, #tpu.memory_space<vmem>>, vector<32x512xf32>
    %reshape3A_99 = vector.shape_cast %get3A_98 : vector<32x512xf32> to vector<32x4x128xf32>
    %transpose3A_100 = tpu.transpose %reshape3A_99, [1, 0, 2] : vector<32x4x128xf32> -> vector<4x32x128xf32>
    %reshape3A_101 = vector.shape_cast %transpose3A_100 : vector<4x32x128xf32> to vector<128x128xf32>
    %transpose3A_102 = tpu.transpose %reshape3A_101, [1, 0] : vector<128x128xf32> -> vector<128x128xf32>
    %swap3A_103 = arith.constant 1280 : index
    %swap3A_104 = arith.constant 0 : index
    %swap3A_105 = vector.load %arg2[%swap3A_103, %swap3A_104] : memref<16384x128xf32, #tpu.memory_space<vmem>>, vector<128x128xf32>
    tpu.vector_store %arg2[%swap3A_103, %swap3A_104], %transpose3A_102 {strides = array<i32>} : memref<16384x128xf32, #tpu.memory_space<vmem>>, vector<128x128xf32>,
    %get3A_106 = arith.constant 0 : index
    %get3A_107 = arith.constant 5632 : index
    %get3A_108 = vector.load %arg1[%get3A_106, %get3A_107] : memref<32x65536xf32, #tpu.memory_space<vmem>>, vector<32x512xf32>
    %reshape3A_109 = vector.shape_cast %get3A_108 : vector<32x512xf32> to vector<32x4x128xf32>
    %transpose3A_110 = tpu.transpose %reshape3A_109, [1, 0, 2] : vector<32x4x128xf32> -> vector<4x32x128xf32>
    %reshape3A_111 = vector.shape_cast %transpose3A_110 : vector<4x32x128xf32> to vector<128x128xf32>
    %transpose3A_112 = tpu.transpose %reshape3A_111, [1, 0] : vector<128x128xf32> -> vector<128x128xf32>
    %swap3A_113 = arith.constant 1408 : index
    %swap3A_114 = arith.constant 0 : index
    %swap3A_115 = vector.load %arg2[%swap3A_113, %swap3A_114] : memref<16384x128xf32, #tpu.memory_space<vmem>>, vector<128x128xf32>
    tpu.vector_store %arg2[%swap3A_113, %swap3A_114], %transpose3A_112 {strides = array<i32>} : memref<16384x128xf32, #tpu.memory_space<vmem>>, vector<128x128xf32>,
    %get3A_116 = arith.constant 0 : index
    %get3A_117 = arith.constant 6144 : index
    %get3A_118 = vector.load %arg1[%get3A_116, %get3A_117] : memref<32x65536xf32, #tpu.memory_space<vmem>>, vector<32x512xf32>
    %reshape3A_119 = vector.shape_cast %get3A_118 : vector<32x512xf32> to vector<32x4x128xf32>
    %transpose3A_120 = tpu.transpose %reshape3A_119, [1, 0, 2] : vector<32x4x128xf32> -> vector<4x32x128xf32>
    %reshape3A_121 = vector.shape_cast %transpose3A_120 : vector<4x32x128xf32> to vector<128x128xf32>
    %transpose3A_122 = tpu.transpose %reshape3A_121, [1, 0] : vector<128x128xf32> -> vector<128x128xf32>
    %swap3A_123 = arith.constant 1536 : index
    %swap3A_124 = arith.constant 0 : index
    %swap3A_125 = vector.load %arg2[%swap3A_123, %swap3A_124] : memref<16384x128xf32, #tpu.memory_space<vmem>>, vector<128x128xf32>
    tpu.vector_store %arg2[%swap3A_123, %swap3A_124], %transpose3A_122 {strides = array<i32>} : memref<16384x128xf32, #tpu.memory_space<vmem>>, vector<128x128xf32>,
    %get3A_126 = arith.constant 0 : index
    %get3A_127 = arith.constant 6656 : index
    %get3A_128 = vector.load %arg1[%get3A_126, %get3A_127] : memref<32x65536xf32, #tpu.memory_space<vmem>>, vector<32x512xf32>
    %reshape3A_129 = vector.shape_cast %get3A_128 : vector<32x512xf32> to vector<32x4x128xf32>
    %transpose3A_130 = tpu.transpose %reshape3A_129, [1, 0, 2] : vector<32x4x128xf32> -> vector<4x32x128xf32>
    %reshape3A_131 = vector.shape_cast %transpose3A_130 : vector<4x32x128xf32> to vector<128x128xf32>
    %transpose3A_132 = tpu.transpose %reshape3A_131, [1, 0] : vector<128x128xf32> -> vector<128x128xf32>
    %swap3A_133 = arith.constant 1664 : index
    %swap3A_134 = arith.constant 0 : index
    %swap3A_135 = vector.load %arg2[%swap3A_133, %swap3A_134] : memref<16384x128xf32, #tpu.memory_space<vmem>>, vector<128x128xf32>
    tpu.vector_store %arg2[%swap3A_133, %swap3A_134], %transpose3A_132 {strides = array<i32>} : memref<16384x128xf32, #tpu.memory_space<vmem>>, vector<128x128xf32>,
    %get3A_136 = arith.constant 0 : index
    %get3A_137 = arith.constant 7168 : index
    %get3A_138 = vector.load %arg1[%get3A_136, %get3A_137] : memref<32x65536xf32, #tpu.memory_space<vmem>>, vector<32x512xf32>
    %reshape3A_139 = vector.shape_cast %get3A_138 : vector<32x512xf32> to vector<32x4x128xf32>
    %transpose3A_140 = tpu.transpose %reshape3A_139, [1, 0, 2] : vector<32x4x128xf32> -> vector<4x32x128xf32>
    %reshape3A_141 = vector.shape_cast %transpose3A_140 : vector<4x32x128xf32> to vector<128x128xf32>
    %transpose3A_142 = tpu.transpose %reshape3A_141, [1, 0] : vector<128x128xf32> -> vector<128x128xf32>
    %swap3A_143 = arith.constant 1792 : index
    %swap3A_144 = arith.constant 0 : index
    %swap3A_145 = vector.load %arg2[%swap3A_143, %swap3A_144] : memref<16384x128xf32, #tpu.memory_space<vmem>>, vector<128x128xf32>
    tpu.vector_store %arg2[%swap3A_143, %swap3A_144], %transpose3A_142 {strides = array<i32>} : memref<16384x128xf32, #tpu.memory_space<vmem>>, vector<128x128xf32>,
    %get3A_146 = arith.constant 0 : index
    %get3A_147 = arith.constant 7680 : index
    %get3A_148 = vector.load %arg1[%get3A_146, %get3A_147] : memref<32x65536xf32, #tpu.memory_space<vmem>>, vector<32x512xf32>
    %reshape3A_149 = vector.shape_cast %get3A_148 : vector<32x512xf32> to vector<32x4x128xf32>
    %transpose3A_150 = tpu.transpose %reshape3A_149, [1, 0, 2] : vector<32x4x128xf32> -> vector<4x32x128xf32>
    %reshape3A_151 = vector.shape_cast %transpose3A_150 : vector<4x32x128xf32> to vector<128x128xf32>
    %transpose3A_152 = tpu.transpose %reshape3A_151, [1, 0] : vector<128x128xf32> -> vector<128x128xf32>
    %swap3A_153 = arith.constant 1920 : index
    %swap3A_154 = arith.constant 0 : index
    %swap3A_155 = vector.load %arg2[%swap3A_153, %swap3A_154] : memref<16384x128xf32, #tpu.memory_space<vmem>>, vector<128x128xf32>
    tpu.vector_store %arg2[%swap3A_153, %swap3A_154], %transpose3A_152 {strides = array<i32>} : memref<16384x128xf32, #tpu.memory_space<vmem>>, vector<128x128xf32>,
    %get3A_156 = arith.constant 0 : index
    %get3A_157 = arith.constant 8192 : index
    %get3A_158 = vector.load %arg1[%get3A_156, %get3A_157] : memref<32x65536xf32, #tpu.memory_space<vmem>>, vector<32x512xf32>
    %reshape3A_159 = vector.shape_cast %get3A_158 : vector<32x512xf32> to vector<32x4x128xf32>
    %transpose3A_160 = tpu.transpose %reshape3A_159, [1, 0, 2] : vector<32x4x128xf32> -> vector<4x32x128xf32>
    %reshape3A_161 = vector.shape_cast %transpose3A_160 : vector<4x32x128xf32> to vector<128x128xf32>
    %transpose3A_162 = tpu.transpose %reshape3A_161, [1, 0] : vector<128x128xf32> -> vector<128x128xf32>
    %swap3A_163 = arith.constant 2048 : index
    %swap3A_164 = arith.constant 0 : index
    %swap3A_165 = vector.load %arg2[%swap3A_163, %swap3A_164] : memref<16384x128xf32, #tpu.memory_space<vmem>>, vector<128x128xf32>
    tpu.vector_store %arg2[%swap3A_163, %swap3A_164], %transpose3A_162 {strides = array<i32>} : memref<16384x128xf32, #tpu.memory_space<vmem>>, vector<128x128xf32>,
    %get3A_166 = arith.constant 0 : index
    %get3A_167 = arith.constant 8704 : index
    %get3A_168 = vector.load %arg1[%get3A_166, %get3A_167] : memref<32x65536xf32, #tpu.memory_space<vmem>>, vector<32x512xf32>
    %reshape3A_169 = vector.shape_cast %get3A_168 : vector<32x512xf32> to vector<32x4x128xf32>
    %transpose3A_170 = tpu.transpose %reshape3A_169, [1, 0, 2] : vector<32x4x128xf32> -> vector<4x32x128xf32>
    %reshape3A_171 = vector.shape_cast %transpose3A_170 : vector<4x32x128xf32> to vector<128x128xf32>
    %transpose3A_172 = tpu.transpose %reshape3A_171, [1, 0] : vector<128x128xf32> -> vector<128x128xf32>
    %swap3A_173 = arith.constant 2176 : index
    %swap3A_174 = arith.constant 0 : index
    %swap3A_175 = vector.load %arg2[%swap3A_173, %swap3A_174] : memref<16384x128xf32, #tpu.memory_space<vmem>>, vector<128x128xf32>
    tpu.vector_store %arg2[%swap3A_173, %swap3A_174], %transpose3A_172 {strides = array<i32>} : memref<16384x128xf32, #tpu.memory_space<vmem>>, vector<128x128xf32>,
    %get3A_176 = arith.constant 0 : index
    %get3A_177 = arith.constant 9216 : index
    %get3A_178 = vector.load %arg1[%get3A_176, %get3A_177] : memref<32x65536xf32, #tpu.memory_space<vmem>>, vector<32x512xf32>
    %reshape3A_179 = vector.shape_cast %get3A_178 : vector<32x512xf32> to vector<32x4x128xf32>
    %transpose3A_180 = tpu.transpose %reshape3A_179, [1, 0, 2] : vector<32x4x128xf32> -> vector<4x32x128xf32>
    %reshape3A_181 = vector.shape_cast %transpose3A_180 : vector<4x32x128xf32> to vector<128x128xf32>
    %transpose3A_182 = tpu.transpose %reshape3A_181, [1, 0] : vector<128x128xf32> -> vector<128x128xf32>
    %swap3A_183 = arith.constant 2304 : index
    %swap3A_184 = arith.constant 0 : index
    %swap3A_185 = vector.load %arg2[%swap3A_183, %swap3A_184] : memref<16384x128xf32, #tpu.memory_space<vmem>>, vector<128x128xf32>
    tpu.vector_store %arg2[%swap3A_183, %swap3A_184], %transpose3A_182 {strides = array<i32>} : memref<16384x128xf32, #tpu.memory_space<vmem>>, vector<128x128xf32>,
    %get3A_186 = arith.constant 0 : index
    %get3A_187 = arith.constant 9728 : index
    %get3A_188 = vector.load %arg1[%get3A_186, %get3A_187] : memref<32x65536xf32, #tpu.memory_space<vmem>>, vector<32x512xf32>
    %reshape3A_189 = vector.shape_cast %get3A_188 : vector<32x512xf32> to vector<32x4x128xf32>
    %transpose3A_190 = tpu.transpose %reshape3A_189, [1, 0, 2] : vector<32x4x128xf32> -> vector<4x32x128xf32>
    %reshape3A_191 = vector.shape_cast %transpose3A_190 : vector<4x32x128xf32> to vector<128x128xf32>
    %transpose3A_192 = tpu.transpose %reshape3A_191, [1, 0] : vector<128x128xf32> -> vector<128x128xf32>
    %swap3A_193 = arith.constant 2432 : index
    %swap3A_194 = arith.constant 0 : index
    %swap3A_195 = vector.load %arg2[%swap3A_193, %swap3A_194] : memref<16384x128xf32, #tpu.memory_space<vmem>>, vector<128x128xf32>
    tpu.vector_store %arg2[%swap3A_193, %swap3A_194], %transpose3A_192 {strides = array<i32>} : memref<16384x128xf32, #tpu.memory_space<vmem>>, vector<128x128xf32>,
    %get3A_196 = arith.constant 0 : index
    %get3A_197 = arith.constant 10240 : index
    %get3A_198 = vector.load %arg1[%get3A_196, %get3A_197] : memref<32x65536xf32, #tpu.memory_space<vmem>>, vector<32x512xf32>
    %reshape3A_199 = vector.shape_cast %get3A_198 : vector<32x512xf32> to vector<32x4x128xf32>
    %transpose3A_200 = tpu.transpose %reshape3A_199, [1, 0, 2] : vector<32x4x128xf32> -> vector<4x32x128xf32>
    %reshape3A_201 = vector.shape_cast %transpose3A_200 : vector<4x32x128xf32> to vector<128x128xf32>
    %transpose3A_202 = tpu.transpose %reshape3A_201, [1, 0] : vector<128x128xf32> -> vector<128x128xf32>
    %swap3A_203 = arith.constant 2560 : index
    %swap3A_204 = arith.constant 0 : index
    %swap3A_205 = vector.load %arg2[%swap3A_203, %swap3A_204] : memref<16384x128xf32, #tpu.memory_space<vmem>>, vector<128x128xf32>
    tpu.vector_store %arg2[%swap3A_203, %swap3A_204], %transpose3A_202 {strides = array<i32>} : memref<16384x128xf32, #tpu.memory_space<vmem>>, vector<128x128xf32>,
    %get3A_206 = arith.constant 0 : index
    %get3A_207 = arith.constant 10752 : index
    %get3A_208 = vector.load %arg1[%get3A_206, %get3A_207] : memref<32x65536xf32, #tpu.memory_space<vmem>>, vector<32x512xf32>
    %reshape3A_209 = vector.shape_cast %get3A_208 : vector<32x512xf32> to vector<32x4x128xf32>
    %transpose3A_210 = tpu.transpose %reshape3A_209, [1, 0, 2] : vector<32x4x128xf32> -> vector<4x32x128xf32>
    %reshape3A_211 = vector.shape_cast %transpose3A_210 : vector<4x32x128xf32> to vector<128x128xf32>
    %transpose3A_212 = tpu.transpose %reshape3A_211, [1, 0] : vector<128x128xf32> -> vector<128x128xf32>
    %swap3A_213 = arith.constant 2688 : index
    %swap3A_214 = arith.constant 0 : index
    %swap3A_215 = vector.load %arg2[%swap3A_213, %swap3A_214] : memref<16384x128xf32, #tpu.memory_space<vmem>>, vector<128x128xf32>
    tpu.vector_store %arg2[%swap3A_213, %swap3A_214], %transpose3A_212 {strides = array<i32>} : memref<16384x128xf32, #tpu.memory_space<vmem>>, vector<128x128xf32>,
    %get3A_216 = arith.constant 0 : index
    %get3A_217 = arith.constant 11264 : index
    %get3A_218 = vector.load %arg1[%get3A_216, %get3A_217] : memref<32x65536xf32, #tpu.memory_space<vmem>>, vector<32x512xf32>
    %reshape3A_219 = vector.shape_cast %get3A_218 : vector<32x512xf32> to vector<32x4x128xf32>
    %transpose3A_220 = tpu.transpose %reshape3A_219, [1, 0, 2] : vector<32x4x128xf32> -> vector<4x32x128xf32>
    %reshape3A_221 = vector.shape_cast %transpose3A_220 : vector<4x32x128xf32> to vector<128x128xf32>
    %transpose3A_222 = tpu.transpose %reshape3A_221, [1, 0] : vector<128x128xf32> -> vector<128x128xf32>
    %swap3A_223 = arith.constant 2816 : index
    %swap3A_224 = arith.constant 0 : index
    %swap3A_225 = vector.load %arg2[%swap3A_223, %swap3A_224] : memref<16384x128xf32, #tpu.memory_space<vmem>>, vector<128x128xf32>
    tpu.vector_store %arg2[%swap3A_223, %swap3A_224], %transpose3A_222 {strides = array<i32>} : memref<16384x128xf32, #tpu.memory_space<vmem>>, vector<128x128xf32>,
    %get3A_226 = arith.constant 0 : index
    %get3A_227 = arith.constant 11776 : index
    %get3A_228 = vector.load %arg1[%get3A_226, %get3A_227] : memref<32x65536xf32, #tpu.memory_space<vmem>>, vector<32x512xf32>
    %reshape3A_229 = vector.shape_cast %get3A_228 : vector<32x512xf32> to vector<32x4x128xf32>
    %transpose3A_230 = tpu.transpose %reshape3A_229, [1, 0, 2] : vector<32x4x128xf32> -> vector<4x32x128xf32>
    %reshape3A_231 = vector.shape_cast %transpose3A_230 : vector<4x32x128xf32> to vector<128x128xf32>
    %transpose3A_232 = tpu.transpose %reshape3A_231, [1, 0] : vector<128x128xf32> -> vector<128x128xf32>
    %swap3A_233 = arith.constant 2944 : index
    %swap3A_234 = arith.constant 0 : index
    %swap3A_235 = vector.load %arg2[%swap3A_233, %swap3A_234] : memref<16384x128xf32, #tpu.memory_space<vmem>>, vector<128x128xf32>
    tpu.vector_store %arg2[%swap3A_233, %swap3A_234], %transpose3A_232 {strides = array<i32>} : memref<16384x128xf32, #tpu.memory_space<vmem>>, vector<128x128xf32>,
    %get3A_236 = arith.constant 0 : index
    %get3A_237 = arith.constant 12288 : index
    %get3A_238 = vector.load %arg1[%get3A_236, %get3A_237] : memref<32x65536xf32, #tpu.memory_space<vmem>>, vector<32x512xf32>
    %reshape3A_239 = vector.shape_cast %get3A_238 : vector<32x512xf32> to vector<32x4x128xf32>
    %transpose3A_240 = tpu.transpose %reshape3A_239, [1, 0, 2] : vector<32x4x128xf32> -> vector<4x32x128xf32>
    %reshape3A_241 = vector.shape_cast %transpose3A_240 : vector<4x32x128xf32> to vector<128x128xf32>
    %transpose3A_242 = tpu.transpose %reshape3A_241, [1, 0] : vector<128x128xf32> -> vector<128x128xf32>
    %swap3A_243 = arith.constant 3072 : index
    %swap3A_244 = arith.constant 0 : index
    %swap3A_245 = vector.load %arg2[%swap3A_243, %swap3A_244] : memref<16384x128xf32, #tpu.memory_space<vmem>>, vector<128x128xf32>
    tpu.vector_store %arg2[%swap3A_243, %swap3A_244], %transpose3A_242 {strides = array<i32>} : memref<16384x128xf32, #tpu.memory_space<vmem>>, vector<128x128xf32>,
    %get3A_246 = arith.constant 0 : index
    %get3A_247 = arith.constant 12800 : index
    %get3A_248 = vector.load %arg1[%get3A_246, %get3A_247] : memref<32x65536xf32, #tpu.memory_space<vmem>>, vector<32x512xf32>
    %reshape3A_249 = vector.shape_cast %get3A_248 : vector<32x512xf32> to vector<32x4x128xf32>
    %transpose3A_250 = tpu.transpose %reshape3A_249, [1, 0, 2] : vector<32x4x128xf32> -> vector<4x32x128xf32>
    %reshape3A_251 = vector.shape_cast %transpose3A_250 : vector<4x32x128xf32> to vector<128x128xf32>
    %transpose3A_252 = tpu.transpose %reshape3A_251, [1, 0] : vector<128x128xf32> -> vector<128x128xf32>
    %swap3A_253 = arith.constant 3200 : index
    %swap3A_254 = arith.constant 0 : index
    %swap3A_255 = vector.load %arg2[%swap3A_253, %swap3A_254] : memref<16384x128xf32, #tpu.memory_space<vmem>>, vector<128x128xf32>
    tpu.vector_store %arg2[%swap3A_253, %swap3A_254], %transpose3A_252 {strides = array<i32>} : memref<16384x128xf32, #tpu.memory_space<vmem>>, vector<128x128xf32>,
    %get3A_256 = arith.constant 0 : index
    %get3A_257 = arith.constant 13312 : index
    %get3A_258 = vector.load %arg1[%get3A_256, %get3A_257] : memref<32x65536xf32, #tpu.memory_space<vmem>>, vector<32x512xf32>
    %reshape3A_259 = vector.shape_cast %get3A_258 : vector<32x512xf32> to vector<32x4x128xf32>
    %transpose3A_260 = tpu.transpose %reshape3A_259, [1, 0, 2] : vector<32x4x128xf32> -> vector<4x32x128xf32>
    %reshape3A_261 = vector.shape_cast %transpose3A_260 : vector<4x32x128xf32> to vector<128x128xf32>
    %transpose3A_262 = tpu.transpose %reshape3A_261, [1, 0] : vector<128x128xf32> -> vector<128x128xf32>
    %swap3A_263 = arith.constant 3328 : index
    %swap3A_264 = arith.constant 0 : index
    %swap3A_265 = vector.load %arg2[%swap3A_263, %swap3A_264] : memref<16384x128xf32, #tpu.memory_space<vmem>>, vector<128x128xf32>
    tpu.vector_store %arg2[%swap3A_263, %swap3A_264], %transpose3A_262 {strides = array<i32>} : memref<16384x128xf32, #tpu.memory_space<vmem>>, vector<128x128xf32>,
    %get3A_266 = arith.constant 0 : index
    %get3A_267 = arith.constant 13824 : index
    %get3A_268 = vector.load %arg1[%get3A_266, %get3A_267] : memref<32x65536xf32, #tpu.memory_space<vmem>>, vector<32x512xf32>
    %reshape3A_269 = vector.shape_cast %get3A_268 : vector<32x512xf32> to vector<32x4x128xf32>
    %transpose3A_270 = tpu.transpose %reshape3A_269, [1, 0, 2] : vector<32x4x128xf32> -> vector<4x32x128xf32>
    %reshape3A_271 = vector.shape_cast %transpose3A_270 : vector<4x32x128xf32> to vector<128x128xf32>
    %transpose3A_272 = tpu.transpose %reshape3A_271, [1, 0] : vector<128x128xf32> -> vector<128x128xf32>
    %swap3A_273 = arith.constant 3456 : index
    %swap3A_274 = arith.constant 0 : index
    %swap3A_275 = vector.load %arg2[%swap3A_273, %swap3A_274] : memref<16384x128xf32, #tpu.memory_space<vmem>>, vector<128x128xf32>
    tpu.vector_store %arg2[%swap3A_273, %swap3A_274], %transpose3A_272 {strides = array<i32>} : memref<16384x128xf32, #tpu.memory_space<vmem>>, vector<128x128xf32>,
    %get3A_276 = arith.constant 0 : index
    %get3A_277 = arith.constant 14336 : index
    %get3A_278 = vector.load %arg1[%get3A_276, %get3A_277] : memref<32x65536xf32, #tpu.memory_space<vmem>>, vector<32x512xf32>
    %reshape3A_279 = vector.shape_cast %get3A_278 : vector<32x512xf32> to vector<32x4x128xf32>
    %transpose3A_280 = tpu.transpose %reshape3A_279, [1, 0, 2] : vector<32x4x128xf32> -> vector<4x32x128xf32>
    %reshape3A_281 = vector.shape_cast %transpose3A_280 : vector<4x32x128xf32> to vector<128x128xf32>
    %transpose3A_282 = tpu.transpose %reshape3A_281, [1, 0] : vector<128x128xf32> -> vector<128x128xf32>
    %swap3A_283 = arith.constant 3584 : index
    %swap3A_284 = arith.constant 0 : index
    %swap3A_285 = vector.load %arg2[%swap3A_283, %swap3A_284] : memref<16384x128xf32, #tpu.memory_space<vmem>>, vector<128x128xf32>
    tpu.vector_store %arg2[%swap3A_283, %swap3A_284], %transpose3A_282 {strides = array<i32>} : memref<16384x128xf32, #tpu.memory_space<vmem>>, vector<128x128xf32>,
    %get3A_286 = arith.constant 0 : index
    %get3A_287 = arith.constant 14848 : index
    %get3A_288 = vector.load %arg1[%get3A_286, %get3A_287] : memref<32x65536xf32, #tpu.memory_space<vmem>>, vector<32x512xf32>
    %reshape3A_289 = vector.shape_cast %get3A_288 : vector<32x512xf32> to vector<32x4x128xf32>
    %transpose3A_290 = tpu.transpose %reshape3A_289, [1, 0, 2] : vector<32x4x128xf32> -> vector<4x32x128xf32>
    %reshape3A_291 = vector.shape_cast %transpose3A_290 : vector<4x32x128xf32> to vector<128x128xf32>
    %transpose3A_292 = tpu.transpose %reshape3A_291, [1, 0] : vector<128x128xf32> -> vector<128x128xf32>
    %swap3A_293 = arith.constant 3712 : index
    %swap3A_294 = arith.constant 0 : index
    %swap3A_295 = vector.load %arg2[%swap3A_293, %swap3A_294] : memref<16384x128xf32, #tpu.memory_space<vmem>>, vector<128x128xf32>
    tpu.vector_store %arg2[%swap3A_293, %swap3A_294], %transpose3A_292 {strides = array<i32>} : memref<16384x128xf32, #tpu.memory_space<vmem>>, vector<128x128xf32>,
    %get3A_296 = arith.constant 0 : index
    %get3A_297 = arith.constant 15360 : index
    %get3A_298 = vector.load %arg1[%get3A_296, %get3A_297] : memref<32x65536xf32, #tpu.memory_space<vmem>>, vector<32x512xf32>
    %reshape3A_299 = vector.shape_cast %get3A_298 : vector<32x512xf32> to vector<32x4x128xf32>
    %transpose3A_300 = tpu.transpose %reshape3A_299, [1, 0, 2] : vector<32x4x128xf32> -> vector<4x32x128xf32>
    %reshape3A_301 = vector.shape_cast %transpose3A_300 : vector<4x32x128xf32> to vector<128x128xf32>
    %transpose3A_302 = tpu.transpose %reshape3A_301, [1, 0] : vector<128x128xf32> -> vector<128x128xf32>
    %swap3A_303 = arith.constant 3840 : index
    %swap3A_304 = arith.constant 0 : index
    %swap3A_305 = vector.load %arg2[%swap3A_303, %swap3A_304] : memref<16384x128xf32, #tpu.memory_space<vmem>>, vector<128x128xf32>
    tpu.vector_store %arg2[%swap3A_303, %swap3A_304], %transpose3A_302 {strides = array<i32>} : memref<16384x128xf32, #tpu.memory_space<vmem>>, vector<128x128xf32>,
    %get3A_306 = arith.constant 0 : index
    %get3A_307 = arith.constant 15872 : index
    %get3A_308 = vector.load %arg1[%get3A_306, %get3A_307] : memref<32x65536xf32, #tpu.memory_space<vmem>>, vector<32x512xf32>
    %reshape3A_309 = vector.shape_cast %get3A_308 : vector<32x512xf32> to vector<32x4x128xf32>
    %transpose3A_310 = tpu.transpose %reshape3A_309, [1, 0, 2] : vector<32x4x128xf32> -> vector<4x32x128xf32>
    %reshape3A_311 = vector.shape_cast %transpose3A_310 : vector<4x32x128xf32> to vector<128x128xf32>
    %transpose3A_312 = tpu.transpose %reshape3A_311, [1, 0] : vector<128x128xf32> -> vector<128x128xf32>
    %swap3A_313 = arith.constant 3968 : index
    %swap3A_314 = arith.constant 0 : index
    %swap3A_315 = vector.load %arg2[%swap3A_313, %swap3A_314] : memref<16384x128xf32, #tpu.memory_space<vmem>>, vector<128x128xf32>
    tpu.vector_store %arg2[%swap3A_313, %swap3A_314], %transpose3A_312 {strides = array<i32>} : memref<16384x128xf32, #tpu.memory_space<vmem>>, vector<128x128xf32>,
    %get3A_316 = arith.constant 0 : index
    %get3A_317 = arith.constant 16384 : index
    %get3A_318 = vector.load %arg1[%get3A_316, %get3A_317] : memref<32x65536xf32, #tpu.memory_space<vmem>>, vector<32x512xf32>
    %reshape3A_319 = vector.shape_cast %get3A_318 : vector<32x512xf32> to vector<32x4x128xf32>
    %transpose3A_320 = tpu.transpose %reshape3A_319, [1, 0, 2] : vector<32x4x128xf32> -> vector<4x32x128xf32>
    %reshape3A_321 = vector.shape_cast %transpose3A_320 : vector<4x32x128xf32> to vector<128x128xf32>
    %transpose3A_322 = tpu.transpose %reshape3A_321, [1, 0] : vector<128x128xf32> -> vector<128x128xf32>
    %swap3A_323 = arith.constant 4096 : index
    %swap3A_324 = arith.constant 0 : index
    %swap3A_325 = vector.load %arg2[%swap3A_323, %swap3A_324] : memref<16384x128xf32, #tpu.memory_space<vmem>>, vector<128x128xf32>
    tpu.vector_store %arg2[%swap3A_323, %swap3A_324], %transpose3A_322 {strides = array<i32>} : memref<16384x128xf32, #tpu.memory_space<vmem>>, vector<128x128xf32>,
    %get3A_326 = arith.constant 0 : index
    %get3A_327 = arith.constant 16896 : index
    %get3A_328 = vector.load %arg1[%get3A_326, %get3A_327] : memref<32x65536xf32, #tpu.memory_space<vmem>>, vector<32x512xf32>
    %reshape3A_329 = vector.shape_cast %get3A_328 : vector<32x512xf32> to vector<32x4x128xf32>
    %transpose3A_330 = tpu.transpose %reshape3A_329, [1, 0, 2] : vector<32x4x128xf32> -> vector<4x32x128xf32>
    %reshape3A_331 = vector.shape_cast %transpose3A_330 : vector<4x32x128xf32> to vector<128x128xf32>
    %transpose3A_332 = tpu.transpose %reshape3A_331, [1, 0] : vector<128x128xf32> -> vector<128x128xf32>
    %swap3A_333 = arith.constant 4224 : index
    %swap3A_334 = arith.constant 0 : index
    %swap3A_335 = vector.load %arg2[%swap3A_333, %swap3A_334] : memref<16384x128xf32, #tpu.memory_space<vmem>>, vector<128x128xf32>
    tpu.vector_store %arg2[%swap3A_333, %swap3A_334], %transpose3A_332 {strides = array<i32>} : memref<16384x128xf32, #tpu.memory_space<vmem>>, vector<128x128xf32>,
    %get3A_336 = arith.constant 0 : index
    %get3A_337 = arith.constant 17408 : index
    %get3A_338 = vector.load %arg1[%get3A_336, %get3A_337] : memref<32x65536xf32, #tpu.memory_space<vmem>>, vector<32x512xf32>
    %reshape3A_339 = vector.shape_cast %get3A_338 : vector<32x512xf32> to vector<32x4x128xf32>
    %transpose3A_340 = tpu.transpose %reshape3A_339, [1, 0, 2] : vector<32x4x128xf32> -> vector<4x32x128xf32>
    %reshape3A_341 = vector.shape_cast %transpose3A_340 : vector<4x32x128xf32> to vector<128x128xf32>
    %transpose3A_342 = tpu.transpose %reshape3A_341, [1, 0] : vector<128x128xf32> -> vector<128x128xf32>
    %swap3A_343 = arith.constant 4352 : index
    %swap3A_344 = arith.constant 0 : index
    %swap3A_345 = vector.load %arg2[%swap3A_343, %swap3A_344] : memref<16384x128xf32, #tpu.memory_space<vmem>>, vector<128x128xf32>
    tpu.vector_store %arg2[%swap3A_343, %swap3A_344], %transpose3A_342 {strides = array<i32>} : memref<16384x128xf32, #tpu.memory_space<vmem>>, vector<128x128xf32>,
    %get3A_346 = arith.constant 0 : index
    %get3A_347 = arith.constant 17920 : index
    %get3A_348 = vector.load %arg1[%get3A_346, %get3A_347] : memref<32x65536xf32, #tpu.memory_space<vmem>>, vector<32x512xf32>
    %reshape3A_349 = vector.shape_cast %get3A_348 : vector<32x512xf32> to vector<32x4x128xf32>
    %transpose3A_350 = tpu.transpose %reshape3A_349, [1, 0, 2] : vector<32x4x128xf32> -> vector<4x32x128xf32>
    %reshape3A_351 = vector.shape_cast %transpose3A_350 : vector<4x32x128xf32> to vector<128x128xf32>
    %transpose3A_352 = tpu.transpose %reshape3A_351, [1, 0] : vector<128x128xf32> -> vector<128x128xf32>
    %swap3A_353 = arith.constant 4480 : index
    %swap3A_354 = arith.constant 0 : index
    %swap3A_355 = vector.load %arg2[%swap3A_353, %swap3A_354] : memref<16384x128xf32, #tpu.memory_space<vmem>>, vector<128x128xf32>
    tpu.vector_store %arg2[%swap3A_353, %swap3A_354], %transpose3A_352 {strides = array<i32>} : memref<16384x128xf32, #tpu.memory_space<vmem>>, vector<128x128xf32>,
    %get3A_356 = arith.constant 0 : index
    %get3A_357 = arith.constant 18432 : index
    %get3A_358 = vector.load %arg1[%get3A_356, %get3A_357] : memref<32x65536xf32, #tpu.memory_space<vmem>>, vector<32x512xf32>
    %reshape3A_359 = vector.shape_cast %get3A_358 : vector<32x512xf32> to vector<32x4x128xf32>
    %transpose3A_360 = tpu.transpose %reshape3A_359, [1, 0, 2] : vector<32x4x128xf32> -> vector<4x32x128xf32>
    %reshape3A_361 = vector.shape_cast %transpose3A_360 : vector<4x32x128xf32> to vector<128x128xf32>
    %transpose3A_362 = tpu.transpose %reshape3A_361, [1, 0] : vector<128x128xf32> -> vector<128x128xf32>
    %swap3A_363 = arith.constant 4608 : index
    %swap3A_364 = arith.constant 0 : index
    %swap3A_365 = vector.load %arg2[%swap3A_363, %swap3A_364] : memref<16384x128xf32, #tpu.memory_space<vmem>>, vector<128x128xf32>
    tpu.vector_store %arg2[%swap3A_363, %swap3A_364], %transpose3A_362 {strides = array<i32>} : memref<16384x128xf32, #tpu.memory_space<vmem>>, vector<128x128xf32>,
    %get3A_366 = arith.constant 0 : index
    %get3A_367 = arith.constant 18944 : index
    %get3A_368 = vector.load %arg1[%get3A_366, %get3A_367] : memref<32x65536xf32, #tpu.memory_space<vmem>>, vector<32x512xf32>
    %reshape3A_369 = vector.shape_cast %get3A_368 : vector<32x512xf32> to vector<32x4x128xf32>
    %transpose3A_370 = tpu.transpose %reshape3A_369, [1, 0, 2] : vector<32x4x128xf32> -> vector<4x32x128xf32>
    %reshape3A_371 = vector.shape_cast %transpose3A_370 : vector<4x32x128xf32> to vector<128x128xf32>
    %transpose3A_372 = tpu.transpose %reshape3A_371, [1, 0] : vector<128x128xf32> -> vector<128x128xf32>
    %swap3A_373 = arith.constant 4736 : index
    %swap3A_374 = arith.constant 0 : index
    %swap3A_375 = vector.load %arg2[%swap3A_373, %swap3A_374] : memref<16384x128xf32, #tpu.memory_space<vmem>>, vector<128x128xf32>
    tpu.vector_store %arg2[%swap3A_373, %swap3A_374], %transpose3A_372 {strides = array<i32>} : memref<16384x128xf32, #tpu.memory_space<vmem>>, vector<128x128xf32>,
    %get3A_376 = arith.constant 0 : index
    %get3A_377 = arith.constant 19456 : index
    %get3A_378 = vector.load %arg1[%get3A_376, %get3A_377] : memref<32x65536xf32, #tpu.memory_space<vmem>>, vector<32x512xf32>
    %reshape3A_379 = vector.shape_cast %get3A_378 : vector<32x512xf32> to vector<32x4x128xf32>
    %transpose3A_380 = tpu.transpose %reshape3A_379, [1, 0, 2] : vector<32x4x128xf32> -> vector<4x32x128xf32>
    %reshape3A_381 = vector.shape_cast %transpose3A_380 : vector<4x32x128xf32> to vector<128x128xf32>
    %transpose3A_382 = tpu.transpose %reshape3A_381, [1, 0] : vector<128x128xf32> -> vector<128x128xf32>
    %swap3A_383 = arith.constant 4864 : index
    %swap3A_384 = arith.constant 0 : index
    %swap3A_385 = vector.load %arg2[%swap3A_383, %swap3A_384] : memref<16384x128xf32, #tpu.memory_space<vmem>>, vector<128x128xf32>
    tpu.vector_store %arg2[%swap3A_383, %swap3A_384], %transpose3A_382 {strides = array<i32>} : memref<16384x128xf32, #tpu.memory_space<vmem>>, vector<128x128xf32>,
    %get3A_386 = arith.constant 0 : index
    %get3A_387 = arith.constant 19968 : index
    %get3A_388 = vector.load %arg1[%get3A_386, %get3A_387] : memref<32x65536xf32, #tpu.memory_space<vmem>>, vector<32x512xf32>
    %reshape3A_389 = vector.shape_cast %get3A_388 : vector<32x512xf32> to vector<32x4x128xf32>
    %transpose3A_390 = tpu.transpose %reshape3A_389, [1, 0, 2] : vector<32x4x128xf32> -> vector<4x32x128xf32>
    %reshape3A_391 = vector.shape_cast %transpose3A_390 : vector<4x32x128xf32> to vector<128x128xf32>
    %transpose3A_392 = tpu.transpose %reshape3A_391, [1, 0] : vector<128x128xf32> -> vector<128x128xf32>
    %swap3A_393 = arith.constant 4992 : index
    %swap3A_394 = arith.constant 0 : index
    %swap3A_395 = vector.load %arg2[%swap3A_393, %swap3A_394] : memref<16384x128xf32, #tpu.memory_space<vmem>>, vector<128x128xf32>
    tpu.vector_store %arg2[%swap3A_393, %swap3A_394], %transpose3A_392 {strides = array<i32>} : memref<16384x128xf32, #tpu.memory_space<vmem>>, vector<128x128xf32>,
    %get3A_396 = arith.constant 0 : index
    %get3A_397 = arith.constant 20480 : index
    %get3A_398 = vector.load %arg1[%get3A_396, %get3A_397] : memref<32x65536xf32, #tpu.memory_space<vmem>>, vector<32x512xf32>
    %reshape3A_399 = vector.shape_cast %get3A_398 : vector<32x512xf32> to vector<32x4x128xf32>
    %transpose3A_400 = tpu.transpose %reshape3A_399, [1, 0, 2] : vector<32x4x128xf32> -> vector<4x32x128xf32>
    %reshape3A_401 = vector.shape_cast %transpose3A_400 : vector<4x32x128xf32> to vector<128x128xf32>
    %transpose3A_402 = tpu.transpose %reshape3A_401, [1, 0] : vector<128x128xf32> -> vector<128x128xf32>
    %swap3A_403 = arith.constant 5120 : index
    %swap3A_404 = arith.constant 0 : index
    %swap3A_405 = vector.load %arg2[%swap3A_403, %swap3A_404] : memref<16384x128xf32, #tpu.memory_space<vmem>>, vector<128x128xf32>
    tpu.vector_store %arg2[%swap3A_403, %swap3A_404], %transpose3A_402 {strides = array<i32>} : memref<16384x128xf32, #tpu.memory_space<vmem>>, vector<128x128xf32>,
    %get3A_406 = arith.constant 0 : index
    %get3A_407 = arith.constant 20992 : index
    %get3A_408 = vector.load %arg1[%get3A_406, %get3A_407] : memref<32x65536xf32, #tpu.memory_space<vmem>>, vector<32x512xf32>
    %reshape3A_409 = vector.shape_cast %get3A_408 : vector<32x512xf32> to vector<32x4x128xf32>
    %transpose3A_410 = tpu.transpose %reshape3A_409, [1, 0, 2] : vector<32x4x128xf32> -> vector<4x32x128xf32>
    %reshape3A_411 = vector.shape_cast %transpose3A_410 : vector<4x32x128xf32> to vector<128x128xf32>
    %transpose3A_412 = tpu.transpose %reshape3A_411, [1, 0] : vector<128x128xf32> -> vector<128x128xf32>
    %swap3A_413 = arith.constant 5248 : index
    %swap3A_414 = arith.constant 0 : index
    %swap3A_415 = vector.load %arg2[%swap3A_413, %swap3A_414] : memref<16384x128xf32, #tpu.memory_space<vmem>>, vector<128x128xf32>
    tpu.vector_store %arg2[%swap3A_413, %swap3A_414], %transpose3A_412 {strides = array<i32>} : memref<16384x128xf32, #tpu.memory_space<vmem>>, vector<128x128xf32>,
    %get3A_416 = arith.constant 0 : index
    %get3A_417 = arith.constant 21504 : index
    %get3A_418 = vector.load %arg1[%get3A_416, %get3A_417] : memref<32x65536xf32, #tpu.memory_space<vmem>>, vector<32x512xf32>
    %reshape3A_419 = vector.shape_cast %get3A_418 : vector<32x512xf32> to vector<32x4x128xf32>
    %transpose3A_420 = tpu.transpose %reshape3A_419, [1, 0, 2] : vector<32x4x128xf32> -> vector<4x32x128xf32>
    %reshape3A_421 = vector.shape_cast %transpose3A_420 : vector<4x32x128xf32> to vector<128x128xf32>
    %transpose3A_422 = tpu.transpose %reshape3A_421, [1, 0] : vector<128x128xf32> -> vector<128x128xf32>
    %swap3A_423 = arith.constant 5376 : index
    %swap3A_424 = arith.constant 0 : index
    %swap3A_425 = vector.load %arg2[%swap3A_423, %swap3A_424] : memref<16384x128xf32, #tpu.memory_space<vmem>>, vector<128x128xf32>
    tpu.vector_store %arg2[%swap3A_423, %swap3A_424], %transpose3A_422 {strides = array<i32>} : memref<16384x128xf32, #tpu.memory_space<vmem>>, vector<128x128xf32>,
    %get3A_426 = arith.constant 0 : index
    %get3A_427 = arith.constant 22016 : index
    %get3A_428 = vector.load %arg1[%get3A_426, %get3A_427] : memref<32x65536xf32, #tpu.memory_space<vmem>>, vector<32x512xf32>
    %reshape3A_429 = vector.shape_cast %get3A_428 : vector<32x512xf32> to vector<32x4x128xf32>
    %transpose3A_430 = tpu.transpose %reshape3A_429, [1, 0, 2] : vector<32x4x128xf32> -> vector<4x32x128xf32>
    %reshape3A_431 = vector.shape_cast %transpose3A_430 : vector<4x32x128xf32> to vector<128x128xf32>
    %transpose3A_432 = tpu.transpose %reshape3A_431, [1, 0] : vector<128x128xf32> -> vector<128x128xf32>
    %swap3A_433 = arith.constant 5504 : index
    %swap3A_434 = arith.constant 0 : index
    %swap3A_435 = vector.load %arg2[%swap3A_433, %swap3A_434] : memref<16384x128xf32, #tpu.memory_space<vmem>>, vector<128x128xf32>
    tpu.vector_store %arg2[%swap3A_433, %swap3A_434], %transpose3A_432 {strides = array<i32>} : memref<16384x128xf32, #tpu.memory_space<vmem>>, vector<128x128xf32>,
    %get3A_436 = arith.constant 0 : index
    %get3A_437 = arith.constant 22528 : index
    %get3A_438 = vector.load %arg1[%get3A_436, %get3A_437] : memref<32x65536xf32, #tpu.memory_space<vmem>>, vector<32x512xf32>
    %reshape3A_439 = vector.shape_cast %get3A_438 : vector<32x512xf32> to vector<32x4x128xf32>
    %transpose3A_440 = tpu.transpose %reshape3A_439, [1, 0, 2] : vector<32x4x128xf32> -> vector<4x32x128xf32>
    %reshape3A_441 = vector.shape_cast %transpose3A_440 : vector<4x32x128xf32> to vector<128x128xf32>
    %transpose3A_442 = tpu.transpose %reshape3A_441, [1, 0] : vector<128x128xf32> -> vector<128x128xf32>
    %swap3A_443 = arith.constant 5632 : index
    %swap3A_444 = arith.constant 0 : index
    %swap3A_445 = vector.load %arg2[%swap3A_443, %swap3A_444] : memref<16384x128xf32, #tpu.memory_space<vmem>>, vector<128x128xf32>
    tpu.vector_store %arg2[%swap3A_443, %swap3A_444], %transpose3A_442 {strides = array<i32>} : memref<16384x128xf32, #tpu.memory_space<vmem>>, vector<128x128xf32>,
    %get3A_446 = arith.constant 0 : index
    %get3A_447 = arith.constant 23040 : index
    %get3A_448 = vector.load %arg1[%get3A_446, %get3A_447] : memref<32x65536xf32, #tpu.memory_space<vmem>>, vector<32x512xf32>
    %reshape3A_449 = vector.shape_cast %get3A_448 : vector<32x512xf32> to vector<32x4x128xf32>
    %transpose3A_450 = tpu.transpose %reshape3A_449, [1, 0, 2] : vector<32x4x128xf32> -> vector<4x32x128xf32>
    %reshape3A_451 = vector.shape_cast %transpose3A_450 : vector<4x32x128xf32> to vector<128x128xf32>
    %transpose3A_452 = tpu.transpose %reshape3A_451, [1, 0] : vector<128x128xf32> -> vector<128x128xf32>
    %swap3A_453 = arith.constant 5760 : index
    %swap3A_454 = arith.constant 0 : index
    %swap3A_455 = vector.load %arg2[%swap3A_453, %swap3A_454] : memref<16384x128xf32, #tpu.memory_space<vmem>>, vector<128x128xf32>
    tpu.vector_store %arg2[%swap3A_453, %swap3A_454], %transpose3A_452 {strides = array<i32>} : memref<16384x128xf32, #tpu.memory_space<vmem>>, vector<128x128xf32>,
    %get3A_456 = arith.constant 0 : index
    %get3A_457 = arith.constant 23552 : index
    %get3A_458 = vector.load %arg1[%get3A_456, %get3A_457] : memref<32x65536xf32, #tpu.memory_space<vmem>>, vector<32x512xf32>
    %reshape3A_459 = vector.shape_cast %get3A_458 : vector<32x512xf32> to vector<32x4x128xf32>
    %transpose3A_460 = tpu.transpose %reshape3A_459, [1, 0, 2] : vector<32x4x128xf32> -> vector<4x32x128xf32>
    %reshape3A_461 = vector.shape_cast %transpose3A_460 : vector<4x32x128xf32> to vector<128x128xf32>
    %transpose3A_462 = tpu.transpose %reshape3A_461, [1, 0] : vector<128x128xf32> -> vector<128x128xf32>
    %swap3A_463 = arith.constant 5888 : index
    %swap3A_464 = arith.constant 0 : index
    %swap3A_465 = vector.load %arg2[%swap3A_463, %swap3A_464] : memref<16384x128xf32, #tpu.memory_space<vmem>>, vector<128x128xf32>
    tpu.vector_store %arg2[%swap3A_463, %swap3A_464], %transpose3A_462 {strides = array<i32>} : memref<16384x128xf32, #tpu.memory_space<vmem>>, vector<128x128xf32>,
    %get3A_466 = arith.constant 0 : index
    %get3A_467 = arith.constant 24064 : index
    %get3A_468 = vector.load %arg1[%get3A_466, %get3A_467] : memref<32x65536xf32, #tpu.memory_space<vmem>>, vector<32x512xf32>
    %reshape3A_469 = vector.shape_cast %get3A_468 : vector<32x512xf32> to vector<32x4x128xf32>
    %transpose3A_470 = tpu.transpose %reshape3A_469, [1, 0, 2] : vector<32x4x128xf32> -> vector<4x32x128xf32>
    %reshape3A_471 = vector.shape_cast %transpose3A_470 : vector<4x32x128xf32> to vector<128x128xf32>
    %transpose3A_472 = tpu.transpose %reshape3A_471, [1, 0] : vector<128x128xf32> -> vector<128x128xf32>
    %swap3A_473 = arith.constant 6016 : index
    %swap3A_474 = arith.constant 0 : index
    %swap3A_475 = vector.load %arg2[%swap3A_473, %swap3A_474] : memref<16384x128xf32, #tpu.memory_space<vmem>>, vector<128x128xf32>
    tpu.vector_store %arg2[%swap3A_473, %swap3A_474], %transpose3A_472 {strides = array<i32>} : memref<16384x128xf32, #tpu.memory_space<vmem>>, vector<128x128xf32>,
    %get3A_476 = arith.constant 0 : index
    %get3A_477 = arith.constant 24576 : index
    %get3A_478 = vector.load %arg1[%get3A_476, %get3A_477] : memref<32x65536xf32, #tpu.memory_space<vmem>>, vector<32x512xf32>
    %reshape3A_479 = vector.shape_cast %get3A_478 : vector<32x512xf32> to vector<32x4x128xf32>
    %transpose3A_480 = tpu.transpose %reshape3A_479, [1, 0, 2] : vector<32x4x128xf32> -> vector<4x32x128xf32>
    %reshape3A_481 = vector.shape_cast %transpose3A_480 : vector<4x32x128xf32> to vector<128x128xf32>
    %transpose3A_482 = tpu.transpose %reshape3A_481, [1, 0] : vector<128x128xf32> -> vector<128x128xf32>
    %swap3A_483 = arith.constant 6144 : index
    %swap3A_484 = arith.constant 0 : index
    %swap3A_485 = vector.load %arg2[%swap3A_483, %swap3A_484] : memref<16384x128xf32, #tpu.memory_space<vmem>>, vector<128x128xf32>
    tpu.vector_store %arg2[%swap3A_483, %swap3A_484], %transpose3A_482 {strides = array<i32>} : memref<16384x128xf32, #tpu.memory_space<vmem>>, vector<128x128xf32>,
    %get3A_486 = arith.constant 0 : index
    %get3A_487 = arith.constant 25088 : index
    %get3A_488 = vector.load %arg1[%get3A_486, %get3A_487] : memref<32x65536xf32, #tpu.memory_space<vmem>>, vector<32x512xf32>
    %reshape3A_489 = vector.shape_cast %get3A_488 : vector<32x512xf32> to vector<32x4x128xf32>
    %transpose3A_490 = tpu.transpose %reshape3A_489, [1, 0, 2] : vector<32x4x128xf32> -> vector<4x32x128xf32>
    %reshape3A_491 = vector.shape_cast %transpose3A_490 : vector<4x32x128xf32> to vector<128x128xf32>
    %transpose3A_492 = tpu.transpose %reshape3A_491, [1, 0] : vector<128x128xf32> -> vector<128x128xf32>
    %swap3A_493 = arith.constant 6272 : index
    %swap3A_494 = arith.constant 0 : index
    %swap3A_495 = vector.load %arg2[%swap3A_493, %swap3A_494] : memref<16384x128xf32, #tpu.memory_space<vmem>>, vector<128x128xf32>
    tpu.vector_store %arg2[%swap3A_493, %swap3A_494], %transpose3A_492 {strides = array<i32>} : memref<16384x128xf32, #tpu.memory_space<vmem>>, vector<128x128xf32>,
    %get3A_496 = arith.constant 0 : index
    %get3A_497 = arith.constant 25600 : index
    %get3A_498 = vector.load %arg1[%get3A_496, %get3A_497] : memref<32x65536xf32, #tpu.memory_space<vmem>>, vector<32x512xf32>
    %reshape3A_499 = vector.shape_cast %get3A_498 : vector<32x512xf32> to vector<32x4x128xf32>
    %transpose3A_500 = tpu.transpose %reshape3A_499, [1, 0, 2] : vector<32x4x128xf32> -> vector<4x32x128xf32>
    %reshape3A_501 = vector.shape_cast %transpose3A_500 : vector<4x32x128xf32> to vector<128x128xf32>
    %transpose3A_502 = tpu.transpose %reshape3A_501, [1, 0] : vector<128x128xf32> -> vector<128x128xf32>
    %swap3A_503 = arith.constant 6400 : index
    %swap3A_504 = arith.constant 0 : index
    %swap3A_505 = vector.load %arg2[%swap3A_503, %swap3A_504] : memref<16384x128xf32, #tpu.memory_space<vmem>>, vector<128x128xf32>
    tpu.vector_store %arg2[%swap3A_503, %swap3A_504], %transpose3A_502 {strides = array<i32>} : memref<16384x128xf32, #tpu.memory_space<vmem>>, vector<128x128xf32>,
    %get3A_506 = arith.constant 0 : index
    %get3A_507 = arith.constant 26112 : index
    %get3A_508 = vector.load %arg1[%get3A_506, %get3A_507] : memref<32x65536xf32, #tpu.memory_space<vmem>>, vector<32x512xf32>
    %reshape3A_509 = vector.shape_cast %get3A_508 : vector<32x512xf32> to vector<32x4x128xf32>
    %transpose3A_510 = tpu.transpose %reshape3A_509, [1, 0, 2] : vector<32x4x128xf32> -> vector<4x32x128xf32>
    %reshape3A_511 = vector.shape_cast %transpose3A_510 : vector<4x32x128xf32> to vector<128x128xf32>
    %transpose3A_512 = tpu.transpose %reshape3A_511, [1, 0] : vector<128x128xf32> -> vector<128x128xf32>
    %swap3A_513 = arith.constant 6528 : index
    %swap3A_514 = arith.constant 0 : index
    %swap3A_515 = vector.load %arg2[%swap3A_513, %swap3A_514] : memref<16384x128xf32, #tpu.memory_space<vmem>>, vector<128x128xf32>
    tpu.vector_store %arg2[%swap3A_513, %swap3A_514], %transpose3A_512 {strides = array<i32>} : memref<16384x128xf32, #tpu.memory_space<vmem>>, vector<128x128xf32>,
    %get3A_516 = arith.constant 0 : index
    %get3A_517 = arith.constant 26624 : index
    %get3A_518 = vector.load %arg1[%get3A_516, %get3A_517] : memref<32x65536xf32, #tpu.memory_space<vmem>>, vector<32x512xf32>
    %reshape3A_519 = vector.shape_cast %get3A_518 : vector<32x512xf32> to vector<32x4x128xf32>
    %transpose3A_520 = tpu.transpose %reshape3A_519, [1, 0, 2] : vector<32x4x128xf32> -> vector<4x32x128xf32>
    %reshape3A_521 = vector.shape_cast %transpose3A_520 : vector<4x32x128xf32> to vector<128x128xf32>
    %transpose3A_522 = tpu.transpose %reshape3A_521, [1, 0] : vector<128x128xf32> -> vector<128x128xf32>
    %swap3A_523 = arith.constant 6656 : index
    %swap3A_524 = arith.constant 0 : index
    %swap3A_525 = vector.load %arg2[%swap3A_523, %swap3A_524] : memref<16384x128xf32, #tpu.memory_space<vmem>>, vector<128x128xf32>
    tpu.vector_store %arg2[%swap3A_523, %swap3A_524], %transpose3A_522 {strides = array<i32>} : memref<16384x128xf32, #tpu.memory_space<vmem>>, vector<128x128xf32>,
    %get3A_526 = arith.constant 0 : index
    %get3A_527 = arith.constant 27136 : index
    %get3A_528 = vector.load %arg1[%get3A_526, %get3A_527] : memref<32x65536xf32, #tpu.memory_space<vmem>>, vector<32x512xf32>
    %reshape3A_529 = vector.shape_cast %get3A_528 : vector<32x512xf32> to vector<32x4x128xf32>
    %transpose3A_530 = tpu.transpose %reshape3A_529, [1, 0, 2] : vector<32x4x128xf32> -> vector<4x32x128xf32>
    %reshape3A_531 = vector.shape_cast %transpose3A_530 : vector<4x32x128xf32> to vector<128x128xf32>
    %transpose3A_532 = tpu.transpose %reshape3A_531, [1, 0] : vector<128x128xf32> -> vector<128x128xf32>
    %swap3A_533 = arith.constant 6784 : index
    %swap3A_534 = arith.constant 0 : index
    %swap3A_535 = vector.load %arg2[%swap3A_533, %swap3A_534] : memref<16384x128xf32, #tpu.memory_space<vmem>>, vector<128x128xf32>
    tpu.vector_store %arg2[%swap3A_533, %swap3A_534], %transpose3A_532 {strides = array<i32>} : memref<16384x128xf32, #tpu.memory_space<vmem>>, vector<128x128xf32>,
    %get3A_536 = arith.constant 0 : index
    %get3A_537 = arith.constant 27648 : index
    %get3A_538 = vector.load %arg1[%get3A_536, %get3A_537] : memref<32x65536xf32, #tpu.memory_space<vmem>>, vector<32x512xf32>
    %reshape3A_539 = vector.shape_cast %get3A_538 : vector<32x512xf32> to vector<32x4x128xf32>
    %transpose3A_540 = tpu.transpose %reshape3A_539, [1, 0, 2] : vector<32x4x128xf32> -> vector<4x32x128xf32>
    %reshape3A_541 = vector.shape_cast %transpose3A_540 : vector<4x32x128xf32> to vector<128x128xf32>
    %transpose3A_542 = tpu.transpose %reshape3A_541, [1, 0] : vector<128x128xf32> -> vector<128x128xf32>
    %swap3A_543 = arith.constant 6912 : index
    %swap3A_544 = arith.constant 0 : index
    %swap3A_545 = vector.load %arg2[%swap3A_543, %swap3A_544] : memref<16384x128xf32, #tpu.memory_space<vmem>>, vector<128x128xf32>
    tpu.vector_store %arg2[%swap3A_543, %swap3A_544], %transpose3A_542 {strides = array<i32>} : memref<16384x128xf32, #tpu.memory_space<vmem>>, vector<128x128xf32>,
    %get3A_546 = arith.constant 0 : index
    %get3A_547 = arith.constant 28160 : index
    %get3A_548 = vector.load %arg1[%get3A_546, %get3A_547] : memref<32x65536xf32, #tpu.memory_space<vmem>>, vector<32x512xf32>
    %reshape3A_549 = vector.shape_cast %get3A_548 : vector<32x512xf32> to vector<32x4x128xf32>
    %transpose3A_550 = tpu.transpose %reshape3A_549, [1, 0, 2] : vector<32x4x128xf32> -> vector<4x32x128xf32>
    %reshape3A_551 = vector.shape_cast %transpose3A_550 : vector<4x32x128xf32> to vector<128x128xf32>
    %transpose3A_552 = tpu.transpose %reshape3A_551, [1, 0] : vector<128x128xf32> -> vector<128x128xf32>
    %swap3A_553 = arith.constant 7040 : index
    %swap3A_554 = arith.constant 0 : index
    %swap3A_555 = vector.load %arg2[%swap3A_553, %swap3A_554] : memref<16384x128xf32, #tpu.memory_space<vmem>>, vector<128x128xf32>
    tpu.vector_store %arg2[%swap3A_553, %swap3A_554], %transpose3A_552 {strides = array<i32>} : memref<16384x128xf32, #tpu.memory_space<vmem>>, vector<128x128xf32>,
    %get3A_556 = arith.constant 0 : index
    %get3A_557 = arith.constant 28672 : index
    %get3A_558 = vector.load %arg1[%get3A_556, %get3A_557] : memref<32x65536xf32, #tpu.memory_space<vmem>>, vector<32x512xf32>
    %reshape3A_559 = vector.shape_cast %get3A_558 : vector<32x512xf32> to vector<32x4x128xf32>
    %transpose3A_560 = tpu.transpose %reshape3A_559, [1, 0, 2] : vector<32x4x128xf32> -> vector<4x32x128xf32>
    %reshape3A_561 = vector.shape_cast %transpose3A_560 : vector<4x32x128xf32> to vector<128x128xf32>
    %transpose3A_562 = tpu.transpose %reshape3A_561, [1, 0] : vector<128x128xf32> -> vector<128x128xf32>
    %swap3A_563 = arith.constant 7168 : index
    %swap3A_564 = arith.constant 0 : index
    %swap3A_565 = vector.load %arg2[%swap3A_563, %swap3A_564] : memref<16384x128xf32, #tpu.memory_space<vmem>>, vector<128x128xf32>
    tpu.vector_store %arg2[%swap3A_563, %swap3A_564], %transpose3A_562 {strides = array<i32>} : memref<16384x128xf32, #tpu.memory_space<vmem>>, vector<128x128xf32>,
    %get3A_566 = arith.constant 0 : index
    %get3A_567 = arith.constant 29184 : index
    %get3A_568 = vector.load %arg1[%get3A_566, %get3A_567] : memref<32x65536xf32, #tpu.memory_space<vmem>>, vector<32x512xf32>
    %reshape3A_569 = vector.shape_cast %get3A_568 : vector<32x512xf32> to vector<32x4x128xf32>
    %transpose3A_570 = tpu.transpose %reshape3A_569, [1, 0, 2] : vector<32x4x128xf32> -> vector<4x32x128xf32>
    %reshape3A_571 = vector.shape_cast %transpose3A_570 : vector<4x32x128xf32> to vector<128x128xf32>
    %transpose3A_572 = tpu.transpose %reshape3A_571, [1, 0] : vector<128x128xf32> -> vector<128x128xf32>
    %swap3A_573 = arith.constant 7296 : index
    %swap3A_574 = arith.constant 0 : index
    %swap3A_575 = vector.load %arg2[%swap3A_573, %swap3A_574] : memref<16384x128xf32, #tpu.memory_space<vmem>>, vector<128x128xf32>
    tpu.vector_store %arg2[%swap3A_573, %swap3A_574], %transpose3A_572 {strides = array<i32>} : memref<16384x128xf32, #tpu.memory_space<vmem>>, vector<128x128xf32>,
    %get3A_576 = arith.constant 0 : index
    %get3A_577 = arith.constant 29696 : index
    %get3A_578 = vector.load %arg1[%get3A_576, %get3A_577] : memref<32x65536xf32, #tpu.memory_space<vmem>>, vector<32x512xf32>
    %reshape3A_579 = vector.shape_cast %get3A_578 : vector<32x512xf32> to vector<32x4x128xf32>
    %transpose3A_580 = tpu.transpose %reshape3A_579, [1, 0, 2] : vector<32x4x128xf32> -> vector<4x32x128xf32>
    %reshape3A_581 = vector.shape_cast %transpose3A_580 : vector<4x32x128xf32> to vector<128x128xf32>
    %transpose3A_582 = tpu.transpose %reshape3A_581, [1, 0] : vector<128x128xf32> -> vector<128x128xf32>
    %swap3A_583 = arith.constant 7424 : index
    %swap3A_584 = arith.constant 0 : index
    %swap3A_585 = vector.load %arg2[%swap3A_583, %swap3A_584] : memref<16384x128xf32, #tpu.memory_space<vmem>>, vector<128x128xf32>
    tpu.vector_store %arg2[%swap3A_583, %swap3A_584], %transpose3A_582 {strides = array<i32>} : memref<16384x128xf32, #tpu.memory_space<vmem>>, vector<128x128xf32>,
    %get3A_586 = arith.constant 0 : index
    %get3A_587 = arith.constant 30208 : index
    %get3A_588 = vector.load %arg1[%get3A_586, %get3A_587] : memref<32x65536xf32, #tpu.memory_space<vmem>>, vector<32x512xf32>
    %reshape3A_589 = vector.shape_cast %get3A_588 : vector<32x512xf32> to vector<32x4x128xf32>
    %transpose3A_590 = tpu.transpose %reshape3A_589, [1, 0, 2] : vector<32x4x128xf32> -> vector<4x32x128xf32>
    %reshape3A_591 = vector.shape_cast %transpose3A_590 : vector<4x32x128xf32> to vector<128x128xf32>
    %transpose3A_592 = tpu.transpose %reshape3A_591, [1, 0] : vector<128x128xf32> -> vector<128x128xf32>
    %swap3A_593 = arith.constant 7552 : index
    %swap3A_594 = arith.constant 0 : index
    %swap3A_595 = vector.load %arg2[%swap3A_593, %swap3A_594] : memref<16384x128xf32, #tpu.memory_space<vmem>>, vector<128x128xf32>
    tpu.vector_store %arg2[%swap3A_593, %swap3A_594], %transpose3A_592 {strides = array<i32>} : memref<16384x128xf32, #tpu.memory_space<vmem>>, vector<128x128xf32>,
    %get3A_596 = arith.constant 0 : index
    %get3A_597 = arith.constant 30720 : index
    %get3A_598 = vector.load %arg1[%get3A_596, %get3A_597] : memref<32x65536xf32, #tpu.memory_space<vmem>>, vector<32x512xf32>
    %reshape3A_599 = vector.shape_cast %get3A_598 : vector<32x512xf32> to vector<32x4x128xf32>
    %transpose3A_600 = tpu.transpose %reshape3A_599, [1, 0, 2] : vector<32x4x128xf32> -> vector<4x32x128xf32>
    %reshape3A_601 = vector.shape_cast %transpose3A_600 : vector<4x32x128xf32> to vector<128x128xf32>
    %transpose3A_602 = tpu.transpose %reshape3A_601, [1, 0] : vector<128x128xf32> -> vector<128x128xf32>
    %swap3A_603 = arith.constant 7680 : index
    %swap3A_604 = arith.constant 0 : index
    %swap3A_605 = vector.load %arg2[%swap3A_603, %swap3A_604] : memref<16384x128xf32, #tpu.memory_space<vmem>>, vector<128x128xf32>
    tpu.vector_store %arg2[%swap3A_603, %swap3A_604], %transpose3A_602 {strides = array<i32>} : memref<16384x128xf32, #tpu.memory_space<vmem>>, vector<128x128xf32>,
    %get3A_606 = arith.constant 0 : index
    %get3A_607 = arith.constant 31232 : index
    %get3A_608 = vector.load %arg1[%get3A_606, %get3A_607] : memref<32x65536xf32, #tpu.memory_space<vmem>>, vector<32x512xf32>
    %reshape3A_609 = vector.shape_cast %get3A_608 : vector<32x512xf32> to vector<32x4x128xf32>
    %transpose3A_610 = tpu.transpose %reshape3A_609, [1, 0, 2] : vector<32x4x128xf32> -> vector<4x32x128xf32>
    %reshape3A_611 = vector.shape_cast %transpose3A_610 : vector<4x32x128xf32> to vector<128x128xf32>
    %transpose3A_612 = tpu.transpose %reshape3A_611, [1, 0] : vector<128x128xf32> -> vector<128x128xf32>
    %swap3A_613 = arith.constant 7808 : index
    %swap3A_614 = arith.constant 0 : index
    %swap3A_615 = vector.load %arg2[%swap3A_613, %swap3A_614] : memref<16384x128xf32, #tpu.memory_space<vmem>>, vector<128x128xf32>
    tpu.vector_store %arg2[%swap3A_613, %swap3A_614], %transpose3A_612 {strides = array<i32>} : memref<16384x128xf32, #tpu.memory_space<vmem>>, vector<128x128xf32>,
    %get3A_616 = arith.constant 0 : index
    %get3A_617 = arith.constant 31744 : index
    %get3A_618 = vector.load %arg1[%get3A_616, %get3A_617] : memref<32x65536xf32, #tpu.memory_space<vmem>>, vector<32x512xf32>
    %reshape3A_619 = vector.shape_cast %get3A_618 : vector<32x512xf32> to vector<32x4x128xf32>
    %transpose3A_620 = tpu.transpose %reshape3A_619, [1, 0, 2] : vector<32x4x128xf32> -> vector<4x32x128xf32>
    %reshape3A_621 = vector.shape_cast %transpose3A_620 : vector<4x32x128xf32> to vector<128x128xf32>
    %transpose3A_622 = tpu.transpose %reshape3A_621, [1, 0] : vector<128x128xf32> -> vector<128x128xf32>
    %swap3A_623 = arith.constant 7936 : index
    %swap3A_624 = arith.constant 0 : index
    %swap3A_625 = vector.load %arg2[%swap3A_623, %swap3A_624] : memref<16384x128xf32, #tpu.memory_space<vmem>>, vector<128x128xf32>
    tpu.vector_store %arg2[%swap3A_623, %swap3A_624], %transpose3A_622 {strides = array<i32>} : memref<16384x128xf32, #tpu.memory_space<vmem>>, vector<128x128xf32>,
    %get3A_626 = arith.constant 0 : index
    %get3A_627 = arith.constant 32256 : index
    %get3A_628 = vector.load %arg1[%get3A_626, %get3A_627] : memref<32x65536xf32, #tpu.memory_space<vmem>>, vector<32x512xf32>
    %reshape3A_629 = vector.shape_cast %get3A_628 : vector<32x512xf32> to vector<32x4x128xf32>
    %transpose3A_630 = tpu.transpose %reshape3A_629, [1, 0, 2] : vector<32x4x128xf32> -> vector<4x32x128xf32>
    %reshape3A_631 = vector.shape_cast %transpose3A_630 : vector<4x32x128xf32> to vector<128x128xf32>
    %transpose3A_632 = tpu.transpose %reshape3A_631, [1, 0] : vector<128x128xf32> -> vector<128x128xf32>
    %swap3A_633 = arith.constant 8064 : index
    %swap3A_634 = arith.constant 0 : index
    %swap3A_635 = vector.load %arg2[%swap3A_633, %swap3A_634] : memref<16384x128xf32, #tpu.memory_space<vmem>>, vector<128x128xf32>
    tpu.vector_store %arg2[%swap3A_633, %swap3A_634], %transpose3A_632 {strides = array<i32>} : memref<16384x128xf32, #tpu.memory_space<vmem>>, vector<128x128xf32>,
    %get3A_636 = arith.constant 0 : index
    %get3A_637 = arith.constant 32768 : index
    %get3A_638 = vector.load %arg1[%get3A_636, %get3A_637] : memref<32x65536xf32, #tpu.memory_space<vmem>>, vector<32x512xf32>
    %reshape3A_639 = vector.shape_cast %get3A_638 : vector<32x512xf32> to vector<32x4x128xf32>
    %transpose3A_640 = tpu.transpose %reshape3A_639, [1, 0, 2] : vector<32x4x128xf32> -> vector<4x32x128xf32>
    %reshape3A_641 = vector.shape_cast %transpose3A_640 : vector<4x32x128xf32> to vector<128x128xf32>
    %transpose3A_642 = tpu.transpose %reshape3A_641, [1, 0] : vector<128x128xf32> -> vector<128x128xf32>
    %swap3A_643 = arith.constant 8192 : index
    %swap3A_644 = arith.constant 0 : index
    %swap3A_645 = vector.load %arg2[%swap3A_643, %swap3A_644] : memref<16384x128xf32, #tpu.memory_space<vmem>>, vector<128x128xf32>
    tpu.vector_store %arg2[%swap3A_643, %swap3A_644], %transpose3A_642 {strides = array<i32>} : memref<16384x128xf32, #tpu.memory_space<vmem>>, vector<128x128xf32>,
    %get3A_646 = arith.constant 0 : index
    %get3A_647 = arith.constant 33280 : index
    %get3A_648 = vector.load %arg1[%get3A_646, %get3A_647] : memref<32x65536xf32, #tpu.memory_space<vmem>>, vector<32x512xf32>
    %reshape3A_649 = vector.shape_cast %get3A_648 : vector<32x512xf32> to vector<32x4x128xf32>
    %transpose3A_650 = tpu.transpose %reshape3A_649, [1, 0, 2] : vector<32x4x128xf32> -> vector<4x32x128xf32>
    %reshape3A_651 = vector.shape_cast %transpose3A_650 : vector<4x32x128xf32> to vector<128x128xf32>
    %transpose3A_652 = tpu.transpose %reshape3A_651, [1, 0] : vector<128x128xf32> -> vector<128x128xf32>
    %swap3A_653 = arith.constant 8320 : index
    %swap3A_654 = arith.constant 0 : index
    %swap3A_655 = vector.load %arg2[%swap3A_653, %swap3A_654] : memref<16384x128xf32, #tpu.memory_space<vmem>>, vector<128x128xf32>
    tpu.vector_store %arg2[%swap3A_653, %swap3A_654], %transpose3A_652 {strides = array<i32>} : memref<16384x128xf32, #tpu.memory_space<vmem>>, vector<128x128xf32>,
    %get3A_656 = arith.constant 0 : index
    %get3A_657 = arith.constant 33792 : index
    %get3A_658 = vector.load %arg1[%get3A_656, %get3A_657] : memref<32x65536xf32, #tpu.memory_space<vmem>>, vector<32x512xf32>
    %reshape3A_659 = vector.shape_cast %get3A_658 : vector<32x512xf32> to vector<32x4x128xf32>
    %transpose3A_660 = tpu.transpose %reshape3A_659, [1, 0, 2] : vector<32x4x128xf32> -> vector<4x32x128xf32>
    %reshape3A_661 = vector.shape_cast %transpose3A_660 : vector<4x32x128xf32> to vector<128x128xf32>
    %transpose3A_662 = tpu.transpose %reshape3A_661, [1, 0] : vector<128x128xf32> -> vector<128x128xf32>
    %swap3A_663 = arith.constant 8448 : index
    %swap3A_664 = arith.constant 0 : index
    %swap3A_665 = vector.load %arg2[%swap3A_663, %swap3A_664] : memref<16384x128xf32, #tpu.memory_space<vmem>>, vector<128x128xf32>
    tpu.vector_store %arg2[%swap3A_663, %swap3A_664], %transpose3A_662 {strides = array<i32>} : memref<16384x128xf32, #tpu.memory_space<vmem>>, vector<128x128xf32>,
    %get3A_666 = arith.constant 0 : index
    %get3A_667 = arith.constant 34304 : index
    %get3A_668 = vector.load %arg1[%get3A_666, %get3A_667] : memref<32x65536xf32, #tpu.memory_space<vmem>>, vector<32x512xf32>
    %reshape3A_669 = vector.shape_cast %get3A_668 : vector<32x512xf32> to vector<32x4x128xf32>
    %transpose3A_670 = tpu.transpose %reshape3A_669, [1, 0, 2] : vector<32x4x128xf32> -> vector<4x32x128xf32>
    %reshape3A_671 = vector.shape_cast %transpose3A_670 : vector<4x32x128xf32> to vector<128x128xf32>
    %transpose3A_672 = tpu.transpose %reshape3A_671, [1, 0] : vector<128x128xf32> -> vector<128x128xf32>
    %swap3A_673 = arith.constant 8576 : index
    %swap3A_674 = arith.constant 0 : index
    %swap3A_675 = vector.load %arg2[%swap3A_673, %swap3A_674] : memref<16384x128xf32, #tpu.memory_space<vmem>>, vector<128x128xf32>
    tpu.vector_store %arg2[%swap3A_673, %swap3A_674], %transpose3A_672 {strides = array<i32>} : memref<16384x128xf32, #tpu.memory_space<vmem>>, vector<128x128xf32>,
    %get3A_676 = arith.constant 0 : index
    %get3A_677 = arith.constant 34816 : index
    %get3A_678 = vector.load %arg1[%get3A_676, %get3A_677] : memref<32x65536xf32, #tpu.memory_space<vmem>>, vector<32x512xf32>
    %reshape3A_679 = vector.shape_cast %get3A_678 : vector<32x512xf32> to vector<32x4x128xf32>
    %transpose3A_680 = tpu.transpose %reshape3A_679, [1, 0, 2] : vector<32x4x128xf32> -> vector<4x32x128xf32>
    %reshape3A_681 = vector.shape_cast %transpose3A_680 : vector<4x32x128xf32> to vector<128x128xf32>
    %transpose3A_682 = tpu.transpose %reshape3A_681, [1, 0] : vector<128x128xf32> -> vector<128x128xf32>
    %swap3A_683 = arith.constant 8704 : index
    %swap3A_684 = arith.constant 0 : index
    %swap3A_685 = vector.load %arg2[%swap3A_683, %swap3A_684] : memref<16384x128xf32, #tpu.memory_space<vmem>>, vector<128x128xf32>
    tpu.vector_store %arg2[%swap3A_683, %swap3A_684], %transpose3A_682 {strides = array<i32>} : memref<16384x128xf32, #tpu.memory_space<vmem>>, vector<128x128xf32>,
    %get3A_686 = arith.constant 0 : index
    %get3A_687 = arith.constant 35328 : index
    %get3A_688 = vector.load %arg1[%get3A_686, %get3A_687] : memref<32x65536xf32, #tpu.memory_space<vmem>>, vector<32x512xf32>
    %reshape3A_689 = vector.shape_cast %get3A_688 : vector<32x512xf32> to vector<32x4x128xf32>
    %transpose3A_690 = tpu.transpose %reshape3A_689, [1, 0, 2] : vector<32x4x128xf32> -> vector<4x32x128xf32>
    %reshape3A_691 = vector.shape_cast %transpose3A_690 : vector<4x32x128xf32> to vector<128x128xf32>
    %transpose3A_692 = tpu.transpose %reshape3A_691, [1, 0] : vector<128x128xf32> -> vector<128x128xf32>
    %swap3A_693 = arith.constant 8832 : index
    %swap3A_694 = arith.constant 0 : index
    %swap3A_695 = vector.load %arg2[%swap3A_693, %swap3A_694] : memref<16384x128xf32, #tpu.memory_space<vmem>>, vector<128x128xf32>
    tpu.vector_store %arg2[%swap3A_693, %swap3A_694], %transpose3A_692 {strides = array<i32>} : memref<16384x128xf32, #tpu.memory_space<vmem>>, vector<128x128xf32>,
    %get3A_696 = arith.constant 0 : index
    %get3A_697 = arith.constant 35840 : index
    %get3A_698 = vector.load %arg1[%get3A_696, %get3A_697] : memref<32x65536xf32, #tpu.memory_space<vmem>>, vector<32x512xf32>
    %reshape3A_699 = vector.shape_cast %get3A_698 : vector<32x512xf32> to vector<32x4x128xf32>
    %transpose3A_700 = tpu.transpose %reshape3A_699, [1, 0, 2] : vector<32x4x128xf32> -> vector<4x32x128xf32>
    %reshape3A_701 = vector.shape_cast %transpose3A_700 : vector<4x32x128xf32> to vector<128x128xf32>
    %transpose3A_702 = tpu.transpose %reshape3A_701, [1, 0] : vector<128x128xf32> -> vector<128x128xf32>
    %swap3A_703 = arith.constant 8960 : index
    %swap3A_704 = arith.constant 0 : index
    %swap3A_705 = vector.load %arg2[%swap3A_703, %swap3A_704] : memref<16384x128xf32, #tpu.memory_space<vmem>>, vector<128x128xf32>
    tpu.vector_store %arg2[%swap3A_703, %swap3A_704], %transpose3A_702 {strides = array<i32>} : memref<16384x128xf32, #tpu.memory_space<vmem>>, vector<128x128xf32>,
    %get3A_706 = arith.constant 0 : index
    %get3A_707 = arith.constant 36352 : index
    %get3A_708 = vector.load %arg1[%get3A_706, %get3A_707] : memref<32x65536xf32, #tpu.memory_space<vmem>>, vector<32x512xf32>
    %reshape3A_709 = vector.shape_cast %get3A_708 : vector<32x512xf32> to vector<32x4x128xf32>
    %transpose3A_710 = tpu.transpose %reshape3A_709, [1, 0, 2] : vector<32x4x128xf32> -> vector<4x32x128xf32>
    %reshape3A_711 = vector.shape_cast %transpose3A_710 : vector<4x32x128xf32> to vector<128x128xf32>
    %transpose3A_712 = tpu.transpose %reshape3A_711, [1, 0] : vector<128x128xf32> -> vector<128x128xf32>
    %swap3A_713 = arith.constant 9088 : index
    %swap3A_714 = arith.constant 0 : index
    %swap3A_715 = vector.load %arg2[%swap3A_713, %swap3A_714] : memref<16384x128xf32, #tpu.memory_space<vmem>>, vector<128x128xf32>
    tpu.vector_store %arg2[%swap3A_713, %swap3A_714], %transpose3A_712 {strides = array<i32>} : memref<16384x128xf32, #tpu.memory_space<vmem>>, vector<128x128xf32>,
    %get3A_716 = arith.constant 0 : index
    %get3A_717 = arith.constant 36864 : index
    %get3A_718 = vector.load %arg1[%get3A_716, %get3A_717] : memref<32x65536xf32, #tpu.memory_space<vmem>>, vector<32x512xf32>
    %reshape3A_719 = vector.shape_cast %get3A_718 : vector<32x512xf32> to vector<32x4x128xf32>
    %transpose3A_720 = tpu.transpose %reshape3A_719, [1, 0, 2] : vector<32x4x128xf32> -> vector<4x32x128xf32>
    %reshape3A_721 = vector.shape_cast %transpose3A_720 : vector<4x32x128xf32> to vector<128x128xf32>
    %transpose3A_722 = tpu.transpose %reshape3A_721, [1, 0] : vector<128x128xf32> -> vector<128x128xf32>
    %swap3A_723 = arith.constant 9216 : index
    %swap3A_724 = arith.constant 0 : index
    %swap3A_725 = vector.load %arg2[%swap3A_723, %swap3A_724] : memref<16384x128xf32, #tpu.memory_space<vmem>>, vector<128x128xf32>
    tpu.vector_store %arg2[%swap3A_723, %swap3A_724], %transpose3A_722 {strides = array<i32>} : memref<16384x128xf32, #tpu.memory_space<vmem>>, vector<128x128xf32>,
    %get3A_726 = arith.constant 0 : index
    %get3A_727 = arith.constant 37376 : index
    %get3A_728 = vector.load %arg1[%get3A_726, %get3A_727] : memref<32x65536xf32, #tpu.memory_space<vmem>>, vector<32x512xf32>
    %reshape3A_729 = vector.shape_cast %get3A_728 : vector<32x512xf32> to vector<32x4x128xf32>
    %transpose3A_730 = tpu.transpose %reshape3A_729, [1, 0, 2] : vector<32x4x128xf32> -> vector<4x32x128xf32>
    %reshape3A_731 = vector.shape_cast %transpose3A_730 : vector<4x32x128xf32> to vector<128x128xf32>
    %transpose3A_732 = tpu.transpose %reshape3A_731, [1, 0] : vector<128x128xf32> -> vector<128x128xf32>
    %swap3A_733 = arith.constant 9344 : index
    %swap3A_734 = arith.constant 0 : index
    %swap3A_735 = vector.load %arg2[%swap3A_733, %swap3A_734] : memref<16384x128xf32, #tpu.memory_space<vmem>>, vector<128x128xf32>
    tpu.vector_store %arg2[%swap3A_733, %swap3A_734], %transpose3A_732 {strides = array<i32>} : memref<16384x128xf32, #tpu.memory_space<vmem>>, vector<128x128xf32>,
    %get3A_736 = arith.constant 0 : index
    %get3A_737 = arith.constant 37888 : index
    %get3A_738 = vector.load %arg1[%get3A_736, %get3A_737] : memref<32x65536xf32, #tpu.memory_space<vmem>>, vector<32x512xf32>
    %reshape3A_739 = vector.shape_cast %get3A_738 : vector<32x512xf32> to vector<32x4x128xf32>
    %transpose3A_740 = tpu.transpose %reshape3A_739, [1, 0, 2] : vector<32x4x128xf32> -> vector<4x32x128xf32>
    %reshape3A_741 = vector.shape_cast %transpose3A_740 : vector<4x32x128xf32> to vector<128x128xf32>
    %transpose3A_742 = tpu.transpose %reshape3A_741, [1, 0] : vector<128x128xf32> -> vector<128x128xf32>
    %swap3A_743 = arith.constant 9472 : index
    %swap3A_744 = arith.constant 0 : index
    %swap3A_745 = vector.load %arg2[%swap3A_743, %swap3A_744] : memref<16384x128xf32, #tpu.memory_space<vmem>>, vector<128x128xf32>
    tpu.vector_store %arg2[%swap3A_743, %swap3A_744], %transpose3A_742 {strides = array<i32>} : memref<16384x128xf32, #tpu.memory_space<vmem>>, vector<128x128xf32>,
    %get3A_746 = arith.constant 0 : index
    %get3A_747 = arith.constant 38400 : index
    %get3A_748 = vector.load %arg1[%get3A_746, %get3A_747] : memref<32x65536xf32, #tpu.memory_space<vmem>>, vector<32x512xf32>
    %reshape3A_749 = vector.shape_cast %get3A_748 : vector<32x512xf32> to vector<32x4x128xf32>
    %transpose3A_750 = tpu.transpose %reshape3A_749, [1, 0, 2] : vector<32x4x128xf32> -> vector<4x32x128xf32>
    %reshape3A_751 = vector.shape_cast %transpose3A_750 : vector<4x32x128xf32> to vector<128x128xf32>
    %transpose3A_752 = tpu.transpose %reshape3A_751, [1, 0] : vector<128x128xf32> -> vector<128x128xf32>
    %swap3A_753 = arith.constant 9600 : index
    %swap3A_754 = arith.constant 0 : index
    %swap3A_755 = vector.load %arg2[%swap3A_753, %swap3A_754] : memref<16384x128xf32, #tpu.memory_space<vmem>>, vector<128x128xf32>
    tpu.vector_store %arg2[%swap3A_753, %swap3A_754], %transpose3A_752 {strides = array<i32>} : memref<16384x128xf32, #tpu.memory_space<vmem>>, vector<128x128xf32>,
    %get3A_756 = arith.constant 0 : index
    %get3A_757 = arith.constant 38912 : index
    %get3A_758 = vector.load %arg1[%get3A_756, %get3A_757] : memref<32x65536xf32, #tpu.memory_space<vmem>>, vector<32x512xf32>
    %reshape3A_759 = vector.shape_cast %get3A_758 : vector<32x512xf32> to vector<32x4x128xf32>
    %transpose3A_760 = tpu.transpose %reshape3A_759, [1, 0, 2] : vector<32x4x128xf32> -> vector<4x32x128xf32>
    %reshape3A_761 = vector.shape_cast %transpose3A_760 : vector<4x32x128xf32> to vector<128x128xf32>
    %transpose3A_762 = tpu.transpose %reshape3A_761, [1, 0] : vector<128x128xf32> -> vector<128x128xf32>
    %swap3A_763 = arith.constant 9728 : index
    %swap3A_764 = arith.constant 0 : index
    %swap3A_765 = vector.load %arg2[%swap3A_763, %swap3A_764] : memref<16384x128xf32, #tpu.memory_space<vmem>>, vector<128x128xf32>
    tpu.vector_store %arg2[%swap3A_763, %swap3A_764], %transpose3A_762 {strides = array<i32>} : memref<16384x128xf32, #tpu.memory_space<vmem>>, vector<128x128xf32>,
    %get3A_766 = arith.constant 0 : index
    %get3A_767 = arith.constant 39424 : index
    %get3A_768 = vector.load %arg1[%get3A_766, %get3A_767] : memref<32x65536xf32, #tpu.memory_space<vmem>>, vector<32x512xf32>
    %reshape3A_769 = vector.shape_cast %get3A_768 : vector<32x512xf32> to vector<32x4x128xf32>
    %transpose3A_770 = tpu.transpose %reshape3A_769, [1, 0, 2] : vector<32x4x128xf32> -> vector<4x32x128xf32>
    %reshape3A_771 = vector.shape_cast %transpose3A_770 : vector<4x32x128xf32> to vector<128x128xf32>
    %transpose3A_772 = tpu.transpose %reshape3A_771, [1, 0] : vector<128x128xf32> -> vector<128x128xf32>
    %swap3A_773 = arith.constant 9856 : index
    %swap3A_774 = arith.constant 0 : index
    %swap3A_775 = vector.load %arg2[%swap3A_773, %swap3A_774] : memref<16384x128xf32, #tpu.memory_space<vmem>>, vector<128x128xf32>
    tpu.vector_store %arg2[%swap3A_773, %swap3A_774], %transpose3A_772 {strides = array<i32>} : memref<16384x128xf32, #tpu.memory_space<vmem>>, vector<128x128xf32>,
    %get3A_776 = arith.constant 0 : index
    %get3A_777 = arith.constant 39936 : index
    %get3A_778 = vector.load %arg1[%get3A_776, %get3A_777] : memref<32x65536xf32, #tpu.memory_space<vmem>>, vector<32x512xf32>
    %reshape3A_779 = vector.shape_cast %get3A_778 : vector<32x512xf32> to vector<32x4x128xf32>
    %transpose3A_780 = tpu.transpose %reshape3A_779, [1, 0, 2] : vector<32x4x128xf32> -> vector<4x32x128xf32>
    %reshape3A_781 = vector.shape_cast %transpose3A_780 : vector<4x32x128xf32> to vector<128x128xf32>
    %transpose3A_782 = tpu.transpose %reshape3A_781, [1, 0] : vector<128x128xf32> -> vector<128x128xf32>
    %swap3A_783 = arith.constant 9984 : index
    %swap3A_784 = arith.constant 0 : index
    %swap3A_785 = vector.load %arg2[%swap3A_783, %swap3A_784] : memref<16384x128xf32, #tpu.memory_space<vmem>>, vector<128x128xf32>
    tpu.vector_store %arg2[%swap3A_783, %swap3A_784], %transpose3A_782 {strides = array<i32>} : memref<16384x128xf32, #tpu.memory_space<vmem>>, vector<128x128xf32>,
    %get3A_786 = arith.constant 0 : index
    %get3A_787 = arith.constant 40448 : index
    %get3A_788 = vector.load %arg1[%get3A_786, %get3A_787] : memref<32x65536xf32, #tpu.memory_space<vmem>>, vector<32x512xf32>
    %reshape3A_789 = vector.shape_cast %get3A_788 : vector<32x512xf32> to vector<32x4x128xf32>
    %transpose3A_790 = tpu.transpose %reshape3A_789, [1, 0, 2] : vector<32x4x128xf32> -> vector<4x32x128xf32>
    %reshape3A_791 = vector.shape_cast %transpose3A_790 : vector<4x32x128xf32> to vector<128x128xf32>
    %transpose3A_792 = tpu.transpose %reshape3A_791, [1, 0] : vector<128x128xf32> -> vector<128x128xf32>
    %swap3A_793 = arith.constant 10112 : index
    %swap3A_794 = arith.constant 0 : index
    %swap3A_795 = vector.load %arg2[%swap3A_793, %swap3A_794] : memref<16384x128xf32, #tpu.memory_space<vmem>>, vector<128x128xf32>
    tpu.vector_store %arg2[%swap3A_793, %swap3A_794], %transpose3A_792 {strides = array<i32>} : memref<16384x128xf32, #tpu.memory_space<vmem>>, vector<128x128xf32>,
    %get3A_796 = arith.constant 0 : index
    %get3A_797 = arith.constant 40960 : index
    %get3A_798 = vector.load %arg1[%get3A_796, %get3A_797] : memref<32x65536xf32, #tpu.memory_space<vmem>>, vector<32x512xf32>
    %reshape3A_799 = vector.shape_cast %get3A_798 : vector<32x512xf32> to vector<32x4x128xf32>
    %transpose3A_800 = tpu.transpose %reshape3A_799, [1, 0, 2] : vector<32x4x128xf32> -> vector<4x32x128xf32>
    %reshape3A_801 = vector.shape_cast %transpose3A_800 : vector<4x32x128xf32> to vector<128x128xf32>
    %transpose3A_802 = tpu.transpose %reshape3A_801, [1, 0] : vector<128x128xf32> -> vector<128x128xf32>
    %swap3A_803 = arith.constant 10240 : index
    %swap3A_804 = arith.constant 0 : index
    %swap3A_805 = vector.load %arg2[%swap3A_803, %swap3A_804] : memref<16384x128xf32, #tpu.memory_space<vmem>>, vector<128x128xf32>
    tpu.vector_store %arg2[%swap3A_803, %swap3A_804], %transpose3A_802 {strides = array<i32>} : memref<16384x128xf32, #tpu.memory_space<vmem>>, vector<128x128xf32>,
    %get3A_806 = arith.constant 0 : index
    %get3A_807 = arith.constant 41472 : index
    %get3A_808 = vector.load %arg1[%get3A_806, %get3A_807] : memref<32x65536xf32, #tpu.memory_space<vmem>>, vector<32x512xf32>
    %reshape3A_809 = vector.shape_cast %get3A_808 : vector<32x512xf32> to vector<32x4x128xf32>
    %transpose3A_810 = tpu.transpose %reshape3A_809, [1, 0, 2] : vector<32x4x128xf32> -> vector<4x32x128xf32>
    %reshape3A_811 = vector.shape_cast %transpose3A_810 : vector<4x32x128xf32> to vector<128x128xf32>
    %transpose3A_812 = tpu.transpose %reshape3A_811, [1, 0] : vector<128x128xf32> -> vector<128x128xf32>
    %swap3A_813 = arith.constant 10368 : index
    %swap3A_814 = arith.constant 0 : index
    %swap3A_815 = vector.load %arg2[%swap3A_813, %swap3A_814] : memref<16384x128xf32, #tpu.memory_space<vmem>>, vector<128x128xf32>
    tpu.vector_store %arg2[%swap3A_813, %swap3A_814], %transpose3A_812 {strides = array<i32>} : memref<16384x128xf32, #tpu.memory_space<vmem>>, vector<128x128xf32>,
    %get3A_816 = arith.constant 0 : index
    %get3A_817 = arith.constant 41984 : index
    %get3A_818 = vector.load %arg1[%get3A_816, %get3A_817] : memref<32x65536xf32, #tpu.memory_space<vmem>>, vector<32x512xf32>
    %reshape3A_819 = vector.shape_cast %get3A_818 : vector<32x512xf32> to vector<32x4x128xf32>
    %transpose3A_820 = tpu.transpose %reshape3A_819, [1, 0, 2] : vector<32x4x128xf32> -> vector<4x32x128xf32>
    %reshape3A_821 = vector.shape_cast %transpose3A_820 : vector<4x32x128xf32> to vector<128x128xf32>
    %transpose3A_822 = tpu.transpose %reshape3A_821, [1, 0] : vector<128x128xf32> -> vector<128x128xf32>
    %swap3A_823 = arith.constant 10496 : index
    %swap3A_824 = arith.constant 0 : index
    %swap3A_825 = vector.load %arg2[%swap3A_823, %swap3A_824] : memref<16384x128xf32, #tpu.memory_space<vmem>>, vector<128x128xf32>
    tpu.vector_store %arg2[%swap3A_823, %swap3A_824], %transpose3A_822 {strides = array<i32>} : memref<16384x128xf32, #tpu.memory_space<vmem>>, vector<128x128xf32>,
    %get3A_826 = arith.constant 0 : index
    %get3A_827 = arith.constant 42496 : index
    %get3A_828 = vector.load %arg1[%get3A_826, %get3A_827] : memref<32x65536xf32, #tpu.memory_space<vmem>>, vector<32x512xf32>
    %reshape3A_829 = vector.shape_cast %get3A_828 : vector<32x512xf32> to vector<32x4x128xf32>
    %transpose3A_830 = tpu.transpose %reshape3A_829, [1, 0, 2] : vector<32x4x128xf32> -> vector<4x32x128xf32>
    %reshape3A_831 = vector.shape_cast %transpose3A_830 : vector<4x32x128xf32> to vector<128x128xf32>
    %transpose3A_832 = tpu.transpose %reshape3A_831, [1, 0] : vector<128x128xf32> -> vector<128x128xf32>
    %swap3A_833 = arith.constant 10624 : index
    %swap3A_834 = arith.constant 0 : index
    %swap3A_835 = vector.load %arg2[%swap3A_833, %swap3A_834] : memref<16384x128xf32, #tpu.memory_space<vmem>>, vector<128x128xf32>
    tpu.vector_store %arg2[%swap3A_833, %swap3A_834], %transpose3A_832 {strides = array<i32>} : memref<16384x128xf32, #tpu.memory_space<vmem>>, vector<128x128xf32>,
    %get3A_836 = arith.constant 0 : index
    %get3A_837 = arith.constant 43008 : index
    %get3A_838 = vector.load %arg1[%get3A_836, %get3A_837] : memref<32x65536xf32, #tpu.memory_space<vmem>>, vector<32x512xf32>
    %reshape3A_839 = vector.shape_cast %get3A_838 : vector<32x512xf32> to vector<32x4x128xf32>
    %transpose3A_840 = tpu.transpose %reshape3A_839, [1, 0, 2] : vector<32x4x128xf32> -> vector<4x32x128xf32>
    %reshape3A_841 = vector.shape_cast %transpose3A_840 : vector<4x32x128xf32> to vector<128x128xf32>
    %transpose3A_842 = tpu.transpose %reshape3A_841, [1, 0] : vector<128x128xf32> -> vector<128x128xf32>
    %swap3A_843 = arith.constant 10752 : index
    %swap3A_844 = arith.constant 0 : index
    %swap3A_845 = vector.load %arg2[%swap3A_843, %swap3A_844] : memref<16384x128xf32, #tpu.memory_space<vmem>>, vector<128x128xf32>
    tpu.vector_store %arg2[%swap3A_843, %swap3A_844], %transpose3A_842 {strides = array<i32>} : memref<16384x128xf32, #tpu.memory_space<vmem>>, vector<128x128xf32>,
    %get3A_846 = arith.constant 0 : index
    %get3A_847 = arith.constant 43520 : index
    %get3A_848 = vector.load %arg1[%get3A_846, %get3A_847] : memref<32x65536xf32, #tpu.memory_space<vmem>>, vector<32x512xf32>
    %reshape3A_849 = vector.shape_cast %get3A_848 : vector<32x512xf32> to vector<32x4x128xf32>
    %transpose3A_850 = tpu.transpose %reshape3A_849, [1, 0, 2] : vector<32x4x128xf32> -> vector<4x32x128xf32>
    %reshape3A_851 = vector.shape_cast %transpose3A_850 : vector<4x32x128xf32> to vector<128x128xf32>
    %transpose3A_852 = tpu.transpose %reshape3A_851, [1, 0] : vector<128x128xf32> -> vector<128x128xf32>
    %swap3A_853 = arith.constant 10880 : index
    %swap3A_854 = arith.constant 0 : index
    %swap3A_855 = vector.load %arg2[%swap3A_853, %swap3A_854] : memref<16384x128xf32, #tpu.memory_space<vmem>>, vector<128x128xf32>
    tpu.vector_store %arg2[%swap3A_853, %swap3A_854], %transpose3A_852 {strides = array<i32>} : memref<16384x128xf32, #tpu.memory_space<vmem>>, vector<128x128xf32>,
    %get3A_856 = arith.constant 0 : index
    %get3A_857 = arith.constant 44032 : index
    %get3A_858 = vector.load %arg1[%get3A_856, %get3A_857] : memref<32x65536xf32, #tpu.memory_space<vmem>>, vector<32x512xf32>
    %reshape3A_859 = vector.shape_cast %get3A_858 : vector<32x512xf32> to vector<32x4x128xf32>
    %transpose3A_860 = tpu.transpose %reshape3A_859, [1, 0, 2] : vector<32x4x128xf32> -> vector<4x32x128xf32>
    %reshape3A_861 = vector.shape_cast %transpose3A_860 : vector<4x32x128xf32> to vector<128x128xf32>
    %transpose3A_862 = tpu.transpose %reshape3A_861, [1, 0] : vector<128x128xf32> -> vector<128x128xf32>
    %swap3A_863 = arith.constant 11008 : index
    %swap3A_864 = arith.constant 0 : index
    %swap3A_865 = vector.load %arg2[%swap3A_863, %swap3A_864] : memref<16384x128xf32, #tpu.memory_space<vmem>>, vector<128x128xf32>
    tpu.vector_store %arg2[%swap3A_863, %swap3A_864], %transpose3A_862 {strides = array<i32>} : memref<16384x128xf32, #tpu.memory_space<vmem>>, vector<128x128xf32>,
    %get3A_866 = arith.constant 0 : index
    %get3A_867 = arith.constant 44544 : index
    %get3A_868 = vector.load %arg1[%get3A_866, %get3A_867] : memref<32x65536xf32, #tpu.memory_space<vmem>>, vector<32x512xf32>
    %reshape3A_869 = vector.shape_cast %get3A_868 : vector<32x512xf32> to vector<32x4x128xf32>
    %transpose3A_870 = tpu.transpose %reshape3A_869, [1, 0, 2] : vector<32x4x128xf32> -> vector<4x32x128xf32>
    %reshape3A_871 = vector.shape_cast %transpose3A_870 : vector<4x32x128xf32> to vector<128x128xf32>
    %transpose3A_872 = tpu.transpose %reshape3A_871, [1, 0] : vector<128x128xf32> -> vector<128x128xf32>
    %swap3A_873 = arith.constant 11136 : index
    %swap3A_874 = arith.constant 0 : index
    %swap3A_875 = vector.load %arg2[%swap3A_873, %swap3A_874] : memref<16384x128xf32, #tpu.memory_space<vmem>>, vector<128x128xf32>
    tpu.vector_store %arg2[%swap3A_873, %swap3A_874], %transpose3A_872 {strides = array<i32>} : memref<16384x128xf32, #tpu.memory_space<vmem>>, vector<128x128xf32>,
    %get3A_876 = arith.constant 0 : index
    %get3A_877 = arith.constant 45056 : index
    %get3A_878 = vector.load %arg1[%get3A_876, %get3A_877] : memref<32x65536xf32, #tpu.memory_space<vmem>>, vector<32x512xf32>
    %reshape3A_879 = vector.shape_cast %get3A_878 : vector<32x512xf32> to vector<32x4x128xf32>
    %transpose3A_880 = tpu.transpose %reshape3A_879, [1, 0, 2] : vector<32x4x128xf32> -> vector<4x32x128xf32>
    %reshape3A_881 = vector.shape_cast %transpose3A_880 : vector<4x32x128xf32> to vector<128x128xf32>
    %transpose3A_882 = tpu.transpose %reshape3A_881, [1, 0] : vector<128x128xf32> -> vector<128x128xf32>
    %swap3A_883 = arith.constant 11264 : index
    %swap3A_884 = arith.constant 0 : index
    %swap3A_885 = vector.load %arg2[%swap3A_883, %swap3A_884] : memref<16384x128xf32, #tpu.memory_space<vmem>>, vector<128x128xf32>
    tpu.vector_store %arg2[%swap3A_883, %swap3A_884], %transpose3A_882 {strides = array<i32>} : memref<16384x128xf32, #tpu.memory_space<vmem>>, vector<128x128xf32>,
    %get3A_886 = arith.constant 0 : index
    %get3A_887 = arith.constant 45568 : index
    %get3A_888 = vector.load %arg1[%get3A_886, %get3A_887] : memref<32x65536xf32, #tpu.memory_space<vmem>>, vector<32x512xf32>
    %reshape3A_889 = vector.shape_cast %get3A_888 : vector<32x512xf32> to vector<32x4x128xf32>
    %transpose3A_890 = tpu.transpose %reshape3A_889, [1, 0, 2] : vector<32x4x128xf32> -> vector<4x32x128xf32>
    %reshape3A_891 = vector.shape_cast %transpose3A_890 : vector<4x32x128xf32> to vector<128x128xf32>
    %transpose3A_892 = tpu.transpose %reshape3A_891, [1, 0] : vector<128x128xf32> -> vector<128x128xf32>
    %swap3A_893 = arith.constant 11392 : index
    %swap3A_894 = arith.constant 0 : index
    %swap3A_895 = vector.load %arg2[%swap3A_893, %swap3A_894] : memref<16384x128xf32, #tpu.memory_space<vmem>>, vector<128x128xf32>
    tpu.vector_store %arg2[%swap3A_893, %swap3A_894], %transpose3A_892 {strides = array<i32>} : memref<16384x128xf32, #tpu.memory_space<vmem>>, vector<128x128xf32>,
    %get3A_896 = arith.constant 0 : index
    %get3A_897 = arith.constant 46080 : index
    %get3A_898 = vector.load %arg1[%get3A_896, %get3A_897] : memref<32x65536xf32, #tpu.memory_space<vmem>>, vector<32x512xf32>
    %reshape3A_899 = vector.shape_cast %get3A_898 : vector<32x512xf32> to vector<32x4x128xf32>
    %transpose3A_900 = tpu.transpose %reshape3A_899, [1, 0, 2] : vector<32x4x128xf32> -> vector<4x32x128xf32>
    %reshape3A_901 = vector.shape_cast %transpose3A_900 : vector<4x32x128xf32> to vector<128x128xf32>
    %transpose3A_902 = tpu.transpose %reshape3A_901, [1, 0] : vector<128x128xf32> -> vector<128x128xf32>
    %swap3A_903 = arith.constant 11520 : index
    %swap3A_904 = arith.constant 0 : index
    %swap3A_905 = vector.load %arg2[%swap3A_903, %swap3A_904] : memref<16384x128xf32, #tpu.memory_space<vmem>>, vector<128x128xf32>
    tpu.vector_store %arg2[%swap3A_903, %swap3A_904], %transpose3A_902 {strides = array<i32>} : memref<16384x128xf32, #tpu.memory_space<vmem>>, vector<128x128xf32>,
    %get3A_906 = arith.constant 0 : index
    %get3A_907 = arith.constant 46592 : index
    %get3A_908 = vector.load %arg1[%get3A_906, %get3A_907] : memref<32x65536xf32, #tpu.memory_space<vmem>>, vector<32x512xf32>
    %reshape3A_909 = vector.shape_cast %get3A_908 : vector<32x512xf32> to vector<32x4x128xf32>
    %transpose3A_910 = tpu.transpose %reshape3A_909, [1, 0, 2] : vector<32x4x128xf32> -> vector<4x32x128xf32>
    %reshape3A_911 = vector.shape_cast %transpose3A_910 : vector<4x32x128xf32> to vector<128x128xf32>
    %transpose3A_912 = tpu.transpose %reshape3A_911, [1, 0] : vector<128x128xf32> -> vector<128x128xf32>
    %swap3A_913 = arith.constant 11648 : index
    %swap3A_914 = arith.constant 0 : index
    %swap3A_915 = vector.load %arg2[%swap3A_913, %swap3A_914] : memref<16384x128xf32, #tpu.memory_space<vmem>>, vector<128x128xf32>
    tpu.vector_store %arg2[%swap3A_913, %swap3A_914], %transpose3A_912 {strides = array<i32>} : memref<16384x128xf32, #tpu.memory_space<vmem>>, vector<128x128xf32>,
    %get3A_916 = arith.constant 0 : index
    %get3A_917 = arith.constant 47104 : index
    %get3A_918 = vector.load %arg1[%get3A_916, %get3A_917] : memref<32x65536xf32, #tpu.memory_space<vmem>>, vector<32x512xf32>
    %reshape3A_919 = vector.shape_cast %get3A_918 : vector<32x512xf32> to vector<32x4x128xf32>
    %transpose3A_920 = tpu.transpose %reshape3A_919, [1, 0, 2] : vector<32x4x128xf32> -> vector<4x32x128xf32>
    %reshape3A_921 = vector.shape_cast %transpose3A_920 : vector<4x32x128xf32> to vector<128x128xf32>
    %transpose3A_922 = tpu.transpose %reshape3A_921, [1, 0] : vector<128x128xf32> -> vector<128x128xf32>
    %swap3A_923 = arith.constant 11776 : index
    %swap3A_924 = arith.constant 0 : index
    %swap3A_925 = vector.load %arg2[%swap3A_923, %swap3A_924] : memref<16384x128xf32, #tpu.memory_space<vmem>>, vector<128x128xf32>
    tpu.vector_store %arg2[%swap3A_923, %swap3A_924], %transpose3A_922 {strides = array<i32>} : memref<16384x128xf32, #tpu.memory_space<vmem>>, vector<128x128xf32>,
    %get3A_926 = arith.constant 0 : index
    %get3A_927 = arith.constant 47616 : index
    %get3A_928 = vector.load %arg1[%get3A_926, %get3A_927] : memref<32x65536xf32, #tpu.memory_space<vmem>>, vector<32x512xf32>
    %reshape3A_929 = vector.shape_cast %get3A_928 : vector<32x512xf32> to vector<32x4x128xf32>
    %transpose3A_930 = tpu.transpose %reshape3A_929, [1, 0, 2] : vector<32x4x128xf32> -> vector<4x32x128xf32>
    %reshape3A_931 = vector.shape_cast %transpose3A_930 : vector<4x32x128xf32> to vector<128x128xf32>
    %transpose3A_932 = tpu.transpose %reshape3A_931, [1, 0] : vector<128x128xf32> -> vector<128x128xf32>
    %swap3A_933 = arith.constant 11904 : index
    %swap3A_934 = arith.constant 0 : index
    %swap3A_935 = vector.load %arg2[%swap3A_933, %swap3A_934] : memref<16384x128xf32, #tpu.memory_space<vmem>>, vector<128x128xf32>
    tpu.vector_store %arg2[%swap3A_933, %swap3A_934], %transpose3A_932 {strides = array<i32>} : memref<16384x128xf32, #tpu.memory_space<vmem>>, vector<128x128xf32>,
    %get3A_936 = arith.constant 0 : index
    %get3A_937 = arith.constant 48128 : index
    %get3A_938 = vector.load %arg1[%get3A_936, %get3A_937] : memref<32x65536xf32, #tpu.memory_space<vmem>>, vector<32x512xf32>
    %reshape3A_939 = vector.shape_cast %get3A_938 : vector<32x512xf32> to vector<32x4x128xf32>
    %transpose3A_940 = tpu.transpose %reshape3A_939, [1, 0, 2] : vector<32x4x128xf32> -> vector<4x32x128xf32>
    %reshape3A_941 = vector.shape_cast %transpose3A_940 : vector<4x32x128xf32> to vector<128x128xf32>
    %transpose3A_942 = tpu.transpose %reshape3A_941, [1, 0] : vector<128x128xf32> -> vector<128x128xf32>
    %swap3A_943 = arith.constant 12032 : index
    %swap3A_944 = arith.constant 0 : index
    %swap3A_945 = vector.load %arg2[%swap3A_943, %swap3A_944] : memref<16384x128xf32, #tpu.memory_space<vmem>>, vector<128x128xf32>
    tpu.vector_store %arg2[%swap3A_943, %swap3A_944], %transpose3A_942 {strides = array<i32>} : memref<16384x128xf32, #tpu.memory_space<vmem>>, vector<128x128xf32>,
    %get3A_946 = arith.constant 0 : index
    %get3A_947 = arith.constant 48640 : index
    %get3A_948 = vector.load %arg1[%get3A_946, %get3A_947] : memref<32x65536xf32, #tpu.memory_space<vmem>>, vector<32x512xf32>
    %reshape3A_949 = vector.shape_cast %get3A_948 : vector<32x512xf32> to vector<32x4x128xf32>
    %transpose3A_950 = tpu.transpose %reshape3A_949, [1, 0, 2] : vector<32x4x128xf32> -> vector<4x32x128xf32>
    %reshape3A_951 = vector.shape_cast %transpose3A_950 : vector<4x32x128xf32> to vector<128x128xf32>
    %transpose3A_952 = tpu.transpose %reshape3A_951, [1, 0] : vector<128x128xf32> -> vector<128x128xf32>
    %swap3A_953 = arith.constant 12160 : index
    %swap3A_954 = arith.constant 0 : index
    %swap3A_955 = vector.load %arg2[%swap3A_953, %swap3A_954] : memref<16384x128xf32, #tpu.memory_space<vmem>>, vector<128x128xf32>
    tpu.vector_store %arg2[%swap3A_953, %swap3A_954], %transpose3A_952 {strides = array<i32>} : memref<16384x128xf32, #tpu.memory_space<vmem>>, vector<128x128xf32>,
    %get3A_956 = arith.constant 0 : index
    %get3A_957 = arith.constant 49152 : index
    %get3A_958 = vector.load %arg1[%get3A_956, %get3A_957] : memref<32x65536xf32, #tpu.memory_space<vmem>>, vector<32x512xf32>
    %reshape3A_959 = vector.shape_cast %get3A_958 : vector<32x512xf32> to vector<32x4x128xf32>
    %transpose3A_960 = tpu.transpose %reshape3A_959, [1, 0, 2] : vector<32x4x128xf32> -> vector<4x32x128xf32>
    %reshape3A_961 = vector.shape_cast %transpose3A_960 : vector<4x32x128xf32> to vector<128x128xf32>
    %transpose3A_962 = tpu.transpose %reshape3A_961, [1, 0] : vector<128x128xf32> -> vector<128x128xf32>
    %swap3A_963 = arith.constant 12288 : index
    %swap3A_964 = arith.constant 0 : index
    %swap3A_965 = vector.load %arg2[%swap3A_963, %swap3A_964] : memref<16384x128xf32, #tpu.memory_space<vmem>>, vector<128x128xf32>
    tpu.vector_store %arg2[%swap3A_963, %swap3A_964], %transpose3A_962 {strides = array<i32>} : memref<16384x128xf32, #tpu.memory_space<vmem>>, vector<128x128xf32>,
    %get3A_966 = arith.constant 0 : index
    %get3A_967 = arith.constant 49664 : index
    %get3A_968 = vector.load %arg1[%get3A_966, %get3A_967] : memref<32x65536xf32, #tpu.memory_space<vmem>>, vector<32x512xf32>
    %reshape3A_969 = vector.shape_cast %get3A_968 : vector<32x512xf32> to vector<32x4x128xf32>
    %transpose3A_970 = tpu.transpose %reshape3A_969, [1, 0, 2] : vector<32x4x128xf32> -> vector<4x32x128xf32>
    %reshape3A_971 = vector.shape_cast %transpose3A_970 : vector<4x32x128xf32> to vector<128x128xf32>
    %transpose3A_972 = tpu.transpose %reshape3A_971, [1, 0] : vector<128x128xf32> -> vector<128x128xf32>
    %swap3A_973 = arith.constant 12416 : index
    %swap3A_974 = arith.constant 0 : index
    %swap3A_975 = vector.load %arg2[%swap3A_973, %swap3A_974] : memref<16384x128xf32, #tpu.memory_space<vmem>>, vector<128x128xf32>
    tpu.vector_store %arg2[%swap3A_973, %swap3A_974], %transpose3A_972 {strides = array<i32>} : memref<16384x128xf32, #tpu.memory_space<vmem>>, vector<128x128xf32>,
    %get3A_976 = arith.constant 0 : index
    %get3A_977 = arith.constant 50176 : index
    %get3A_978 = vector.load %arg1[%get3A_976, %get3A_977] : memref<32x65536xf32, #tpu.memory_space<vmem>>, vector<32x512xf32>
    %reshape3A_979 = vector.shape_cast %get3A_978 : vector<32x512xf32> to vector<32x4x128xf32>
    %transpose3A_980 = tpu.transpose %reshape3A_979, [1, 0, 2] : vector<32x4x128xf32> -> vector<4x32x128xf32>
    %reshape3A_981 = vector.shape_cast %transpose3A_980 : vector<4x32x128xf32> to vector<128x128xf32>
    %transpose3A_982 = tpu.transpose %reshape3A_981, [1, 0] : vector<128x128xf32> -> vector<128x128xf32>
    %swap3A_983 = arith.constant 12544 : index
    %swap3A_984 = arith.constant 0 : index
    %swap3A_985 = vector.load %arg2[%swap3A_983, %swap3A_984] : memref<16384x128xf32, #tpu.memory_space<vmem>>, vector<128x128xf32>
    tpu.vector_store %arg2[%swap3A_983, %swap3A_984], %transpose3A_982 {strides = array<i32>} : memref<16384x128xf32, #tpu.memory_space<vmem>>, vector<128x128xf32>,
    %get3A_986 = arith.constant 0 : index
    %get3A_987 = arith.constant 50688 : index
    %get3A_988 = vector.load %arg1[%get3A_986, %get3A_987] : memref<32x65536xf32, #tpu.memory_space<vmem>>, vector<32x512xf32>
    %reshape3A_989 = vector.shape_cast %get3A_988 : vector<32x512xf32> to vector<32x4x128xf32>
    %transpose3A_990 = tpu.transpose %reshape3A_989, [1, 0, 2] : vector<32x4x128xf32> -> vector<4x32x128xf32>
    %reshape3A_991 = vector.shape_cast %transpose3A_990 : vector<4x32x128xf32> to vector<128x128xf32>
    %transpose3A_992 = tpu.transpose %reshape3A_991, [1, 0] : vector<128x128xf32> -> vector<128x128xf32>
    %swap3A_993 = arith.constant 12672 : index
    %swap3A_994 = arith.constant 0 : index
    %swap3A_995 = vector.load %arg2[%swap3A_993, %swap3A_994] : memref<16384x128xf32, #tpu.memory_space<vmem>>, vector<128x128xf32>
    tpu.vector_store %arg2[%swap3A_993, %swap3A_994], %transpose3A_992 {strides = array<i32>} : memref<16384x128xf32, #tpu.memory_space<vmem>>, vector<128x128xf32>,
    %get3A_996 = arith.constant 0 : index
    %get3A_997 = arith.constant 51200 : index
    %get3A_998 = vector.load %arg1[%get3A_996, %get3A_997] : memref<32x65536xf32, #tpu.memory_space<vmem>>, vector<32x512xf32>
    %reshape3A_999 = vector.shape_cast %get3A_998 : vector<32x512xf32> to vector<32x4x128xf32>
    %transpose3A_1000 = tpu.transpose %reshape3A_999, [1, 0, 2] : vector<32x4x128xf32> -> vector<4x32x128xf32>
    %reshape3A_1001 = vector.shape_cast %transpose3A_1000 : vector<4x32x128xf32> to vector<128x128xf32>
    %transpose3A_1002 = tpu.transpose %reshape3A_1001, [1, 0] : vector<128x128xf32> -> vector<128x128xf32>
    %swap3A_1003 = arith.constant 12800 : index
    %swap3A_1004 = arith.constant 0 : index
    %swap3A_1005 = vector.load %arg2[%swap3A_1003, %swap3A_1004] : memref<16384x128xf32, #tpu.memory_space<vmem>>, vector<128x128xf32>
    tpu.vector_store %arg2[%swap3A_1003, %swap3A_1004], %transpose3A_1002 {strides = array<i32>} : memref<16384x128xf32, #tpu.memory_space<vmem>>, vector<128x128xf32>,
    %get3A_1006 = arith.constant 0 : index
    %get3A_1007 = arith.constant 51712 : index
    %get3A_1008 = vector.load %arg1[%get3A_1006, %get3A_1007] : memref<32x65536xf32, #tpu.memory_space<vmem>>, vector<32x512xf32>
    %reshape3A_1009 = vector.shape_cast %get3A_1008 : vector<32x512xf32> to vector<32x4x128xf32>
    %transpose3A_1010 = tpu.transpose %reshape3A_1009, [1, 0, 2] : vector<32x4x128xf32> -> vector<4x32x128xf32>
    %reshape3A_1011 = vector.shape_cast %transpose3A_1010 : vector<4x32x128xf32> to vector<128x128xf32>
    %transpose3A_1012 = tpu.transpose %reshape3A_1011, [1, 0] : vector<128x128xf32> -> vector<128x128xf32>
    %swap3A_1013 = arith.constant 12928 : index
    %swap3A_1014 = arith.constant 0 : index
    %swap3A_1015 = vector.load %arg2[%swap3A_1013, %swap3A_1014] : memref<16384x128xf32, #tpu.memory_space<vmem>>, vector<128x128xf32>
    tpu.vector_store %arg2[%swap3A_1013, %swap3A_1014], %transpose3A_1012 {strides = array<i32>} : memref<16384x128xf32, #tpu.memory_space<vmem>>, vector<128x128xf32>,
    %get3A_1016 = arith.constant 0 : index
    %get3A_1017 = arith.constant 52224 : index
    %get3A_1018 = vector.load %arg1[%get3A_1016, %get3A_1017] : memref<32x65536xf32, #tpu.memory_space<vmem>>, vector<32x512xf32>
    %reshape3A_1019 = vector.shape_cast %get3A_1018 : vector<32x512xf32> to vector<32x4x128xf32>
    %transpose3A_1020 = tpu.transpose %reshape3A_1019, [1, 0, 2] : vector<32x4x128xf32> -> vector<4x32x128xf32>
    %reshape3A_1021 = vector.shape_cast %transpose3A_1020 : vector<4x32x128xf32> to vector<128x128xf32>
    %transpose3A_1022 = tpu.transpose %reshape3A_1021, [1, 0] : vector<128x128xf32> -> vector<128x128xf32>
    %swap3A_1023 = arith.constant 13056 : index
    %swap3A_1024 = arith.constant 0 : index
    %swap3A_1025 = vector.load %arg2[%swap3A_1023, %swap3A_1024] : memref<16384x128xf32, #tpu.memory_space<vmem>>, vector<128x128xf32>
    tpu.vector_store %arg2[%swap3A_1023, %swap3A_1024], %transpose3A_1022 {strides = array<i32>} : memref<16384x128xf32, #tpu.memory_space<vmem>>, vector<128x128xf32>,
    %get3A_1026 = arith.constant 0 : index
    %get3A_1027 = arith.constant 52736 : index
    %get3A_1028 = vector.load %arg1[%get3A_1026, %get3A_1027] : memref<32x65536xf32, #tpu.memory_space<vmem>>, vector<32x512xf32>
    %reshape3A_1029 = vector.shape_cast %get3A_1028 : vector<32x512xf32> to vector<32x4x128xf32>
    %transpose3A_1030 = tpu.transpose %reshape3A_1029, [1, 0, 2] : vector<32x4x128xf32> -> vector<4x32x128xf32>
    %reshape3A_1031 = vector.shape_cast %transpose3A_1030 : vector<4x32x128xf32> to vector<128x128xf32>
    %transpose3A_1032 = tpu.transpose %reshape3A_1031, [1, 0] : vector<128x128xf32> -> vector<128x128xf32>
    %swap3A_1033 = arith.constant 13184 : index
    %swap3A_1034 = arith.constant 0 : index
    %swap3A_1035 = vector.load %arg2[%swap3A_1033, %swap3A_1034] : memref<16384x128xf32, #tpu.memory_space<vmem>>, vector<128x128xf32>
    tpu.vector_store %arg2[%swap3A_1033, %swap3A_1034], %transpose3A_1032 {strides = array<i32>} : memref<16384x128xf32, #tpu.memory_space<vmem>>, vector<128x128xf32>,
    %get3A_1036 = arith.constant 0 : index
    %get3A_1037 = arith.constant 53248 : index
    %get3A_1038 = vector.load %arg1[%get3A_1036, %get3A_1037] : memref<32x65536xf32, #tpu.memory_space<vmem>>, vector<32x512xf32>
    %reshape3A_1039 = vector.shape_cast %get3A_1038 : vector<32x512xf32> to vector<32x4x128xf32>
    %transpose3A_1040 = tpu.transpose %reshape3A_1039, [1, 0, 2] : vector<32x4x128xf32> -> vector<4x32x128xf32>
    %reshape3A_1041 = vector.shape_cast %transpose3A_1040 : vector<4x32x128xf32> to vector<128x128xf32>
    %transpose3A_1042 = tpu.transpose %reshape3A_1041, [1, 0] : vector<128x128xf32> -> vector<128x128xf32>
    %swap3A_1043 = arith.constant 13312 : index
    %swap3A_1044 = arith.constant 0 : index
    %swap3A_1045 = vector.load %arg2[%swap3A_1043, %swap3A_1044] : memref<16384x128xf32, #tpu.memory_space<vmem>>, vector<128x128xf32>
    tpu.vector_store %arg2[%swap3A_1043, %swap3A_1044], %transpose3A_1042 {strides = array<i32>} : memref<16384x128xf32, #tpu.memory_space<vmem>>, vector<128x128xf32>,
    %get3A_1046 = arith.constant 0 : index
    %get3A_1047 = arith.constant 53760 : index
    %get3A_1048 = vector.load %arg1[%get3A_1046, %get3A_1047] : memref<32x65536xf32, #tpu.memory_space<vmem>>, vector<32x512xf32>
    %reshape3A_1049 = vector.shape_cast %get3A_1048 : vector<32x512xf32> to vector<32x4x128xf32>
    %transpose3A_1050 = tpu.transpose %reshape3A_1049, [1, 0, 2] : vector<32x4x128xf32> -> vector<4x32x128xf32>
    %reshape3A_1051 = vector.shape_cast %transpose3A_1050 : vector<4x32x128xf32> to vector<128x128xf32>
    %transpose3A_1052 = tpu.transpose %reshape3A_1051, [1, 0] : vector<128x128xf32> -> vector<128x128xf32>
    %swap3A_1053 = arith.constant 13440 : index
    %swap3A_1054 = arith.constant 0 : index
    %swap3A_1055 = vector.load %arg2[%swap3A_1053, %swap3A_1054] : memref<16384x128xf32, #tpu.memory_space<vmem>>, vector<128x128xf32>
    tpu.vector_store %arg2[%swap3A_1053, %swap3A_1054], %transpose3A_1052 {strides = array<i32>} : memref<16384x128xf32, #tpu.memory_space<vmem>>, vector<128x128xf32>,
    %get3A_1056 = arith.constant 0 : index
    %get3A_1057 = arith.constant 54272 : index
    %get3A_1058 = vector.load %arg1[%get3A_1056, %get3A_1057] : memref<32x65536xf32, #tpu.memory_space<vmem>>, vector<32x512xf32>
    %reshape3A_1059 = vector.shape_cast %get3A_1058 : vector<32x512xf32> to vector<32x4x128xf32>
    %transpose3A_1060 = tpu.transpose %reshape3A_1059, [1, 0, 2] : vector<32x4x128xf32> -> vector<4x32x128xf32>
    %reshape3A_1061 = vector.shape_cast %transpose3A_1060 : vector<4x32x128xf32> to vector<128x128xf32>
    %transpose3A_1062 = tpu.transpose %reshape3A_1061, [1, 0] : vector<128x128xf32> -> vector<128x128xf32>
    %swap3A_1063 = arith.constant 13568 : index
    %swap3A_1064 = arith.constant 0 : index
    %swap3A_1065 = vector.load %arg2[%swap3A_1063, %swap3A_1064] : memref<16384x128xf32, #tpu.memory_space<vmem>>, vector<128x128xf32>
    tpu.vector_store %arg2[%swap3A_1063, %swap3A_1064], %transpose3A_1062 {strides = array<i32>} : memref<16384x128xf32, #tpu.memory_space<vmem>>, vector<128x128xf32>,
    %get3A_1066 = arith.constant 0 : index
    %get3A_1067 = arith.constant 54784 : index
    %get3A_1068 = vector.load %arg1[%get3A_1066, %get3A_1067] : memref<32x65536xf32, #tpu.memory_space<vmem>>, vector<32x512xf32>
    %reshape3A_1069 = vector.shape_cast %get3A_1068 : vector<32x512xf32> to vector<32x4x128xf32>
    %transpose3A_1070 = tpu.transpose %reshape3A_1069, [1, 0, 2] : vector<32x4x128xf32> -> vector<4x32x128xf32>
    %reshape3A_1071 = vector.shape_cast %transpose3A_1070 : vector<4x32x128xf32> to vector<128x128xf32>
    %transpose3A_1072 = tpu.transpose %reshape3A_1071, [1, 0] : vector<128x128xf32> -> vector<128x128xf32>
    %swap3A_1073 = arith.constant 13696 : index
    %swap3A_1074 = arith.constant 0 : index
    %swap3A_1075 = vector.load %arg2[%swap3A_1073, %swap3A_1074] : memref<16384x128xf32, #tpu.memory_space<vmem>>, vector<128x128xf32>
    tpu.vector_store %arg2[%swap3A_1073, %swap3A_1074], %transpose3A_1072 {strides = array<i32>} : memref<16384x128xf32, #tpu.memory_space<vmem>>, vector<128x128xf32>,
    %get3A_1076 = arith.constant 0 : index
    %get3A_1077 = arith.constant 55296 : index
    %get3A_1078 = vector.load %arg1[%get3A_1076, %get3A_1077] : memref<32x65536xf32, #tpu.memory_space<vmem>>, vector<32x512xf32>
    %reshape3A_1079 = vector.shape_cast %get3A_1078 : vector<32x512xf32> to vector<32x4x128xf32>
    %transpose3A_1080 = tpu.transpose %reshape3A_1079, [1, 0, 2] : vector<32x4x128xf32> -> vector<4x32x128xf32>
    %reshape3A_1081 = vector.shape_cast %transpose3A_1080 : vector<4x32x128xf32> to vector<128x128xf32>
    %transpose3A_1082 = tpu.transpose %reshape3A_1081, [1, 0] : vector<128x128xf32> -> vector<128x128xf32>
    %swap3A_1083 = arith.constant 13824 : index
    %swap3A_1084 = arith.constant 0 : index
    %swap3A_1085 = vector.load %arg2[%swap3A_1083, %swap3A_1084] : memref<16384x128xf32, #tpu.memory_space<vmem>>, vector<128x128xf32>
    tpu.vector_store %arg2[%swap3A_1083, %swap3A_1084], %transpose3A_1082 {strides = array<i32>} : memref<16384x128xf32, #tpu.memory_space<vmem>>, vector<128x128xf32>,
    %get3A_1086 = arith.constant 0 : index
    %get3A_1087 = arith.constant 55808 : index
    %get3A_1088 = vector.load %arg1[%get3A_1086, %get3A_1087] : memref<32x65536xf32, #tpu.memory_space<vmem>>, vector<32x512xf32>
    %reshape3A_1089 = vector.shape_cast %get3A_1088 : vector<32x512xf32> to vector<32x4x128xf32>
    %transpose3A_1090 = tpu.transpose %reshape3A_1089, [1, 0, 2] : vector<32x4x128xf32> -> vector<4x32x128xf32>
    %reshape3A_1091 = vector.shape_cast %transpose3A_1090 : vector<4x32x128xf32> to vector<128x128xf32>
    %transpose3A_1092 = tpu.transpose %reshape3A_1091, [1, 0] : vector<128x128xf32> -> vector<128x128xf32>
    %swap3A_1093 = arith.constant 13952 : index
    %swap3A_1094 = arith.constant 0 : index
    %swap3A_1095 = vector.load %arg2[%swap3A_1093, %swap3A_1094] : memref<16384x128xf32, #tpu.memory_space<vmem>>, vector<128x128xf32>
    tpu.vector_store %arg2[%swap3A_1093, %swap3A_1094], %transpose3A_1092 {strides = array<i32>} : memref<16384x128xf32, #tpu.memory_space<vmem>>, vector<128x128xf32>,
    %get3A_1096 = arith.constant 0 : index
    %get3A_1097 = arith.constant 56320 : index
    %get3A_1098 = vector.load %arg1[%get3A_1096, %get3A_1097] : memref<32x65536xf32, #tpu.memory_space<vmem>>, vector<32x512xf32>
    %reshape3A_1099 = vector.shape_cast %get3A_1098 : vector<32x512xf32> to vector<32x4x128xf32>
    %transpose3A_1100 = tpu.transpose %reshape3A_1099, [1, 0, 2] : vector<32x4x128xf32> -> vector<4x32x128xf32>
    %reshape3A_1101 = vector.shape_cast %transpose3A_1100 : vector<4x32x128xf32> to vector<128x128xf32>
    %transpose3A_1102 = tpu.transpose %reshape3A_1101, [1, 0] : vector<128x128xf32> -> vector<128x128xf32>
    %swap3A_1103 = arith.constant 14080 : index
    %swap3A_1104 = arith.constant 0 : index
    %swap3A_1105 = vector.load %arg2[%swap3A_1103, %swap3A_1104] : memref<16384x128xf32, #tpu.memory_space<vmem>>, vector<128x128xf32>
    tpu.vector_store %arg2[%swap3A_1103, %swap3A_1104], %transpose3A_1102 {strides = array<i32>} : memref<16384x128xf32, #tpu.memory_space<vmem>>, vector<128x128xf32>,
    %get3A_1106 = arith.constant 0 : index
    %get3A_1107 = arith.constant 56832 : index
    %get3A_1108 = vector.load %arg1[%get3A_1106, %get3A_1107] : memref<32x65536xf32, #tpu.memory_space<vmem>>, vector<32x512xf32>
    %reshape3A_1109 = vector.shape_cast %get3A_1108 : vector<32x512xf32> to vector<32x4x128xf32>
    %transpose3A_1110 = tpu.transpose %reshape3A_1109, [1, 0, 2] : vector<32x4x128xf32> -> vector<4x32x128xf32>
    %reshape3A_1111 = vector.shape_cast %transpose3A_1110 : vector<4x32x128xf32> to vector<128x128xf32>
    %transpose3A_1112 = tpu.transpose %reshape3A_1111, [1, 0] : vector<128x128xf32> -> vector<128x128xf32>
    %swap3A_1113 = arith.constant 14208 : index
    %swap3A_1114 = arith.constant 0 : index
    %swap3A_1115 = vector.load %arg2[%swap3A_1113, %swap3A_1114] : memref<16384x128xf32, #tpu.memory_space<vmem>>, vector<128x128xf32>
    tpu.vector_store %arg2[%swap3A_1113, %swap3A_1114], %transpose3A_1112 {strides = array<i32>} : memref<16384x128xf32, #tpu.memory_space<vmem>>, vector<128x128xf32>,
    %get3A_1116 = arith.constant 0 : index
    %get3A_1117 = arith.constant 57344 : index
    %get3A_1118 = vector.load %arg1[%get3A_1116, %get3A_1117] : memref<32x65536xf32, #tpu.memory_space<vmem>>, vector<32x512xf32>
    %reshape3A_1119 = vector.shape_cast %get3A_1118 : vector<32x512xf32> to vector<32x4x128xf32>
    %transpose3A_1120 = tpu.transpose %reshape3A_1119, [1, 0, 2] : vector<32x4x128xf32> -> vector<4x32x128xf32>
    %reshape3A_1121 = vector.shape_cast %transpose3A_1120 : vector<4x32x128xf32> to vector<128x128xf32>
    %transpose3A_1122 = tpu.transpose %reshape3A_1121, [1, 0] : vector<128x128xf32> -> vector<128x128xf32>
    %swap3A_1123 = arith.constant 14336 : index
    %swap3A_1124 = arith.constant 0 : index
    %swap3A_1125 = vector.load %arg2[%swap3A_1123, %swap3A_1124] : memref<16384x128xf32, #tpu.memory_space<vmem>>, vector<128x128xf32>
    tpu.vector_store %arg2[%swap3A_1123, %swap3A_1124], %transpose3A_1122 {strides = array<i32>} : memref<16384x128xf32, #tpu.memory_space<vmem>>, vector<128x128xf32>,
    %get3A_1126 = arith.constant 0 : index
    %get3A_1127 = arith.constant 57856 : index
    %get3A_1128 = vector.load %arg1[%get3A_1126, %get3A_1127] : memref<32x65536xf32, #tpu.memory_space<vmem>>, vector<32x512xf32>
    %reshape3A_1129 = vector.shape_cast %get3A_1128 : vector<32x512xf32> to vector<32x4x128xf32>
    %transpose3A_1130 = tpu.transpose %reshape3A_1129, [1, 0, 2] : vector<32x4x128xf32> -> vector<4x32x128xf32>
    %reshape3A_1131 = vector.shape_cast %transpose3A_1130 : vector<4x32x128xf32> to vector<128x128xf32>
    %transpose3A_1132 = tpu.transpose %reshape3A_1131, [1, 0] : vector<128x128xf32> -> vector<128x128xf32>
    %swap3A_1133 = arith.constant 14464 : index
    %swap3A_1134 = arith.constant 0 : index
    %swap3A_1135 = vector.load %arg2[%swap3A_1133, %swap3A_1134] : memref<16384x128xf32, #tpu.memory_space<vmem>>, vector<128x128xf32>
    tpu.vector_store %arg2[%swap3A_1133, %swap3A_1134], %transpose3A_1132 {strides = array<i32>} : memref<16384x128xf32, #tpu.memory_space<vmem>>, vector<128x128xf32>,
    %get3A_1136 = arith.constant 0 : index
    %get3A_1137 = arith.constant 58368 : index
    %get3A_1138 = vector.load %arg1[%get3A_1136, %get3A_1137] : memref<32x65536xf32, #tpu.memory_space<vmem>>, vector<32x512xf32>
    %reshape3A_1139 = vector.shape_cast %get3A_1138 : vector<32x512xf32> to vector<32x4x128xf32>
    %transpose3A_1140 = tpu.transpose %reshape3A_1139, [1, 0, 2] : vector<32x4x128xf32> -> vector<4x32x128xf32>
    %reshape3A_1141 = vector.shape_cast %transpose3A_1140 : vector<4x32x128xf32> to vector<128x128xf32>
    %transpose3A_1142 = tpu.transpose %reshape3A_1141, [1, 0] : vector<128x128xf32> -> vector<128x128xf32>
    %swap3A_1143 = arith.constant 14592 : index
    %swap3A_1144 = arith.constant 0 : index
    %swap3A_1145 = vector.load %arg2[%swap3A_1143, %swap3A_1144] : memref<16384x128xf32, #tpu.memory_space<vmem>>, vector<128x128xf32>
    tpu.vector_store %arg2[%swap3A_1143, %swap3A_1144], %transpose3A_1142 {strides = array<i32>} : memref<16384x128xf32, #tpu.memory_space<vmem>>, vector<128x128xf32>,
    %get3A_1146 = arith.constant 0 : index
    %get3A_1147 = arith.constant 58880 : index
    %get3A_1148 = vector.load %arg1[%get3A_1146, %get3A_1147] : memref<32x65536xf32, #tpu.memory_space<vmem>>, vector<32x512xf32>
    %reshape3A_1149 = vector.shape_cast %get3A_1148 : vector<32x512xf32> to vector<32x4x128xf32>
    %transpose3A_1150 = tpu.transpose %reshape3A_1149, [1, 0, 2] : vector<32x4x128xf32> -> vector<4x32x128xf32>
    %reshape3A_1151 = vector.shape_cast %transpose3A_1150 : vector<4x32x128xf32> to vector<128x128xf32>
    %transpose3A_1152 = tpu.transpose %reshape3A_1151, [1, 0] : vector<128x128xf32> -> vector<128x128xf32>
    %swap3A_1153 = arith.constant 14720 : index
    %swap3A_1154 = arith.constant 0 : index
    %swap3A_1155 = vector.load %arg2[%swap3A_1153, %swap3A_1154] : memref<16384x128xf32, #tpu.memory_space<vmem>>, vector<128x128xf32>
    tpu.vector_store %arg2[%swap3A_1153, %swap3A_1154], %transpose3A_1152 {strides = array<i32>} : memref<16384x128xf32, #tpu.memory_space<vmem>>, vector<128x128xf32>,
    %get3A_1156 = arith.constant 0 : index
    %get3A_1157 = arith.constant 59392 : index
    %get3A_1158 = vector.load %arg1[%get3A_1156, %get3A_1157] : memref<32x65536xf32, #tpu.memory_space<vmem>>, vector<32x512xf32>
    %reshape3A_1159 = vector.shape_cast %get3A_1158 : vector<32x512xf32> to vector<32x4x128xf32>
    %transpose3A_1160 = tpu.transpose %reshape3A_1159, [1, 0, 2] : vector<32x4x128xf32> -> vector<4x32x128xf32>
    %reshape3A_1161 = vector.shape_cast %transpose3A_1160 : vector<4x32x128xf32> to vector<128x128xf32>
    %transpose3A_1162 = tpu.transpose %reshape3A_1161, [1, 0] : vector<128x128xf32> -> vector<128x128xf32>
    %swap3A_1163 = arith.constant 14848 : index
    %swap3A_1164 = arith.constant 0 : index
    %swap3A_1165 = vector.load %arg2[%swap3A_1163, %swap3A_1164] : memref<16384x128xf32, #tpu.memory_space<vmem>>, vector<128x128xf32>
    tpu.vector_store %arg2[%swap3A_1163, %swap3A_1164], %transpose3A_1162 {strides = array<i32>} : memref<16384x128xf32, #tpu.memory_space<vmem>>, vector<128x128xf32>,
    %get3A_1166 = arith.constant 0 : index
    %get3A_1167 = arith.constant 59904 : index
    %get3A_1168 = vector.load %arg1[%get3A_1166, %get3A_1167] : memref<32x65536xf32, #tpu.memory_space<vmem>>, vector<32x512xf32>
    %reshape3A_1169 = vector.shape_cast %get3A_1168 : vector<32x512xf32> to vector<32x4x128xf32>
    %transpose3A_1170 = tpu.transpose %reshape3A_1169, [1, 0, 2] : vector<32x4x128xf32> -> vector<4x32x128xf32>
    %reshape3A_1171 = vector.shape_cast %transpose3A_1170 : vector<4x32x128xf32> to vector<128x128xf32>
    %transpose3A_1172 = tpu.transpose %reshape3A_1171, [1, 0] : vector<128x128xf32> -> vector<128x128xf32>
    %swap3A_1173 = arith.constant 14976 : index
    %swap3A_1174 = arith.constant 0 : index
    %swap3A_1175 = vector.load %arg2[%swap3A_1173, %swap3A_1174] : memref<16384x128xf32, #tpu.memory_space<vmem>>, vector<128x128xf32>
    tpu.vector_store %arg2[%swap3A_1173, %swap3A_1174], %transpose3A_1172 {strides = array<i32>} : memref<16384x128xf32, #tpu.memory_space<vmem>>, vector<128x128xf32>,
    %get3A_1176 = arith.constant 0 : index
    %get3A_1177 = arith.constant 60416 : index
    %get3A_1178 = vector.load %arg1[%get3A_1176, %get3A_1177] : memref<32x65536xf32, #tpu.memory_space<vmem>>, vector<32x512xf32>
    %reshape3A_1179 = vector.shape_cast %get3A_1178 : vector<32x512xf32> to vector<32x4x128xf32>
    %transpose3A_1180 = tpu.transpose %reshape3A_1179, [1, 0, 2] : vector<32x4x128xf32> -> vector<4x32x128xf32>
    %reshape3A_1181 = vector.shape_cast %transpose3A_1180 : vector<4x32x128xf32> to vector<128x128xf32>
    %transpose3A_1182 = tpu.transpose %reshape3A_1181, [1, 0] : vector<128x128xf32> -> vector<128x128xf32>
    %swap3A_1183 = arith.constant 15104 : index
    %swap3A_1184 = arith.constant 0 : index
    %swap3A_1185 = vector.load %arg2[%swap3A_1183, %swap3A_1184] : memref<16384x128xf32, #tpu.memory_space<vmem>>, vector<128x128xf32>
    tpu.vector_store %arg2[%swap3A_1183, %swap3A_1184], %transpose3A_1182 {strides = array<i32>} : memref<16384x128xf32, #tpu.memory_space<vmem>>, vector<128x128xf32>,
    %get3A_1186 = arith.constant 0 : index
    %get3A_1187 = arith.constant 60928 : index
    %get3A_1188 = vector.load %arg1[%get3A_1186, %get3A_1187] : memref<32x65536xf32, #tpu.memory_space<vmem>>, vector<32x512xf32>
    %reshape3A_1189 = vector.shape_cast %get3A_1188 : vector<32x512xf32> to vector<32x4x128xf32>
    %transpose3A_1190 = tpu.transpose %reshape3A_1189, [1, 0, 2] : vector<32x4x128xf32> -> vector<4x32x128xf32>
    %reshape3A_1191 = vector.shape_cast %transpose3A_1190 : vector<4x32x128xf32> to vector<128x128xf32>
    %transpose3A_1192 = tpu.transpose %reshape3A_1191, [1, 0] : vector<128x128xf32> -> vector<128x128xf32>
    %swap3A_1193 = arith.constant 15232 : index
    %swap3A_1194 = arith.constant 0 : index
    %swap3A_1195 = vector.load %arg2[%swap3A_1193, %swap3A_1194] : memref<16384x128xf32, #tpu.memory_space<vmem>>, vector<128x128xf32>
    tpu.vector_store %arg2[%swap3A_1193, %swap3A_1194], %transpose3A_1192 {strides = array<i32>} : memref<16384x128xf32, #tpu.memory_space<vmem>>, vector<128x128xf32>,
    %get3A_1196 = arith.constant 0 : index
    %get3A_1197 = arith.constant 61440 : index
    %get3A_1198 = vector.load %arg1[%get3A_1196, %get3A_1197] : memref<32x65536xf32, #tpu.memory_space<vmem>>, vector<32x512xf32>
    %reshape3A_1199 = vector.shape_cast %get3A_1198 : vector<32x512xf32> to vector<32x4x128xf32>
    %transpose3A_1200 = tpu.transpose %reshape3A_1199, [1, 0, 2] : vector<32x4x128xf32> -> vector<4x32x128xf32>
    %reshape3A_1201 = vector.shape_cast %transpose3A_1200 : vector<4x32x128xf32> to vector<128x128xf32>
    %transpose3A_1202 = tpu.transpose %reshape3A_1201, [1, 0] : vector<128x128xf32> -> vector<128x128xf32>
    %swap3A_1203 = arith.constant 15360 : index
    %swap3A_1204 = arith.constant 0 : index
    %swap3A_1205 = vector.load %arg2[%swap3A_1203, %swap3A_1204] : memref<16384x128xf32, #tpu.memory_space<vmem>>, vector<128x128xf32>
    tpu.vector_store %arg2[%swap3A_1203, %swap3A_1204], %transpose3A_1202 {strides = array<i32>} : memref<16384x128xf32, #tpu.memory_space<vmem>>, vector<128x128xf32>,
    %get3A_1206 = arith.constant 0 : index
    %get3A_1207 = arith.constant 61952 : index
    %get3A_1208 = vector.load %arg1[%get3A_1206, %get3A_1207] : memref<32x65536xf32, #tpu.memory_space<vmem>>, vector<32x512xf32>
    %reshape3A_1209 = vector.shape_cast %get3A_1208 : vector<32x512xf32> to vector<32x4x128xf32>
    %transpose3A_1210 = tpu.transpose %reshape3A_1209, [1, 0, 2] : vector<32x4x128xf32> -> vector<4x32x128xf32>
    %reshape3A_1211 = vector.shape_cast %transpose3A_1210 : vector<4x32x128xf32> to vector<128x128xf32>
    %transpose3A_1212 = tpu.transpose %reshape3A_1211, [1, 0] : vector<128x128xf32> -> vector<128x128xf32>
    %swap3A_1213 = arith.constant 15488 : index
    %swap3A_1214 = arith.constant 0 : index
    %swap3A_1215 = vector.load %arg2[%swap3A_1213, %swap3A_1214] : memref<16384x128xf32, #tpu.memory_space<vmem>>, vector<128x128xf32>
    tpu.vector_store %arg2[%swap3A_1213, %swap3A_1214], %transpose3A_1212 {strides = array<i32>} : memref<16384x128xf32, #tpu.memory_space<vmem>>, vector<128x128xf32>,
    %get3A_1216 = arith.constant 0 : index
    %get3A_1217 = arith.constant 62464 : index
    %get3A_1218 = vector.load %arg1[%get3A_1216, %get3A_1217] : memref<32x65536xf32, #tpu.memory_space<vmem>>, vector<32x512xf32>
    %reshape3A_1219 = vector.shape_cast %get3A_1218 : vector<32x512xf32> to vector<32x4x128xf32>
    %transpose3A_1220 = tpu.transpose %reshape3A_1219, [1, 0, 2] : vector<32x4x128xf32> -> vector<4x32x128xf32>
    %reshape3A_1221 = vector.shape_cast %transpose3A_1220 : vector<4x32x128xf32> to vector<128x128xf32>
    %transpose3A_1222 = tpu.transpose %reshape3A_1221, [1, 0] : vector<128x128xf32> -> vector<128x128xf32>
    %swap3A_1223 = arith.constant 15616 : index
    %swap3A_1224 = arith.constant 0 : index
    %swap3A_1225 = vector.load %arg2[%swap3A_1223, %swap3A_1224] : memref<16384x128xf32, #tpu.memory_space<vmem>>, vector<128x128xf32>
    tpu.vector_store %arg2[%swap3A_1223, %swap3A_1224], %transpose3A_1222 {strides = array<i32>} : memref<16384x128xf32, #tpu.memory_space<vmem>>, vector<128x128xf32>,
    %get3A_1226 = arith.constant 0 : index
    %get3A_1227 = arith.constant 62976 : index
    %get3A_1228 = vector.load %arg1[%get3A_1226, %get3A_1227] : memref<32x65536xf32, #tpu.memory_space<vmem>>, vector<32x512xf32>
    %reshape3A_1229 = vector.shape_cast %get3A_1228 : vector<32x512xf32> to vector<32x4x128xf32>
    %transpose3A_1230 = tpu.transpose %reshape3A_1229, [1, 0, 2] : vector<32x4x128xf32> -> vector<4x32x128xf32>
    %reshape3A_1231 = vector.shape_cast %transpose3A_1230 : vector<4x32x128xf32> to vector<128x128xf32>
    %transpose3A_1232 = tpu.transpose %reshape3A_1231, [1, 0] : vector<128x128xf32> -> vector<128x128xf32>
    %swap3A_1233 = arith.constant 15744 : index
    %swap3A_1234 = arith.constant 0 : index
    %swap3A_1235 = vector.load %arg2[%swap3A_1233, %swap3A_1234] : memref<16384x128xf32, #tpu.memory_space<vmem>>, vector<128x128xf32>
    tpu.vector_store %arg2[%swap3A_1233, %swap3A_1234], %transpose3A_1232 {strides = array<i32>} : memref<16384x128xf32, #tpu.memory_space<vmem>>, vector<128x128xf32>,
    %get3A_1236 = arith.constant 0 : index
    %get3A_1237 = arith.constant 63488 : index
    %get3A_1238 = vector.load %arg1[%get3A_1236, %get3A_1237] : memref<32x65536xf32, #tpu.memory_space<vmem>>, vector<32x512xf32>
    %reshape3A_1239 = vector.shape_cast %get3A_1238 : vector<32x512xf32> to vector<32x4x128xf32>
    %transpose3A_1240 = tpu.transpose %reshape3A_1239, [1, 0, 2] : vector<32x4x128xf32> -> vector<4x32x128xf32>
    %reshape3A_1241 = vector.shape_cast %transpose3A_1240 : vector<4x32x128xf32> to vector<128x128xf32>
    %transpose3A_1242 = tpu.transpose %reshape3A_1241, [1, 0] : vector<128x128xf32> -> vector<128x128xf32>
    %swap3A_1243 = arith.constant 15872 : index
    %swap3A_1244 = arith.constant 0 : index
    %swap3A_1245 = vector.load %arg2[%swap3A_1243, %swap3A_1244] : memref<16384x128xf32, #tpu.memory_space<vmem>>, vector<128x128xf32>
    tpu.vector_store %arg2[%swap3A_1243, %swap3A_1244], %transpose3A_1242 {strides = array<i32>} : memref<16384x128xf32, #tpu.memory_space<vmem>>, vector<128x128xf32>,
    %get3A_1246 = arith.constant 0 : index
    %get3A_1247 = arith.constant 64000 : index
    %get3A_1248 = vector.load %arg1[%get3A_1246, %get3A_1247] : memref<32x65536xf32, #tpu.memory_space<vmem>>, vector<32x512xf32>
    %reshape3A_1249 = vector.shape_cast %get3A_1248 : vector<32x512xf32> to vector<32x4x128xf32>
    %transpose3A_1250 = tpu.transpose %reshape3A_1249, [1, 0, 2] : vector<32x4x128xf32> -> vector<4x32x128xf32>
    %reshape3A_1251 = vector.shape_cast %transpose3A_1250 : vector<4x32x128xf32> to vector<128x128xf32>
    %transpose3A_1252 = tpu.transpose %reshape3A_1251, [1, 0] : vector<128x128xf32> -> vector<128x128xf32>
    %swap3A_1253 = arith.constant 16000 : index
    %swap3A_1254 = arith.constant 0 : index
    %swap3A_1255 = vector.load %arg2[%swap3A_1253, %swap3A_1254] : memref<16384x128xf32, #tpu.memory_space<vmem>>, vector<128x128xf32>
    tpu.vector_store %arg2[%swap3A_1253, %swap3A_1254], %transpose3A_1252 {strides = array<i32>} : memref<16384x128xf32, #tpu.memory_space<vmem>>, vector<128x128xf32>,
    %get3A_1256 = arith.constant 0 : index
    %get3A_1257 = arith.constant 64512 : index
    %get3A_1258 = vector.load %arg1[%get3A_1256, %get3A_1257] : memref<32x65536xf32, #tpu.memory_space<vmem>>, vector<32x512xf32>
    %reshape3A_1259 = vector.shape_cast %get3A_1258 : vector<32x512xf32> to vector<32x4x128xf32>
    %transpose3A_1260 = tpu.transpose %reshape3A_1259, [1, 0, 2] : vector<32x4x128xf32> -> vector<4x32x128xf32>
    %reshape3A_1261 = vector.shape_cast %transpose3A_1260 : vector<4x32x128xf32> to vector<128x128xf32>
    %transpose3A_1262 = tpu.transpose %reshape3A_1261, [1, 0] : vector<128x128xf32> -> vector<128x128xf32>
    %swap3A_1263 = arith.constant 16128 : index
    %swap3A_1264 = arith.constant 0 : index
    %swap3A_1265 = vector.load %arg2[%swap3A_1263, %swap3A_1264] : memref<16384x128xf32, #tpu.memory_space<vmem>>, vector<128x128xf32>
    tpu.vector_store %arg2[%swap3A_1263, %swap3A_1264], %transpose3A_1262 {strides = array<i32>} : memref<16384x128xf32, #tpu.memory_space<vmem>>, vector<128x128xf32>,
    %get3A_1266 = arith.constant 0 : index
    %get3A_1267 = arith.constant 65024 : index
    %get3A_1268 = vector.load %arg1[%get3A_1266, %get3A_1267] : memref<32x65536xf32, #tpu.memory_space<vmem>>, vector<32x512xf32>
    %reshape3A_1269 = vector.shape_cast %get3A_1268 : vector<32x512xf32> to vector<32x4x128xf32>
    %transpose3A_1270 = tpu.transpose %reshape3A_1269, [1, 0, 2] : vector<32x4x128xf32> -> vector<4x32x128xf32>
    %reshape3A_1271 = vector.shape_cast %transpose3A_1270 : vector<4x32x128xf32> to vector<128x128xf32>
    %transpose3A_1272 = tpu.transpose %reshape3A_1271, [1, 0] : vector<128x128xf32> -> vector<128x128xf32>
    %swap3A_1273 = arith.constant 16256 : index
    %swap3A_1274 = arith.constant 0 : index
    %swap3A_1275 = vector.load %arg2[%swap3A_1273, %swap3A_1274] : memref<16384x128xf32, #tpu.memory_space<vmem>>, vector<128x128xf32>
    tpu.vector_store %arg2[%swap3A_1273, %swap3A_1274], %transpose3A_1272 {strides = array<i32>} : memref<16384x128xf32, #tpu.memory_space<vmem>>, vector<128x128xf32>,
    return
  }
  func.func @transform_0(%arg0: i32) -> (i32, i32) {
    %c0_i32 = arith.constant 0 : i32
    %c0_i32_0 = arith.constant 0 : i32
    return %c0_i32, %arg0 : i32, i32
  }
  func.func @transform_1(%arg0: i32) -> (i32, i32) {
    %c0_i32 = arith.constant 0 : i32
    %c0_i32_0 = arith.constant 0 : i32
    return %arg0, %c0_i32 : i32, i32
  }
}

module attributes {stable_mosaic.version = 14 : i64} {
  func.func @_outpack_body(%arg0: i32, %arg1: memref<2x4096x128xf32, #tpu.memory_space<vmem>>, %arg2: memref<2x32x16384xf32, #tpu.memory_space<vmem>>) attributes {dimension_semantics = [#tpu.dimension_semantics<arbitrary>], iteration_bounds = array<i64: 13>, scalar_prefetch = 0 : i64, scratch_operands = 0 : i64, tpu.core_type = #tpu.core_type<tc>, window_params = [{transform_indices = @transform_0, window_bounds = array<i64: 2, 4096, 128>}, {transform_indices = @transform_1, window_bounds = array<i64: 2, 32, 16384>}]} {
    %get3A = arith.constant 0 : index
    %get3A_0 = arith.constant 0 : index
    %get3A_1 = arith.constant 0 : index
    %get3A_2 = vector.load %arg1[%get3A, %get3A_0, %get3A_1] : memref<2x4096x128xf32, #tpu.memory_space<vmem>>, vector<1x128x128xf32>
    %get3A_3 = vector.shape_cast %get3A_2 : vector<1x128x128xf32> to vector<128x128xf32>
    %transpose3A = tpu.transpose %get3A_3, [1, 0] : vector<128x128xf32> -> vector<128x128xf32>
    %slice3A = vector.extract_strided_slice %transpose3A {offsets = [0, 0], sizes = [32, 128], strides = [1, 1]} : vector<128x128xf32> to vector<32x128xf32>
    %swap3A = arith.constant 0 : index
    %swap3A_4 = arith.constant 0 : index
    %swap3A_5 = arith.constant 0 : index
    %swap3A_6 = vector.load %arg2[%swap3A, %swap3A_4, %swap3A_5] : memref<2x32x16384xf32, #tpu.memory_space<vmem>>, vector<1x32x128xf32>
    %swap3A_7 = vector.shape_cast %swap3A_6 : vector<1x32x128xf32> to vector<32x128xf32>
    %swap3A_8 = vector.shape_cast %slice3A : vector<32x128xf32> to vector<1x32x128xf32>
    tpu.vector_store %arg2[%swap3A, %swap3A_4, %swap3A_5], %swap3A_8 {strides = array<i32>} : memref<2x32x16384xf32, #tpu.memory_space<vmem>>, vector<1x32x128xf32>,
    %slice3A_9 = vector.extract_strided_slice %transpose3A {offsets = [32, 0], sizes = [32, 128], strides = [1, 1]} : vector<128x128xf32> to vector<32x128xf32>
    %swap3A_10 = arith.constant 0 : index
    %swap3A_11 = arith.constant 0 : index
    %swap3A_12 = arith.constant 4096 : index
    %swap3A_13 = vector.load %arg2[%swap3A_10, %swap3A_11, %swap3A_12] : memref<2x32x16384xf32, #tpu.memory_space<vmem>>, vector<1x32x128xf32>
    %swap3A_14 = vector.shape_cast %swap3A_13 : vector<1x32x128xf32> to vector<32x128xf32>
    %swap3A_15 = vector.shape_cast %slice3A_9 : vector<32x128xf32> to vector<1x32x128xf32>
    tpu.vector_store %arg2[%swap3A_10, %swap3A_11, %swap3A_12], %swap3A_15 {strides = array<i32>} : memref<2x32x16384xf32, #tpu.memory_space<vmem>>, vector<1x32x128xf32>,
    %slice3A_16 = vector.extract_strided_slice %transpose3A {offsets = [64, 0], sizes = [32, 128], strides = [1, 1]} : vector<128x128xf32> to vector<32x128xf32>
    %swap3A_17 = arith.constant 0 : index
    %swap3A_18 = arith.constant 0 : index
    %swap3A_19 = arith.constant 8192 : index
    %swap3A_20 = vector.load %arg2[%swap3A_17, %swap3A_18, %swap3A_19] : memref<2x32x16384xf32, #tpu.memory_space<vmem>>, vector<1x32x128xf32>
    %swap3A_21 = vector.shape_cast %swap3A_20 : vector<1x32x128xf32> to vector<32x128xf32>
    %swap3A_22 = vector.shape_cast %slice3A_16 : vector<32x128xf32> to vector<1x32x128xf32>
    tpu.vector_store %arg2[%swap3A_17, %swap3A_18, %swap3A_19], %swap3A_22 {strides = array<i32>} : memref<2x32x16384xf32, #tpu.memory_space<vmem>>, vector<1x32x128xf32>,
    %slice3A_23 = vector.extract_strided_slice %transpose3A {offsets = [96, 0], sizes = [32, 128], strides = [1, 1]} : vector<128x128xf32> to vector<32x128xf32>
    %swap3A_24 = arith.constant 0 : index
    %swap3A_25 = arith.constant 0 : index
    %swap3A_26 = arith.constant 12288 : index
    %swap3A_27 = vector.load %arg2[%swap3A_24, %swap3A_25, %swap3A_26] : memref<2x32x16384xf32, #tpu.memory_space<vmem>>, vector<1x32x128xf32>
    %swap3A_28 = vector.shape_cast %swap3A_27 : vector<1x32x128xf32> to vector<32x128xf32>
    %swap3A_29 = vector.shape_cast %slice3A_23 : vector<32x128xf32> to vector<1x32x128xf32>
    tpu.vector_store %arg2[%swap3A_24, %swap3A_25, %swap3A_26], %swap3A_29 {strides = array<i32>} : memref<2x32x16384xf32, #tpu.memory_space<vmem>>, vector<1x32x128xf32>,
    %get3A_30 = arith.constant 0 : index
    %get3A_31 = arith.constant 128 : index
    %get3A_32 = arith.constant 0 : index
    %get3A_33 = vector.load %arg1[%get3A_30, %get3A_31, %get3A_32] : memref<2x4096x128xf32, #tpu.memory_space<vmem>>, vector<1x128x128xf32>
    %get3A_34 = vector.shape_cast %get3A_33 : vector<1x128x128xf32> to vector<128x128xf32>
    %transpose3A_35 = tpu.transpose %get3A_34, [1, 0] : vector<128x128xf32> -> vector<128x128xf32>
    %slice3A_36 = vector.extract_strided_slice %transpose3A_35 {offsets = [0, 0], sizes = [32, 128], strides = [1, 1]} : vector<128x128xf32> to vector<32x128xf32>
    %swap3A_37 = arith.constant 0 : index
    %swap3A_38 = arith.constant 0 : index
    %swap3A_39 = arith.constant 128 : index
    %swap3A_40 = vector.load %arg2[%swap3A_37, %swap3A_38, %swap3A_39] : memref<2x32x16384xf32, #tpu.memory_space<vmem>>, vector<1x32x128xf32>
    %swap3A_41 = vector.shape_cast %swap3A_40 : vector<1x32x128xf32> to vector<32x128xf32>
    %swap3A_42 = vector.shape_cast %slice3A_36 : vector<32x128xf32> to vector<1x32x128xf32>
    tpu.vector_store %arg2[%swap3A_37, %swap3A_38, %swap3A_39], %swap3A_42 {strides = array<i32>} : memref<2x32x16384xf32, #tpu.memory_space<vmem>>, vector<1x32x128xf32>,
    %slice3A_43 = vector.extract_strided_slice %transpose3A_35 {offsets = [32, 0], sizes = [32, 128], strides = [1, 1]} : vector<128x128xf32> to vector<32x128xf32>
    %swap3A_44 = arith.constant 0 : index
    %swap3A_45 = arith.constant 0 : index
    %swap3A_46 = arith.constant 4224 : index
    %swap3A_47 = vector.load %arg2[%swap3A_44, %swap3A_45, %swap3A_46] : memref<2x32x16384xf32, #tpu.memory_space<vmem>>, vector<1x32x128xf32>
    %swap3A_48 = vector.shape_cast %swap3A_47 : vector<1x32x128xf32> to vector<32x128xf32>
    %swap3A_49 = vector.shape_cast %slice3A_43 : vector<32x128xf32> to vector<1x32x128xf32>
    tpu.vector_store %arg2[%swap3A_44, %swap3A_45, %swap3A_46], %swap3A_49 {strides = array<i32>} : memref<2x32x16384xf32, #tpu.memory_space<vmem>>, vector<1x32x128xf32>,
    %slice3A_50 = vector.extract_strided_slice %transpose3A_35 {offsets = [64, 0], sizes = [32, 128], strides = [1, 1]} : vector<128x128xf32> to vector<32x128xf32>
    %swap3A_51 = arith.constant 0 : index
    %swap3A_52 = arith.constant 0 : index
    %swap3A_53 = arith.constant 8320 : index
    %swap3A_54 = vector.load %arg2[%swap3A_51, %swap3A_52, %swap3A_53] : memref<2x32x16384xf32, #tpu.memory_space<vmem>>, vector<1x32x128xf32>
    %swap3A_55 = vector.shape_cast %swap3A_54 : vector<1x32x128xf32> to vector<32x128xf32>
    %swap3A_56 = vector.shape_cast %slice3A_50 : vector<32x128xf32> to vector<1x32x128xf32>
    tpu.vector_store %arg2[%swap3A_51, %swap3A_52, %swap3A_53], %swap3A_56 {strides = array<i32>} : memref<2x32x16384xf32, #tpu.memory_space<vmem>>, vector<1x32x128xf32>,
    %slice3A_57 = vector.extract_strided_slice %transpose3A_35 {offsets = [96, 0], sizes = [32, 128], strides = [1, 1]} : vector<128x128xf32> to vector<32x128xf32>
    %swap3A_58 = arith.constant 0 : index
    %swap3A_59 = arith.constant 0 : index
    %swap3A_60 = arith.constant 12416 : index
    %swap3A_61 = vector.load %arg2[%swap3A_58, %swap3A_59, %swap3A_60] : memref<2x32x16384xf32, #tpu.memory_space<vmem>>, vector<1x32x128xf32>
    %swap3A_62 = vector.shape_cast %swap3A_61 : vector<1x32x128xf32> to vector<32x128xf32>
    %swap3A_63 = vector.shape_cast %slice3A_57 : vector<32x128xf32> to vector<1x32x128xf32>
    tpu.vector_store %arg2[%swap3A_58, %swap3A_59, %swap3A_60], %swap3A_63 {strides = array<i32>} : memref<2x32x16384xf32, #tpu.memory_space<vmem>>, vector<1x32x128xf32>,
    %get3A_64 = arith.constant 0 : index
    %get3A_65 = arith.constant 256 : index
    %get3A_66 = arith.constant 0 : index
    %get3A_67 = vector.load %arg1[%get3A_64, %get3A_65, %get3A_66] : memref<2x4096x128xf32, #tpu.memory_space<vmem>>, vector<1x128x128xf32>
    %get3A_68 = vector.shape_cast %get3A_67 : vector<1x128x128xf32> to vector<128x128xf32>
    %transpose3A_69 = tpu.transpose %get3A_68, [1, 0] : vector<128x128xf32> -> vector<128x128xf32>
    %slice3A_70 = vector.extract_strided_slice %transpose3A_69 {offsets = [0, 0], sizes = [32, 128], strides = [1, 1]} : vector<128x128xf32> to vector<32x128xf32>
    %swap3A_71 = arith.constant 0 : index
    %swap3A_72 = arith.constant 0 : index
    %swap3A_73 = arith.constant 256 : index
    %swap3A_74 = vector.load %arg2[%swap3A_71, %swap3A_72, %swap3A_73] : memref<2x32x16384xf32, #tpu.memory_space<vmem>>, vector<1x32x128xf32>
    %swap3A_75 = vector.shape_cast %swap3A_74 : vector<1x32x128xf32> to vector<32x128xf32>
    %swap3A_76 = vector.shape_cast %slice3A_70 : vector<32x128xf32> to vector<1x32x128xf32>
    tpu.vector_store %arg2[%swap3A_71, %swap3A_72, %swap3A_73], %swap3A_76 {strides = array<i32>} : memref<2x32x16384xf32, #tpu.memory_space<vmem>>, vector<1x32x128xf32>,
    %slice3A_77 = vector.extract_strided_slice %transpose3A_69 {offsets = [32, 0], sizes = [32, 128], strides = [1, 1]} : vector<128x128xf32> to vector<32x128xf32>
    %swap3A_78 = arith.constant 0 : index
    %swap3A_79 = arith.constant 0 : index
    %swap3A_80 = arith.constant 4352 : index
    %swap3A_81 = vector.load %arg2[%swap3A_78, %swap3A_79, %swap3A_80] : memref<2x32x16384xf32, #tpu.memory_space<vmem>>, vector<1x32x128xf32>
    %swap3A_82 = vector.shape_cast %swap3A_81 : vector<1x32x128xf32> to vector<32x128xf32>
    %swap3A_83 = vector.shape_cast %slice3A_77 : vector<32x128xf32> to vector<1x32x128xf32>
    tpu.vector_store %arg2[%swap3A_78, %swap3A_79, %swap3A_80], %swap3A_83 {strides = array<i32>} : memref<2x32x16384xf32, #tpu.memory_space<vmem>>, vector<1x32x128xf32>,
    %slice3A_84 = vector.extract_strided_slice %transpose3A_69 {offsets = [64, 0], sizes = [32, 128], strides = [1, 1]} : vector<128x128xf32> to vector<32x128xf32>
    %swap3A_85 = arith.constant 0 : index
    %swap3A_86 = arith.constant 0 : index
    %swap3A_87 = arith.constant 8448 : index
    %swap3A_88 = vector.load %arg2[%swap3A_85, %swap3A_86, %swap3A_87] : memref<2x32x16384xf32, #tpu.memory_space<vmem>>, vector<1x32x128xf32>
    %swap3A_89 = vector.shape_cast %swap3A_88 : vector<1x32x128xf32> to vector<32x128xf32>
    %swap3A_90 = vector.shape_cast %slice3A_84 : vector<32x128xf32> to vector<1x32x128xf32>
    tpu.vector_store %arg2[%swap3A_85, %swap3A_86, %swap3A_87], %swap3A_90 {strides = array<i32>} : memref<2x32x16384xf32, #tpu.memory_space<vmem>>, vector<1x32x128xf32>,
    %slice3A_91 = vector.extract_strided_slice %transpose3A_69 {offsets = [96, 0], sizes = [32, 128], strides = [1, 1]} : vector<128x128xf32> to vector<32x128xf32>
    %swap3A_92 = arith.constant 0 : index
    %swap3A_93 = arith.constant 0 : index
    %swap3A_94 = arith.constant 12544 : index
    %swap3A_95 = vector.load %arg2[%swap3A_92, %swap3A_93, %swap3A_94] : memref<2x32x16384xf32, #tpu.memory_space<vmem>>, vector<1x32x128xf32>
    %swap3A_96 = vector.shape_cast %swap3A_95 : vector<1x32x128xf32> to vector<32x128xf32>
    %swap3A_97 = vector.shape_cast %slice3A_91 : vector<32x128xf32> to vector<1x32x128xf32>
    tpu.vector_store %arg2[%swap3A_92, %swap3A_93, %swap3A_94], %swap3A_97 {strides = array<i32>} : memref<2x32x16384xf32, #tpu.memory_space<vmem>>, vector<1x32x128xf32>,
    %get3A_98 = arith.constant 0 : index
    %get3A_99 = arith.constant 384 : index
    %get3A_100 = arith.constant 0 : index
    %get3A_101 = vector.load %arg1[%get3A_98, %get3A_99, %get3A_100] : memref<2x4096x128xf32, #tpu.memory_space<vmem>>, vector<1x128x128xf32>
    %get3A_102 = vector.shape_cast %get3A_101 : vector<1x128x128xf32> to vector<128x128xf32>
    %transpose3A_103 = tpu.transpose %get3A_102, [1, 0] : vector<128x128xf32> -> vector<128x128xf32>
    %slice3A_104 = vector.extract_strided_slice %transpose3A_103 {offsets = [0, 0], sizes = [32, 128], strides = [1, 1]} : vector<128x128xf32> to vector<32x128xf32>
    %swap3A_105 = arith.constant 0 : index
    %swap3A_106 = arith.constant 0 : index
    %swap3A_107 = arith.constant 384 : index
    %swap3A_108 = vector.load %arg2[%swap3A_105, %swap3A_106, %swap3A_107] : memref<2x32x16384xf32, #tpu.memory_space<vmem>>, vector<1x32x128xf32>
    %swap3A_109 = vector.shape_cast %swap3A_108 : vector<1x32x128xf32> to vector<32x128xf32>
    %swap3A_110 = vector.shape_cast %slice3A_104 : vector<32x128xf32> to vector<1x32x128xf32>
    tpu.vector_store %arg2[%swap3A_105, %swap3A_106, %swap3A_107], %swap3A_110 {strides = array<i32>} : memref<2x32x16384xf32, #tpu.memory_space<vmem>>, vector<1x32x128xf32>,
    %slice3A_111 = vector.extract_strided_slice %transpose3A_103 {offsets = [32, 0], sizes = [32, 128], strides = [1, 1]} : vector<128x128xf32> to vector<32x128xf32>
    %swap3A_112 = arith.constant 0 : index
    %swap3A_113 = arith.constant 0 : index
    %swap3A_114 = arith.constant 4480 : index
    %swap3A_115 = vector.load %arg2[%swap3A_112, %swap3A_113, %swap3A_114] : memref<2x32x16384xf32, #tpu.memory_space<vmem>>, vector<1x32x128xf32>
    %swap3A_116 = vector.shape_cast %swap3A_115 : vector<1x32x128xf32> to vector<32x128xf32>
    %swap3A_117 = vector.shape_cast %slice3A_111 : vector<32x128xf32> to vector<1x32x128xf32>
    tpu.vector_store %arg2[%swap3A_112, %swap3A_113, %swap3A_114], %swap3A_117 {strides = array<i32>} : memref<2x32x16384xf32, #tpu.memory_space<vmem>>, vector<1x32x128xf32>,
    %slice3A_118 = vector.extract_strided_slice %transpose3A_103 {offsets = [64, 0], sizes = [32, 128], strides = [1, 1]} : vector<128x128xf32> to vector<32x128xf32>
    %swap3A_119 = arith.constant 0 : index
    %swap3A_120 = arith.constant 0 : index
    %swap3A_121 = arith.constant 8576 : index
    %swap3A_122 = vector.load %arg2[%swap3A_119, %swap3A_120, %swap3A_121] : memref<2x32x16384xf32, #tpu.memory_space<vmem>>, vector<1x32x128xf32>
    %swap3A_123 = vector.shape_cast %swap3A_122 : vector<1x32x128xf32> to vector<32x128xf32>
    %swap3A_124 = vector.shape_cast %slice3A_118 : vector<32x128xf32> to vector<1x32x128xf32>
    tpu.vector_store %arg2[%swap3A_119, %swap3A_120, %swap3A_121], %swap3A_124 {strides = array<i32>} : memref<2x32x16384xf32, #tpu.memory_space<vmem>>, vector<1x32x128xf32>,
    %slice3A_125 = vector.extract_strided_slice %transpose3A_103 {offsets = [96, 0], sizes = [32, 128], strides = [1, 1]} : vector<128x128xf32> to vector<32x128xf32>
    %swap3A_126 = arith.constant 0 : index
    %swap3A_127 = arith.constant 0 : index
    %swap3A_128 = arith.constant 12672 : index
    %swap3A_129 = vector.load %arg2[%swap3A_126, %swap3A_127, %swap3A_128] : memref<2x32x16384xf32, #tpu.memory_space<vmem>>, vector<1x32x128xf32>
    %swap3A_130 = vector.shape_cast %swap3A_129 : vector<1x32x128xf32> to vector<32x128xf32>
    %swap3A_131 = vector.shape_cast %slice3A_125 : vector<32x128xf32> to vector<1x32x128xf32>
    tpu.vector_store %arg2[%swap3A_126, %swap3A_127, %swap3A_128], %swap3A_131 {strides = array<i32>} : memref<2x32x16384xf32, #tpu.memory_space<vmem>>, vector<1x32x128xf32>,
    %get3A_132 = arith.constant 0 : index
    %get3A_133 = arith.constant 512 : index
    %get3A_134 = arith.constant 0 : index
    %get3A_135 = vector.load %arg1[%get3A_132, %get3A_133, %get3A_134] : memref<2x4096x128xf32, #tpu.memory_space<vmem>>, vector<1x128x128xf32>
    %get3A_136 = vector.shape_cast %get3A_135 : vector<1x128x128xf32> to vector<128x128xf32>
    %transpose3A_137 = tpu.transpose %get3A_136, [1, 0] : vector<128x128xf32> -> vector<128x128xf32>
    %slice3A_138 = vector.extract_strided_slice %transpose3A_137 {offsets = [0, 0], sizes = [32, 128], strides = [1, 1]} : vector<128x128xf32> to vector<32x128xf32>
    %swap3A_139 = arith.constant 0 : index
    %swap3A_140 = arith.constant 0 : index
    %swap3A_141 = arith.constant 512 : index
    %swap3A_142 = vector.load %arg2[%swap3A_139, %swap3A_140, %swap3A_141] : memref<2x32x16384xf32, #tpu.memory_space<vmem>>, vector<1x32x128xf32>
    %swap3A_143 = vector.shape_cast %swap3A_142 : vector<1x32x128xf32> to vector<32x128xf32>
    %swap3A_144 = vector.shape_cast %slice3A_138 : vector<32x128xf32> to vector<1x32x128xf32>
    tpu.vector_store %arg2[%swap3A_139, %swap3A_140, %swap3A_141], %swap3A_144 {strides = array<i32>} : memref<2x32x16384xf32, #tpu.memory_space<vmem>>, vector<1x32x128xf32>,
    %slice3A_145 = vector.extract_strided_slice %transpose3A_137 {offsets = [32, 0], sizes = [32, 128], strides = [1, 1]} : vector<128x128xf32> to vector<32x128xf32>
    %swap3A_146 = arith.constant 0 : index
    %swap3A_147 = arith.constant 0 : index
    %swap3A_148 = arith.constant 4608 : index
    %swap3A_149 = vector.load %arg2[%swap3A_146, %swap3A_147, %swap3A_148] : memref<2x32x16384xf32, #tpu.memory_space<vmem>>, vector<1x32x128xf32>
    %swap3A_150 = vector.shape_cast %swap3A_149 : vector<1x32x128xf32> to vector<32x128xf32>
    %swap3A_151 = vector.shape_cast %slice3A_145 : vector<32x128xf32> to vector<1x32x128xf32>
    tpu.vector_store %arg2[%swap3A_146, %swap3A_147, %swap3A_148], %swap3A_151 {strides = array<i32>} : memref<2x32x16384xf32, #tpu.memory_space<vmem>>, vector<1x32x128xf32>,
    %slice3A_152 = vector.extract_strided_slice %transpose3A_137 {offsets = [64, 0], sizes = [32, 128], strides = [1, 1]} : vector<128x128xf32> to vector<32x128xf32>
    %swap3A_153 = arith.constant 0 : index
    %swap3A_154 = arith.constant 0 : index
    %swap3A_155 = arith.constant 8704 : index
    %swap3A_156 = vector.load %arg2[%swap3A_153, %swap3A_154, %swap3A_155] : memref<2x32x16384xf32, #tpu.memory_space<vmem>>, vector<1x32x128xf32>
    %swap3A_157 = vector.shape_cast %swap3A_156 : vector<1x32x128xf32> to vector<32x128xf32>
    %swap3A_158 = vector.shape_cast %slice3A_152 : vector<32x128xf32> to vector<1x32x128xf32>
    tpu.vector_store %arg2[%swap3A_153, %swap3A_154, %swap3A_155], %swap3A_158 {strides = array<i32>} : memref<2x32x16384xf32, #tpu.memory_space<vmem>>, vector<1x32x128xf32>,
    %slice3A_159 = vector.extract_strided_slice %transpose3A_137 {offsets = [96, 0], sizes = [32, 128], strides = [1, 1]} : vector<128x128xf32> to vector<32x128xf32>
    %swap3A_160 = arith.constant 0 : index
    %swap3A_161 = arith.constant 0 : index
    %swap3A_162 = arith.constant 12800 : index
    %swap3A_163 = vector.load %arg2[%swap3A_160, %swap3A_161, %swap3A_162] : memref<2x32x16384xf32, #tpu.memory_space<vmem>>, vector<1x32x128xf32>
    %swap3A_164 = vector.shape_cast %swap3A_163 : vector<1x32x128xf32> to vector<32x128xf32>
    %swap3A_165 = vector.shape_cast %slice3A_159 : vector<32x128xf32> to vector<1x32x128xf32>
    tpu.vector_store %arg2[%swap3A_160, %swap3A_161, %swap3A_162], %swap3A_165 {strides = array<i32>} : memref<2x32x16384xf32, #tpu.memory_space<vmem>>, vector<1x32x128xf32>,
    %get3A_166 = arith.constant 0 : index
    %get3A_167 = arith.constant 640 : index
    %get3A_168 = arith.constant 0 : index
    %get3A_169 = vector.load %arg1[%get3A_166, %get3A_167, %get3A_168] : memref<2x4096x128xf32, #tpu.memory_space<vmem>>, vector<1x128x128xf32>
    %get3A_170 = vector.shape_cast %get3A_169 : vector<1x128x128xf32> to vector<128x128xf32>
    %transpose3A_171 = tpu.transpose %get3A_170, [1, 0] : vector<128x128xf32> -> vector<128x128xf32>
    %slice3A_172 = vector.extract_strided_slice %transpose3A_171 {offsets = [0, 0], sizes = [32, 128], strides = [1, 1]} : vector<128x128xf32> to vector<32x128xf32>
    %swap3A_173 = arith.constant 0 : index
    %swap3A_174 = arith.constant 0 : index
    %swap3A_175 = arith.constant 640 : index
    %swap3A_176 = vector.load %arg2[%swap3A_173, %swap3A_174, %swap3A_175] : memref<2x32x16384xf32, #tpu.memory_space<vmem>>, vector<1x32x128xf32>
    %swap3A_177 = vector.shape_cast %swap3A_176 : vector<1x32x128xf32> to vector<32x128xf32>
    %swap3A_178 = vector.shape_cast %slice3A_172 : vector<32x128xf32> to vector<1x32x128xf32>
    tpu.vector_store %arg2[%swap3A_173, %swap3A_174, %swap3A_175], %swap3A_178 {strides = array<i32>} : memref<2x32x16384xf32, #tpu.memory_space<vmem>>, vector<1x32x128xf32>,
    %slice3A_179 = vector.extract_strided_slice %transpose3A_171 {offsets = [32, 0], sizes = [32, 128], strides = [1, 1]} : vector<128x128xf32> to vector<32x128xf32>
    %swap3A_180 = arith.constant 0 : index
    %swap3A_181 = arith.constant 0 : index
    %swap3A_182 = arith.constant 4736 : index
    %swap3A_183 = vector.load %arg2[%swap3A_180, %swap3A_181, %swap3A_182] : memref<2x32x16384xf32, #tpu.memory_space<vmem>>, vector<1x32x128xf32>
    %swap3A_184 = vector.shape_cast %swap3A_183 : vector<1x32x128xf32> to vector<32x128xf32>
    %swap3A_185 = vector.shape_cast %slice3A_179 : vector<32x128xf32> to vector<1x32x128xf32>
    tpu.vector_store %arg2[%swap3A_180, %swap3A_181, %swap3A_182], %swap3A_185 {strides = array<i32>} : memref<2x32x16384xf32, #tpu.memory_space<vmem>>, vector<1x32x128xf32>,
    %slice3A_186 = vector.extract_strided_slice %transpose3A_171 {offsets = [64, 0], sizes = [32, 128], strides = [1, 1]} : vector<128x128xf32> to vector<32x128xf32>
    %swap3A_187 = arith.constant 0 : index
    %swap3A_188 = arith.constant 0 : index
    %swap3A_189 = arith.constant 8832 : index
    %swap3A_190 = vector.load %arg2[%swap3A_187, %swap3A_188, %swap3A_189] : memref<2x32x16384xf32, #tpu.memory_space<vmem>>, vector<1x32x128xf32>
    %swap3A_191 = vector.shape_cast %swap3A_190 : vector<1x32x128xf32> to vector<32x128xf32>
    %swap3A_192 = vector.shape_cast %slice3A_186 : vector<32x128xf32> to vector<1x32x128xf32>
    tpu.vector_store %arg2[%swap3A_187, %swap3A_188, %swap3A_189], %swap3A_192 {strides = array<i32>} : memref<2x32x16384xf32, #tpu.memory_space<vmem>>, vector<1x32x128xf32>,
    %slice3A_193 = vector.extract_strided_slice %transpose3A_171 {offsets = [96, 0], sizes = [32, 128], strides = [1, 1]} : vector<128x128xf32> to vector<32x128xf32>
    %swap3A_194 = arith.constant 0 : index
    %swap3A_195 = arith.constant 0 : index
    %swap3A_196 = arith.constant 12928 : index
    %swap3A_197 = vector.load %arg2[%swap3A_194, %swap3A_195, %swap3A_196] : memref<2x32x16384xf32, #tpu.memory_space<vmem>>, vector<1x32x128xf32>
    %swap3A_198 = vector.shape_cast %swap3A_197 : vector<1x32x128xf32> to vector<32x128xf32>
    %swap3A_199 = vector.shape_cast %slice3A_193 : vector<32x128xf32> to vector<1x32x128xf32>
    tpu.vector_store %arg2[%swap3A_194, %swap3A_195, %swap3A_196], %swap3A_199 {strides = array<i32>} : memref<2x32x16384xf32, #tpu.memory_space<vmem>>, vector<1x32x128xf32>,
    %get3A_200 = arith.constant 0 : index
    %get3A_201 = arith.constant 768 : index
    %get3A_202 = arith.constant 0 : index
    %get3A_203 = vector.load %arg1[%get3A_200, %get3A_201, %get3A_202] : memref<2x4096x128xf32, #tpu.memory_space<vmem>>, vector<1x128x128xf32>
    %get3A_204 = vector.shape_cast %get3A_203 : vector<1x128x128xf32> to vector<128x128xf32>
    %transpose3A_205 = tpu.transpose %get3A_204, [1, 0] : vector<128x128xf32> -> vector<128x128xf32>
    %slice3A_206 = vector.extract_strided_slice %transpose3A_205 {offsets = [0, 0], sizes = [32, 128], strides = [1, 1]} : vector<128x128xf32> to vector<32x128xf32>
    %swap3A_207 = arith.constant 0 : index
    %swap3A_208 = arith.constant 0 : index
    %swap3A_209 = arith.constant 768 : index
    %swap3A_210 = vector.load %arg2[%swap3A_207, %swap3A_208, %swap3A_209] : memref<2x32x16384xf32, #tpu.memory_space<vmem>>, vector<1x32x128xf32>
    %swap3A_211 = vector.shape_cast %swap3A_210 : vector<1x32x128xf32> to vector<32x128xf32>
    %swap3A_212 = vector.shape_cast %slice3A_206 : vector<32x128xf32> to vector<1x32x128xf32>
    tpu.vector_store %arg2[%swap3A_207, %swap3A_208, %swap3A_209], %swap3A_212 {strides = array<i32>} : memref<2x32x16384xf32, #tpu.memory_space<vmem>>, vector<1x32x128xf32>,
    %slice3A_213 = vector.extract_strided_slice %transpose3A_205 {offsets = [32, 0], sizes = [32, 128], strides = [1, 1]} : vector<128x128xf32> to vector<32x128xf32>
    %swap3A_214 = arith.constant 0 : index
    %swap3A_215 = arith.constant 0 : index
    %swap3A_216 = arith.constant 4864 : index
    %swap3A_217 = vector.load %arg2[%swap3A_214, %swap3A_215, %swap3A_216] : memref<2x32x16384xf32, #tpu.memory_space<vmem>>, vector<1x32x128xf32>
    %swap3A_218 = vector.shape_cast %swap3A_217 : vector<1x32x128xf32> to vector<32x128xf32>
    %swap3A_219 = vector.shape_cast %slice3A_213 : vector<32x128xf32> to vector<1x32x128xf32>
    tpu.vector_store %arg2[%swap3A_214, %swap3A_215, %swap3A_216], %swap3A_219 {strides = array<i32>} : memref<2x32x16384xf32, #tpu.memory_space<vmem>>, vector<1x32x128xf32>,
    %slice3A_220 = vector.extract_strided_slice %transpose3A_205 {offsets = [64, 0], sizes = [32, 128], strides = [1, 1]} : vector<128x128xf32> to vector<32x128xf32>
    %swap3A_221 = arith.constant 0 : index
    %swap3A_222 = arith.constant 0 : index
    %swap3A_223 = arith.constant 8960 : index
    %swap3A_224 = vector.load %arg2[%swap3A_221, %swap3A_222, %swap3A_223] : memref<2x32x16384xf32, #tpu.memory_space<vmem>>, vector<1x32x128xf32>
    %swap3A_225 = vector.shape_cast %swap3A_224 : vector<1x32x128xf32> to vector<32x128xf32>
    %swap3A_226 = vector.shape_cast %slice3A_220 : vector<32x128xf32> to vector<1x32x128xf32>
    tpu.vector_store %arg2[%swap3A_221, %swap3A_222, %swap3A_223], %swap3A_226 {strides = array<i32>} : memref<2x32x16384xf32, #tpu.memory_space<vmem>>, vector<1x32x128xf32>,
    %slice3A_227 = vector.extract_strided_slice %transpose3A_205 {offsets = [96, 0], sizes = [32, 128], strides = [1, 1]} : vector<128x128xf32> to vector<32x128xf32>
    %swap3A_228 = arith.constant 0 : index
    %swap3A_229 = arith.constant 0 : index
    %swap3A_230 = arith.constant 13056 : index
    %swap3A_231 = vector.load %arg2[%swap3A_228, %swap3A_229, %swap3A_230] : memref<2x32x16384xf32, #tpu.memory_space<vmem>>, vector<1x32x128xf32>
    %swap3A_232 = vector.shape_cast %swap3A_231 : vector<1x32x128xf32> to vector<32x128xf32>
    %swap3A_233 = vector.shape_cast %slice3A_227 : vector<32x128xf32> to vector<1x32x128xf32>
    tpu.vector_store %arg2[%swap3A_228, %swap3A_229, %swap3A_230], %swap3A_233 {strides = array<i32>} : memref<2x32x16384xf32, #tpu.memory_space<vmem>>, vector<1x32x128xf32>,
    %get3A_234 = arith.constant 0 : index
    %get3A_235 = arith.constant 896 : index
    %get3A_236 = arith.constant 0 : index
    %get3A_237 = vector.load %arg1[%get3A_234, %get3A_235, %get3A_236] : memref<2x4096x128xf32, #tpu.memory_space<vmem>>, vector<1x128x128xf32>
    %get3A_238 = vector.shape_cast %get3A_237 : vector<1x128x128xf32> to vector<128x128xf32>
    %transpose3A_239 = tpu.transpose %get3A_238, [1, 0] : vector<128x128xf32> -> vector<128x128xf32>
    %slice3A_240 = vector.extract_strided_slice %transpose3A_239 {offsets = [0, 0], sizes = [32, 128], strides = [1, 1]} : vector<128x128xf32> to vector<32x128xf32>
    %swap3A_241 = arith.constant 0 : index
    %swap3A_242 = arith.constant 0 : index
    %swap3A_243 = arith.constant 896 : index
    %swap3A_244 = vector.load %arg2[%swap3A_241, %swap3A_242, %swap3A_243] : memref<2x32x16384xf32, #tpu.memory_space<vmem>>, vector<1x32x128xf32>
    %swap3A_245 = vector.shape_cast %swap3A_244 : vector<1x32x128xf32> to vector<32x128xf32>
    %swap3A_246 = vector.shape_cast %slice3A_240 : vector<32x128xf32> to vector<1x32x128xf32>
    tpu.vector_store %arg2[%swap3A_241, %swap3A_242, %swap3A_243], %swap3A_246 {strides = array<i32>} : memref<2x32x16384xf32, #tpu.memory_space<vmem>>, vector<1x32x128xf32>,
    %slice3A_247 = vector.extract_strided_slice %transpose3A_239 {offsets = [32, 0], sizes = [32, 128], strides = [1, 1]} : vector<128x128xf32> to vector<32x128xf32>
    %swap3A_248 = arith.constant 0 : index
    %swap3A_249 = arith.constant 0 : index
    %swap3A_250 = arith.constant 4992 : index
    %swap3A_251 = vector.load %arg2[%swap3A_248, %swap3A_249, %swap3A_250] : memref<2x32x16384xf32, #tpu.memory_space<vmem>>, vector<1x32x128xf32>
    %swap3A_252 = vector.shape_cast %swap3A_251 : vector<1x32x128xf32> to vector<32x128xf32>
    %swap3A_253 = vector.shape_cast %slice3A_247 : vector<32x128xf32> to vector<1x32x128xf32>
    tpu.vector_store %arg2[%swap3A_248, %swap3A_249, %swap3A_250], %swap3A_253 {strides = array<i32>} : memref<2x32x16384xf32, #tpu.memory_space<vmem>>, vector<1x32x128xf32>,
    %slice3A_254 = vector.extract_strided_slice %transpose3A_239 {offsets = [64, 0], sizes = [32, 128], strides = [1, 1]} : vector<128x128xf32> to vector<32x128xf32>
    %swap3A_255 = arith.constant 0 : index
    %swap3A_256 = arith.constant 0 : index
    %swap3A_257 = arith.constant 9088 : index
    %swap3A_258 = vector.load %arg2[%swap3A_255, %swap3A_256, %swap3A_257] : memref<2x32x16384xf32, #tpu.memory_space<vmem>>, vector<1x32x128xf32>
    %swap3A_259 = vector.shape_cast %swap3A_258 : vector<1x32x128xf32> to vector<32x128xf32>
    %swap3A_260 = vector.shape_cast %slice3A_254 : vector<32x128xf32> to vector<1x32x128xf32>
    tpu.vector_store %arg2[%swap3A_255, %swap3A_256, %swap3A_257], %swap3A_260 {strides = array<i32>} : memref<2x32x16384xf32, #tpu.memory_space<vmem>>, vector<1x32x128xf32>,
    %slice3A_261 = vector.extract_strided_slice %transpose3A_239 {offsets = [96, 0], sizes = [32, 128], strides = [1, 1]} : vector<128x128xf32> to vector<32x128xf32>
    %swap3A_262 = arith.constant 0 : index
    %swap3A_263 = arith.constant 0 : index
    %swap3A_264 = arith.constant 13184 : index
    %swap3A_265 = vector.load %arg2[%swap3A_262, %swap3A_263, %swap3A_264] : memref<2x32x16384xf32, #tpu.memory_space<vmem>>, vector<1x32x128xf32>
    %swap3A_266 = vector.shape_cast %swap3A_265 : vector<1x32x128xf32> to vector<32x128xf32>
    %swap3A_267 = vector.shape_cast %slice3A_261 : vector<32x128xf32> to vector<1x32x128xf32>
    tpu.vector_store %arg2[%swap3A_262, %swap3A_263, %swap3A_264], %swap3A_267 {strides = array<i32>} : memref<2x32x16384xf32, #tpu.memory_space<vmem>>, vector<1x32x128xf32>,
    %get3A_268 = arith.constant 0 : index
    %get3A_269 = arith.constant 1024 : index
    %get3A_270 = arith.constant 0 : index
    %get3A_271 = vector.load %arg1[%get3A_268, %get3A_269, %get3A_270] : memref<2x4096x128xf32, #tpu.memory_space<vmem>>, vector<1x128x128xf32>
    %get3A_272 = vector.shape_cast %get3A_271 : vector<1x128x128xf32> to vector<128x128xf32>
    %transpose3A_273 = tpu.transpose %get3A_272, [1, 0] : vector<128x128xf32> -> vector<128x128xf32>
    %slice3A_274 = vector.extract_strided_slice %transpose3A_273 {offsets = [0, 0], sizes = [32, 128], strides = [1, 1]} : vector<128x128xf32> to vector<32x128xf32>
    %swap3A_275 = arith.constant 0 : index
    %swap3A_276 = arith.constant 0 : index
    %swap3A_277 = arith.constant 1024 : index
    %swap3A_278 = vector.load %arg2[%swap3A_275, %swap3A_276, %swap3A_277] : memref<2x32x16384xf32, #tpu.memory_space<vmem>>, vector<1x32x128xf32>
    %swap3A_279 = vector.shape_cast %swap3A_278 : vector<1x32x128xf32> to vector<32x128xf32>
    %swap3A_280 = vector.shape_cast %slice3A_274 : vector<32x128xf32> to vector<1x32x128xf32>
    tpu.vector_store %arg2[%swap3A_275, %swap3A_276, %swap3A_277], %swap3A_280 {strides = array<i32>} : memref<2x32x16384xf32, #tpu.memory_space<vmem>>, vector<1x32x128xf32>,
    %slice3A_281 = vector.extract_strided_slice %transpose3A_273 {offsets = [32, 0], sizes = [32, 128], strides = [1, 1]} : vector<128x128xf32> to vector<32x128xf32>
    %swap3A_282 = arith.constant 0 : index
    %swap3A_283 = arith.constant 0 : index
    %swap3A_284 = arith.constant 5120 : index
    %swap3A_285 = vector.load %arg2[%swap3A_282, %swap3A_283, %swap3A_284] : memref<2x32x16384xf32, #tpu.memory_space<vmem>>, vector<1x32x128xf32>
    %swap3A_286 = vector.shape_cast %swap3A_285 : vector<1x32x128xf32> to vector<32x128xf32>
    %swap3A_287 = vector.shape_cast %slice3A_281 : vector<32x128xf32> to vector<1x32x128xf32>
    tpu.vector_store %arg2[%swap3A_282, %swap3A_283, %swap3A_284], %swap3A_287 {strides = array<i32>} : memref<2x32x16384xf32, #tpu.memory_space<vmem>>, vector<1x32x128xf32>,
    %slice3A_288 = vector.extract_strided_slice %transpose3A_273 {offsets = [64, 0], sizes = [32, 128], strides = [1, 1]} : vector<128x128xf32> to vector<32x128xf32>
    %swap3A_289 = arith.constant 0 : index
    %swap3A_290 = arith.constant 0 : index
    %swap3A_291 = arith.constant 9216 : index
    %swap3A_292 = vector.load %arg2[%swap3A_289, %swap3A_290, %swap3A_291] : memref<2x32x16384xf32, #tpu.memory_space<vmem>>, vector<1x32x128xf32>
    %swap3A_293 = vector.shape_cast %swap3A_292 : vector<1x32x128xf32> to vector<32x128xf32>
    %swap3A_294 = vector.shape_cast %slice3A_288 : vector<32x128xf32> to vector<1x32x128xf32>
    tpu.vector_store %arg2[%swap3A_289, %swap3A_290, %swap3A_291], %swap3A_294 {strides = array<i32>} : memref<2x32x16384xf32, #tpu.memory_space<vmem>>, vector<1x32x128xf32>,
    %slice3A_295 = vector.extract_strided_slice %transpose3A_273 {offsets = [96, 0], sizes = [32, 128], strides = [1, 1]} : vector<128x128xf32> to vector<32x128xf32>
    %swap3A_296 = arith.constant 0 : index
    %swap3A_297 = arith.constant 0 : index
    %swap3A_298 = arith.constant 13312 : index
    %swap3A_299 = vector.load %arg2[%swap3A_296, %swap3A_297, %swap3A_298] : memref<2x32x16384xf32, #tpu.memory_space<vmem>>, vector<1x32x128xf32>
    %swap3A_300 = vector.shape_cast %swap3A_299 : vector<1x32x128xf32> to vector<32x128xf32>
    %swap3A_301 = vector.shape_cast %slice3A_295 : vector<32x128xf32> to vector<1x32x128xf32>
    tpu.vector_store %arg2[%swap3A_296, %swap3A_297, %swap3A_298], %swap3A_301 {strides = array<i32>} : memref<2x32x16384xf32, #tpu.memory_space<vmem>>, vector<1x32x128xf32>,
    %get3A_302 = arith.constant 0 : index
    %get3A_303 = arith.constant 1152 : index
    %get3A_304 = arith.constant 0 : index
    %get3A_305 = vector.load %arg1[%get3A_302, %get3A_303, %get3A_304] : memref<2x4096x128xf32, #tpu.memory_space<vmem>>, vector<1x128x128xf32>
    %get3A_306 = vector.shape_cast %get3A_305 : vector<1x128x128xf32> to vector<128x128xf32>
    %transpose3A_307 = tpu.transpose %get3A_306, [1, 0] : vector<128x128xf32> -> vector<128x128xf32>
    %slice3A_308 = vector.extract_strided_slice %transpose3A_307 {offsets = [0, 0], sizes = [32, 128], strides = [1, 1]} : vector<128x128xf32> to vector<32x128xf32>
    %swap3A_309 = arith.constant 0 : index
    %swap3A_310 = arith.constant 0 : index
    %swap3A_311 = arith.constant 1152 : index
    %swap3A_312 = vector.load %arg2[%swap3A_309, %swap3A_310, %swap3A_311] : memref<2x32x16384xf32, #tpu.memory_space<vmem>>, vector<1x32x128xf32>
    %swap3A_313 = vector.shape_cast %swap3A_312 : vector<1x32x128xf32> to vector<32x128xf32>
    %swap3A_314 = vector.shape_cast %slice3A_308 : vector<32x128xf32> to vector<1x32x128xf32>
    tpu.vector_store %arg2[%swap3A_309, %swap3A_310, %swap3A_311], %swap3A_314 {strides = array<i32>} : memref<2x32x16384xf32, #tpu.memory_space<vmem>>, vector<1x32x128xf32>,
    %slice3A_315 = vector.extract_strided_slice %transpose3A_307 {offsets = [32, 0], sizes = [32, 128], strides = [1, 1]} : vector<128x128xf32> to vector<32x128xf32>
    %swap3A_316 = arith.constant 0 : index
    %swap3A_317 = arith.constant 0 : index
    %swap3A_318 = arith.constant 5248 : index
    %swap3A_319 = vector.load %arg2[%swap3A_316, %swap3A_317, %swap3A_318] : memref<2x32x16384xf32, #tpu.memory_space<vmem>>, vector<1x32x128xf32>
    %swap3A_320 = vector.shape_cast %swap3A_319 : vector<1x32x128xf32> to vector<32x128xf32>
    %swap3A_321 = vector.shape_cast %slice3A_315 : vector<32x128xf32> to vector<1x32x128xf32>
    tpu.vector_store %arg2[%swap3A_316, %swap3A_317, %swap3A_318], %swap3A_321 {strides = array<i32>} : memref<2x32x16384xf32, #tpu.memory_space<vmem>>, vector<1x32x128xf32>,
    %slice3A_322 = vector.extract_strided_slice %transpose3A_307 {offsets = [64, 0], sizes = [32, 128], strides = [1, 1]} : vector<128x128xf32> to vector<32x128xf32>
    %swap3A_323 = arith.constant 0 : index
    %swap3A_324 = arith.constant 0 : index
    %swap3A_325 = arith.constant 9344 : index
    %swap3A_326 = vector.load %arg2[%swap3A_323, %swap3A_324, %swap3A_325] : memref<2x32x16384xf32, #tpu.memory_space<vmem>>, vector<1x32x128xf32>
    %swap3A_327 = vector.shape_cast %swap3A_326 : vector<1x32x128xf32> to vector<32x128xf32>
    %swap3A_328 = vector.shape_cast %slice3A_322 : vector<32x128xf32> to vector<1x32x128xf32>
    tpu.vector_store %arg2[%swap3A_323, %swap3A_324, %swap3A_325], %swap3A_328 {strides = array<i32>} : memref<2x32x16384xf32, #tpu.memory_space<vmem>>, vector<1x32x128xf32>,
    %slice3A_329 = vector.extract_strided_slice %transpose3A_307 {offsets = [96, 0], sizes = [32, 128], strides = [1, 1]} : vector<128x128xf32> to vector<32x128xf32>
    %swap3A_330 = arith.constant 0 : index
    %swap3A_331 = arith.constant 0 : index
    %swap3A_332 = arith.constant 13440 : index
    %swap3A_333 = vector.load %arg2[%swap3A_330, %swap3A_331, %swap3A_332] : memref<2x32x16384xf32, #tpu.memory_space<vmem>>, vector<1x32x128xf32>
    %swap3A_334 = vector.shape_cast %swap3A_333 : vector<1x32x128xf32> to vector<32x128xf32>
    %swap3A_335 = vector.shape_cast %slice3A_329 : vector<32x128xf32> to vector<1x32x128xf32>
    tpu.vector_store %arg2[%swap3A_330, %swap3A_331, %swap3A_332], %swap3A_335 {strides = array<i32>} : memref<2x32x16384xf32, #tpu.memory_space<vmem>>, vector<1x32x128xf32>,
    %get3A_336 = arith.constant 0 : index
    %get3A_337 = arith.constant 1280 : index
    %get3A_338 = arith.constant 0 : index
    %get3A_339 = vector.load %arg1[%get3A_336, %get3A_337, %get3A_338] : memref<2x4096x128xf32, #tpu.memory_space<vmem>>, vector<1x128x128xf32>
    %get3A_340 = vector.shape_cast %get3A_339 : vector<1x128x128xf32> to vector<128x128xf32>
    %transpose3A_341 = tpu.transpose %get3A_340, [1, 0] : vector<128x128xf32> -> vector<128x128xf32>
    %slice3A_342 = vector.extract_strided_slice %transpose3A_341 {offsets = [0, 0], sizes = [32, 128], strides = [1, 1]} : vector<128x128xf32> to vector<32x128xf32>
    %swap3A_343 = arith.constant 0 : index
    %swap3A_344 = arith.constant 0 : index
    %swap3A_345 = arith.constant 1280 : index
    %swap3A_346 = vector.load %arg2[%swap3A_343, %swap3A_344, %swap3A_345] : memref<2x32x16384xf32, #tpu.memory_space<vmem>>, vector<1x32x128xf32>
    %swap3A_347 = vector.shape_cast %swap3A_346 : vector<1x32x128xf32> to vector<32x128xf32>
    %swap3A_348 = vector.shape_cast %slice3A_342 : vector<32x128xf32> to vector<1x32x128xf32>
    tpu.vector_store %arg2[%swap3A_343, %swap3A_344, %swap3A_345], %swap3A_348 {strides = array<i32>} : memref<2x32x16384xf32, #tpu.memory_space<vmem>>, vector<1x32x128xf32>,
    %slice3A_349 = vector.extract_strided_slice %transpose3A_341 {offsets = [32, 0], sizes = [32, 128], strides = [1, 1]} : vector<128x128xf32> to vector<32x128xf32>
    %swap3A_350 = arith.constant 0 : index
    %swap3A_351 = arith.constant 0 : index
    %swap3A_352 = arith.constant 5376 : index
    %swap3A_353 = vector.load %arg2[%swap3A_350, %swap3A_351, %swap3A_352] : memref<2x32x16384xf32, #tpu.memory_space<vmem>>, vector<1x32x128xf32>
    %swap3A_354 = vector.shape_cast %swap3A_353 : vector<1x32x128xf32> to vector<32x128xf32>
    %swap3A_355 = vector.shape_cast %slice3A_349 : vector<32x128xf32> to vector<1x32x128xf32>
    tpu.vector_store %arg2[%swap3A_350, %swap3A_351, %swap3A_352], %swap3A_355 {strides = array<i32>} : memref<2x32x16384xf32, #tpu.memory_space<vmem>>, vector<1x32x128xf32>,
    %slice3A_356 = vector.extract_strided_slice %transpose3A_341 {offsets = [64, 0], sizes = [32, 128], strides = [1, 1]} : vector<128x128xf32> to vector<32x128xf32>
    %swap3A_357 = arith.constant 0 : index
    %swap3A_358 = arith.constant 0 : index
    %swap3A_359 = arith.constant 9472 : index
    %swap3A_360 = vector.load %arg2[%swap3A_357, %swap3A_358, %swap3A_359] : memref<2x32x16384xf32, #tpu.memory_space<vmem>>, vector<1x32x128xf32>
    %swap3A_361 = vector.shape_cast %swap3A_360 : vector<1x32x128xf32> to vector<32x128xf32>
    %swap3A_362 = vector.shape_cast %slice3A_356 : vector<32x128xf32> to vector<1x32x128xf32>
    tpu.vector_store %arg2[%swap3A_357, %swap3A_358, %swap3A_359], %swap3A_362 {strides = array<i32>} : memref<2x32x16384xf32, #tpu.memory_space<vmem>>, vector<1x32x128xf32>,
    %slice3A_363 = vector.extract_strided_slice %transpose3A_341 {offsets = [96, 0], sizes = [32, 128], strides = [1, 1]} : vector<128x128xf32> to vector<32x128xf32>
    %swap3A_364 = arith.constant 0 : index
    %swap3A_365 = arith.constant 0 : index
    %swap3A_366 = arith.constant 13568 : index
    %swap3A_367 = vector.load %arg2[%swap3A_364, %swap3A_365, %swap3A_366] : memref<2x32x16384xf32, #tpu.memory_space<vmem>>, vector<1x32x128xf32>
    %swap3A_368 = vector.shape_cast %swap3A_367 : vector<1x32x128xf32> to vector<32x128xf32>
    %swap3A_369 = vector.shape_cast %slice3A_363 : vector<32x128xf32> to vector<1x32x128xf32>
    tpu.vector_store %arg2[%swap3A_364, %swap3A_365, %swap3A_366], %swap3A_369 {strides = array<i32>} : memref<2x32x16384xf32, #tpu.memory_space<vmem>>, vector<1x32x128xf32>,
    %get3A_370 = arith.constant 0 : index
    %get3A_371 = arith.constant 1408 : index
    %get3A_372 = arith.constant 0 : index
    %get3A_373 = vector.load %arg1[%get3A_370, %get3A_371, %get3A_372] : memref<2x4096x128xf32, #tpu.memory_space<vmem>>, vector<1x128x128xf32>
    %get3A_374 = vector.shape_cast %get3A_373 : vector<1x128x128xf32> to vector<128x128xf32>
    %transpose3A_375 = tpu.transpose %get3A_374, [1, 0] : vector<128x128xf32> -> vector<128x128xf32>
    %slice3A_376 = vector.extract_strided_slice %transpose3A_375 {offsets = [0, 0], sizes = [32, 128], strides = [1, 1]} : vector<128x128xf32> to vector<32x128xf32>
    %swap3A_377 = arith.constant 0 : index
    %swap3A_378 = arith.constant 0 : index
    %swap3A_379 = arith.constant 1408 : index
    %swap3A_380 = vector.load %arg2[%swap3A_377, %swap3A_378, %swap3A_379] : memref<2x32x16384xf32, #tpu.memory_space<vmem>>, vector<1x32x128xf32>
    %swap3A_381 = vector.shape_cast %swap3A_380 : vector<1x32x128xf32> to vector<32x128xf32>
    %swap3A_382 = vector.shape_cast %slice3A_376 : vector<32x128xf32> to vector<1x32x128xf32>
    tpu.vector_store %arg2[%swap3A_377, %swap3A_378, %swap3A_379], %swap3A_382 {strides = array<i32>} : memref<2x32x16384xf32, #tpu.memory_space<vmem>>, vector<1x32x128xf32>,
    %slice3A_383 = vector.extract_strided_slice %transpose3A_375 {offsets = [32, 0], sizes = [32, 128], strides = [1, 1]} : vector<128x128xf32> to vector<32x128xf32>
    %swap3A_384 = arith.constant 0 : index
    %swap3A_385 = arith.constant 0 : index
    %swap3A_386 = arith.constant 5504 : index
    %swap3A_387 = vector.load %arg2[%swap3A_384, %swap3A_385, %swap3A_386] : memref<2x32x16384xf32, #tpu.memory_space<vmem>>, vector<1x32x128xf32>
    %swap3A_388 = vector.shape_cast %swap3A_387 : vector<1x32x128xf32> to vector<32x128xf32>
    %swap3A_389 = vector.shape_cast %slice3A_383 : vector<32x128xf32> to vector<1x32x128xf32>
    tpu.vector_store %arg2[%swap3A_384, %swap3A_385, %swap3A_386], %swap3A_389 {strides = array<i32>} : memref<2x32x16384xf32, #tpu.memory_space<vmem>>, vector<1x32x128xf32>,
    %slice3A_390 = vector.extract_strided_slice %transpose3A_375 {offsets = [64, 0], sizes = [32, 128], strides = [1, 1]} : vector<128x128xf32> to vector<32x128xf32>
    %swap3A_391 = arith.constant 0 : index
    %swap3A_392 = arith.constant 0 : index
    %swap3A_393 = arith.constant 9600 : index
    %swap3A_394 = vector.load %arg2[%swap3A_391, %swap3A_392, %swap3A_393] : memref<2x32x16384xf32, #tpu.memory_space<vmem>>, vector<1x32x128xf32>
    %swap3A_395 = vector.shape_cast %swap3A_394 : vector<1x32x128xf32> to vector<32x128xf32>
    %swap3A_396 = vector.shape_cast %slice3A_390 : vector<32x128xf32> to vector<1x32x128xf32>
    tpu.vector_store %arg2[%swap3A_391, %swap3A_392, %swap3A_393], %swap3A_396 {strides = array<i32>} : memref<2x32x16384xf32, #tpu.memory_space<vmem>>, vector<1x32x128xf32>,
    %slice3A_397 = vector.extract_strided_slice %transpose3A_375 {offsets = [96, 0], sizes = [32, 128], strides = [1, 1]} : vector<128x128xf32> to vector<32x128xf32>
    %swap3A_398 = arith.constant 0 : index
    %swap3A_399 = arith.constant 0 : index
    %swap3A_400 = arith.constant 13696 : index
    %swap3A_401 = vector.load %arg2[%swap3A_398, %swap3A_399, %swap3A_400] : memref<2x32x16384xf32, #tpu.memory_space<vmem>>, vector<1x32x128xf32>
    %swap3A_402 = vector.shape_cast %swap3A_401 : vector<1x32x128xf32> to vector<32x128xf32>
    %swap3A_403 = vector.shape_cast %slice3A_397 : vector<32x128xf32> to vector<1x32x128xf32>
    tpu.vector_store %arg2[%swap3A_398, %swap3A_399, %swap3A_400], %swap3A_403 {strides = array<i32>} : memref<2x32x16384xf32, #tpu.memory_space<vmem>>, vector<1x32x128xf32>,
    %get3A_404 = arith.constant 0 : index
    %get3A_405 = arith.constant 1536 : index
    %get3A_406 = arith.constant 0 : index
    %get3A_407 = vector.load %arg1[%get3A_404, %get3A_405, %get3A_406] : memref<2x4096x128xf32, #tpu.memory_space<vmem>>, vector<1x128x128xf32>
    %get3A_408 = vector.shape_cast %get3A_407 : vector<1x128x128xf32> to vector<128x128xf32>
    %transpose3A_409 = tpu.transpose %get3A_408, [1, 0] : vector<128x128xf32> -> vector<128x128xf32>
    %slice3A_410 = vector.extract_strided_slice %transpose3A_409 {offsets = [0, 0], sizes = [32, 128], strides = [1, 1]} : vector<128x128xf32> to vector<32x128xf32>
    %swap3A_411 = arith.constant 0 : index
    %swap3A_412 = arith.constant 0 : index
    %swap3A_413 = arith.constant 1536 : index
    %swap3A_414 = vector.load %arg2[%swap3A_411, %swap3A_412, %swap3A_413] : memref<2x32x16384xf32, #tpu.memory_space<vmem>>, vector<1x32x128xf32>
    %swap3A_415 = vector.shape_cast %swap3A_414 : vector<1x32x128xf32> to vector<32x128xf32>
    %swap3A_416 = vector.shape_cast %slice3A_410 : vector<32x128xf32> to vector<1x32x128xf32>
    tpu.vector_store %arg2[%swap3A_411, %swap3A_412, %swap3A_413], %swap3A_416 {strides = array<i32>} : memref<2x32x16384xf32, #tpu.memory_space<vmem>>, vector<1x32x128xf32>,
    %slice3A_417 = vector.extract_strided_slice %transpose3A_409 {offsets = [32, 0], sizes = [32, 128], strides = [1, 1]} : vector<128x128xf32> to vector<32x128xf32>
    %swap3A_418 = arith.constant 0 : index
    %swap3A_419 = arith.constant 0 : index
    %swap3A_420 = arith.constant 5632 : index
    %swap3A_421 = vector.load %arg2[%swap3A_418, %swap3A_419, %swap3A_420] : memref<2x32x16384xf32, #tpu.memory_space<vmem>>, vector<1x32x128xf32>
    %swap3A_422 = vector.shape_cast %swap3A_421 : vector<1x32x128xf32> to vector<32x128xf32>
    %swap3A_423 = vector.shape_cast %slice3A_417 : vector<32x128xf32> to vector<1x32x128xf32>
    tpu.vector_store %arg2[%swap3A_418, %swap3A_419, %swap3A_420], %swap3A_423 {strides = array<i32>} : memref<2x32x16384xf32, #tpu.memory_space<vmem>>, vector<1x32x128xf32>,
    %slice3A_424 = vector.extract_strided_slice %transpose3A_409 {offsets = [64, 0], sizes = [32, 128], strides = [1, 1]} : vector<128x128xf32> to vector<32x128xf32>
    %swap3A_425 = arith.constant 0 : index
    %swap3A_426 = arith.constant 0 : index
    %swap3A_427 = arith.constant 9728 : index
    %swap3A_428 = vector.load %arg2[%swap3A_425, %swap3A_426, %swap3A_427] : memref<2x32x16384xf32, #tpu.memory_space<vmem>>, vector<1x32x128xf32>
    %swap3A_429 = vector.shape_cast %swap3A_428 : vector<1x32x128xf32> to vector<32x128xf32>
    %swap3A_430 = vector.shape_cast %slice3A_424 : vector<32x128xf32> to vector<1x32x128xf32>
    tpu.vector_store %arg2[%swap3A_425, %swap3A_426, %swap3A_427], %swap3A_430 {strides = array<i32>} : memref<2x32x16384xf32, #tpu.memory_space<vmem>>, vector<1x32x128xf32>,
    %slice3A_431 = vector.extract_strided_slice %transpose3A_409 {offsets = [96, 0], sizes = [32, 128], strides = [1, 1]} : vector<128x128xf32> to vector<32x128xf32>
    %swap3A_432 = arith.constant 0 : index
    %swap3A_433 = arith.constant 0 : index
    %swap3A_434 = arith.constant 13824 : index
    %swap3A_435 = vector.load %arg2[%swap3A_432, %swap3A_433, %swap3A_434] : memref<2x32x16384xf32, #tpu.memory_space<vmem>>, vector<1x32x128xf32>
    %swap3A_436 = vector.shape_cast %swap3A_435 : vector<1x32x128xf32> to vector<32x128xf32>
    %swap3A_437 = vector.shape_cast %slice3A_431 : vector<32x128xf32> to vector<1x32x128xf32>
    tpu.vector_store %arg2[%swap3A_432, %swap3A_433, %swap3A_434], %swap3A_437 {strides = array<i32>} : memref<2x32x16384xf32, #tpu.memory_space<vmem>>, vector<1x32x128xf32>,
    %get3A_438 = arith.constant 0 : index
    %get3A_439 = arith.constant 1664 : index
    %get3A_440 = arith.constant 0 : index
    %get3A_441 = vector.load %arg1[%get3A_438, %get3A_439, %get3A_440] : memref<2x4096x128xf32, #tpu.memory_space<vmem>>, vector<1x128x128xf32>
    %get3A_442 = vector.shape_cast %get3A_441 : vector<1x128x128xf32> to vector<128x128xf32>
    %transpose3A_443 = tpu.transpose %get3A_442, [1, 0] : vector<128x128xf32> -> vector<128x128xf32>
    %slice3A_444 = vector.extract_strided_slice %transpose3A_443 {offsets = [0, 0], sizes = [32, 128], strides = [1, 1]} : vector<128x128xf32> to vector<32x128xf32>
    %swap3A_445 = arith.constant 0 : index
    %swap3A_446 = arith.constant 0 : index
    %swap3A_447 = arith.constant 1664 : index
    %swap3A_448 = vector.load %arg2[%swap3A_445, %swap3A_446, %swap3A_447] : memref<2x32x16384xf32, #tpu.memory_space<vmem>>, vector<1x32x128xf32>
    %swap3A_449 = vector.shape_cast %swap3A_448 : vector<1x32x128xf32> to vector<32x128xf32>
    %swap3A_450 = vector.shape_cast %slice3A_444 : vector<32x128xf32> to vector<1x32x128xf32>
    tpu.vector_store %arg2[%swap3A_445, %swap3A_446, %swap3A_447], %swap3A_450 {strides = array<i32>} : memref<2x32x16384xf32, #tpu.memory_space<vmem>>, vector<1x32x128xf32>,
    %slice3A_451 = vector.extract_strided_slice %transpose3A_443 {offsets = [32, 0], sizes = [32, 128], strides = [1, 1]} : vector<128x128xf32> to vector<32x128xf32>
    %swap3A_452 = arith.constant 0 : index
    %swap3A_453 = arith.constant 0 : index
    %swap3A_454 = arith.constant 5760 : index
    %swap3A_455 = vector.load %arg2[%swap3A_452, %swap3A_453, %swap3A_454] : memref<2x32x16384xf32, #tpu.memory_space<vmem>>, vector<1x32x128xf32>
    %swap3A_456 = vector.shape_cast %swap3A_455 : vector<1x32x128xf32> to vector<32x128xf32>
    %swap3A_457 = vector.shape_cast %slice3A_451 : vector<32x128xf32> to vector<1x32x128xf32>
    tpu.vector_store %arg2[%swap3A_452, %swap3A_453, %swap3A_454], %swap3A_457 {strides = array<i32>} : memref<2x32x16384xf32, #tpu.memory_space<vmem>>, vector<1x32x128xf32>,
    %slice3A_458 = vector.extract_strided_slice %transpose3A_443 {offsets = [64, 0], sizes = [32, 128], strides = [1, 1]} : vector<128x128xf32> to vector<32x128xf32>
    %swap3A_459 = arith.constant 0 : index
    %swap3A_460 = arith.constant 0 : index
    %swap3A_461 = arith.constant 9856 : index
    %swap3A_462 = vector.load %arg2[%swap3A_459, %swap3A_460, %swap3A_461] : memref<2x32x16384xf32, #tpu.memory_space<vmem>>, vector<1x32x128xf32>
    %swap3A_463 = vector.shape_cast %swap3A_462 : vector<1x32x128xf32> to vector<32x128xf32>
    %swap3A_464 = vector.shape_cast %slice3A_458 : vector<32x128xf32> to vector<1x32x128xf32>
    tpu.vector_store %arg2[%swap3A_459, %swap3A_460, %swap3A_461], %swap3A_464 {strides = array<i32>} : memref<2x32x16384xf32, #tpu.memory_space<vmem>>, vector<1x32x128xf32>,
    %slice3A_465 = vector.extract_strided_slice %transpose3A_443 {offsets = [96, 0], sizes = [32, 128], strides = [1, 1]} : vector<128x128xf32> to vector<32x128xf32>
    %swap3A_466 = arith.constant 0 : index
    %swap3A_467 = arith.constant 0 : index
    %swap3A_468 = arith.constant 13952 : index
    %swap3A_469 = vector.load %arg2[%swap3A_466, %swap3A_467, %swap3A_468] : memref<2x32x16384xf32, #tpu.memory_space<vmem>>, vector<1x32x128xf32>
    %swap3A_470 = vector.shape_cast %swap3A_469 : vector<1x32x128xf32> to vector<32x128xf32>
    %swap3A_471 = vector.shape_cast %slice3A_465 : vector<32x128xf32> to vector<1x32x128xf32>
    tpu.vector_store %arg2[%swap3A_466, %swap3A_467, %swap3A_468], %swap3A_471 {strides = array<i32>} : memref<2x32x16384xf32, #tpu.memory_space<vmem>>, vector<1x32x128xf32>,
    %get3A_472 = arith.constant 0 : index
    %get3A_473 = arith.constant 1792 : index
    %get3A_474 = arith.constant 0 : index
    %get3A_475 = vector.load %arg1[%get3A_472, %get3A_473, %get3A_474] : memref<2x4096x128xf32, #tpu.memory_space<vmem>>, vector<1x128x128xf32>
    %get3A_476 = vector.shape_cast %get3A_475 : vector<1x128x128xf32> to vector<128x128xf32>
    %transpose3A_477 = tpu.transpose %get3A_476, [1, 0] : vector<128x128xf32> -> vector<128x128xf32>
    %slice3A_478 = vector.extract_strided_slice %transpose3A_477 {offsets = [0, 0], sizes = [32, 128], strides = [1, 1]} : vector<128x128xf32> to vector<32x128xf32>
    %swap3A_479 = arith.constant 0 : index
    %swap3A_480 = arith.constant 0 : index
    %swap3A_481 = arith.constant 1792 : index
    %swap3A_482 = vector.load %arg2[%swap3A_479, %swap3A_480, %swap3A_481] : memref<2x32x16384xf32, #tpu.memory_space<vmem>>, vector<1x32x128xf32>
    %swap3A_483 = vector.shape_cast %swap3A_482 : vector<1x32x128xf32> to vector<32x128xf32>
    %swap3A_484 = vector.shape_cast %slice3A_478 : vector<32x128xf32> to vector<1x32x128xf32>
    tpu.vector_store %arg2[%swap3A_479, %swap3A_480, %swap3A_481], %swap3A_484 {strides = array<i32>} : memref<2x32x16384xf32, #tpu.memory_space<vmem>>, vector<1x32x128xf32>,
    %slice3A_485 = vector.extract_strided_slice %transpose3A_477 {offsets = [32, 0], sizes = [32, 128], strides = [1, 1]} : vector<128x128xf32> to vector<32x128xf32>
    %swap3A_486 = arith.constant 0 : index
    %swap3A_487 = arith.constant 0 : index
    %swap3A_488 = arith.constant 5888 : index
    %swap3A_489 = vector.load %arg2[%swap3A_486, %swap3A_487, %swap3A_488] : memref<2x32x16384xf32, #tpu.memory_space<vmem>>, vector<1x32x128xf32>
    %swap3A_490 = vector.shape_cast %swap3A_489 : vector<1x32x128xf32> to vector<32x128xf32>
    %swap3A_491 = vector.shape_cast %slice3A_485 : vector<32x128xf32> to vector<1x32x128xf32>
    tpu.vector_store %arg2[%swap3A_486, %swap3A_487, %swap3A_488], %swap3A_491 {strides = array<i32>} : memref<2x32x16384xf32, #tpu.memory_space<vmem>>, vector<1x32x128xf32>,
    %slice3A_492 = vector.extract_strided_slice %transpose3A_477 {offsets = [64, 0], sizes = [32, 128], strides = [1, 1]} : vector<128x128xf32> to vector<32x128xf32>
    %swap3A_493 = arith.constant 0 : index
    %swap3A_494 = arith.constant 0 : index
    %swap3A_495 = arith.constant 9984 : index
    %swap3A_496 = vector.load %arg2[%swap3A_493, %swap3A_494, %swap3A_495] : memref<2x32x16384xf32, #tpu.memory_space<vmem>>, vector<1x32x128xf32>
    %swap3A_497 = vector.shape_cast %swap3A_496 : vector<1x32x128xf32> to vector<32x128xf32>
    %swap3A_498 = vector.shape_cast %slice3A_492 : vector<32x128xf32> to vector<1x32x128xf32>
    tpu.vector_store %arg2[%swap3A_493, %swap3A_494, %swap3A_495], %swap3A_498 {strides = array<i32>} : memref<2x32x16384xf32, #tpu.memory_space<vmem>>, vector<1x32x128xf32>,
    %slice3A_499 = vector.extract_strided_slice %transpose3A_477 {offsets = [96, 0], sizes = [32, 128], strides = [1, 1]} : vector<128x128xf32> to vector<32x128xf32>
    %swap3A_500 = arith.constant 0 : index
    %swap3A_501 = arith.constant 0 : index
    %swap3A_502 = arith.constant 14080 : index
    %swap3A_503 = vector.load %arg2[%swap3A_500, %swap3A_501, %swap3A_502] : memref<2x32x16384xf32, #tpu.memory_space<vmem>>, vector<1x32x128xf32>
    %swap3A_504 = vector.shape_cast %swap3A_503 : vector<1x32x128xf32> to vector<32x128xf32>
    %swap3A_505 = vector.shape_cast %slice3A_499 : vector<32x128xf32> to vector<1x32x128xf32>
    tpu.vector_store %arg2[%swap3A_500, %swap3A_501, %swap3A_502], %swap3A_505 {strides = array<i32>} : memref<2x32x16384xf32, #tpu.memory_space<vmem>>, vector<1x32x128xf32>,
    %get3A_506 = arith.constant 0 : index
    %get3A_507 = arith.constant 1920 : index
    %get3A_508 = arith.constant 0 : index
    %get3A_509 = vector.load %arg1[%get3A_506, %get3A_507, %get3A_508] : memref<2x4096x128xf32, #tpu.memory_space<vmem>>, vector<1x128x128xf32>
    %get3A_510 = vector.shape_cast %get3A_509 : vector<1x128x128xf32> to vector<128x128xf32>
    %transpose3A_511 = tpu.transpose %get3A_510, [1, 0] : vector<128x128xf32> -> vector<128x128xf32>
    %slice3A_512 = vector.extract_strided_slice %transpose3A_511 {offsets = [0, 0], sizes = [32, 128], strides = [1, 1]} : vector<128x128xf32> to vector<32x128xf32>
    %swap3A_513 = arith.constant 0 : index
    %swap3A_514 = arith.constant 0 : index
    %swap3A_515 = arith.constant 1920 : index
    %swap3A_516 = vector.load %arg2[%swap3A_513, %swap3A_514, %swap3A_515] : memref<2x32x16384xf32, #tpu.memory_space<vmem>>, vector<1x32x128xf32>
    %swap3A_517 = vector.shape_cast %swap3A_516 : vector<1x32x128xf32> to vector<32x128xf32>
    %swap3A_518 = vector.shape_cast %slice3A_512 : vector<32x128xf32> to vector<1x32x128xf32>
    tpu.vector_store %arg2[%swap3A_513, %swap3A_514, %swap3A_515], %swap3A_518 {strides = array<i32>} : memref<2x32x16384xf32, #tpu.memory_space<vmem>>, vector<1x32x128xf32>,
    %slice3A_519 = vector.extract_strided_slice %transpose3A_511 {offsets = [32, 0], sizes = [32, 128], strides = [1, 1]} : vector<128x128xf32> to vector<32x128xf32>
    %swap3A_520 = arith.constant 0 : index
    %swap3A_521 = arith.constant 0 : index
    %swap3A_522 = arith.constant 6016 : index
    %swap3A_523 = vector.load %arg2[%swap3A_520, %swap3A_521, %swap3A_522] : memref<2x32x16384xf32, #tpu.memory_space<vmem>>, vector<1x32x128xf32>
    %swap3A_524 = vector.shape_cast %swap3A_523 : vector<1x32x128xf32> to vector<32x128xf32>
    %swap3A_525 = vector.shape_cast %slice3A_519 : vector<32x128xf32> to vector<1x32x128xf32>
    tpu.vector_store %arg2[%swap3A_520, %swap3A_521, %swap3A_522], %swap3A_525 {strides = array<i32>} : memref<2x32x16384xf32, #tpu.memory_space<vmem>>, vector<1x32x128xf32>,
    %slice3A_526 = vector.extract_strided_slice %transpose3A_511 {offsets = [64, 0], sizes = [32, 128], strides = [1, 1]} : vector<128x128xf32> to vector<32x128xf32>
    %swap3A_527 = arith.constant 0 : index
    %swap3A_528 = arith.constant 0 : index
    %swap3A_529 = arith.constant 10112 : index
    %swap3A_530 = vector.load %arg2[%swap3A_527, %swap3A_528, %swap3A_529] : memref<2x32x16384xf32, #tpu.memory_space<vmem>>, vector<1x32x128xf32>
    %swap3A_531 = vector.shape_cast %swap3A_530 : vector<1x32x128xf32> to vector<32x128xf32>
    %swap3A_532 = vector.shape_cast %slice3A_526 : vector<32x128xf32> to vector<1x32x128xf32>
    tpu.vector_store %arg2[%swap3A_527, %swap3A_528, %swap3A_529], %swap3A_532 {strides = array<i32>} : memref<2x32x16384xf32, #tpu.memory_space<vmem>>, vector<1x32x128xf32>,
    %slice3A_533 = vector.extract_strided_slice %transpose3A_511 {offsets = [96, 0], sizes = [32, 128], strides = [1, 1]} : vector<128x128xf32> to vector<32x128xf32>
    %swap3A_534 = arith.constant 0 : index
    %swap3A_535 = arith.constant 0 : index
    %swap3A_536 = arith.constant 14208 : index
    %swap3A_537 = vector.load %arg2[%swap3A_534, %swap3A_535, %swap3A_536] : memref<2x32x16384xf32, #tpu.memory_space<vmem>>, vector<1x32x128xf32>
    %swap3A_538 = vector.shape_cast %swap3A_537 : vector<1x32x128xf32> to vector<32x128xf32>
    %swap3A_539 = vector.shape_cast %slice3A_533 : vector<32x128xf32> to vector<1x32x128xf32>
    tpu.vector_store %arg2[%swap3A_534, %swap3A_535, %swap3A_536], %swap3A_539 {strides = array<i32>} : memref<2x32x16384xf32, #tpu.memory_space<vmem>>, vector<1x32x128xf32>,
    %get3A_540 = arith.constant 0 : index
    %get3A_541 = arith.constant 2048 : index
    %get3A_542 = arith.constant 0 : index
    %get3A_543 = vector.load %arg1[%get3A_540, %get3A_541, %get3A_542] : memref<2x4096x128xf32, #tpu.memory_space<vmem>>, vector<1x128x128xf32>
    %get3A_544 = vector.shape_cast %get3A_543 : vector<1x128x128xf32> to vector<128x128xf32>
    %transpose3A_545 = tpu.transpose %get3A_544, [1, 0] : vector<128x128xf32> -> vector<128x128xf32>
    %slice3A_546 = vector.extract_strided_slice %transpose3A_545 {offsets = [0, 0], sizes = [32, 128], strides = [1, 1]} : vector<128x128xf32> to vector<32x128xf32>
    %swap3A_547 = arith.constant 0 : index
    %swap3A_548 = arith.constant 0 : index
    %swap3A_549 = arith.constant 2048 : index
    %swap3A_550 = vector.load %arg2[%swap3A_547, %swap3A_548, %swap3A_549] : memref<2x32x16384xf32, #tpu.memory_space<vmem>>, vector<1x32x128xf32>
    %swap3A_551 = vector.shape_cast %swap3A_550 : vector<1x32x128xf32> to vector<32x128xf32>
    %swap3A_552 = vector.shape_cast %slice3A_546 : vector<32x128xf32> to vector<1x32x128xf32>
    tpu.vector_store %arg2[%swap3A_547, %swap3A_548, %swap3A_549], %swap3A_552 {strides = array<i32>} : memref<2x32x16384xf32, #tpu.memory_space<vmem>>, vector<1x32x128xf32>,
    %slice3A_553 = vector.extract_strided_slice %transpose3A_545 {offsets = [32, 0], sizes = [32, 128], strides = [1, 1]} : vector<128x128xf32> to vector<32x128xf32>
    %swap3A_554 = arith.constant 0 : index
    %swap3A_555 = arith.constant 0 : index
    %swap3A_556 = arith.constant 6144 : index
    %swap3A_557 = vector.load %arg2[%swap3A_554, %swap3A_555, %swap3A_556] : memref<2x32x16384xf32, #tpu.memory_space<vmem>>, vector<1x32x128xf32>
    %swap3A_558 = vector.shape_cast %swap3A_557 : vector<1x32x128xf32> to vector<32x128xf32>
    %swap3A_559 = vector.shape_cast %slice3A_553 : vector<32x128xf32> to vector<1x32x128xf32>
    tpu.vector_store %arg2[%swap3A_554, %swap3A_555, %swap3A_556], %swap3A_559 {strides = array<i32>} : memref<2x32x16384xf32, #tpu.memory_space<vmem>>, vector<1x32x128xf32>,
    %slice3A_560 = vector.extract_strided_slice %transpose3A_545 {offsets = [64, 0], sizes = [32, 128], strides = [1, 1]} : vector<128x128xf32> to vector<32x128xf32>
    %swap3A_561 = arith.constant 0 : index
    %swap3A_562 = arith.constant 0 : index
    %swap3A_563 = arith.constant 10240 : index
    %swap3A_564 = vector.load %arg2[%swap3A_561, %swap3A_562, %swap3A_563] : memref<2x32x16384xf32, #tpu.memory_space<vmem>>, vector<1x32x128xf32>
    %swap3A_565 = vector.shape_cast %swap3A_564 : vector<1x32x128xf32> to vector<32x128xf32>
    %swap3A_566 = vector.shape_cast %slice3A_560 : vector<32x128xf32> to vector<1x32x128xf32>
    tpu.vector_store %arg2[%swap3A_561, %swap3A_562, %swap3A_563], %swap3A_566 {strides = array<i32>} : memref<2x32x16384xf32, #tpu.memory_space<vmem>>, vector<1x32x128xf32>,
    %slice3A_567 = vector.extract_strided_slice %transpose3A_545 {offsets = [96, 0], sizes = [32, 128], strides = [1, 1]} : vector<128x128xf32> to vector<32x128xf32>
    %swap3A_568 = arith.constant 0 : index
    %swap3A_569 = arith.constant 0 : index
    %swap3A_570 = arith.constant 14336 : index
    %swap3A_571 = vector.load %arg2[%swap3A_568, %swap3A_569, %swap3A_570] : memref<2x32x16384xf32, #tpu.memory_space<vmem>>, vector<1x32x128xf32>
    %swap3A_572 = vector.shape_cast %swap3A_571 : vector<1x32x128xf32> to vector<32x128xf32>
    %swap3A_573 = vector.shape_cast %slice3A_567 : vector<32x128xf32> to vector<1x32x128xf32>
    tpu.vector_store %arg2[%swap3A_568, %swap3A_569, %swap3A_570], %swap3A_573 {strides = array<i32>} : memref<2x32x16384xf32, #tpu.memory_space<vmem>>, vector<1x32x128xf32>,
    %get3A_574 = arith.constant 0 : index
    %get3A_575 = arith.constant 2176 : index
    %get3A_576 = arith.constant 0 : index
    %get3A_577 = vector.load %arg1[%get3A_574, %get3A_575, %get3A_576] : memref<2x4096x128xf32, #tpu.memory_space<vmem>>, vector<1x128x128xf32>
    %get3A_578 = vector.shape_cast %get3A_577 : vector<1x128x128xf32> to vector<128x128xf32>
    %transpose3A_579 = tpu.transpose %get3A_578, [1, 0] : vector<128x128xf32> -> vector<128x128xf32>
    %slice3A_580 = vector.extract_strided_slice %transpose3A_579 {offsets = [0, 0], sizes = [32, 128], strides = [1, 1]} : vector<128x128xf32> to vector<32x128xf32>
    %swap3A_581 = arith.constant 0 : index
    %swap3A_582 = arith.constant 0 : index
    %swap3A_583 = arith.constant 2176 : index
    %swap3A_584 = vector.load %arg2[%swap3A_581, %swap3A_582, %swap3A_583] : memref<2x32x16384xf32, #tpu.memory_space<vmem>>, vector<1x32x128xf32>
    %swap3A_585 = vector.shape_cast %swap3A_584 : vector<1x32x128xf32> to vector<32x128xf32>
    %swap3A_586 = vector.shape_cast %slice3A_580 : vector<32x128xf32> to vector<1x32x128xf32>
    tpu.vector_store %arg2[%swap3A_581, %swap3A_582, %swap3A_583], %swap3A_586 {strides = array<i32>} : memref<2x32x16384xf32, #tpu.memory_space<vmem>>, vector<1x32x128xf32>,
    %slice3A_587 = vector.extract_strided_slice %transpose3A_579 {offsets = [32, 0], sizes = [32, 128], strides = [1, 1]} : vector<128x128xf32> to vector<32x128xf32>
    %swap3A_588 = arith.constant 0 : index
    %swap3A_589 = arith.constant 0 : index
    %swap3A_590 = arith.constant 6272 : index
    %swap3A_591 = vector.load %arg2[%swap3A_588, %swap3A_589, %swap3A_590] : memref<2x32x16384xf32, #tpu.memory_space<vmem>>, vector<1x32x128xf32>
    %swap3A_592 = vector.shape_cast %swap3A_591 : vector<1x32x128xf32> to vector<32x128xf32>
    %swap3A_593 = vector.shape_cast %slice3A_587 : vector<32x128xf32> to vector<1x32x128xf32>
    tpu.vector_store %arg2[%swap3A_588, %swap3A_589, %swap3A_590], %swap3A_593 {strides = array<i32>} : memref<2x32x16384xf32, #tpu.memory_space<vmem>>, vector<1x32x128xf32>,
    %slice3A_594 = vector.extract_strided_slice %transpose3A_579 {offsets = [64, 0], sizes = [32, 128], strides = [1, 1]} : vector<128x128xf32> to vector<32x128xf32>
    %swap3A_595 = arith.constant 0 : index
    %swap3A_596 = arith.constant 0 : index
    %swap3A_597 = arith.constant 10368 : index
    %swap3A_598 = vector.load %arg2[%swap3A_595, %swap3A_596, %swap3A_597] : memref<2x32x16384xf32, #tpu.memory_space<vmem>>, vector<1x32x128xf32>
    %swap3A_599 = vector.shape_cast %swap3A_598 : vector<1x32x128xf32> to vector<32x128xf32>
    %swap3A_600 = vector.shape_cast %slice3A_594 : vector<32x128xf32> to vector<1x32x128xf32>
    tpu.vector_store %arg2[%swap3A_595, %swap3A_596, %swap3A_597], %swap3A_600 {strides = array<i32>} : memref<2x32x16384xf32, #tpu.memory_space<vmem>>, vector<1x32x128xf32>,
    %slice3A_601 = vector.extract_strided_slice %transpose3A_579 {offsets = [96, 0], sizes = [32, 128], strides = [1, 1]} : vector<128x128xf32> to vector<32x128xf32>
    %swap3A_602 = arith.constant 0 : index
    %swap3A_603 = arith.constant 0 : index
    %swap3A_604 = arith.constant 14464 : index
    %swap3A_605 = vector.load %arg2[%swap3A_602, %swap3A_603, %swap3A_604] : memref<2x32x16384xf32, #tpu.memory_space<vmem>>, vector<1x32x128xf32>
    %swap3A_606 = vector.shape_cast %swap3A_605 : vector<1x32x128xf32> to vector<32x128xf32>
    %swap3A_607 = vector.shape_cast %slice3A_601 : vector<32x128xf32> to vector<1x32x128xf32>
    tpu.vector_store %arg2[%swap3A_602, %swap3A_603, %swap3A_604], %swap3A_607 {strides = array<i32>} : memref<2x32x16384xf32, #tpu.memory_space<vmem>>, vector<1x32x128xf32>,
    %get3A_608 = arith.constant 0 : index
    %get3A_609 = arith.constant 2304 : index
    %get3A_610 = arith.constant 0 : index
    %get3A_611 = vector.load %arg1[%get3A_608, %get3A_609, %get3A_610] : memref<2x4096x128xf32, #tpu.memory_space<vmem>>, vector<1x128x128xf32>
    %get3A_612 = vector.shape_cast %get3A_611 : vector<1x128x128xf32> to vector<128x128xf32>
    %transpose3A_613 = tpu.transpose %get3A_612, [1, 0] : vector<128x128xf32> -> vector<128x128xf32>
    %slice3A_614 = vector.extract_strided_slice %transpose3A_613 {offsets = [0, 0], sizes = [32, 128], strides = [1, 1]} : vector<128x128xf32> to vector<32x128xf32>
    %swap3A_615 = arith.constant 0 : index
    %swap3A_616 = arith.constant 0 : index
    %swap3A_617 = arith.constant 2304 : index
    %swap3A_618 = vector.load %arg2[%swap3A_615, %swap3A_616, %swap3A_617] : memref<2x32x16384xf32, #tpu.memory_space<vmem>>, vector<1x32x128xf32>
    %swap3A_619 = vector.shape_cast %swap3A_618 : vector<1x32x128xf32> to vector<32x128xf32>
    %swap3A_620 = vector.shape_cast %slice3A_614 : vector<32x128xf32> to vector<1x32x128xf32>
    tpu.vector_store %arg2[%swap3A_615, %swap3A_616, %swap3A_617], %swap3A_620 {strides = array<i32>} : memref<2x32x16384xf32, #tpu.memory_space<vmem>>, vector<1x32x128xf32>,
    %slice3A_621 = vector.extract_strided_slice %transpose3A_613 {offsets = [32, 0], sizes = [32, 128], strides = [1, 1]} : vector<128x128xf32> to vector<32x128xf32>
    %swap3A_622 = arith.constant 0 : index
    %swap3A_623 = arith.constant 0 : index
    %swap3A_624 = arith.constant 6400 : index
    %swap3A_625 = vector.load %arg2[%swap3A_622, %swap3A_623, %swap3A_624] : memref<2x32x16384xf32, #tpu.memory_space<vmem>>, vector<1x32x128xf32>
    %swap3A_626 = vector.shape_cast %swap3A_625 : vector<1x32x128xf32> to vector<32x128xf32>
    %swap3A_627 = vector.shape_cast %slice3A_621 : vector<32x128xf32> to vector<1x32x128xf32>
    tpu.vector_store %arg2[%swap3A_622, %swap3A_623, %swap3A_624], %swap3A_627 {strides = array<i32>} : memref<2x32x16384xf32, #tpu.memory_space<vmem>>, vector<1x32x128xf32>,
    %slice3A_628 = vector.extract_strided_slice %transpose3A_613 {offsets = [64, 0], sizes = [32, 128], strides = [1, 1]} : vector<128x128xf32> to vector<32x128xf32>
    %swap3A_629 = arith.constant 0 : index
    %swap3A_630 = arith.constant 0 : index
    %swap3A_631 = arith.constant 10496 : index
    %swap3A_632 = vector.load %arg2[%swap3A_629, %swap3A_630, %swap3A_631] : memref<2x32x16384xf32, #tpu.memory_space<vmem>>, vector<1x32x128xf32>
    %swap3A_633 = vector.shape_cast %swap3A_632 : vector<1x32x128xf32> to vector<32x128xf32>
    %swap3A_634 = vector.shape_cast %slice3A_628 : vector<32x128xf32> to vector<1x32x128xf32>
    tpu.vector_store %arg2[%swap3A_629, %swap3A_630, %swap3A_631], %swap3A_634 {strides = array<i32>} : memref<2x32x16384xf32, #tpu.memory_space<vmem>>, vector<1x32x128xf32>,
    %slice3A_635 = vector.extract_strided_slice %transpose3A_613 {offsets = [96, 0], sizes = [32, 128], strides = [1, 1]} : vector<128x128xf32> to vector<32x128xf32>
    %swap3A_636 = arith.constant 0 : index
    %swap3A_637 = arith.constant 0 : index
    %swap3A_638 = arith.constant 14592 : index
    %swap3A_639 = vector.load %arg2[%swap3A_636, %swap3A_637, %swap3A_638] : memref<2x32x16384xf32, #tpu.memory_space<vmem>>, vector<1x32x128xf32>
    %swap3A_640 = vector.shape_cast %swap3A_639 : vector<1x32x128xf32> to vector<32x128xf32>
    %swap3A_641 = vector.shape_cast %slice3A_635 : vector<32x128xf32> to vector<1x32x128xf32>
    tpu.vector_store %arg2[%swap3A_636, %swap3A_637, %swap3A_638], %swap3A_641 {strides = array<i32>} : memref<2x32x16384xf32, #tpu.memory_space<vmem>>, vector<1x32x128xf32>,
    %get3A_642 = arith.constant 0 : index
    %get3A_643 = arith.constant 2432 : index
    %get3A_644 = arith.constant 0 : index
    %get3A_645 = vector.load %arg1[%get3A_642, %get3A_643, %get3A_644] : memref<2x4096x128xf32, #tpu.memory_space<vmem>>, vector<1x128x128xf32>
    %get3A_646 = vector.shape_cast %get3A_645 : vector<1x128x128xf32> to vector<128x128xf32>
    %transpose3A_647 = tpu.transpose %get3A_646, [1, 0] : vector<128x128xf32> -> vector<128x128xf32>
    %slice3A_648 = vector.extract_strided_slice %transpose3A_647 {offsets = [0, 0], sizes = [32, 128], strides = [1, 1]} : vector<128x128xf32> to vector<32x128xf32>
    %swap3A_649 = arith.constant 0 : index
    %swap3A_650 = arith.constant 0 : index
    %swap3A_651 = arith.constant 2432 : index
    %swap3A_652 = vector.load %arg2[%swap3A_649, %swap3A_650, %swap3A_651] : memref<2x32x16384xf32, #tpu.memory_space<vmem>>, vector<1x32x128xf32>
    %swap3A_653 = vector.shape_cast %swap3A_652 : vector<1x32x128xf32> to vector<32x128xf32>
    %swap3A_654 = vector.shape_cast %slice3A_648 : vector<32x128xf32> to vector<1x32x128xf32>
    tpu.vector_store %arg2[%swap3A_649, %swap3A_650, %swap3A_651], %swap3A_654 {strides = array<i32>} : memref<2x32x16384xf32, #tpu.memory_space<vmem>>, vector<1x32x128xf32>,
    %slice3A_655 = vector.extract_strided_slice %transpose3A_647 {offsets = [32, 0], sizes = [32, 128], strides = [1, 1]} : vector<128x128xf32> to vector<32x128xf32>
    %swap3A_656 = arith.constant 0 : index
    %swap3A_657 = arith.constant 0 : index
    %swap3A_658 = arith.constant 6528 : index
    %swap3A_659 = vector.load %arg2[%swap3A_656, %swap3A_657, %swap3A_658] : memref<2x32x16384xf32, #tpu.memory_space<vmem>>, vector<1x32x128xf32>
    %swap3A_660 = vector.shape_cast %swap3A_659 : vector<1x32x128xf32> to vector<32x128xf32>
    %swap3A_661 = vector.shape_cast %slice3A_655 : vector<32x128xf32> to vector<1x32x128xf32>
    tpu.vector_store %arg2[%swap3A_656, %swap3A_657, %swap3A_658], %swap3A_661 {strides = array<i32>} : memref<2x32x16384xf32, #tpu.memory_space<vmem>>, vector<1x32x128xf32>,
    %slice3A_662 = vector.extract_strided_slice %transpose3A_647 {offsets = [64, 0], sizes = [32, 128], strides = [1, 1]} : vector<128x128xf32> to vector<32x128xf32>
    %swap3A_663 = arith.constant 0 : index
    %swap3A_664 = arith.constant 0 : index
    %swap3A_665 = arith.constant 10624 : index
    %swap3A_666 = vector.load %arg2[%swap3A_663, %swap3A_664, %swap3A_665] : memref<2x32x16384xf32, #tpu.memory_space<vmem>>, vector<1x32x128xf32>
    %swap3A_667 = vector.shape_cast %swap3A_666 : vector<1x32x128xf32> to vector<32x128xf32>
    %swap3A_668 = vector.shape_cast %slice3A_662 : vector<32x128xf32> to vector<1x32x128xf32>
    tpu.vector_store %arg2[%swap3A_663, %swap3A_664, %swap3A_665], %swap3A_668 {strides = array<i32>} : memref<2x32x16384xf32, #tpu.memory_space<vmem>>, vector<1x32x128xf32>,
    %slice3A_669 = vector.extract_strided_slice %transpose3A_647 {offsets = [96, 0], sizes = [32, 128], strides = [1, 1]} : vector<128x128xf32> to vector<32x128xf32>
    %swap3A_670 = arith.constant 0 : index
    %swap3A_671 = arith.constant 0 : index
    %swap3A_672 = arith.constant 14720 : index
    %swap3A_673 = vector.load %arg2[%swap3A_670, %swap3A_671, %swap3A_672] : memref<2x32x16384xf32, #tpu.memory_space<vmem>>, vector<1x32x128xf32>
    %swap3A_674 = vector.shape_cast %swap3A_673 : vector<1x32x128xf32> to vector<32x128xf32>
    %swap3A_675 = vector.shape_cast %slice3A_669 : vector<32x128xf32> to vector<1x32x128xf32>
    tpu.vector_store %arg2[%swap3A_670, %swap3A_671, %swap3A_672], %swap3A_675 {strides = array<i32>} : memref<2x32x16384xf32, #tpu.memory_space<vmem>>, vector<1x32x128xf32>,
    %get3A_676 = arith.constant 0 : index
    %get3A_677 = arith.constant 2560 : index
    %get3A_678 = arith.constant 0 : index
    %get3A_679 = vector.load %arg1[%get3A_676, %get3A_677, %get3A_678] : memref<2x4096x128xf32, #tpu.memory_space<vmem>>, vector<1x128x128xf32>
    %get3A_680 = vector.shape_cast %get3A_679 : vector<1x128x128xf32> to vector<128x128xf32>
    %transpose3A_681 = tpu.transpose %get3A_680, [1, 0] : vector<128x128xf32> -> vector<128x128xf32>
    %slice3A_682 = vector.extract_strided_slice %transpose3A_681 {offsets = [0, 0], sizes = [32, 128], strides = [1, 1]} : vector<128x128xf32> to vector<32x128xf32>
    %swap3A_683 = arith.constant 0 : index
    %swap3A_684 = arith.constant 0 : index
    %swap3A_685 = arith.constant 2560 : index
    %swap3A_686 = vector.load %arg2[%swap3A_683, %swap3A_684, %swap3A_685] : memref<2x32x16384xf32, #tpu.memory_space<vmem>>, vector<1x32x128xf32>
    %swap3A_687 = vector.shape_cast %swap3A_686 : vector<1x32x128xf32> to vector<32x128xf32>
    %swap3A_688 = vector.shape_cast %slice3A_682 : vector<32x128xf32> to vector<1x32x128xf32>
    tpu.vector_store %arg2[%swap3A_683, %swap3A_684, %swap3A_685], %swap3A_688 {strides = array<i32>} : memref<2x32x16384xf32, #tpu.memory_space<vmem>>, vector<1x32x128xf32>,
    %slice3A_689 = vector.extract_strided_slice %transpose3A_681 {offsets = [32, 0], sizes = [32, 128], strides = [1, 1]} : vector<128x128xf32> to vector<32x128xf32>
    %swap3A_690 = arith.constant 0 : index
    %swap3A_691 = arith.constant 0 : index
    %swap3A_692 = arith.constant 6656 : index
    %swap3A_693 = vector.load %arg2[%swap3A_690, %swap3A_691, %swap3A_692] : memref<2x32x16384xf32, #tpu.memory_space<vmem>>, vector<1x32x128xf32>
    %swap3A_694 = vector.shape_cast %swap3A_693 : vector<1x32x128xf32> to vector<32x128xf32>
    %swap3A_695 = vector.shape_cast %slice3A_689 : vector<32x128xf32> to vector<1x32x128xf32>
    tpu.vector_store %arg2[%swap3A_690, %swap3A_691, %swap3A_692], %swap3A_695 {strides = array<i32>} : memref<2x32x16384xf32, #tpu.memory_space<vmem>>, vector<1x32x128xf32>,
    %slice3A_696 = vector.extract_strided_slice %transpose3A_681 {offsets = [64, 0], sizes = [32, 128], strides = [1, 1]} : vector<128x128xf32> to vector<32x128xf32>
    %swap3A_697 = arith.constant 0 : index
    %swap3A_698 = arith.constant 0 : index
    %swap3A_699 = arith.constant 10752 : index
    %swap3A_700 = vector.load %arg2[%swap3A_697, %swap3A_698, %swap3A_699] : memref<2x32x16384xf32, #tpu.memory_space<vmem>>, vector<1x32x128xf32>
    %swap3A_701 = vector.shape_cast %swap3A_700 : vector<1x32x128xf32> to vector<32x128xf32>
    %swap3A_702 = vector.shape_cast %slice3A_696 : vector<32x128xf32> to vector<1x32x128xf32>
    tpu.vector_store %arg2[%swap3A_697, %swap3A_698, %swap3A_699], %swap3A_702 {strides = array<i32>} : memref<2x32x16384xf32, #tpu.memory_space<vmem>>, vector<1x32x128xf32>,
    %slice3A_703 = vector.extract_strided_slice %transpose3A_681 {offsets = [96, 0], sizes = [32, 128], strides = [1, 1]} : vector<128x128xf32> to vector<32x128xf32>
    %swap3A_704 = arith.constant 0 : index
    %swap3A_705 = arith.constant 0 : index
    %swap3A_706 = arith.constant 14848 : index
    %swap3A_707 = vector.load %arg2[%swap3A_704, %swap3A_705, %swap3A_706] : memref<2x32x16384xf32, #tpu.memory_space<vmem>>, vector<1x32x128xf32>
    %swap3A_708 = vector.shape_cast %swap3A_707 : vector<1x32x128xf32> to vector<32x128xf32>
    %swap3A_709 = vector.shape_cast %slice3A_703 : vector<32x128xf32> to vector<1x32x128xf32>
    tpu.vector_store %arg2[%swap3A_704, %swap3A_705, %swap3A_706], %swap3A_709 {strides = array<i32>} : memref<2x32x16384xf32, #tpu.memory_space<vmem>>, vector<1x32x128xf32>,
    %get3A_710 = arith.constant 0 : index
    %get3A_711 = arith.constant 2688 : index
    %get3A_712 = arith.constant 0 : index
    %get3A_713 = vector.load %arg1[%get3A_710, %get3A_711, %get3A_712] : memref<2x4096x128xf32, #tpu.memory_space<vmem>>, vector<1x128x128xf32>
    %get3A_714 = vector.shape_cast %get3A_713 : vector<1x128x128xf32> to vector<128x128xf32>
    %transpose3A_715 = tpu.transpose %get3A_714, [1, 0] : vector<128x128xf32> -> vector<128x128xf32>
    %slice3A_716 = vector.extract_strided_slice %transpose3A_715 {offsets = [0, 0], sizes = [32, 128], strides = [1, 1]} : vector<128x128xf32> to vector<32x128xf32>
    %swap3A_717 = arith.constant 0 : index
    %swap3A_718 = arith.constant 0 : index
    %swap3A_719 = arith.constant 2688 : index
    %swap3A_720 = vector.load %arg2[%swap3A_717, %swap3A_718, %swap3A_719] : memref<2x32x16384xf32, #tpu.memory_space<vmem>>, vector<1x32x128xf32>
    %swap3A_721 = vector.shape_cast %swap3A_720 : vector<1x32x128xf32> to vector<32x128xf32>
    %swap3A_722 = vector.shape_cast %slice3A_716 : vector<32x128xf32> to vector<1x32x128xf32>
    tpu.vector_store %arg2[%swap3A_717, %swap3A_718, %swap3A_719], %swap3A_722 {strides = array<i32>} : memref<2x32x16384xf32, #tpu.memory_space<vmem>>, vector<1x32x128xf32>,
    %slice3A_723 = vector.extract_strided_slice %transpose3A_715 {offsets = [32, 0], sizes = [32, 128], strides = [1, 1]} : vector<128x128xf32> to vector<32x128xf32>
    %swap3A_724 = arith.constant 0 : index
    %swap3A_725 = arith.constant 0 : index
    %swap3A_726 = arith.constant 6784 : index
    %swap3A_727 = vector.load %arg2[%swap3A_724, %swap3A_725, %swap3A_726] : memref<2x32x16384xf32, #tpu.memory_space<vmem>>, vector<1x32x128xf32>
    %swap3A_728 = vector.shape_cast %swap3A_727 : vector<1x32x128xf32> to vector<32x128xf32>
    %swap3A_729 = vector.shape_cast %slice3A_723 : vector<32x128xf32> to vector<1x32x128xf32>
    tpu.vector_store %arg2[%swap3A_724, %swap3A_725, %swap3A_726], %swap3A_729 {strides = array<i32>} : memref<2x32x16384xf32, #tpu.memory_space<vmem>>, vector<1x32x128xf32>,
    %slice3A_730 = vector.extract_strided_slice %transpose3A_715 {offsets = [64, 0], sizes = [32, 128], strides = [1, 1]} : vector<128x128xf32> to vector<32x128xf32>
    %swap3A_731 = arith.constant 0 : index
    %swap3A_732 = arith.constant 0 : index
    %swap3A_733 = arith.constant 10880 : index
    %swap3A_734 = vector.load %arg2[%swap3A_731, %swap3A_732, %swap3A_733] : memref<2x32x16384xf32, #tpu.memory_space<vmem>>, vector<1x32x128xf32>
    %swap3A_735 = vector.shape_cast %swap3A_734 : vector<1x32x128xf32> to vector<32x128xf32>
    %swap3A_736 = vector.shape_cast %slice3A_730 : vector<32x128xf32> to vector<1x32x128xf32>
    tpu.vector_store %arg2[%swap3A_731, %swap3A_732, %swap3A_733], %swap3A_736 {strides = array<i32>} : memref<2x32x16384xf32, #tpu.memory_space<vmem>>, vector<1x32x128xf32>,
    %slice3A_737 = vector.extract_strided_slice %transpose3A_715 {offsets = [96, 0], sizes = [32, 128], strides = [1, 1]} : vector<128x128xf32> to vector<32x128xf32>
    %swap3A_738 = arith.constant 0 : index
    %swap3A_739 = arith.constant 0 : index
    %swap3A_740 = arith.constant 14976 : index
    %swap3A_741 = vector.load %arg2[%swap3A_738, %swap3A_739, %swap3A_740] : memref<2x32x16384xf32, #tpu.memory_space<vmem>>, vector<1x32x128xf32>
    %swap3A_742 = vector.shape_cast %swap3A_741 : vector<1x32x128xf32> to vector<32x128xf32>
    %swap3A_743 = vector.shape_cast %slice3A_737 : vector<32x128xf32> to vector<1x32x128xf32>
    tpu.vector_store %arg2[%swap3A_738, %swap3A_739, %swap3A_740], %swap3A_743 {strides = array<i32>} : memref<2x32x16384xf32, #tpu.memory_space<vmem>>, vector<1x32x128xf32>,
    %get3A_744 = arith.constant 0 : index
    %get3A_745 = arith.constant 2816 : index
    %get3A_746 = arith.constant 0 : index
    %get3A_747 = vector.load %arg1[%get3A_744, %get3A_745, %get3A_746] : memref<2x4096x128xf32, #tpu.memory_space<vmem>>, vector<1x128x128xf32>
    %get3A_748 = vector.shape_cast %get3A_747 : vector<1x128x128xf32> to vector<128x128xf32>
    %transpose3A_749 = tpu.transpose %get3A_748, [1, 0] : vector<128x128xf32> -> vector<128x128xf32>
    %slice3A_750 = vector.extract_strided_slice %transpose3A_749 {offsets = [0, 0], sizes = [32, 128], strides = [1, 1]} : vector<128x128xf32> to vector<32x128xf32>
    %swap3A_751 = arith.constant 0 : index
    %swap3A_752 = arith.constant 0 : index
    %swap3A_753 = arith.constant 2816 : index
    %swap3A_754 = vector.load %arg2[%swap3A_751, %swap3A_752, %swap3A_753] : memref<2x32x16384xf32, #tpu.memory_space<vmem>>, vector<1x32x128xf32>
    %swap3A_755 = vector.shape_cast %swap3A_754 : vector<1x32x128xf32> to vector<32x128xf32>
    %swap3A_756 = vector.shape_cast %slice3A_750 : vector<32x128xf32> to vector<1x32x128xf32>
    tpu.vector_store %arg2[%swap3A_751, %swap3A_752, %swap3A_753], %swap3A_756 {strides = array<i32>} : memref<2x32x16384xf32, #tpu.memory_space<vmem>>, vector<1x32x128xf32>,
    %slice3A_757 = vector.extract_strided_slice %transpose3A_749 {offsets = [32, 0], sizes = [32, 128], strides = [1, 1]} : vector<128x128xf32> to vector<32x128xf32>
    %swap3A_758 = arith.constant 0 : index
    %swap3A_759 = arith.constant 0 : index
    %swap3A_760 = arith.constant 6912 : index
    %swap3A_761 = vector.load %arg2[%swap3A_758, %swap3A_759, %swap3A_760] : memref<2x32x16384xf32, #tpu.memory_space<vmem>>, vector<1x32x128xf32>
    %swap3A_762 = vector.shape_cast %swap3A_761 : vector<1x32x128xf32> to vector<32x128xf32>
    %swap3A_763 = vector.shape_cast %slice3A_757 : vector<32x128xf32> to vector<1x32x128xf32>
    tpu.vector_store %arg2[%swap3A_758, %swap3A_759, %swap3A_760], %swap3A_763 {strides = array<i32>} : memref<2x32x16384xf32, #tpu.memory_space<vmem>>, vector<1x32x128xf32>,
    %slice3A_764 = vector.extract_strided_slice %transpose3A_749 {offsets = [64, 0], sizes = [32, 128], strides = [1, 1]} : vector<128x128xf32> to vector<32x128xf32>
    %swap3A_765 = arith.constant 0 : index
    %swap3A_766 = arith.constant 0 : index
    %swap3A_767 = arith.constant 11008 : index
    %swap3A_768 = vector.load %arg2[%swap3A_765, %swap3A_766, %swap3A_767] : memref<2x32x16384xf32, #tpu.memory_space<vmem>>, vector<1x32x128xf32>
    %swap3A_769 = vector.shape_cast %swap3A_768 : vector<1x32x128xf32> to vector<32x128xf32>
    %swap3A_770 = vector.shape_cast %slice3A_764 : vector<32x128xf32> to vector<1x32x128xf32>
    tpu.vector_store %arg2[%swap3A_765, %swap3A_766, %swap3A_767], %swap3A_770 {strides = array<i32>} : memref<2x32x16384xf32, #tpu.memory_space<vmem>>, vector<1x32x128xf32>,
    %slice3A_771 = vector.extract_strided_slice %transpose3A_749 {offsets = [96, 0], sizes = [32, 128], strides = [1, 1]} : vector<128x128xf32> to vector<32x128xf32>
    %swap3A_772 = arith.constant 0 : index
    %swap3A_773 = arith.constant 0 : index
    %swap3A_774 = arith.constant 15104 : index
    %swap3A_775 = vector.load %arg2[%swap3A_772, %swap3A_773, %swap3A_774] : memref<2x32x16384xf32, #tpu.memory_space<vmem>>, vector<1x32x128xf32>
    %swap3A_776 = vector.shape_cast %swap3A_775 : vector<1x32x128xf32> to vector<32x128xf32>
    %swap3A_777 = vector.shape_cast %slice3A_771 : vector<32x128xf32> to vector<1x32x128xf32>
    tpu.vector_store %arg2[%swap3A_772, %swap3A_773, %swap3A_774], %swap3A_777 {strides = array<i32>} : memref<2x32x16384xf32, #tpu.memory_space<vmem>>, vector<1x32x128xf32>,
    %get3A_778 = arith.constant 0 : index
    %get3A_779 = arith.constant 2944 : index
    %get3A_780 = arith.constant 0 : index
    %get3A_781 = vector.load %arg1[%get3A_778, %get3A_779, %get3A_780] : memref<2x4096x128xf32, #tpu.memory_space<vmem>>, vector<1x128x128xf32>
    %get3A_782 = vector.shape_cast %get3A_781 : vector<1x128x128xf32> to vector<128x128xf32>
    %transpose3A_783 = tpu.transpose %get3A_782, [1, 0] : vector<128x128xf32> -> vector<128x128xf32>
    %slice3A_784 = vector.extract_strided_slice %transpose3A_783 {offsets = [0, 0], sizes = [32, 128], strides = [1, 1]} : vector<128x128xf32> to vector<32x128xf32>
    %swap3A_785 = arith.constant 0 : index
    %swap3A_786 = arith.constant 0 : index
    %swap3A_787 = arith.constant 2944 : index
    %swap3A_788 = vector.load %arg2[%swap3A_785, %swap3A_786, %swap3A_787] : memref<2x32x16384xf32, #tpu.memory_space<vmem>>, vector<1x32x128xf32>
    %swap3A_789 = vector.shape_cast %swap3A_788 : vector<1x32x128xf32> to vector<32x128xf32>
    %swap3A_790 = vector.shape_cast %slice3A_784 : vector<32x128xf32> to vector<1x32x128xf32>
    tpu.vector_store %arg2[%swap3A_785, %swap3A_786, %swap3A_787], %swap3A_790 {strides = array<i32>} : memref<2x32x16384xf32, #tpu.memory_space<vmem>>, vector<1x32x128xf32>,
    %slice3A_791 = vector.extract_strided_slice %transpose3A_783 {offsets = [32, 0], sizes = [32, 128], strides = [1, 1]} : vector<128x128xf32> to vector<32x128xf32>
    %swap3A_792 = arith.constant 0 : index
    %swap3A_793 = arith.constant 0 : index
    %swap3A_794 = arith.constant 7040 : index
    %swap3A_795 = vector.load %arg2[%swap3A_792, %swap3A_793, %swap3A_794] : memref<2x32x16384xf32, #tpu.memory_space<vmem>>, vector<1x32x128xf32>
    %swap3A_796 = vector.shape_cast %swap3A_795 : vector<1x32x128xf32> to vector<32x128xf32>
    %swap3A_797 = vector.shape_cast %slice3A_791 : vector<32x128xf32> to vector<1x32x128xf32>
    tpu.vector_store %arg2[%swap3A_792, %swap3A_793, %swap3A_794], %swap3A_797 {strides = array<i32>} : memref<2x32x16384xf32, #tpu.memory_space<vmem>>, vector<1x32x128xf32>,
    %slice3A_798 = vector.extract_strided_slice %transpose3A_783 {offsets = [64, 0], sizes = [32, 128], strides = [1, 1]} : vector<128x128xf32> to vector<32x128xf32>
    %swap3A_799 = arith.constant 0 : index
    %swap3A_800 = arith.constant 0 : index
    %swap3A_801 = arith.constant 11136 : index
    %swap3A_802 = vector.load %arg2[%swap3A_799, %swap3A_800, %swap3A_801] : memref<2x32x16384xf32, #tpu.memory_space<vmem>>, vector<1x32x128xf32>
    %swap3A_803 = vector.shape_cast %swap3A_802 : vector<1x32x128xf32> to vector<32x128xf32>
    %swap3A_804 = vector.shape_cast %slice3A_798 : vector<32x128xf32> to vector<1x32x128xf32>
    tpu.vector_store %arg2[%swap3A_799, %swap3A_800, %swap3A_801], %swap3A_804 {strides = array<i32>} : memref<2x32x16384xf32, #tpu.memory_space<vmem>>, vector<1x32x128xf32>,
    %slice3A_805 = vector.extract_strided_slice %transpose3A_783 {offsets = [96, 0], sizes = [32, 128], strides = [1, 1]} : vector<128x128xf32> to vector<32x128xf32>
    %swap3A_806 = arith.constant 0 : index
    %swap3A_807 = arith.constant 0 : index
    %swap3A_808 = arith.constant 15232 : index
    %swap3A_809 = vector.load %arg2[%swap3A_806, %swap3A_807, %swap3A_808] : memref<2x32x16384xf32, #tpu.memory_space<vmem>>, vector<1x32x128xf32>
    %swap3A_810 = vector.shape_cast %swap3A_809 : vector<1x32x128xf32> to vector<32x128xf32>
    %swap3A_811 = vector.shape_cast %slice3A_805 : vector<32x128xf32> to vector<1x32x128xf32>
    tpu.vector_store %arg2[%swap3A_806, %swap3A_807, %swap3A_808], %swap3A_811 {strides = array<i32>} : memref<2x32x16384xf32, #tpu.memory_space<vmem>>, vector<1x32x128xf32>,
    %get3A_812 = arith.constant 0 : index
    %get3A_813 = arith.constant 3072 : index
    %get3A_814 = arith.constant 0 : index
    %get3A_815 = vector.load %arg1[%get3A_812, %get3A_813, %get3A_814] : memref<2x4096x128xf32, #tpu.memory_space<vmem>>, vector<1x128x128xf32>
    %get3A_816 = vector.shape_cast %get3A_815 : vector<1x128x128xf32> to vector<128x128xf32>
    %transpose3A_817 = tpu.transpose %get3A_816, [1, 0] : vector<128x128xf32> -> vector<128x128xf32>
    %slice3A_818 = vector.extract_strided_slice %transpose3A_817 {offsets = [0, 0], sizes = [32, 128], strides = [1, 1]} : vector<128x128xf32> to vector<32x128xf32>
    %swap3A_819 = arith.constant 0 : index
    %swap3A_820 = arith.constant 0 : index
    %swap3A_821 = arith.constant 3072 : index
    %swap3A_822 = vector.load %arg2[%swap3A_819, %swap3A_820, %swap3A_821] : memref<2x32x16384xf32, #tpu.memory_space<vmem>>, vector<1x32x128xf32>
    %swap3A_823 = vector.shape_cast %swap3A_822 : vector<1x32x128xf32> to vector<32x128xf32>
    %swap3A_824 = vector.shape_cast %slice3A_818 : vector<32x128xf32> to vector<1x32x128xf32>
    tpu.vector_store %arg2[%swap3A_819, %swap3A_820, %swap3A_821], %swap3A_824 {strides = array<i32>} : memref<2x32x16384xf32, #tpu.memory_space<vmem>>, vector<1x32x128xf32>,
    %slice3A_825 = vector.extract_strided_slice %transpose3A_817 {offsets = [32, 0], sizes = [32, 128], strides = [1, 1]} : vector<128x128xf32> to vector<32x128xf32>
    %swap3A_826 = arith.constant 0 : index
    %swap3A_827 = arith.constant 0 : index
    %swap3A_828 = arith.constant 7168 : index
    %swap3A_829 = vector.load %arg2[%swap3A_826, %swap3A_827, %swap3A_828] : memref<2x32x16384xf32, #tpu.memory_space<vmem>>, vector<1x32x128xf32>
    %swap3A_830 = vector.shape_cast %swap3A_829 : vector<1x32x128xf32> to vector<32x128xf32>
    %swap3A_831 = vector.shape_cast %slice3A_825 : vector<32x128xf32> to vector<1x32x128xf32>
    tpu.vector_store %arg2[%swap3A_826, %swap3A_827, %swap3A_828], %swap3A_831 {strides = array<i32>} : memref<2x32x16384xf32, #tpu.memory_space<vmem>>, vector<1x32x128xf32>,
    %slice3A_832 = vector.extract_strided_slice %transpose3A_817 {offsets = [64, 0], sizes = [32, 128], strides = [1, 1]} : vector<128x128xf32> to vector<32x128xf32>
    %swap3A_833 = arith.constant 0 : index
    %swap3A_834 = arith.constant 0 : index
    %swap3A_835 = arith.constant 11264 : index
    %swap3A_836 = vector.load %arg2[%swap3A_833, %swap3A_834, %swap3A_835] : memref<2x32x16384xf32, #tpu.memory_space<vmem>>, vector<1x32x128xf32>
    %swap3A_837 = vector.shape_cast %swap3A_836 : vector<1x32x128xf32> to vector<32x128xf32>
    %swap3A_838 = vector.shape_cast %slice3A_832 : vector<32x128xf32> to vector<1x32x128xf32>
    tpu.vector_store %arg2[%swap3A_833, %swap3A_834, %swap3A_835], %swap3A_838 {strides = array<i32>} : memref<2x32x16384xf32, #tpu.memory_space<vmem>>, vector<1x32x128xf32>,
    %slice3A_839 = vector.extract_strided_slice %transpose3A_817 {offsets = [96, 0], sizes = [32, 128], strides = [1, 1]} : vector<128x128xf32> to vector<32x128xf32>
    %swap3A_840 = arith.constant 0 : index
    %swap3A_841 = arith.constant 0 : index
    %swap3A_842 = arith.constant 15360 : index
    %swap3A_843 = vector.load %arg2[%swap3A_840, %swap3A_841, %swap3A_842] : memref<2x32x16384xf32, #tpu.memory_space<vmem>>, vector<1x32x128xf32>
    %swap3A_844 = vector.shape_cast %swap3A_843 : vector<1x32x128xf32> to vector<32x128xf32>
    %swap3A_845 = vector.shape_cast %slice3A_839 : vector<32x128xf32> to vector<1x32x128xf32>
    tpu.vector_store %arg2[%swap3A_840, %swap3A_841, %swap3A_842], %swap3A_845 {strides = array<i32>} : memref<2x32x16384xf32, #tpu.memory_space<vmem>>, vector<1x32x128xf32>,
    %get3A_846 = arith.constant 0 : index
    %get3A_847 = arith.constant 3200 : index
    %get3A_848 = arith.constant 0 : index
    %get3A_849 = vector.load %arg1[%get3A_846, %get3A_847, %get3A_848] : memref<2x4096x128xf32, #tpu.memory_space<vmem>>, vector<1x128x128xf32>
    %get3A_850 = vector.shape_cast %get3A_849 : vector<1x128x128xf32> to vector<128x128xf32>
    %transpose3A_851 = tpu.transpose %get3A_850, [1, 0] : vector<128x128xf32> -> vector<128x128xf32>
    %slice3A_852 = vector.extract_strided_slice %transpose3A_851 {offsets = [0, 0], sizes = [32, 128], strides = [1, 1]} : vector<128x128xf32> to vector<32x128xf32>
    %swap3A_853 = arith.constant 0 : index
    %swap3A_854 = arith.constant 0 : index
    %swap3A_855 = arith.constant 3200 : index
    %swap3A_856 = vector.load %arg2[%swap3A_853, %swap3A_854, %swap3A_855] : memref<2x32x16384xf32, #tpu.memory_space<vmem>>, vector<1x32x128xf32>
    %swap3A_857 = vector.shape_cast %swap3A_856 : vector<1x32x128xf32> to vector<32x128xf32>
    %swap3A_858 = vector.shape_cast %slice3A_852 : vector<32x128xf32> to vector<1x32x128xf32>
    tpu.vector_store %arg2[%swap3A_853, %swap3A_854, %swap3A_855], %swap3A_858 {strides = array<i32>} : memref<2x32x16384xf32, #tpu.memory_space<vmem>>, vector<1x32x128xf32>,
    %slice3A_859 = vector.extract_strided_slice %transpose3A_851 {offsets = [32, 0], sizes = [32, 128], strides = [1, 1]} : vector<128x128xf32> to vector<32x128xf32>
    %swap3A_860 = arith.constant 0 : index
    %swap3A_861 = arith.constant 0 : index
    %swap3A_862 = arith.constant 7296 : index
    %swap3A_863 = vector.load %arg2[%swap3A_860, %swap3A_861, %swap3A_862] : memref<2x32x16384xf32, #tpu.memory_space<vmem>>, vector<1x32x128xf32>
    %swap3A_864 = vector.shape_cast %swap3A_863 : vector<1x32x128xf32> to vector<32x128xf32>
    %swap3A_865 = vector.shape_cast %slice3A_859 : vector<32x128xf32> to vector<1x32x128xf32>
    tpu.vector_store %arg2[%swap3A_860, %swap3A_861, %swap3A_862], %swap3A_865 {strides = array<i32>} : memref<2x32x16384xf32, #tpu.memory_space<vmem>>, vector<1x32x128xf32>,
    %slice3A_866 = vector.extract_strided_slice %transpose3A_851 {offsets = [64, 0], sizes = [32, 128], strides = [1, 1]} : vector<128x128xf32> to vector<32x128xf32>
    %swap3A_867 = arith.constant 0 : index
    %swap3A_868 = arith.constant 0 : index
    %swap3A_869 = arith.constant 11392 : index
    %swap3A_870 = vector.load %arg2[%swap3A_867, %swap3A_868, %swap3A_869] : memref<2x32x16384xf32, #tpu.memory_space<vmem>>, vector<1x32x128xf32>
    %swap3A_871 = vector.shape_cast %swap3A_870 : vector<1x32x128xf32> to vector<32x128xf32>
    %swap3A_872 = vector.shape_cast %slice3A_866 : vector<32x128xf32> to vector<1x32x128xf32>
    tpu.vector_store %arg2[%swap3A_867, %swap3A_868, %swap3A_869], %swap3A_872 {strides = array<i32>} : memref<2x32x16384xf32, #tpu.memory_space<vmem>>, vector<1x32x128xf32>,
    %slice3A_873 = vector.extract_strided_slice %transpose3A_851 {offsets = [96, 0], sizes = [32, 128], strides = [1, 1]} : vector<128x128xf32> to vector<32x128xf32>
    %swap3A_874 = arith.constant 0 : index
    %swap3A_875 = arith.constant 0 : index
    %swap3A_876 = arith.constant 15488 : index
    %swap3A_877 = vector.load %arg2[%swap3A_874, %swap3A_875, %swap3A_876] : memref<2x32x16384xf32, #tpu.memory_space<vmem>>, vector<1x32x128xf32>
    %swap3A_878 = vector.shape_cast %swap3A_877 : vector<1x32x128xf32> to vector<32x128xf32>
    %swap3A_879 = vector.shape_cast %slice3A_873 : vector<32x128xf32> to vector<1x32x128xf32>
    tpu.vector_store %arg2[%swap3A_874, %swap3A_875, %swap3A_876], %swap3A_879 {strides = array<i32>} : memref<2x32x16384xf32, #tpu.memory_space<vmem>>, vector<1x32x128xf32>,
    %get3A_880 = arith.constant 0 : index
    %get3A_881 = arith.constant 3328 : index
    %get3A_882 = arith.constant 0 : index
    %get3A_883 = vector.load %arg1[%get3A_880, %get3A_881, %get3A_882] : memref<2x4096x128xf32, #tpu.memory_space<vmem>>, vector<1x128x128xf32>
    %get3A_884 = vector.shape_cast %get3A_883 : vector<1x128x128xf32> to vector<128x128xf32>
    %transpose3A_885 = tpu.transpose %get3A_884, [1, 0] : vector<128x128xf32> -> vector<128x128xf32>
    %slice3A_886 = vector.extract_strided_slice %transpose3A_885 {offsets = [0, 0], sizes = [32, 128], strides = [1, 1]} : vector<128x128xf32> to vector<32x128xf32>
    %swap3A_887 = arith.constant 0 : index
    %swap3A_888 = arith.constant 0 : index
    %swap3A_889 = arith.constant 3328 : index
    %swap3A_890 = vector.load %arg2[%swap3A_887, %swap3A_888, %swap3A_889] : memref<2x32x16384xf32, #tpu.memory_space<vmem>>, vector<1x32x128xf32>
    %swap3A_891 = vector.shape_cast %swap3A_890 : vector<1x32x128xf32> to vector<32x128xf32>
    %swap3A_892 = vector.shape_cast %slice3A_886 : vector<32x128xf32> to vector<1x32x128xf32>
    tpu.vector_store %arg2[%swap3A_887, %swap3A_888, %swap3A_889], %swap3A_892 {strides = array<i32>} : memref<2x32x16384xf32, #tpu.memory_space<vmem>>, vector<1x32x128xf32>,
    %slice3A_893 = vector.extract_strided_slice %transpose3A_885 {offsets = [32, 0], sizes = [32, 128], strides = [1, 1]} : vector<128x128xf32> to vector<32x128xf32>
    %swap3A_894 = arith.constant 0 : index
    %swap3A_895 = arith.constant 0 : index
    %swap3A_896 = arith.constant 7424 : index
    %swap3A_897 = vector.load %arg2[%swap3A_894, %swap3A_895, %swap3A_896] : memref<2x32x16384xf32, #tpu.memory_space<vmem>>, vector<1x32x128xf32>
    %swap3A_898 = vector.shape_cast %swap3A_897 : vector<1x32x128xf32> to vector<32x128xf32>
    %swap3A_899 = vector.shape_cast %slice3A_893 : vector<32x128xf32> to vector<1x32x128xf32>
    tpu.vector_store %arg2[%swap3A_894, %swap3A_895, %swap3A_896], %swap3A_899 {strides = array<i32>} : memref<2x32x16384xf32, #tpu.memory_space<vmem>>, vector<1x32x128xf32>,
    %slice3A_900 = vector.extract_strided_slice %transpose3A_885 {offsets = [64, 0], sizes = [32, 128], strides = [1, 1]} : vector<128x128xf32> to vector<32x128xf32>
    %swap3A_901 = arith.constant 0 : index
    %swap3A_902 = arith.constant 0 : index
    %swap3A_903 = arith.constant 11520 : index
    %swap3A_904 = vector.load %arg2[%swap3A_901, %swap3A_902, %swap3A_903] : memref<2x32x16384xf32, #tpu.memory_space<vmem>>, vector<1x32x128xf32>
    %swap3A_905 = vector.shape_cast %swap3A_904 : vector<1x32x128xf32> to vector<32x128xf32>
    %swap3A_906 = vector.shape_cast %slice3A_900 : vector<32x128xf32> to vector<1x32x128xf32>
    tpu.vector_store %arg2[%swap3A_901, %swap3A_902, %swap3A_903], %swap3A_906 {strides = array<i32>} : memref<2x32x16384xf32, #tpu.memory_space<vmem>>, vector<1x32x128xf32>,
    %slice3A_907 = vector.extract_strided_slice %transpose3A_885 {offsets = [96, 0], sizes = [32, 128], strides = [1, 1]} : vector<128x128xf32> to vector<32x128xf32>
    %swap3A_908 = arith.constant 0 : index
    %swap3A_909 = arith.constant 0 : index
    %swap3A_910 = arith.constant 15616 : index
    %swap3A_911 = vector.load %arg2[%swap3A_908, %swap3A_909, %swap3A_910] : memref<2x32x16384xf32, #tpu.memory_space<vmem>>, vector<1x32x128xf32>
    %swap3A_912 = vector.shape_cast %swap3A_911 : vector<1x32x128xf32> to vector<32x128xf32>
    %swap3A_913 = vector.shape_cast %slice3A_907 : vector<32x128xf32> to vector<1x32x128xf32>
    tpu.vector_store %arg2[%swap3A_908, %swap3A_909, %swap3A_910], %swap3A_913 {strides = array<i32>} : memref<2x32x16384xf32, #tpu.memory_space<vmem>>, vector<1x32x128xf32>,
    %get3A_914 = arith.constant 0 : index
    %get3A_915 = arith.constant 3456 : index
    %get3A_916 = arith.constant 0 : index
    %get3A_917 = vector.load %arg1[%get3A_914, %get3A_915, %get3A_916] : memref<2x4096x128xf32, #tpu.memory_space<vmem>>, vector<1x128x128xf32>
    %get3A_918 = vector.shape_cast %get3A_917 : vector<1x128x128xf32> to vector<128x128xf32>
    %transpose3A_919 = tpu.transpose %get3A_918, [1, 0] : vector<128x128xf32> -> vector<128x128xf32>
    %slice3A_920 = vector.extract_strided_slice %transpose3A_919 {offsets = [0, 0], sizes = [32, 128], strides = [1, 1]} : vector<128x128xf32> to vector<32x128xf32>
    %swap3A_921 = arith.constant 0 : index
    %swap3A_922 = arith.constant 0 : index
    %swap3A_923 = arith.constant 3456 : index
    %swap3A_924 = vector.load %arg2[%swap3A_921, %swap3A_922, %swap3A_923] : memref<2x32x16384xf32, #tpu.memory_space<vmem>>, vector<1x32x128xf32>
    %swap3A_925 = vector.shape_cast %swap3A_924 : vector<1x32x128xf32> to vector<32x128xf32>
    %swap3A_926 = vector.shape_cast %slice3A_920 : vector<32x128xf32> to vector<1x32x128xf32>
    tpu.vector_store %arg2[%swap3A_921, %swap3A_922, %swap3A_923], %swap3A_926 {strides = array<i32>} : memref<2x32x16384xf32, #tpu.memory_space<vmem>>, vector<1x32x128xf32>,
    %slice3A_927 = vector.extract_strided_slice %transpose3A_919 {offsets = [32, 0], sizes = [32, 128], strides = [1, 1]} : vector<128x128xf32> to vector<32x128xf32>
    %swap3A_928 = arith.constant 0 : index
    %swap3A_929 = arith.constant 0 : index
    %swap3A_930 = arith.constant 7552 : index
    %swap3A_931 = vector.load %arg2[%swap3A_928, %swap3A_929, %swap3A_930] : memref<2x32x16384xf32, #tpu.memory_space<vmem>>, vector<1x32x128xf32>
    %swap3A_932 = vector.shape_cast %swap3A_931 : vector<1x32x128xf32> to vector<32x128xf32>
    %swap3A_933 = vector.shape_cast %slice3A_927 : vector<32x128xf32> to vector<1x32x128xf32>
    tpu.vector_store %arg2[%swap3A_928, %swap3A_929, %swap3A_930], %swap3A_933 {strides = array<i32>} : memref<2x32x16384xf32, #tpu.memory_space<vmem>>, vector<1x32x128xf32>,
    %slice3A_934 = vector.extract_strided_slice %transpose3A_919 {offsets = [64, 0], sizes = [32, 128], strides = [1, 1]} : vector<128x128xf32> to vector<32x128xf32>
    %swap3A_935 = arith.constant 0 : index
    %swap3A_936 = arith.constant 0 : index
    %swap3A_937 = arith.constant 11648 : index
    %swap3A_938 = vector.load %arg2[%swap3A_935, %swap3A_936, %swap3A_937] : memref<2x32x16384xf32, #tpu.memory_space<vmem>>, vector<1x32x128xf32>
    %swap3A_939 = vector.shape_cast %swap3A_938 : vector<1x32x128xf32> to vector<32x128xf32>
    %swap3A_940 = vector.shape_cast %slice3A_934 : vector<32x128xf32> to vector<1x32x128xf32>
    tpu.vector_store %arg2[%swap3A_935, %swap3A_936, %swap3A_937], %swap3A_940 {strides = array<i32>} : memref<2x32x16384xf32, #tpu.memory_space<vmem>>, vector<1x32x128xf32>,
    %slice3A_941 = vector.extract_strided_slice %transpose3A_919 {offsets = [96, 0], sizes = [32, 128], strides = [1, 1]} : vector<128x128xf32> to vector<32x128xf32>
    %swap3A_942 = arith.constant 0 : index
    %swap3A_943 = arith.constant 0 : index
    %swap3A_944 = arith.constant 15744 : index
    %swap3A_945 = vector.load %arg2[%swap3A_942, %swap3A_943, %swap3A_944] : memref<2x32x16384xf32, #tpu.memory_space<vmem>>, vector<1x32x128xf32>
    %swap3A_946 = vector.shape_cast %swap3A_945 : vector<1x32x128xf32> to vector<32x128xf32>
    %swap3A_947 = vector.shape_cast %slice3A_941 : vector<32x128xf32> to vector<1x32x128xf32>
    tpu.vector_store %arg2[%swap3A_942, %swap3A_943, %swap3A_944], %swap3A_947 {strides = array<i32>} : memref<2x32x16384xf32, #tpu.memory_space<vmem>>, vector<1x32x128xf32>,
    %get3A_948 = arith.constant 0 : index
    %get3A_949 = arith.constant 3584 : index
    %get3A_950 = arith.constant 0 : index
    %get3A_951 = vector.load %arg1[%get3A_948, %get3A_949, %get3A_950] : memref<2x4096x128xf32, #tpu.memory_space<vmem>>, vector<1x128x128xf32>
    %get3A_952 = vector.shape_cast %get3A_951 : vector<1x128x128xf32> to vector<128x128xf32>
    %transpose3A_953 = tpu.transpose %get3A_952, [1, 0] : vector<128x128xf32> -> vector<128x128xf32>
    %slice3A_954 = vector.extract_strided_slice %transpose3A_953 {offsets = [0, 0], sizes = [32, 128], strides = [1, 1]} : vector<128x128xf32> to vector<32x128xf32>
    %swap3A_955 = arith.constant 0 : index
    %swap3A_956 = arith.constant 0 : index
    %swap3A_957 = arith.constant 3584 : index
    %swap3A_958 = vector.load %arg2[%swap3A_955, %swap3A_956, %swap3A_957] : memref<2x32x16384xf32, #tpu.memory_space<vmem>>, vector<1x32x128xf32>
    %swap3A_959 = vector.shape_cast %swap3A_958 : vector<1x32x128xf32> to vector<32x128xf32>
    %swap3A_960 = vector.shape_cast %slice3A_954 : vector<32x128xf32> to vector<1x32x128xf32>
    tpu.vector_store %arg2[%swap3A_955, %swap3A_956, %swap3A_957], %swap3A_960 {strides = array<i32>} : memref<2x32x16384xf32, #tpu.memory_space<vmem>>, vector<1x32x128xf32>,
    %slice3A_961 = vector.extract_strided_slice %transpose3A_953 {offsets = [32, 0], sizes = [32, 128], strides = [1, 1]} : vector<128x128xf32> to vector<32x128xf32>
    %swap3A_962 = arith.constant 0 : index
    %swap3A_963 = arith.constant 0 : index
    %swap3A_964 = arith.constant 7680 : index
    %swap3A_965 = vector.load %arg2[%swap3A_962, %swap3A_963, %swap3A_964] : memref<2x32x16384xf32, #tpu.memory_space<vmem>>, vector<1x32x128xf32>
    %swap3A_966 = vector.shape_cast %swap3A_965 : vector<1x32x128xf32> to vector<32x128xf32>
    %swap3A_967 = vector.shape_cast %slice3A_961 : vector<32x128xf32> to vector<1x32x128xf32>
    tpu.vector_store %arg2[%swap3A_962, %swap3A_963, %swap3A_964], %swap3A_967 {strides = array<i32>} : memref<2x32x16384xf32, #tpu.memory_space<vmem>>, vector<1x32x128xf32>,
    %slice3A_968 = vector.extract_strided_slice %transpose3A_953 {offsets = [64, 0], sizes = [32, 128], strides = [1, 1]} : vector<128x128xf32> to vector<32x128xf32>
    %swap3A_969 = arith.constant 0 : index
    %swap3A_970 = arith.constant 0 : index
    %swap3A_971 = arith.constant 11776 : index
    %swap3A_972 = vector.load %arg2[%swap3A_969, %swap3A_970, %swap3A_971] : memref<2x32x16384xf32, #tpu.memory_space<vmem>>, vector<1x32x128xf32>
    %swap3A_973 = vector.shape_cast %swap3A_972 : vector<1x32x128xf32> to vector<32x128xf32>
    %swap3A_974 = vector.shape_cast %slice3A_968 : vector<32x128xf32> to vector<1x32x128xf32>
    tpu.vector_store %arg2[%swap3A_969, %swap3A_970, %swap3A_971], %swap3A_974 {strides = array<i32>} : memref<2x32x16384xf32, #tpu.memory_space<vmem>>, vector<1x32x128xf32>,
    %slice3A_975 = vector.extract_strided_slice %transpose3A_953 {offsets = [96, 0], sizes = [32, 128], strides = [1, 1]} : vector<128x128xf32> to vector<32x128xf32>
    %swap3A_976 = arith.constant 0 : index
    %swap3A_977 = arith.constant 0 : index
    %swap3A_978 = arith.constant 15872 : index
    %swap3A_979 = vector.load %arg2[%swap3A_976, %swap3A_977, %swap3A_978] : memref<2x32x16384xf32, #tpu.memory_space<vmem>>, vector<1x32x128xf32>
    %swap3A_980 = vector.shape_cast %swap3A_979 : vector<1x32x128xf32> to vector<32x128xf32>
    %swap3A_981 = vector.shape_cast %slice3A_975 : vector<32x128xf32> to vector<1x32x128xf32>
    tpu.vector_store %arg2[%swap3A_976, %swap3A_977, %swap3A_978], %swap3A_981 {strides = array<i32>} : memref<2x32x16384xf32, #tpu.memory_space<vmem>>, vector<1x32x128xf32>,
    %get3A_982 = arith.constant 0 : index
    %get3A_983 = arith.constant 3712 : index
    %get3A_984 = arith.constant 0 : index
    %get3A_985 = vector.load %arg1[%get3A_982, %get3A_983, %get3A_984] : memref<2x4096x128xf32, #tpu.memory_space<vmem>>, vector<1x128x128xf32>
    %get3A_986 = vector.shape_cast %get3A_985 : vector<1x128x128xf32> to vector<128x128xf32>
    %transpose3A_987 = tpu.transpose %get3A_986, [1, 0] : vector<128x128xf32> -> vector<128x128xf32>
    %slice3A_988 = vector.extract_strided_slice %transpose3A_987 {offsets = [0, 0], sizes = [32, 128], strides = [1, 1]} : vector<128x128xf32> to vector<32x128xf32>
    %swap3A_989 = arith.constant 0 : index
    %swap3A_990 = arith.constant 0 : index
    %swap3A_991 = arith.constant 3712 : index
    %swap3A_992 = vector.load %arg2[%swap3A_989, %swap3A_990, %swap3A_991] : memref<2x32x16384xf32, #tpu.memory_space<vmem>>, vector<1x32x128xf32>
    %swap3A_993 = vector.shape_cast %swap3A_992 : vector<1x32x128xf32> to vector<32x128xf32>
    %swap3A_994 = vector.shape_cast %slice3A_988 : vector<32x128xf32> to vector<1x32x128xf32>
    tpu.vector_store %arg2[%swap3A_989, %swap3A_990, %swap3A_991], %swap3A_994 {strides = array<i32>} : memref<2x32x16384xf32, #tpu.memory_space<vmem>>, vector<1x32x128xf32>,
    %slice3A_995 = vector.extract_strided_slice %transpose3A_987 {offsets = [32, 0], sizes = [32, 128], strides = [1, 1]} : vector<128x128xf32> to vector<32x128xf32>
    %swap3A_996 = arith.constant 0 : index
    %swap3A_997 = arith.constant 0 : index
    %swap3A_998 = arith.constant 7808 : index
    %swap3A_999 = vector.load %arg2[%swap3A_996, %swap3A_997, %swap3A_998] : memref<2x32x16384xf32, #tpu.memory_space<vmem>>, vector<1x32x128xf32>
    %swap3A_1000 = vector.shape_cast %swap3A_999 : vector<1x32x128xf32> to vector<32x128xf32>
    %swap3A_1001 = vector.shape_cast %slice3A_995 : vector<32x128xf32> to vector<1x32x128xf32>
    tpu.vector_store %arg2[%swap3A_996, %swap3A_997, %swap3A_998], %swap3A_1001 {strides = array<i32>} : memref<2x32x16384xf32, #tpu.memory_space<vmem>>, vector<1x32x128xf32>,
    %slice3A_1002 = vector.extract_strided_slice %transpose3A_987 {offsets = [64, 0], sizes = [32, 128], strides = [1, 1]} : vector<128x128xf32> to vector<32x128xf32>
    %swap3A_1003 = arith.constant 0 : index
    %swap3A_1004 = arith.constant 0 : index
    %swap3A_1005 = arith.constant 11904 : index
    %swap3A_1006 = vector.load %arg2[%swap3A_1003, %swap3A_1004, %swap3A_1005] : memref<2x32x16384xf32, #tpu.memory_space<vmem>>, vector<1x32x128xf32>
    %swap3A_1007 = vector.shape_cast %swap3A_1006 : vector<1x32x128xf32> to vector<32x128xf32>
    %swap3A_1008 = vector.shape_cast %slice3A_1002 : vector<32x128xf32> to vector<1x32x128xf32>
    tpu.vector_store %arg2[%swap3A_1003, %swap3A_1004, %swap3A_1005], %swap3A_1008 {strides = array<i32>} : memref<2x32x16384xf32, #tpu.memory_space<vmem>>, vector<1x32x128xf32>,
    %slice3A_1009 = vector.extract_strided_slice %transpose3A_987 {offsets = [96, 0], sizes = [32, 128], strides = [1, 1]} : vector<128x128xf32> to vector<32x128xf32>
    %swap3A_1010 = arith.constant 0 : index
    %swap3A_1011 = arith.constant 0 : index
    %swap3A_1012 = arith.constant 16000 : index
    %swap3A_1013 = vector.load %arg2[%swap3A_1010, %swap3A_1011, %swap3A_1012] : memref<2x32x16384xf32, #tpu.memory_space<vmem>>, vector<1x32x128xf32>
    %swap3A_1014 = vector.shape_cast %swap3A_1013 : vector<1x32x128xf32> to vector<32x128xf32>
    %swap3A_1015 = vector.shape_cast %slice3A_1009 : vector<32x128xf32> to vector<1x32x128xf32>
    tpu.vector_store %arg2[%swap3A_1010, %swap3A_1011, %swap3A_1012], %swap3A_1015 {strides = array<i32>} : memref<2x32x16384xf32, #tpu.memory_space<vmem>>, vector<1x32x128xf32>,
    %get3A_1016 = arith.constant 0 : index
    %get3A_1017 = arith.constant 3840 : index
    %get3A_1018 = arith.constant 0 : index
    %get3A_1019 = vector.load %arg1[%get3A_1016, %get3A_1017, %get3A_1018] : memref<2x4096x128xf32, #tpu.memory_space<vmem>>, vector<1x128x128xf32>
    %get3A_1020 = vector.shape_cast %get3A_1019 : vector<1x128x128xf32> to vector<128x128xf32>
    %transpose3A_1021 = tpu.transpose %get3A_1020, [1, 0] : vector<128x128xf32> -> vector<128x128xf32>
    %slice3A_1022 = vector.extract_strided_slice %transpose3A_1021 {offsets = [0, 0], sizes = [32, 128], strides = [1, 1]} : vector<128x128xf32> to vector<32x128xf32>
    %swap3A_1023 = arith.constant 0 : index
    %swap3A_1024 = arith.constant 0 : index
    %swap3A_1025 = arith.constant 3840 : index
    %swap3A_1026 = vector.load %arg2[%swap3A_1023, %swap3A_1024, %swap3A_1025] : memref<2x32x16384xf32, #tpu.memory_space<vmem>>, vector<1x32x128xf32>
    %swap3A_1027 = vector.shape_cast %swap3A_1026 : vector<1x32x128xf32> to vector<32x128xf32>
    %swap3A_1028 = vector.shape_cast %slice3A_1022 : vector<32x128xf32> to vector<1x32x128xf32>
    tpu.vector_store %arg2[%swap3A_1023, %swap3A_1024, %swap3A_1025], %swap3A_1028 {strides = array<i32>} : memref<2x32x16384xf32, #tpu.memory_space<vmem>>, vector<1x32x128xf32>,
    %slice3A_1029 = vector.extract_strided_slice %transpose3A_1021 {offsets = [32, 0], sizes = [32, 128], strides = [1, 1]} : vector<128x128xf32> to vector<32x128xf32>
    %swap3A_1030 = arith.constant 0 : index
    %swap3A_1031 = arith.constant 0 : index
    %swap3A_1032 = arith.constant 7936 : index
    %swap3A_1033 = vector.load %arg2[%swap3A_1030, %swap3A_1031, %swap3A_1032] : memref<2x32x16384xf32, #tpu.memory_space<vmem>>, vector<1x32x128xf32>
    %swap3A_1034 = vector.shape_cast %swap3A_1033 : vector<1x32x128xf32> to vector<32x128xf32>
    %swap3A_1035 = vector.shape_cast %slice3A_1029 : vector<32x128xf32> to vector<1x32x128xf32>
    tpu.vector_store %arg2[%swap3A_1030, %swap3A_1031, %swap3A_1032], %swap3A_1035 {strides = array<i32>} : memref<2x32x16384xf32, #tpu.memory_space<vmem>>, vector<1x32x128xf32>,
    %slice3A_1036 = vector.extract_strided_slice %transpose3A_1021 {offsets = [64, 0], sizes = [32, 128], strides = [1, 1]} : vector<128x128xf32> to vector<32x128xf32>
    %swap3A_1037 = arith.constant 0 : index
    %swap3A_1038 = arith.constant 0 : index
    %swap3A_1039 = arith.constant 12032 : index
    %swap3A_1040 = vector.load %arg2[%swap3A_1037, %swap3A_1038, %swap3A_1039] : memref<2x32x16384xf32, #tpu.memory_space<vmem>>, vector<1x32x128xf32>
    %swap3A_1041 = vector.shape_cast %swap3A_1040 : vector<1x32x128xf32> to vector<32x128xf32>
    %swap3A_1042 = vector.shape_cast %slice3A_1036 : vector<32x128xf32> to vector<1x32x128xf32>
    tpu.vector_store %arg2[%swap3A_1037, %swap3A_1038, %swap3A_1039], %swap3A_1042 {strides = array<i32>} : memref<2x32x16384xf32, #tpu.memory_space<vmem>>, vector<1x32x128xf32>,
    %slice3A_1043 = vector.extract_strided_slice %transpose3A_1021 {offsets = [96, 0], sizes = [32, 128], strides = [1, 1]} : vector<128x128xf32> to vector<32x128xf32>
    %swap3A_1044 = arith.constant 0 : index
    %swap3A_1045 = arith.constant 0 : index
    %swap3A_1046 = arith.constant 16128 : index
    %swap3A_1047 = vector.load %arg2[%swap3A_1044, %swap3A_1045, %swap3A_1046] : memref<2x32x16384xf32, #tpu.memory_space<vmem>>, vector<1x32x128xf32>
    %swap3A_1048 = vector.shape_cast %swap3A_1047 : vector<1x32x128xf32> to vector<32x128xf32>
    %swap3A_1049 = vector.shape_cast %slice3A_1043 : vector<32x128xf32> to vector<1x32x128xf32>
    tpu.vector_store %arg2[%swap3A_1044, %swap3A_1045, %swap3A_1046], %swap3A_1049 {strides = array<i32>} : memref<2x32x16384xf32, #tpu.memory_space<vmem>>, vector<1x32x128xf32>,
    %get3A_1050 = arith.constant 0 : index
    %get3A_1051 = arith.constant 3968 : index
    %get3A_1052 = arith.constant 0 : index
    %get3A_1053 = vector.load %arg1[%get3A_1050, %get3A_1051, %get3A_1052] : memref<2x4096x128xf32, #tpu.memory_space<vmem>>, vector<1x128x128xf32>
    %get3A_1054 = vector.shape_cast %get3A_1053 : vector<1x128x128xf32> to vector<128x128xf32>
    %transpose3A_1055 = tpu.transpose %get3A_1054, [1, 0] : vector<128x128xf32> -> vector<128x128xf32>
    %slice3A_1056 = vector.extract_strided_slice %transpose3A_1055 {offsets = [0, 0], sizes = [32, 128], strides = [1, 1]} : vector<128x128xf32> to vector<32x128xf32>
    %swap3A_1057 = arith.constant 0 : index
    %swap3A_1058 = arith.constant 0 : index
    %swap3A_1059 = arith.constant 3968 : index
    %swap3A_1060 = vector.load %arg2[%swap3A_1057, %swap3A_1058, %swap3A_1059] : memref<2x32x16384xf32, #tpu.memory_space<vmem>>, vector<1x32x128xf32>
    %swap3A_1061 = vector.shape_cast %swap3A_1060 : vector<1x32x128xf32> to vector<32x128xf32>
    %swap3A_1062 = vector.shape_cast %slice3A_1056 : vector<32x128xf32> to vector<1x32x128xf32>
    tpu.vector_store %arg2[%swap3A_1057, %swap3A_1058, %swap3A_1059], %swap3A_1062 {strides = array<i32>} : memref<2x32x16384xf32, #tpu.memory_space<vmem>>, vector<1x32x128xf32>,
    %slice3A_1063 = vector.extract_strided_slice %transpose3A_1055 {offsets = [32, 0], sizes = [32, 128], strides = [1, 1]} : vector<128x128xf32> to vector<32x128xf32>
    %swap3A_1064 = arith.constant 0 : index
    %swap3A_1065 = arith.constant 0 : index
    %swap3A_1066 = arith.constant 8064 : index
    %swap3A_1067 = vector.load %arg2[%swap3A_1064, %swap3A_1065, %swap3A_1066] : memref<2x32x16384xf32, #tpu.memory_space<vmem>>, vector<1x32x128xf32>
    %swap3A_1068 = vector.shape_cast %swap3A_1067 : vector<1x32x128xf32> to vector<32x128xf32>
    %swap3A_1069 = vector.shape_cast %slice3A_1063 : vector<32x128xf32> to vector<1x32x128xf32>
    tpu.vector_store %arg2[%swap3A_1064, %swap3A_1065, %swap3A_1066], %swap3A_1069 {strides = array<i32>} : memref<2x32x16384xf32, #tpu.memory_space<vmem>>, vector<1x32x128xf32>,
    %slice3A_1070 = vector.extract_strided_slice %transpose3A_1055 {offsets = [64, 0], sizes = [32, 128], strides = [1, 1]} : vector<128x128xf32> to vector<32x128xf32>
    %swap3A_1071 = arith.constant 0 : index
    %swap3A_1072 = arith.constant 0 : index
    %swap3A_1073 = arith.constant 12160 : index
    %swap3A_1074 = vector.load %arg2[%swap3A_1071, %swap3A_1072, %swap3A_1073] : memref<2x32x16384xf32, #tpu.memory_space<vmem>>, vector<1x32x128xf32>
    %swap3A_1075 = vector.shape_cast %swap3A_1074 : vector<1x32x128xf32> to vector<32x128xf32>
    %swap3A_1076 = vector.shape_cast %slice3A_1070 : vector<32x128xf32> to vector<1x32x128xf32>
    tpu.vector_store %arg2[%swap3A_1071, %swap3A_1072, %swap3A_1073], %swap3A_1076 {strides = array<i32>} : memref<2x32x16384xf32, #tpu.memory_space<vmem>>, vector<1x32x128xf32>,
    %slice3A_1077 = vector.extract_strided_slice %transpose3A_1055 {offsets = [96, 0], sizes = [32, 128], strides = [1, 1]} : vector<128x128xf32> to vector<32x128xf32>
    %swap3A_1078 = arith.constant 0 : index
    %swap3A_1079 = arith.constant 0 : index
    %swap3A_1080 = arith.constant 16256 : index
    %swap3A_1081 = vector.load %arg2[%swap3A_1078, %swap3A_1079, %swap3A_1080] : memref<2x32x16384xf32, #tpu.memory_space<vmem>>, vector<1x32x128xf32>
    %swap3A_1082 = vector.shape_cast %swap3A_1081 : vector<1x32x128xf32> to vector<32x128xf32>
    %swap3A_1083 = vector.shape_cast %slice3A_1077 : vector<32x128xf32> to vector<1x32x128xf32>
    tpu.vector_store %arg2[%swap3A_1078, %swap3A_1079, %swap3A_1080], %swap3A_1083 {strides = array<i32>} : memref<2x32x16384xf32, #tpu.memory_space<vmem>>, vector<1x32x128xf32>,
    %get3A_1084 = arith.constant 1 : index
    %get3A_1085 = arith.constant 0 : index
    %get3A_1086 = arith.constant 0 : index
    %get3A_1087 = vector.load %arg1[%get3A_1084, %get3A_1085, %get3A_1086] : memref<2x4096x128xf32, #tpu.memory_space<vmem>>, vector<1x128x128xf32>
    %get3A_1088 = vector.shape_cast %get3A_1087 : vector<1x128x128xf32> to vector<128x128xf32>
    %transpose3A_1089 = tpu.transpose %get3A_1088, [1, 0] : vector<128x128xf32> -> vector<128x128xf32>
    %slice3A_1090 = vector.extract_strided_slice %transpose3A_1089 {offsets = [0, 0], sizes = [32, 128], strides = [1, 1]} : vector<128x128xf32> to vector<32x128xf32>
    %swap3A_1091 = arith.constant 1 : index
    %swap3A_1092 = arith.constant 0 : index
    %swap3A_1093 = arith.constant 0 : index
    %swap3A_1094 = vector.load %arg2[%swap3A_1091, %swap3A_1092, %swap3A_1093] : memref<2x32x16384xf32, #tpu.memory_space<vmem>>, vector<1x32x128xf32>
    %swap3A_1095 = vector.shape_cast %swap3A_1094 : vector<1x32x128xf32> to vector<32x128xf32>
    %swap3A_1096 = vector.shape_cast %slice3A_1090 : vector<32x128xf32> to vector<1x32x128xf32>
    tpu.vector_store %arg2[%swap3A_1091, %swap3A_1092, %swap3A_1093], %swap3A_1096 {strides = array<i32>} : memref<2x32x16384xf32, #tpu.memory_space<vmem>>, vector<1x32x128xf32>,
    %slice3A_1097 = vector.extract_strided_slice %transpose3A_1089 {offsets = [32, 0], sizes = [32, 128], strides = [1, 1]} : vector<128x128xf32> to vector<32x128xf32>
    %swap3A_1098 = arith.constant 1 : index
    %swap3A_1099 = arith.constant 0 : index
    %swap3A_1100 = arith.constant 4096 : index
    %swap3A_1101 = vector.load %arg2[%swap3A_1098, %swap3A_1099, %swap3A_1100] : memref<2x32x16384xf32, #tpu.memory_space<vmem>>, vector<1x32x128xf32>
    %swap3A_1102 = vector.shape_cast %swap3A_1101 : vector<1x32x128xf32> to vector<32x128xf32>
    %swap3A_1103 = vector.shape_cast %slice3A_1097 : vector<32x128xf32> to vector<1x32x128xf32>
    tpu.vector_store %arg2[%swap3A_1098, %swap3A_1099, %swap3A_1100], %swap3A_1103 {strides = array<i32>} : memref<2x32x16384xf32, #tpu.memory_space<vmem>>, vector<1x32x128xf32>,
    %slice3A_1104 = vector.extract_strided_slice %transpose3A_1089 {offsets = [64, 0], sizes = [32, 128], strides = [1, 1]} : vector<128x128xf32> to vector<32x128xf32>
    %swap3A_1105 = arith.constant 1 : index
    %swap3A_1106 = arith.constant 0 : index
    %swap3A_1107 = arith.constant 8192 : index
    %swap3A_1108 = vector.load %arg2[%swap3A_1105, %swap3A_1106, %swap3A_1107] : memref<2x32x16384xf32, #tpu.memory_space<vmem>>, vector<1x32x128xf32>
    %swap3A_1109 = vector.shape_cast %swap3A_1108 : vector<1x32x128xf32> to vector<32x128xf32>
    %swap3A_1110 = vector.shape_cast %slice3A_1104 : vector<32x128xf32> to vector<1x32x128xf32>
    tpu.vector_store %arg2[%swap3A_1105, %swap3A_1106, %swap3A_1107], %swap3A_1110 {strides = array<i32>} : memref<2x32x16384xf32, #tpu.memory_space<vmem>>, vector<1x32x128xf32>,
    %slice3A_1111 = vector.extract_strided_slice %transpose3A_1089 {offsets = [96, 0], sizes = [32, 128], strides = [1, 1]} : vector<128x128xf32> to vector<32x128xf32>
    %swap3A_1112 = arith.constant 1 : index
    %swap3A_1113 = arith.constant 0 : index
    %swap3A_1114 = arith.constant 12288 : index
    %swap3A_1115 = vector.load %arg2[%swap3A_1112, %swap3A_1113, %swap3A_1114] : memref<2x32x16384xf32, #tpu.memory_space<vmem>>, vector<1x32x128xf32>
    %swap3A_1116 = vector.shape_cast %swap3A_1115 : vector<1x32x128xf32> to vector<32x128xf32>
    %swap3A_1117 = vector.shape_cast %slice3A_1111 : vector<32x128xf32> to vector<1x32x128xf32>
    tpu.vector_store %arg2[%swap3A_1112, %swap3A_1113, %swap3A_1114], %swap3A_1117 {strides = array<i32>} : memref<2x32x16384xf32, #tpu.memory_space<vmem>>, vector<1x32x128xf32>,
    %get3A_1118 = arith.constant 1 : index
    %get3A_1119 = arith.constant 128 : index
    %get3A_1120 = arith.constant 0 : index
    %get3A_1121 = vector.load %arg1[%get3A_1118, %get3A_1119, %get3A_1120] : memref<2x4096x128xf32, #tpu.memory_space<vmem>>, vector<1x128x128xf32>
    %get3A_1122 = vector.shape_cast %get3A_1121 : vector<1x128x128xf32> to vector<128x128xf32>
    %transpose3A_1123 = tpu.transpose %get3A_1122, [1, 0] : vector<128x128xf32> -> vector<128x128xf32>
    %slice3A_1124 = vector.extract_strided_slice %transpose3A_1123 {offsets = [0, 0], sizes = [32, 128], strides = [1, 1]} : vector<128x128xf32> to vector<32x128xf32>
    %swap3A_1125 = arith.constant 1 : index
    %swap3A_1126 = arith.constant 0 : index
    %swap3A_1127 = arith.constant 128 : index
    %swap3A_1128 = vector.load %arg2[%swap3A_1125, %swap3A_1126, %swap3A_1127] : memref<2x32x16384xf32, #tpu.memory_space<vmem>>, vector<1x32x128xf32>
    %swap3A_1129 = vector.shape_cast %swap3A_1128 : vector<1x32x128xf32> to vector<32x128xf32>
    %swap3A_1130 = vector.shape_cast %slice3A_1124 : vector<32x128xf32> to vector<1x32x128xf32>
    tpu.vector_store %arg2[%swap3A_1125, %swap3A_1126, %swap3A_1127], %swap3A_1130 {strides = array<i32>} : memref<2x32x16384xf32, #tpu.memory_space<vmem>>, vector<1x32x128xf32>,
    %slice3A_1131 = vector.extract_strided_slice %transpose3A_1123 {offsets = [32, 0], sizes = [32, 128], strides = [1, 1]} : vector<128x128xf32> to vector<32x128xf32>
    %swap3A_1132 = arith.constant 1 : index
    %swap3A_1133 = arith.constant 0 : index
    %swap3A_1134 = arith.constant 4224 : index
    %swap3A_1135 = vector.load %arg2[%swap3A_1132, %swap3A_1133, %swap3A_1134] : memref<2x32x16384xf32, #tpu.memory_space<vmem>>, vector<1x32x128xf32>
    %swap3A_1136 = vector.shape_cast %swap3A_1135 : vector<1x32x128xf32> to vector<32x128xf32>
    %swap3A_1137 = vector.shape_cast %slice3A_1131 : vector<32x128xf32> to vector<1x32x128xf32>
    tpu.vector_store %arg2[%swap3A_1132, %swap3A_1133, %swap3A_1134], %swap3A_1137 {strides = array<i32>} : memref<2x32x16384xf32, #tpu.memory_space<vmem>>, vector<1x32x128xf32>,
    %slice3A_1138 = vector.extract_strided_slice %transpose3A_1123 {offsets = [64, 0], sizes = [32, 128], strides = [1, 1]} : vector<128x128xf32> to vector<32x128xf32>
    %swap3A_1139 = arith.constant 1 : index
    %swap3A_1140 = arith.constant 0 : index
    %swap3A_1141 = arith.constant 8320 : index
    %swap3A_1142 = vector.load %arg2[%swap3A_1139, %swap3A_1140, %swap3A_1141] : memref<2x32x16384xf32, #tpu.memory_space<vmem>>, vector<1x32x128xf32>
    %swap3A_1143 = vector.shape_cast %swap3A_1142 : vector<1x32x128xf32> to vector<32x128xf32>
    %swap3A_1144 = vector.shape_cast %slice3A_1138 : vector<32x128xf32> to vector<1x32x128xf32>
    tpu.vector_store %arg2[%swap3A_1139, %swap3A_1140, %swap3A_1141], %swap3A_1144 {strides = array<i32>} : memref<2x32x16384xf32, #tpu.memory_space<vmem>>, vector<1x32x128xf32>,
    %slice3A_1145 = vector.extract_strided_slice %transpose3A_1123 {offsets = [96, 0], sizes = [32, 128], strides = [1, 1]} : vector<128x128xf32> to vector<32x128xf32>
    %swap3A_1146 = arith.constant 1 : index
    %swap3A_1147 = arith.constant 0 : index
    %swap3A_1148 = arith.constant 12416 : index
    %swap3A_1149 = vector.load %arg2[%swap3A_1146, %swap3A_1147, %swap3A_1148] : memref<2x32x16384xf32, #tpu.memory_space<vmem>>, vector<1x32x128xf32>
    %swap3A_1150 = vector.shape_cast %swap3A_1149 : vector<1x32x128xf32> to vector<32x128xf32>
    %swap3A_1151 = vector.shape_cast %slice3A_1145 : vector<32x128xf32> to vector<1x32x128xf32>
    tpu.vector_store %arg2[%swap3A_1146, %swap3A_1147, %swap3A_1148], %swap3A_1151 {strides = array<i32>} : memref<2x32x16384xf32, #tpu.memory_space<vmem>>, vector<1x32x128xf32>,
    %get3A_1152 = arith.constant 1 : index
    %get3A_1153 = arith.constant 256 : index
    %get3A_1154 = arith.constant 0 : index
    %get3A_1155 = vector.load %arg1[%get3A_1152, %get3A_1153, %get3A_1154] : memref<2x4096x128xf32, #tpu.memory_space<vmem>>, vector<1x128x128xf32>
    %get3A_1156 = vector.shape_cast %get3A_1155 : vector<1x128x128xf32> to vector<128x128xf32>
    %transpose3A_1157 = tpu.transpose %get3A_1156, [1, 0] : vector<128x128xf32> -> vector<128x128xf32>
    %slice3A_1158 = vector.extract_strided_slice %transpose3A_1157 {offsets = [0, 0], sizes = [32, 128], strides = [1, 1]} : vector<128x128xf32> to vector<32x128xf32>
    %swap3A_1159 = arith.constant 1 : index
    %swap3A_1160 = arith.constant 0 : index
    %swap3A_1161 = arith.constant 256 : index
    %swap3A_1162 = vector.load %arg2[%swap3A_1159, %swap3A_1160, %swap3A_1161] : memref<2x32x16384xf32, #tpu.memory_space<vmem>>, vector<1x32x128xf32>
    %swap3A_1163 = vector.shape_cast %swap3A_1162 : vector<1x32x128xf32> to vector<32x128xf32>
    %swap3A_1164 = vector.shape_cast %slice3A_1158 : vector<32x128xf32> to vector<1x32x128xf32>
    tpu.vector_store %arg2[%swap3A_1159, %swap3A_1160, %swap3A_1161], %swap3A_1164 {strides = array<i32>} : memref<2x32x16384xf32, #tpu.memory_space<vmem>>, vector<1x32x128xf32>,
    %slice3A_1165 = vector.extract_strided_slice %transpose3A_1157 {offsets = [32, 0], sizes = [32, 128], strides = [1, 1]} : vector<128x128xf32> to vector<32x128xf32>
    %swap3A_1166 = arith.constant 1 : index
    %swap3A_1167 = arith.constant 0 : index
    %swap3A_1168 = arith.constant 4352 : index
    %swap3A_1169 = vector.load %arg2[%swap3A_1166, %swap3A_1167, %swap3A_1168] : memref<2x32x16384xf32, #tpu.memory_space<vmem>>, vector<1x32x128xf32>
    %swap3A_1170 = vector.shape_cast %swap3A_1169 : vector<1x32x128xf32> to vector<32x128xf32>
    %swap3A_1171 = vector.shape_cast %slice3A_1165 : vector<32x128xf32> to vector<1x32x128xf32>
    tpu.vector_store %arg2[%swap3A_1166, %swap3A_1167, %swap3A_1168], %swap3A_1171 {strides = array<i32>} : memref<2x32x16384xf32, #tpu.memory_space<vmem>>, vector<1x32x128xf32>,
    %slice3A_1172 = vector.extract_strided_slice %transpose3A_1157 {offsets = [64, 0], sizes = [32, 128], strides = [1, 1]} : vector<128x128xf32> to vector<32x128xf32>
    %swap3A_1173 = arith.constant 1 : index
    %swap3A_1174 = arith.constant 0 : index
    %swap3A_1175 = arith.constant 8448 : index
    %swap3A_1176 = vector.load %arg2[%swap3A_1173, %swap3A_1174, %swap3A_1175] : memref<2x32x16384xf32, #tpu.memory_space<vmem>>, vector<1x32x128xf32>
    %swap3A_1177 = vector.shape_cast %swap3A_1176 : vector<1x32x128xf32> to vector<32x128xf32>
    %swap3A_1178 = vector.shape_cast %slice3A_1172 : vector<32x128xf32> to vector<1x32x128xf32>
    tpu.vector_store %arg2[%swap3A_1173, %swap3A_1174, %swap3A_1175], %swap3A_1178 {strides = array<i32>} : memref<2x32x16384xf32, #tpu.memory_space<vmem>>, vector<1x32x128xf32>,
    %slice3A_1179 = vector.extract_strided_slice %transpose3A_1157 {offsets = [96, 0], sizes = [32, 128], strides = [1, 1]} : vector<128x128xf32> to vector<32x128xf32>
    %swap3A_1180 = arith.constant 1 : index
    %swap3A_1181 = arith.constant 0 : index
    %swap3A_1182 = arith.constant 12544 : index
    %swap3A_1183 = vector.load %arg2[%swap3A_1180, %swap3A_1181, %swap3A_1182] : memref<2x32x16384xf32, #tpu.memory_space<vmem>>, vector<1x32x128xf32>
    %swap3A_1184 = vector.shape_cast %swap3A_1183 : vector<1x32x128xf32> to vector<32x128xf32>
    %swap3A_1185 = vector.shape_cast %slice3A_1179 : vector<32x128xf32> to vector<1x32x128xf32>
    tpu.vector_store %arg2[%swap3A_1180, %swap3A_1181, %swap3A_1182], %swap3A_1185 {strides = array<i32>} : memref<2x32x16384xf32, #tpu.memory_space<vmem>>, vector<1x32x128xf32>,
    %get3A_1186 = arith.constant 1 : index
    %get3A_1187 = arith.constant 384 : index
    %get3A_1188 = arith.constant 0 : index
    %get3A_1189 = vector.load %arg1[%get3A_1186, %get3A_1187, %get3A_1188] : memref<2x4096x128xf32, #tpu.memory_space<vmem>>, vector<1x128x128xf32>
    %get3A_1190 = vector.shape_cast %get3A_1189 : vector<1x128x128xf32> to vector<128x128xf32>
    %transpose3A_1191 = tpu.transpose %get3A_1190, [1, 0] : vector<128x128xf32> -> vector<128x128xf32>
    %slice3A_1192 = vector.extract_strided_slice %transpose3A_1191 {offsets = [0, 0], sizes = [32, 128], strides = [1, 1]} : vector<128x128xf32> to vector<32x128xf32>
    %swap3A_1193 = arith.constant 1 : index
    %swap3A_1194 = arith.constant 0 : index
    %swap3A_1195 = arith.constant 384 : index
    %swap3A_1196 = vector.load %arg2[%swap3A_1193, %swap3A_1194, %swap3A_1195] : memref<2x32x16384xf32, #tpu.memory_space<vmem>>, vector<1x32x128xf32>
    %swap3A_1197 = vector.shape_cast %swap3A_1196 : vector<1x32x128xf32> to vector<32x128xf32>
    %swap3A_1198 = vector.shape_cast %slice3A_1192 : vector<32x128xf32> to vector<1x32x128xf32>
    tpu.vector_store %arg2[%swap3A_1193, %swap3A_1194, %swap3A_1195], %swap3A_1198 {strides = array<i32>} : memref<2x32x16384xf32, #tpu.memory_space<vmem>>, vector<1x32x128xf32>,
    %slice3A_1199 = vector.extract_strided_slice %transpose3A_1191 {offsets = [32, 0], sizes = [32, 128], strides = [1, 1]} : vector<128x128xf32> to vector<32x128xf32>
    %swap3A_1200 = arith.constant 1 : index
    %swap3A_1201 = arith.constant 0 : index
    %swap3A_1202 = arith.constant 4480 : index
    %swap3A_1203 = vector.load %arg2[%swap3A_1200, %swap3A_1201, %swap3A_1202] : memref<2x32x16384xf32, #tpu.memory_space<vmem>>, vector<1x32x128xf32>
    %swap3A_1204 = vector.shape_cast %swap3A_1203 : vector<1x32x128xf32> to vector<32x128xf32>
    %swap3A_1205 = vector.shape_cast %slice3A_1199 : vector<32x128xf32> to vector<1x32x128xf32>
    tpu.vector_store %arg2[%swap3A_1200, %swap3A_1201, %swap3A_1202], %swap3A_1205 {strides = array<i32>} : memref<2x32x16384xf32, #tpu.memory_space<vmem>>, vector<1x32x128xf32>,
    %slice3A_1206 = vector.extract_strided_slice %transpose3A_1191 {offsets = [64, 0], sizes = [32, 128], strides = [1, 1]} : vector<128x128xf32> to vector<32x128xf32>
    %swap3A_1207 = arith.constant 1 : index
    %swap3A_1208 = arith.constant 0 : index
    %swap3A_1209 = arith.constant 8576 : index
    %swap3A_1210 = vector.load %arg2[%swap3A_1207, %swap3A_1208, %swap3A_1209] : memref<2x32x16384xf32, #tpu.memory_space<vmem>>, vector<1x32x128xf32>
    %swap3A_1211 = vector.shape_cast %swap3A_1210 : vector<1x32x128xf32> to vector<32x128xf32>
    %swap3A_1212 = vector.shape_cast %slice3A_1206 : vector<32x128xf32> to vector<1x32x128xf32>
    tpu.vector_store %arg2[%swap3A_1207, %swap3A_1208, %swap3A_1209], %swap3A_1212 {strides = array<i32>} : memref<2x32x16384xf32, #tpu.memory_space<vmem>>, vector<1x32x128xf32>,
    %slice3A_1213 = vector.extract_strided_slice %transpose3A_1191 {offsets = [96, 0], sizes = [32, 128], strides = [1, 1]} : vector<128x128xf32> to vector<32x128xf32>
    %swap3A_1214 = arith.constant 1 : index
    %swap3A_1215 = arith.constant 0 : index
    %swap3A_1216 = arith.constant 12672 : index
    %swap3A_1217 = vector.load %arg2[%swap3A_1214, %swap3A_1215, %swap3A_1216] : memref<2x32x16384xf32, #tpu.memory_space<vmem>>, vector<1x32x128xf32>
    %swap3A_1218 = vector.shape_cast %swap3A_1217 : vector<1x32x128xf32> to vector<32x128xf32>
    %swap3A_1219 = vector.shape_cast %slice3A_1213 : vector<32x128xf32> to vector<1x32x128xf32>
    tpu.vector_store %arg2[%swap3A_1214, %swap3A_1215, %swap3A_1216], %swap3A_1219 {strides = array<i32>} : memref<2x32x16384xf32, #tpu.memory_space<vmem>>, vector<1x32x128xf32>,
    %get3A_1220 = arith.constant 1 : index
    %get3A_1221 = arith.constant 512 : index
    %get3A_1222 = arith.constant 0 : index
    %get3A_1223 = vector.load %arg1[%get3A_1220, %get3A_1221, %get3A_1222] : memref<2x4096x128xf32, #tpu.memory_space<vmem>>, vector<1x128x128xf32>
    %get3A_1224 = vector.shape_cast %get3A_1223 : vector<1x128x128xf32> to vector<128x128xf32>
    %transpose3A_1225 = tpu.transpose %get3A_1224, [1, 0] : vector<128x128xf32> -> vector<128x128xf32>
    %slice3A_1226 = vector.extract_strided_slice %transpose3A_1225 {offsets = [0, 0], sizes = [32, 128], strides = [1, 1]} : vector<128x128xf32> to vector<32x128xf32>
    %swap3A_1227 = arith.constant 1 : index
    %swap3A_1228 = arith.constant 0 : index
    %swap3A_1229 = arith.constant 512 : index
    %swap3A_1230 = vector.load %arg2[%swap3A_1227, %swap3A_1228, %swap3A_1229] : memref<2x32x16384xf32, #tpu.memory_space<vmem>>, vector<1x32x128xf32>
    %swap3A_1231 = vector.shape_cast %swap3A_1230 : vector<1x32x128xf32> to vector<32x128xf32>
    %swap3A_1232 = vector.shape_cast %slice3A_1226 : vector<32x128xf32> to vector<1x32x128xf32>
    tpu.vector_store %arg2[%swap3A_1227, %swap3A_1228, %swap3A_1229], %swap3A_1232 {strides = array<i32>} : memref<2x32x16384xf32, #tpu.memory_space<vmem>>, vector<1x32x128xf32>,
    %slice3A_1233 = vector.extract_strided_slice %transpose3A_1225 {offsets = [32, 0], sizes = [32, 128], strides = [1, 1]} : vector<128x128xf32> to vector<32x128xf32>
    %swap3A_1234 = arith.constant 1 : index
    %swap3A_1235 = arith.constant 0 : index
    %swap3A_1236 = arith.constant 4608 : index
    %swap3A_1237 = vector.load %arg2[%swap3A_1234, %swap3A_1235, %swap3A_1236] : memref<2x32x16384xf32, #tpu.memory_space<vmem>>, vector<1x32x128xf32>
    %swap3A_1238 = vector.shape_cast %swap3A_1237 : vector<1x32x128xf32> to vector<32x128xf32>
    %swap3A_1239 = vector.shape_cast %slice3A_1233 : vector<32x128xf32> to vector<1x32x128xf32>
    tpu.vector_store %arg2[%swap3A_1234, %swap3A_1235, %swap3A_1236], %swap3A_1239 {strides = array<i32>} : memref<2x32x16384xf32, #tpu.memory_space<vmem>>, vector<1x32x128xf32>,
    %slice3A_1240 = vector.extract_strided_slice %transpose3A_1225 {offsets = [64, 0], sizes = [32, 128], strides = [1, 1]} : vector<128x128xf32> to vector<32x128xf32>
    %swap3A_1241 = arith.constant 1 : index
    %swap3A_1242 = arith.constant 0 : index
    %swap3A_1243 = arith.constant 8704 : index
    %swap3A_1244 = vector.load %arg2[%swap3A_1241, %swap3A_1242, %swap3A_1243] : memref<2x32x16384xf32, #tpu.memory_space<vmem>>, vector<1x32x128xf32>
    %swap3A_1245 = vector.shape_cast %swap3A_1244 : vector<1x32x128xf32> to vector<32x128xf32>
    %swap3A_1246 = vector.shape_cast %slice3A_1240 : vector<32x128xf32> to vector<1x32x128xf32>
    tpu.vector_store %arg2[%swap3A_1241, %swap3A_1242, %swap3A_1243], %swap3A_1246 {strides = array<i32>} : memref<2x32x16384xf32, #tpu.memory_space<vmem>>, vector<1x32x128xf32>,
    %slice3A_1247 = vector.extract_strided_slice %transpose3A_1225 {offsets = [96, 0], sizes = [32, 128], strides = [1, 1]} : vector<128x128xf32> to vector<32x128xf32>
    %swap3A_1248 = arith.constant 1 : index
    %swap3A_1249 = arith.constant 0 : index
    %swap3A_1250 = arith.constant 12800 : index
    %swap3A_1251 = vector.load %arg2[%swap3A_1248, %swap3A_1249, %swap3A_1250] : memref<2x32x16384xf32, #tpu.memory_space<vmem>>, vector<1x32x128xf32>
    %swap3A_1252 = vector.shape_cast %swap3A_1251 : vector<1x32x128xf32> to vector<32x128xf32>
    %swap3A_1253 = vector.shape_cast %slice3A_1247 : vector<32x128xf32> to vector<1x32x128xf32>
    tpu.vector_store %arg2[%swap3A_1248, %swap3A_1249, %swap3A_1250], %swap3A_1253 {strides = array<i32>} : memref<2x32x16384xf32, #tpu.memory_space<vmem>>, vector<1x32x128xf32>,
    %get3A_1254 = arith.constant 1 : index
    %get3A_1255 = arith.constant 640 : index
    %get3A_1256 = arith.constant 0 : index
    %get3A_1257 = vector.load %arg1[%get3A_1254, %get3A_1255, %get3A_1256] : memref<2x4096x128xf32, #tpu.memory_space<vmem>>, vector<1x128x128xf32>
    %get3A_1258 = vector.shape_cast %get3A_1257 : vector<1x128x128xf32> to vector<128x128xf32>
    %transpose3A_1259 = tpu.transpose %get3A_1258, [1, 0] : vector<128x128xf32> -> vector<128x128xf32>
    %slice3A_1260 = vector.extract_strided_slice %transpose3A_1259 {offsets = [0, 0], sizes = [32, 128], strides = [1, 1]} : vector<128x128xf32> to vector<32x128xf32>
    %swap3A_1261 = arith.constant 1 : index
    %swap3A_1262 = arith.constant 0 : index
    %swap3A_1263 = arith.constant 640 : index
    %swap3A_1264 = vector.load %arg2[%swap3A_1261, %swap3A_1262, %swap3A_1263] : memref<2x32x16384xf32, #tpu.memory_space<vmem>>, vector<1x32x128xf32>
    %swap3A_1265 = vector.shape_cast %swap3A_1264 : vector<1x32x128xf32> to vector<32x128xf32>
    %swap3A_1266 = vector.shape_cast %slice3A_1260 : vector<32x128xf32> to vector<1x32x128xf32>
    tpu.vector_store %arg2[%swap3A_1261, %swap3A_1262, %swap3A_1263], %swap3A_1266 {strides = array<i32>} : memref<2x32x16384xf32, #tpu.memory_space<vmem>>, vector<1x32x128xf32>,
    %slice3A_1267 = vector.extract_strided_slice %transpose3A_1259 {offsets = [32, 0], sizes = [32, 128], strides = [1, 1]} : vector<128x128xf32> to vector<32x128xf32>
    %swap3A_1268 = arith.constant 1 : index
    %swap3A_1269 = arith.constant 0 : index
    %swap3A_1270 = arith.constant 4736 : index
    %swap3A_1271 = vector.load %arg2[%swap3A_1268, %swap3A_1269, %swap3A_1270] : memref<2x32x16384xf32, #tpu.memory_space<vmem>>, vector<1x32x128xf32>
    %swap3A_1272 = vector.shape_cast %swap3A_1271 : vector<1x32x128xf32> to vector<32x128xf32>
    %swap3A_1273 = vector.shape_cast %slice3A_1267 : vector<32x128xf32> to vector<1x32x128xf32>
    tpu.vector_store %arg2[%swap3A_1268, %swap3A_1269, %swap3A_1270], %swap3A_1273 {strides = array<i32>} : memref<2x32x16384xf32, #tpu.memory_space<vmem>>, vector<1x32x128xf32>,
    %slice3A_1274 = vector.extract_strided_slice %transpose3A_1259 {offsets = [64, 0], sizes = [32, 128], strides = [1, 1]} : vector<128x128xf32> to vector<32x128xf32>
    %swap3A_1275 = arith.constant 1 : index
    %swap3A_1276 = arith.constant 0 : index
    %swap3A_1277 = arith.constant 8832 : index
    %swap3A_1278 = vector.load %arg2[%swap3A_1275, %swap3A_1276, %swap3A_1277] : memref<2x32x16384xf32, #tpu.memory_space<vmem>>, vector<1x32x128xf32>
    %swap3A_1279 = vector.shape_cast %swap3A_1278 : vector<1x32x128xf32> to vector<32x128xf32>
    %swap3A_1280 = vector.shape_cast %slice3A_1274 : vector<32x128xf32> to vector<1x32x128xf32>
    tpu.vector_store %arg2[%swap3A_1275, %swap3A_1276, %swap3A_1277], %swap3A_1280 {strides = array<i32>} : memref<2x32x16384xf32, #tpu.memory_space<vmem>>, vector<1x32x128xf32>,
    %slice3A_1281 = vector.extract_strided_slice %transpose3A_1259 {offsets = [96, 0], sizes = [32, 128], strides = [1, 1]} : vector<128x128xf32> to vector<32x128xf32>
    %swap3A_1282 = arith.constant 1 : index
    %swap3A_1283 = arith.constant 0 : index
    %swap3A_1284 = arith.constant 12928 : index
    %swap3A_1285 = vector.load %arg2[%swap3A_1282, %swap3A_1283, %swap3A_1284] : memref<2x32x16384xf32, #tpu.memory_space<vmem>>, vector<1x32x128xf32>
    %swap3A_1286 = vector.shape_cast %swap3A_1285 : vector<1x32x128xf32> to vector<32x128xf32>
    %swap3A_1287 = vector.shape_cast %slice3A_1281 : vector<32x128xf32> to vector<1x32x128xf32>
    tpu.vector_store %arg2[%swap3A_1282, %swap3A_1283, %swap3A_1284], %swap3A_1287 {strides = array<i32>} : memref<2x32x16384xf32, #tpu.memory_space<vmem>>, vector<1x32x128xf32>,
    %get3A_1288 = arith.constant 1 : index
    %get3A_1289 = arith.constant 768 : index
    %get3A_1290 = arith.constant 0 : index
    %get3A_1291 = vector.load %arg1[%get3A_1288, %get3A_1289, %get3A_1290] : memref<2x4096x128xf32, #tpu.memory_space<vmem>>, vector<1x128x128xf32>
    %get3A_1292 = vector.shape_cast %get3A_1291 : vector<1x128x128xf32> to vector<128x128xf32>
    %transpose3A_1293 = tpu.transpose %get3A_1292, [1, 0] : vector<128x128xf32> -> vector<128x128xf32>
    %slice3A_1294 = vector.extract_strided_slice %transpose3A_1293 {offsets = [0, 0], sizes = [32, 128], strides = [1, 1]} : vector<128x128xf32> to vector<32x128xf32>
    %swap3A_1295 = arith.constant 1 : index
    %swap3A_1296 = arith.constant 0 : index
    %swap3A_1297 = arith.constant 768 : index
    %swap3A_1298 = vector.load %arg2[%swap3A_1295, %swap3A_1296, %swap3A_1297] : memref<2x32x16384xf32, #tpu.memory_space<vmem>>, vector<1x32x128xf32>
    %swap3A_1299 = vector.shape_cast %swap3A_1298 : vector<1x32x128xf32> to vector<32x128xf32>
    %swap3A_1300 = vector.shape_cast %slice3A_1294 : vector<32x128xf32> to vector<1x32x128xf32>
    tpu.vector_store %arg2[%swap3A_1295, %swap3A_1296, %swap3A_1297], %swap3A_1300 {strides = array<i32>} : memref<2x32x16384xf32, #tpu.memory_space<vmem>>, vector<1x32x128xf32>,
    %slice3A_1301 = vector.extract_strided_slice %transpose3A_1293 {offsets = [32, 0], sizes = [32, 128], strides = [1, 1]} : vector<128x128xf32> to vector<32x128xf32>
    %swap3A_1302 = arith.constant 1 : index
    %swap3A_1303 = arith.constant 0 : index
    %swap3A_1304 = arith.constant 4864 : index
    %swap3A_1305 = vector.load %arg2[%swap3A_1302, %swap3A_1303, %swap3A_1304] : memref<2x32x16384xf32, #tpu.memory_space<vmem>>, vector<1x32x128xf32>
    %swap3A_1306 = vector.shape_cast %swap3A_1305 : vector<1x32x128xf32> to vector<32x128xf32>
    %swap3A_1307 = vector.shape_cast %slice3A_1301 : vector<32x128xf32> to vector<1x32x128xf32>
    tpu.vector_store %arg2[%swap3A_1302, %swap3A_1303, %swap3A_1304], %swap3A_1307 {strides = array<i32>} : memref<2x32x16384xf32, #tpu.memory_space<vmem>>, vector<1x32x128xf32>,
    %slice3A_1308 = vector.extract_strided_slice %transpose3A_1293 {offsets = [64, 0], sizes = [32, 128], strides = [1, 1]} : vector<128x128xf32> to vector<32x128xf32>
    %swap3A_1309 = arith.constant 1 : index
    %swap3A_1310 = arith.constant 0 : index
    %swap3A_1311 = arith.constant 8960 : index
    %swap3A_1312 = vector.load %arg2[%swap3A_1309, %swap3A_1310, %swap3A_1311] : memref<2x32x16384xf32, #tpu.memory_space<vmem>>, vector<1x32x128xf32>
    %swap3A_1313 = vector.shape_cast %swap3A_1312 : vector<1x32x128xf32> to vector<32x128xf32>
    %swap3A_1314 = vector.shape_cast %slice3A_1308 : vector<32x128xf32> to vector<1x32x128xf32>
    tpu.vector_store %arg2[%swap3A_1309, %swap3A_1310, %swap3A_1311], %swap3A_1314 {strides = array<i32>} : memref<2x32x16384xf32, #tpu.memory_space<vmem>>, vector<1x32x128xf32>,
    %slice3A_1315 = vector.extract_strided_slice %transpose3A_1293 {offsets = [96, 0], sizes = [32, 128], strides = [1, 1]} : vector<128x128xf32> to vector<32x128xf32>
    %swap3A_1316 = arith.constant 1 : index
    %swap3A_1317 = arith.constant 0 : index
    %swap3A_1318 = arith.constant 13056 : index
    %swap3A_1319 = vector.load %arg2[%swap3A_1316, %swap3A_1317, %swap3A_1318] : memref<2x32x16384xf32, #tpu.memory_space<vmem>>, vector<1x32x128xf32>
    %swap3A_1320 = vector.shape_cast %swap3A_1319 : vector<1x32x128xf32> to vector<32x128xf32>
    %swap3A_1321 = vector.shape_cast %slice3A_1315 : vector<32x128xf32> to vector<1x32x128xf32>
    tpu.vector_store %arg2[%swap3A_1316, %swap3A_1317, %swap3A_1318], %swap3A_1321 {strides = array<i32>} : memref<2x32x16384xf32, #tpu.memory_space<vmem>>, vector<1x32x128xf32>,
    %get3A_1322 = arith.constant 1 : index
    %get3A_1323 = arith.constant 896 : index
    %get3A_1324 = arith.constant 0 : index
    %get3A_1325 = vector.load %arg1[%get3A_1322, %get3A_1323, %get3A_1324] : memref<2x4096x128xf32, #tpu.memory_space<vmem>>, vector<1x128x128xf32>
    %get3A_1326 = vector.shape_cast %get3A_1325 : vector<1x128x128xf32> to vector<128x128xf32>
    %transpose3A_1327 = tpu.transpose %get3A_1326, [1, 0] : vector<128x128xf32> -> vector<128x128xf32>
    %slice3A_1328 = vector.extract_strided_slice %transpose3A_1327 {offsets = [0, 0], sizes = [32, 128], strides = [1, 1]} : vector<128x128xf32> to vector<32x128xf32>
    %swap3A_1329 = arith.constant 1 : index
    %swap3A_1330 = arith.constant 0 : index
    %swap3A_1331 = arith.constant 896 : index
    %swap3A_1332 = vector.load %arg2[%swap3A_1329, %swap3A_1330, %swap3A_1331] : memref<2x32x16384xf32, #tpu.memory_space<vmem>>, vector<1x32x128xf32>
    %swap3A_1333 = vector.shape_cast %swap3A_1332 : vector<1x32x128xf32> to vector<32x128xf32>
    %swap3A_1334 = vector.shape_cast %slice3A_1328 : vector<32x128xf32> to vector<1x32x128xf32>
    tpu.vector_store %arg2[%swap3A_1329, %swap3A_1330, %swap3A_1331], %swap3A_1334 {strides = array<i32>} : memref<2x32x16384xf32, #tpu.memory_space<vmem>>, vector<1x32x128xf32>,
    %slice3A_1335 = vector.extract_strided_slice %transpose3A_1327 {offsets = [32, 0], sizes = [32, 128], strides = [1, 1]} : vector<128x128xf32> to vector<32x128xf32>
    %swap3A_1336 = arith.constant 1 : index
    %swap3A_1337 = arith.constant 0 : index
    %swap3A_1338 = arith.constant 4992 : index
    %swap3A_1339 = vector.load %arg2[%swap3A_1336, %swap3A_1337, %swap3A_1338] : memref<2x32x16384xf32, #tpu.memory_space<vmem>>, vector<1x32x128xf32>
    %swap3A_1340 = vector.shape_cast %swap3A_1339 : vector<1x32x128xf32> to vector<32x128xf32>
    %swap3A_1341 = vector.shape_cast %slice3A_1335 : vector<32x128xf32> to vector<1x32x128xf32>
    tpu.vector_store %arg2[%swap3A_1336, %swap3A_1337, %swap3A_1338], %swap3A_1341 {strides = array<i32>} : memref<2x32x16384xf32, #tpu.memory_space<vmem>>, vector<1x32x128xf32>,
    %slice3A_1342 = vector.extract_strided_slice %transpose3A_1327 {offsets = [64, 0], sizes = [32, 128], strides = [1, 1]} : vector<128x128xf32> to vector<32x128xf32>
    %swap3A_1343 = arith.constant 1 : index
    %swap3A_1344 = arith.constant 0 : index
    %swap3A_1345 = arith.constant 9088 : index
    %swap3A_1346 = vector.load %arg2[%swap3A_1343, %swap3A_1344, %swap3A_1345] : memref<2x32x16384xf32, #tpu.memory_space<vmem>>, vector<1x32x128xf32>
    %swap3A_1347 = vector.shape_cast %swap3A_1346 : vector<1x32x128xf32> to vector<32x128xf32>
    %swap3A_1348 = vector.shape_cast %slice3A_1342 : vector<32x128xf32> to vector<1x32x128xf32>
    tpu.vector_store %arg2[%swap3A_1343, %swap3A_1344, %swap3A_1345], %swap3A_1348 {strides = array<i32>} : memref<2x32x16384xf32, #tpu.memory_space<vmem>>, vector<1x32x128xf32>,
    %slice3A_1349 = vector.extract_strided_slice %transpose3A_1327 {offsets = [96, 0], sizes = [32, 128], strides = [1, 1]} : vector<128x128xf32> to vector<32x128xf32>
    %swap3A_1350 = arith.constant 1 : index
    %swap3A_1351 = arith.constant 0 : index
    %swap3A_1352 = arith.constant 13184 : index
    %swap3A_1353 = vector.load %arg2[%swap3A_1350, %swap3A_1351, %swap3A_1352] : memref<2x32x16384xf32, #tpu.memory_space<vmem>>, vector<1x32x128xf32>
    %swap3A_1354 = vector.shape_cast %swap3A_1353 : vector<1x32x128xf32> to vector<32x128xf32>
    %swap3A_1355 = vector.shape_cast %slice3A_1349 : vector<32x128xf32> to vector<1x32x128xf32>
    tpu.vector_store %arg2[%swap3A_1350, %swap3A_1351, %swap3A_1352], %swap3A_1355 {strides = array<i32>} : memref<2x32x16384xf32, #tpu.memory_space<vmem>>, vector<1x32x128xf32>,
    %get3A_1356 = arith.constant 1 : index
    %get3A_1357 = arith.constant 1024 : index
    %get3A_1358 = arith.constant 0 : index
    %get3A_1359 = vector.load %arg1[%get3A_1356, %get3A_1357, %get3A_1358] : memref<2x4096x128xf32, #tpu.memory_space<vmem>>, vector<1x128x128xf32>
    %get3A_1360 = vector.shape_cast %get3A_1359 : vector<1x128x128xf32> to vector<128x128xf32>
    %transpose3A_1361 = tpu.transpose %get3A_1360, [1, 0] : vector<128x128xf32> -> vector<128x128xf32>
    %slice3A_1362 = vector.extract_strided_slice %transpose3A_1361 {offsets = [0, 0], sizes = [32, 128], strides = [1, 1]} : vector<128x128xf32> to vector<32x128xf32>
    %swap3A_1363 = arith.constant 1 : index
    %swap3A_1364 = arith.constant 0 : index
    %swap3A_1365 = arith.constant 1024 : index
    %swap3A_1366 = vector.load %arg2[%swap3A_1363, %swap3A_1364, %swap3A_1365] : memref<2x32x16384xf32, #tpu.memory_space<vmem>>, vector<1x32x128xf32>
    %swap3A_1367 = vector.shape_cast %swap3A_1366 : vector<1x32x128xf32> to vector<32x128xf32>
    %swap3A_1368 = vector.shape_cast %slice3A_1362 : vector<32x128xf32> to vector<1x32x128xf32>
    tpu.vector_store %arg2[%swap3A_1363, %swap3A_1364, %swap3A_1365], %swap3A_1368 {strides = array<i32>} : memref<2x32x16384xf32, #tpu.memory_space<vmem>>, vector<1x32x128xf32>,
    %slice3A_1369 = vector.extract_strided_slice %transpose3A_1361 {offsets = [32, 0], sizes = [32, 128], strides = [1, 1]} : vector<128x128xf32> to vector<32x128xf32>
    %swap3A_1370 = arith.constant 1 : index
    %swap3A_1371 = arith.constant 0 : index
    %swap3A_1372 = arith.constant 5120 : index
    %swap3A_1373 = vector.load %arg2[%swap3A_1370, %swap3A_1371, %swap3A_1372] : memref<2x32x16384xf32, #tpu.memory_space<vmem>>, vector<1x32x128xf32>
    %swap3A_1374 = vector.shape_cast %swap3A_1373 : vector<1x32x128xf32> to vector<32x128xf32>
    %swap3A_1375 = vector.shape_cast %slice3A_1369 : vector<32x128xf32> to vector<1x32x128xf32>
    tpu.vector_store %arg2[%swap3A_1370, %swap3A_1371, %swap3A_1372], %swap3A_1375 {strides = array<i32>} : memref<2x32x16384xf32, #tpu.memory_space<vmem>>, vector<1x32x128xf32>,
    %slice3A_1376 = vector.extract_strided_slice %transpose3A_1361 {offsets = [64, 0], sizes = [32, 128], strides = [1, 1]} : vector<128x128xf32> to vector<32x128xf32>
    %swap3A_1377 = arith.constant 1 : index
    %swap3A_1378 = arith.constant 0 : index
    %swap3A_1379 = arith.constant 9216 : index
    %swap3A_1380 = vector.load %arg2[%swap3A_1377, %swap3A_1378, %swap3A_1379] : memref<2x32x16384xf32, #tpu.memory_space<vmem>>, vector<1x32x128xf32>
    %swap3A_1381 = vector.shape_cast %swap3A_1380 : vector<1x32x128xf32> to vector<32x128xf32>
    %swap3A_1382 = vector.shape_cast %slice3A_1376 : vector<32x128xf32> to vector<1x32x128xf32>
    tpu.vector_store %arg2[%swap3A_1377, %swap3A_1378, %swap3A_1379], %swap3A_1382 {strides = array<i32>} : memref<2x32x16384xf32, #tpu.memory_space<vmem>>, vector<1x32x128xf32>,
    %slice3A_1383 = vector.extract_strided_slice %transpose3A_1361 {offsets = [96, 0], sizes = [32, 128], strides = [1, 1]} : vector<128x128xf32> to vector<32x128xf32>
    %swap3A_1384 = arith.constant 1 : index
    %swap3A_1385 = arith.constant 0 : index
    %swap3A_1386 = arith.constant 13312 : index
    %swap3A_1387 = vector.load %arg2[%swap3A_1384, %swap3A_1385, %swap3A_1386] : memref<2x32x16384xf32, #tpu.memory_space<vmem>>, vector<1x32x128xf32>
    %swap3A_1388 = vector.shape_cast %swap3A_1387 : vector<1x32x128xf32> to vector<32x128xf32>
    %swap3A_1389 = vector.shape_cast %slice3A_1383 : vector<32x128xf32> to vector<1x32x128xf32>
    tpu.vector_store %arg2[%swap3A_1384, %swap3A_1385, %swap3A_1386], %swap3A_1389 {strides = array<i32>} : memref<2x32x16384xf32, #tpu.memory_space<vmem>>, vector<1x32x128xf32>,
    %get3A_1390 = arith.constant 1 : index
    %get3A_1391 = arith.constant 1152 : index
    %get3A_1392 = arith.constant 0 : index
    %get3A_1393 = vector.load %arg1[%get3A_1390, %get3A_1391, %get3A_1392] : memref<2x4096x128xf32, #tpu.memory_space<vmem>>, vector<1x128x128xf32>
    %get3A_1394 = vector.shape_cast %get3A_1393 : vector<1x128x128xf32> to vector<128x128xf32>
    %transpose3A_1395 = tpu.transpose %get3A_1394, [1, 0] : vector<128x128xf32> -> vector<128x128xf32>
    %slice3A_1396 = vector.extract_strided_slice %transpose3A_1395 {offsets = [0, 0], sizes = [32, 128], strides = [1, 1]} : vector<128x128xf32> to vector<32x128xf32>
    %swap3A_1397 = arith.constant 1 : index
    %swap3A_1398 = arith.constant 0 : index
    %swap3A_1399 = arith.constant 1152 : index
    %swap3A_1400 = vector.load %arg2[%swap3A_1397, %swap3A_1398, %swap3A_1399] : memref<2x32x16384xf32, #tpu.memory_space<vmem>>, vector<1x32x128xf32>
    %swap3A_1401 = vector.shape_cast %swap3A_1400 : vector<1x32x128xf32> to vector<32x128xf32>
    %swap3A_1402 = vector.shape_cast %slice3A_1396 : vector<32x128xf32> to vector<1x32x128xf32>
    tpu.vector_store %arg2[%swap3A_1397, %swap3A_1398, %swap3A_1399], %swap3A_1402 {strides = array<i32>} : memref<2x32x16384xf32, #tpu.memory_space<vmem>>, vector<1x32x128xf32>,
    %slice3A_1403 = vector.extract_strided_slice %transpose3A_1395 {offsets = [32, 0], sizes = [32, 128], strides = [1, 1]} : vector<128x128xf32> to vector<32x128xf32>
    %swap3A_1404 = arith.constant 1 : index
    %swap3A_1405 = arith.constant 0 : index
    %swap3A_1406 = arith.constant 5248 : index
    %swap3A_1407 = vector.load %arg2[%swap3A_1404, %swap3A_1405, %swap3A_1406] : memref<2x32x16384xf32, #tpu.memory_space<vmem>>, vector<1x32x128xf32>
    %swap3A_1408 = vector.shape_cast %swap3A_1407 : vector<1x32x128xf32> to vector<32x128xf32>
    %swap3A_1409 = vector.shape_cast %slice3A_1403 : vector<32x128xf32> to vector<1x32x128xf32>
    tpu.vector_store %arg2[%swap3A_1404, %swap3A_1405, %swap3A_1406], %swap3A_1409 {strides = array<i32>} : memref<2x32x16384xf32, #tpu.memory_space<vmem>>, vector<1x32x128xf32>,
    %slice3A_1410 = vector.extract_strided_slice %transpose3A_1395 {offsets = [64, 0], sizes = [32, 128], strides = [1, 1]} : vector<128x128xf32> to vector<32x128xf32>
    %swap3A_1411 = arith.constant 1 : index
    %swap3A_1412 = arith.constant 0 : index
    %swap3A_1413 = arith.constant 9344 : index
    %swap3A_1414 = vector.load %arg2[%swap3A_1411, %swap3A_1412, %swap3A_1413] : memref<2x32x16384xf32, #tpu.memory_space<vmem>>, vector<1x32x128xf32>
    %swap3A_1415 = vector.shape_cast %swap3A_1414 : vector<1x32x128xf32> to vector<32x128xf32>
    %swap3A_1416 = vector.shape_cast %slice3A_1410 : vector<32x128xf32> to vector<1x32x128xf32>
    tpu.vector_store %arg2[%swap3A_1411, %swap3A_1412, %swap3A_1413], %swap3A_1416 {strides = array<i32>} : memref<2x32x16384xf32, #tpu.memory_space<vmem>>, vector<1x32x128xf32>,
    %slice3A_1417 = vector.extract_strided_slice %transpose3A_1395 {offsets = [96, 0], sizes = [32, 128], strides = [1, 1]} : vector<128x128xf32> to vector<32x128xf32>
    %swap3A_1418 = arith.constant 1 : index
    %swap3A_1419 = arith.constant 0 : index
    %swap3A_1420 = arith.constant 13440 : index
    %swap3A_1421 = vector.load %arg2[%swap3A_1418, %swap3A_1419, %swap3A_1420] : memref<2x32x16384xf32, #tpu.memory_space<vmem>>, vector<1x32x128xf32>
    %swap3A_1422 = vector.shape_cast %swap3A_1421 : vector<1x32x128xf32> to vector<32x128xf32>
    %swap3A_1423 = vector.shape_cast %slice3A_1417 : vector<32x128xf32> to vector<1x32x128xf32>
    tpu.vector_store %arg2[%swap3A_1418, %swap3A_1419, %swap3A_1420], %swap3A_1423 {strides = array<i32>} : memref<2x32x16384xf32, #tpu.memory_space<vmem>>, vector<1x32x128xf32>,
    %get3A_1424 = arith.constant 1 : index
    %get3A_1425 = arith.constant 1280 : index
    %get3A_1426 = arith.constant 0 : index
    %get3A_1427 = vector.load %arg1[%get3A_1424, %get3A_1425, %get3A_1426] : memref<2x4096x128xf32, #tpu.memory_space<vmem>>, vector<1x128x128xf32>
    %get3A_1428 = vector.shape_cast %get3A_1427 : vector<1x128x128xf32> to vector<128x128xf32>
    %transpose3A_1429 = tpu.transpose %get3A_1428, [1, 0] : vector<128x128xf32> -> vector<128x128xf32>
    %slice3A_1430 = vector.extract_strided_slice %transpose3A_1429 {offsets = [0, 0], sizes = [32, 128], strides = [1, 1]} : vector<128x128xf32> to vector<32x128xf32>
    %swap3A_1431 = arith.constant 1 : index
    %swap3A_1432 = arith.constant 0 : index
    %swap3A_1433 = arith.constant 1280 : index
    %swap3A_1434 = vector.load %arg2[%swap3A_1431, %swap3A_1432, %swap3A_1433] : memref<2x32x16384xf32, #tpu.memory_space<vmem>>, vector<1x32x128xf32>
    %swap3A_1435 = vector.shape_cast %swap3A_1434 : vector<1x32x128xf32> to vector<32x128xf32>
    %swap3A_1436 = vector.shape_cast %slice3A_1430 : vector<32x128xf32> to vector<1x32x128xf32>
    tpu.vector_store %arg2[%swap3A_1431, %swap3A_1432, %swap3A_1433], %swap3A_1436 {strides = array<i32>} : memref<2x32x16384xf32, #tpu.memory_space<vmem>>, vector<1x32x128xf32>,
    %slice3A_1437 = vector.extract_strided_slice %transpose3A_1429 {offsets = [32, 0], sizes = [32, 128], strides = [1, 1]} : vector<128x128xf32> to vector<32x128xf32>
    %swap3A_1438 = arith.constant 1 : index
    %swap3A_1439 = arith.constant 0 : index
    %swap3A_1440 = arith.constant 5376 : index
    %swap3A_1441 = vector.load %arg2[%swap3A_1438, %swap3A_1439, %swap3A_1440] : memref<2x32x16384xf32, #tpu.memory_space<vmem>>, vector<1x32x128xf32>
    %swap3A_1442 = vector.shape_cast %swap3A_1441 : vector<1x32x128xf32> to vector<32x128xf32>
    %swap3A_1443 = vector.shape_cast %slice3A_1437 : vector<32x128xf32> to vector<1x32x128xf32>
    tpu.vector_store %arg2[%swap3A_1438, %swap3A_1439, %swap3A_1440], %swap3A_1443 {strides = array<i32>} : memref<2x32x16384xf32, #tpu.memory_space<vmem>>, vector<1x32x128xf32>,
    %slice3A_1444 = vector.extract_strided_slice %transpose3A_1429 {offsets = [64, 0], sizes = [32, 128], strides = [1, 1]} : vector<128x128xf32> to vector<32x128xf32>
    %swap3A_1445 = arith.constant 1 : index
    %swap3A_1446 = arith.constant 0 : index
    %swap3A_1447 = arith.constant 9472 : index
    %swap3A_1448 = vector.load %arg2[%swap3A_1445, %swap3A_1446, %swap3A_1447] : memref<2x32x16384xf32, #tpu.memory_space<vmem>>, vector<1x32x128xf32>
    %swap3A_1449 = vector.shape_cast %swap3A_1448 : vector<1x32x128xf32> to vector<32x128xf32>
    %swap3A_1450 = vector.shape_cast %slice3A_1444 : vector<32x128xf32> to vector<1x32x128xf32>
    tpu.vector_store %arg2[%swap3A_1445, %swap3A_1446, %swap3A_1447], %swap3A_1450 {strides = array<i32>} : memref<2x32x16384xf32, #tpu.memory_space<vmem>>, vector<1x32x128xf32>,
    %slice3A_1451 = vector.extract_strided_slice %transpose3A_1429 {offsets = [96, 0], sizes = [32, 128], strides = [1, 1]} : vector<128x128xf32> to vector<32x128xf32>
    %swap3A_1452 = arith.constant 1 : index
    %swap3A_1453 = arith.constant 0 : index
    %swap3A_1454 = arith.constant 13568 : index
    %swap3A_1455 = vector.load %arg2[%swap3A_1452, %swap3A_1453, %swap3A_1454] : memref<2x32x16384xf32, #tpu.memory_space<vmem>>, vector<1x32x128xf32>
    %swap3A_1456 = vector.shape_cast %swap3A_1455 : vector<1x32x128xf32> to vector<32x128xf32>
    %swap3A_1457 = vector.shape_cast %slice3A_1451 : vector<32x128xf32> to vector<1x32x128xf32>
    tpu.vector_store %arg2[%swap3A_1452, %swap3A_1453, %swap3A_1454], %swap3A_1457 {strides = array<i32>} : memref<2x32x16384xf32, #tpu.memory_space<vmem>>, vector<1x32x128xf32>,
    %get3A_1458 = arith.constant 1 : index
    %get3A_1459 = arith.constant 1408 : index
    %get3A_1460 = arith.constant 0 : index
    %get3A_1461 = vector.load %arg1[%get3A_1458, %get3A_1459, %get3A_1460] : memref<2x4096x128xf32, #tpu.memory_space<vmem>>, vector<1x128x128xf32>
    %get3A_1462 = vector.shape_cast %get3A_1461 : vector<1x128x128xf32> to vector<128x128xf32>
    %transpose3A_1463 = tpu.transpose %get3A_1462, [1, 0] : vector<128x128xf32> -> vector<128x128xf32>
    %slice3A_1464 = vector.extract_strided_slice %transpose3A_1463 {offsets = [0, 0], sizes = [32, 128], strides = [1, 1]} : vector<128x128xf32> to vector<32x128xf32>
    %swap3A_1465 = arith.constant 1 : index
    %swap3A_1466 = arith.constant 0 : index
    %swap3A_1467 = arith.constant 1408 : index
    %swap3A_1468 = vector.load %arg2[%swap3A_1465, %swap3A_1466, %swap3A_1467] : memref<2x32x16384xf32, #tpu.memory_space<vmem>>, vector<1x32x128xf32>
    %swap3A_1469 = vector.shape_cast %swap3A_1468 : vector<1x32x128xf32> to vector<32x128xf32>
    %swap3A_1470 = vector.shape_cast %slice3A_1464 : vector<32x128xf32> to vector<1x32x128xf32>
    tpu.vector_store %arg2[%swap3A_1465, %swap3A_1466, %swap3A_1467], %swap3A_1470 {strides = array<i32>} : memref<2x32x16384xf32, #tpu.memory_space<vmem>>, vector<1x32x128xf32>,
    %slice3A_1471 = vector.extract_strided_slice %transpose3A_1463 {offsets = [32, 0], sizes = [32, 128], strides = [1, 1]} : vector<128x128xf32> to vector<32x128xf32>
    %swap3A_1472 = arith.constant 1 : index
    %swap3A_1473 = arith.constant 0 : index
    %swap3A_1474 = arith.constant 5504 : index
    %swap3A_1475 = vector.load %arg2[%swap3A_1472, %swap3A_1473, %swap3A_1474] : memref<2x32x16384xf32, #tpu.memory_space<vmem>>, vector<1x32x128xf32>
    %swap3A_1476 = vector.shape_cast %swap3A_1475 : vector<1x32x128xf32> to vector<32x128xf32>
    %swap3A_1477 = vector.shape_cast %slice3A_1471 : vector<32x128xf32> to vector<1x32x128xf32>
    tpu.vector_store %arg2[%swap3A_1472, %swap3A_1473, %swap3A_1474], %swap3A_1477 {strides = array<i32>} : memref<2x32x16384xf32, #tpu.memory_space<vmem>>, vector<1x32x128xf32>,
    %slice3A_1478 = vector.extract_strided_slice %transpose3A_1463 {offsets = [64, 0], sizes = [32, 128], strides = [1, 1]} : vector<128x128xf32> to vector<32x128xf32>
    %swap3A_1479 = arith.constant 1 : index
    %swap3A_1480 = arith.constant 0 : index
    %swap3A_1481 = arith.constant 9600 : index
    %swap3A_1482 = vector.load %arg2[%swap3A_1479, %swap3A_1480, %swap3A_1481] : memref<2x32x16384xf32, #tpu.memory_space<vmem>>, vector<1x32x128xf32>
    %swap3A_1483 = vector.shape_cast %swap3A_1482 : vector<1x32x128xf32> to vector<32x128xf32>
    %swap3A_1484 = vector.shape_cast %slice3A_1478 : vector<32x128xf32> to vector<1x32x128xf32>
    tpu.vector_store %arg2[%swap3A_1479, %swap3A_1480, %swap3A_1481], %swap3A_1484 {strides = array<i32>} : memref<2x32x16384xf32, #tpu.memory_space<vmem>>, vector<1x32x128xf32>,
    %slice3A_1485 = vector.extract_strided_slice %transpose3A_1463 {offsets = [96, 0], sizes = [32, 128], strides = [1, 1]} : vector<128x128xf32> to vector<32x128xf32>
    %swap3A_1486 = arith.constant 1 : index
    %swap3A_1487 = arith.constant 0 : index
    %swap3A_1488 = arith.constant 13696 : index
    %swap3A_1489 = vector.load %arg2[%swap3A_1486, %swap3A_1487, %swap3A_1488] : memref<2x32x16384xf32, #tpu.memory_space<vmem>>, vector<1x32x128xf32>
    %swap3A_1490 = vector.shape_cast %swap3A_1489 : vector<1x32x128xf32> to vector<32x128xf32>
    %swap3A_1491 = vector.shape_cast %slice3A_1485 : vector<32x128xf32> to vector<1x32x128xf32>
    tpu.vector_store %arg2[%swap3A_1486, %swap3A_1487, %swap3A_1488], %swap3A_1491 {strides = array<i32>} : memref<2x32x16384xf32, #tpu.memory_space<vmem>>, vector<1x32x128xf32>,
    %get3A_1492 = arith.constant 1 : index
    %get3A_1493 = arith.constant 1536 : index
    %get3A_1494 = arith.constant 0 : index
    %get3A_1495 = vector.load %arg1[%get3A_1492, %get3A_1493, %get3A_1494] : memref<2x4096x128xf32, #tpu.memory_space<vmem>>, vector<1x128x128xf32>
    %get3A_1496 = vector.shape_cast %get3A_1495 : vector<1x128x128xf32> to vector<128x128xf32>
    %transpose3A_1497 = tpu.transpose %get3A_1496, [1, 0] : vector<128x128xf32> -> vector<128x128xf32>
    %slice3A_1498 = vector.extract_strided_slice %transpose3A_1497 {offsets = [0, 0], sizes = [32, 128], strides = [1, 1]} : vector<128x128xf32> to vector<32x128xf32>
    %swap3A_1499 = arith.constant 1 : index
    %swap3A_1500 = arith.constant 0 : index
    %swap3A_1501 = arith.constant 1536 : index
    %swap3A_1502 = vector.load %arg2[%swap3A_1499, %swap3A_1500, %swap3A_1501] : memref<2x32x16384xf32, #tpu.memory_space<vmem>>, vector<1x32x128xf32>
    %swap3A_1503 = vector.shape_cast %swap3A_1502 : vector<1x32x128xf32> to vector<32x128xf32>
    %swap3A_1504 = vector.shape_cast %slice3A_1498 : vector<32x128xf32> to vector<1x32x128xf32>
    tpu.vector_store %arg2[%swap3A_1499, %swap3A_1500, %swap3A_1501], %swap3A_1504 {strides = array<i32>} : memref<2x32x16384xf32, #tpu.memory_space<vmem>>, vector<1x32x128xf32>,
    %slice3A_1505 = vector.extract_strided_slice %transpose3A_1497 {offsets = [32, 0], sizes = [32, 128], strides = [1, 1]} : vector<128x128xf32> to vector<32x128xf32>
    %swap3A_1506 = arith.constant 1 : index
    %swap3A_1507 = arith.constant 0 : index
    %swap3A_1508 = arith.constant 5632 : index
    %swap3A_1509 = vector.load %arg2[%swap3A_1506, %swap3A_1507, %swap3A_1508] : memref<2x32x16384xf32, #tpu.memory_space<vmem>>, vector<1x32x128xf32>
    %swap3A_1510 = vector.shape_cast %swap3A_1509 : vector<1x32x128xf32> to vector<32x128xf32>
    %swap3A_1511 = vector.shape_cast %slice3A_1505 : vector<32x128xf32> to vector<1x32x128xf32>
    tpu.vector_store %arg2[%swap3A_1506, %swap3A_1507, %swap3A_1508], %swap3A_1511 {strides = array<i32>} : memref<2x32x16384xf32, #tpu.memory_space<vmem>>, vector<1x32x128xf32>,
    %slice3A_1512 = vector.extract_strided_slice %transpose3A_1497 {offsets = [64, 0], sizes = [32, 128], strides = [1, 1]} : vector<128x128xf32> to vector<32x128xf32>
    %swap3A_1513 = arith.constant 1 : index
    %swap3A_1514 = arith.constant 0 : index
    %swap3A_1515 = arith.constant 9728 : index
    %swap3A_1516 = vector.load %arg2[%swap3A_1513, %swap3A_1514, %swap3A_1515] : memref<2x32x16384xf32, #tpu.memory_space<vmem>>, vector<1x32x128xf32>
    %swap3A_1517 = vector.shape_cast %swap3A_1516 : vector<1x32x128xf32> to vector<32x128xf32>
    %swap3A_1518 = vector.shape_cast %slice3A_1512 : vector<32x128xf32> to vector<1x32x128xf32>
    tpu.vector_store %arg2[%swap3A_1513, %swap3A_1514, %swap3A_1515], %swap3A_1518 {strides = array<i32>} : memref<2x32x16384xf32, #tpu.memory_space<vmem>>, vector<1x32x128xf32>,
    %slice3A_1519 = vector.extract_strided_slice %transpose3A_1497 {offsets = [96, 0], sizes = [32, 128], strides = [1, 1]} : vector<128x128xf32> to vector<32x128xf32>
    %swap3A_1520 = arith.constant 1 : index
    %swap3A_1521 = arith.constant 0 : index
    %swap3A_1522 = arith.constant 13824 : index
    %swap3A_1523 = vector.load %arg2[%swap3A_1520, %swap3A_1521, %swap3A_1522] : memref<2x32x16384xf32, #tpu.memory_space<vmem>>, vector<1x32x128xf32>
    %swap3A_1524 = vector.shape_cast %swap3A_1523 : vector<1x32x128xf32> to vector<32x128xf32>
    %swap3A_1525 = vector.shape_cast %slice3A_1519 : vector<32x128xf32> to vector<1x32x128xf32>
    tpu.vector_store %arg2[%swap3A_1520, %swap3A_1521, %swap3A_1522], %swap3A_1525 {strides = array<i32>} : memref<2x32x16384xf32, #tpu.memory_space<vmem>>, vector<1x32x128xf32>,
    %get3A_1526 = arith.constant 1 : index
    %get3A_1527 = arith.constant 1664 : index
    %get3A_1528 = arith.constant 0 : index
    %get3A_1529 = vector.load %arg1[%get3A_1526, %get3A_1527, %get3A_1528] : memref<2x4096x128xf32, #tpu.memory_space<vmem>>, vector<1x128x128xf32>
    %get3A_1530 = vector.shape_cast %get3A_1529 : vector<1x128x128xf32> to vector<128x128xf32>
    %transpose3A_1531 = tpu.transpose %get3A_1530, [1, 0] : vector<128x128xf32> -> vector<128x128xf32>
    %slice3A_1532 = vector.extract_strided_slice %transpose3A_1531 {offsets = [0, 0], sizes = [32, 128], strides = [1, 1]} : vector<128x128xf32> to vector<32x128xf32>
    %swap3A_1533 = arith.constant 1 : index
    %swap3A_1534 = arith.constant 0 : index
    %swap3A_1535 = arith.constant 1664 : index
    %swap3A_1536 = vector.load %arg2[%swap3A_1533, %swap3A_1534, %swap3A_1535] : memref<2x32x16384xf32, #tpu.memory_space<vmem>>, vector<1x32x128xf32>
    %swap3A_1537 = vector.shape_cast %swap3A_1536 : vector<1x32x128xf32> to vector<32x128xf32>
    %swap3A_1538 = vector.shape_cast %slice3A_1532 : vector<32x128xf32> to vector<1x32x128xf32>
    tpu.vector_store %arg2[%swap3A_1533, %swap3A_1534, %swap3A_1535], %swap3A_1538 {strides = array<i32>} : memref<2x32x16384xf32, #tpu.memory_space<vmem>>, vector<1x32x128xf32>,
    %slice3A_1539 = vector.extract_strided_slice %transpose3A_1531 {offsets = [32, 0], sizes = [32, 128], strides = [1, 1]} : vector<128x128xf32> to vector<32x128xf32>
    %swap3A_1540 = arith.constant 1 : index
    %swap3A_1541 = arith.constant 0 : index
    %swap3A_1542 = arith.constant 5760 : index
    %swap3A_1543 = vector.load %arg2[%swap3A_1540, %swap3A_1541, %swap3A_1542] : memref<2x32x16384xf32, #tpu.memory_space<vmem>>, vector<1x32x128xf32>
    %swap3A_1544 = vector.shape_cast %swap3A_1543 : vector<1x32x128xf32> to vector<32x128xf32>
    %swap3A_1545 = vector.shape_cast %slice3A_1539 : vector<32x128xf32> to vector<1x32x128xf32>
    tpu.vector_store %arg2[%swap3A_1540, %swap3A_1541, %swap3A_1542], %swap3A_1545 {strides = array<i32>} : memref<2x32x16384xf32, #tpu.memory_space<vmem>>, vector<1x32x128xf32>,
    %slice3A_1546 = vector.extract_strided_slice %transpose3A_1531 {offsets = [64, 0], sizes = [32, 128], strides = [1, 1]} : vector<128x128xf32> to vector<32x128xf32>
    %swap3A_1547 = arith.constant 1 : index
    %swap3A_1548 = arith.constant 0 : index
    %swap3A_1549 = arith.constant 9856 : index
    %swap3A_1550 = vector.load %arg2[%swap3A_1547, %swap3A_1548, %swap3A_1549] : memref<2x32x16384xf32, #tpu.memory_space<vmem>>, vector<1x32x128xf32>
    %swap3A_1551 = vector.shape_cast %swap3A_1550 : vector<1x32x128xf32> to vector<32x128xf32>
    %swap3A_1552 = vector.shape_cast %slice3A_1546 : vector<32x128xf32> to vector<1x32x128xf32>
    tpu.vector_store %arg2[%swap3A_1547, %swap3A_1548, %swap3A_1549], %swap3A_1552 {strides = array<i32>} : memref<2x32x16384xf32, #tpu.memory_space<vmem>>, vector<1x32x128xf32>,
    %slice3A_1553 = vector.extract_strided_slice %transpose3A_1531 {offsets = [96, 0], sizes = [32, 128], strides = [1, 1]} : vector<128x128xf32> to vector<32x128xf32>
    %swap3A_1554 = arith.constant 1 : index
    %swap3A_1555 = arith.constant 0 : index
    %swap3A_1556 = arith.constant 13952 : index
    %swap3A_1557 = vector.load %arg2[%swap3A_1554, %swap3A_1555, %swap3A_1556] : memref<2x32x16384xf32, #tpu.memory_space<vmem>>, vector<1x32x128xf32>
    %swap3A_1558 = vector.shape_cast %swap3A_1557 : vector<1x32x128xf32> to vector<32x128xf32>
    %swap3A_1559 = vector.shape_cast %slice3A_1553 : vector<32x128xf32> to vector<1x32x128xf32>
    tpu.vector_store %arg2[%swap3A_1554, %swap3A_1555, %swap3A_1556], %swap3A_1559 {strides = array<i32>} : memref<2x32x16384xf32, #tpu.memory_space<vmem>>, vector<1x32x128xf32>,
    %get3A_1560 = arith.constant 1 : index
    %get3A_1561 = arith.constant 1792 : index
    %get3A_1562 = arith.constant 0 : index
    %get3A_1563 = vector.load %arg1[%get3A_1560, %get3A_1561, %get3A_1562] : memref<2x4096x128xf32, #tpu.memory_space<vmem>>, vector<1x128x128xf32>
    %get3A_1564 = vector.shape_cast %get3A_1563 : vector<1x128x128xf32> to vector<128x128xf32>
    %transpose3A_1565 = tpu.transpose %get3A_1564, [1, 0] : vector<128x128xf32> -> vector<128x128xf32>
    %slice3A_1566 = vector.extract_strided_slice %transpose3A_1565 {offsets = [0, 0], sizes = [32, 128], strides = [1, 1]} : vector<128x128xf32> to vector<32x128xf32>
    %swap3A_1567 = arith.constant 1 : index
    %swap3A_1568 = arith.constant 0 : index
    %swap3A_1569 = arith.constant 1792 : index
    %swap3A_1570 = vector.load %arg2[%swap3A_1567, %swap3A_1568, %swap3A_1569] : memref<2x32x16384xf32, #tpu.memory_space<vmem>>, vector<1x32x128xf32>
    %swap3A_1571 = vector.shape_cast %swap3A_1570 : vector<1x32x128xf32> to vector<32x128xf32>
    %swap3A_1572 = vector.shape_cast %slice3A_1566 : vector<32x128xf32> to vector<1x32x128xf32>
    tpu.vector_store %arg2[%swap3A_1567, %swap3A_1568, %swap3A_1569], %swap3A_1572 {strides = array<i32>} : memref<2x32x16384xf32, #tpu.memory_space<vmem>>, vector<1x32x128xf32>,
    %slice3A_1573 = vector.extract_strided_slice %transpose3A_1565 {offsets = [32, 0], sizes = [32, 128], strides = [1, 1]} : vector<128x128xf32> to vector<32x128xf32>
    %swap3A_1574 = arith.constant 1 : index
    %swap3A_1575 = arith.constant 0 : index
    %swap3A_1576 = arith.constant 5888 : index
    %swap3A_1577 = vector.load %arg2[%swap3A_1574, %swap3A_1575, %swap3A_1576] : memref<2x32x16384xf32, #tpu.memory_space<vmem>>, vector<1x32x128xf32>
    %swap3A_1578 = vector.shape_cast %swap3A_1577 : vector<1x32x128xf32> to vector<32x128xf32>
    %swap3A_1579 = vector.shape_cast %slice3A_1573 : vector<32x128xf32> to vector<1x32x128xf32>
    tpu.vector_store %arg2[%swap3A_1574, %swap3A_1575, %swap3A_1576], %swap3A_1579 {strides = array<i32>} : memref<2x32x16384xf32, #tpu.memory_space<vmem>>, vector<1x32x128xf32>,
    %slice3A_1580 = vector.extract_strided_slice %transpose3A_1565 {offsets = [64, 0], sizes = [32, 128], strides = [1, 1]} : vector<128x128xf32> to vector<32x128xf32>
    %swap3A_1581 = arith.constant 1 : index
    %swap3A_1582 = arith.constant 0 : index
    %swap3A_1583 = arith.constant 9984 : index
    %swap3A_1584 = vector.load %arg2[%swap3A_1581, %swap3A_1582, %swap3A_1583] : memref<2x32x16384xf32, #tpu.memory_space<vmem>>, vector<1x32x128xf32>
    %swap3A_1585 = vector.shape_cast %swap3A_1584 : vector<1x32x128xf32> to vector<32x128xf32>
    %swap3A_1586 = vector.shape_cast %slice3A_1580 : vector<32x128xf32> to vector<1x32x128xf32>
    tpu.vector_store %arg2[%swap3A_1581, %swap3A_1582, %swap3A_1583], %swap3A_1586 {strides = array<i32>} : memref<2x32x16384xf32, #tpu.memory_space<vmem>>, vector<1x32x128xf32>,
    %slice3A_1587 = vector.extract_strided_slice %transpose3A_1565 {offsets = [96, 0], sizes = [32, 128], strides = [1, 1]} : vector<128x128xf32> to vector<32x128xf32>
    %swap3A_1588 = arith.constant 1 : index
    %swap3A_1589 = arith.constant 0 : index
    %swap3A_1590 = arith.constant 14080 : index
    %swap3A_1591 = vector.load %arg2[%swap3A_1588, %swap3A_1589, %swap3A_1590] : memref<2x32x16384xf32, #tpu.memory_space<vmem>>, vector<1x32x128xf32>
    %swap3A_1592 = vector.shape_cast %swap3A_1591 : vector<1x32x128xf32> to vector<32x128xf32>
    %swap3A_1593 = vector.shape_cast %slice3A_1587 : vector<32x128xf32> to vector<1x32x128xf32>
    tpu.vector_store %arg2[%swap3A_1588, %swap3A_1589, %swap3A_1590], %swap3A_1593 {strides = array<i32>} : memref<2x32x16384xf32, #tpu.memory_space<vmem>>, vector<1x32x128xf32>,
    %get3A_1594 = arith.constant 1 : index
    %get3A_1595 = arith.constant 1920 : index
    %get3A_1596 = arith.constant 0 : index
    %get3A_1597 = vector.load %arg1[%get3A_1594, %get3A_1595, %get3A_1596] : memref<2x4096x128xf32, #tpu.memory_space<vmem>>, vector<1x128x128xf32>
    %get3A_1598 = vector.shape_cast %get3A_1597 : vector<1x128x128xf32> to vector<128x128xf32>
    %transpose3A_1599 = tpu.transpose %get3A_1598, [1, 0] : vector<128x128xf32> -> vector<128x128xf32>
    %slice3A_1600 = vector.extract_strided_slice %transpose3A_1599 {offsets = [0, 0], sizes = [32, 128], strides = [1, 1]} : vector<128x128xf32> to vector<32x128xf32>
    %swap3A_1601 = arith.constant 1 : index
    %swap3A_1602 = arith.constant 0 : index
    %swap3A_1603 = arith.constant 1920 : index
    %swap3A_1604 = vector.load %arg2[%swap3A_1601, %swap3A_1602, %swap3A_1603] : memref<2x32x16384xf32, #tpu.memory_space<vmem>>, vector<1x32x128xf32>
    %swap3A_1605 = vector.shape_cast %swap3A_1604 : vector<1x32x128xf32> to vector<32x128xf32>
    %swap3A_1606 = vector.shape_cast %slice3A_1600 : vector<32x128xf32> to vector<1x32x128xf32>
    tpu.vector_store %arg2[%swap3A_1601, %swap3A_1602, %swap3A_1603], %swap3A_1606 {strides = array<i32>} : memref<2x32x16384xf32, #tpu.memory_space<vmem>>, vector<1x32x128xf32>,
    %slice3A_1607 = vector.extract_strided_slice %transpose3A_1599 {offsets = [32, 0], sizes = [32, 128], strides = [1, 1]} : vector<128x128xf32> to vector<32x128xf32>
    %swap3A_1608 = arith.constant 1 : index
    %swap3A_1609 = arith.constant 0 : index
    %swap3A_1610 = arith.constant 6016 : index
    %swap3A_1611 = vector.load %arg2[%swap3A_1608, %swap3A_1609, %swap3A_1610] : memref<2x32x16384xf32, #tpu.memory_space<vmem>>, vector<1x32x128xf32>
    %swap3A_1612 = vector.shape_cast %swap3A_1611 : vector<1x32x128xf32> to vector<32x128xf32>
    %swap3A_1613 = vector.shape_cast %slice3A_1607 : vector<32x128xf32> to vector<1x32x128xf32>
    tpu.vector_store %arg2[%swap3A_1608, %swap3A_1609, %swap3A_1610], %swap3A_1613 {strides = array<i32>} : memref<2x32x16384xf32, #tpu.memory_space<vmem>>, vector<1x32x128xf32>,
    %slice3A_1614 = vector.extract_strided_slice %transpose3A_1599 {offsets = [64, 0], sizes = [32, 128], strides = [1, 1]} : vector<128x128xf32> to vector<32x128xf32>
    %swap3A_1615 = arith.constant 1 : index
    %swap3A_1616 = arith.constant 0 : index
    %swap3A_1617 = arith.constant 10112 : index
    %swap3A_1618 = vector.load %arg2[%swap3A_1615, %swap3A_1616, %swap3A_1617] : memref<2x32x16384xf32, #tpu.memory_space<vmem>>, vector<1x32x128xf32>
    %swap3A_1619 = vector.shape_cast %swap3A_1618 : vector<1x32x128xf32> to vector<32x128xf32>
    %swap3A_1620 = vector.shape_cast %slice3A_1614 : vector<32x128xf32> to vector<1x32x128xf32>
    tpu.vector_store %arg2[%swap3A_1615, %swap3A_1616, %swap3A_1617], %swap3A_1620 {strides = array<i32>} : memref<2x32x16384xf32, #tpu.memory_space<vmem>>, vector<1x32x128xf32>,
    %slice3A_1621 = vector.extract_strided_slice %transpose3A_1599 {offsets = [96, 0], sizes = [32, 128], strides = [1, 1]} : vector<128x128xf32> to vector<32x128xf32>
    %swap3A_1622 = arith.constant 1 : index
    %swap3A_1623 = arith.constant 0 : index
    %swap3A_1624 = arith.constant 14208 : index
    %swap3A_1625 = vector.load %arg2[%swap3A_1622, %swap3A_1623, %swap3A_1624] : memref<2x32x16384xf32, #tpu.memory_space<vmem>>, vector<1x32x128xf32>
    %swap3A_1626 = vector.shape_cast %swap3A_1625 : vector<1x32x128xf32> to vector<32x128xf32>
    %swap3A_1627 = vector.shape_cast %slice3A_1621 : vector<32x128xf32> to vector<1x32x128xf32>
    tpu.vector_store %arg2[%swap3A_1622, %swap3A_1623, %swap3A_1624], %swap3A_1627 {strides = array<i32>} : memref<2x32x16384xf32, #tpu.memory_space<vmem>>, vector<1x32x128xf32>,
    %get3A_1628 = arith.constant 1 : index
    %get3A_1629 = arith.constant 2048 : index
    %get3A_1630 = arith.constant 0 : index
    %get3A_1631 = vector.load %arg1[%get3A_1628, %get3A_1629, %get3A_1630] : memref<2x4096x128xf32, #tpu.memory_space<vmem>>, vector<1x128x128xf32>
    %get3A_1632 = vector.shape_cast %get3A_1631 : vector<1x128x128xf32> to vector<128x128xf32>
    %transpose3A_1633 = tpu.transpose %get3A_1632, [1, 0] : vector<128x128xf32> -> vector<128x128xf32>
    %slice3A_1634 = vector.extract_strided_slice %transpose3A_1633 {offsets = [0, 0], sizes = [32, 128], strides = [1, 1]} : vector<128x128xf32> to vector<32x128xf32>
    %swap3A_1635 = arith.constant 1 : index
    %swap3A_1636 = arith.constant 0 : index
    %swap3A_1637 = arith.constant 2048 : index
    %swap3A_1638 = vector.load %arg2[%swap3A_1635, %swap3A_1636, %swap3A_1637] : memref<2x32x16384xf32, #tpu.memory_space<vmem>>, vector<1x32x128xf32>
    %swap3A_1639 = vector.shape_cast %swap3A_1638 : vector<1x32x128xf32> to vector<32x128xf32>
    %swap3A_1640 = vector.shape_cast %slice3A_1634 : vector<32x128xf32> to vector<1x32x128xf32>
    tpu.vector_store %arg2[%swap3A_1635, %swap3A_1636, %swap3A_1637], %swap3A_1640 {strides = array<i32>} : memref<2x32x16384xf32, #tpu.memory_space<vmem>>, vector<1x32x128xf32>,
    %slice3A_1641 = vector.extract_strided_slice %transpose3A_1633 {offsets = [32, 0], sizes = [32, 128], strides = [1, 1]} : vector<128x128xf32> to vector<32x128xf32>
    %swap3A_1642 = arith.constant 1 : index
    %swap3A_1643 = arith.constant 0 : index
    %swap3A_1644 = arith.constant 6144 : index
    %swap3A_1645 = vector.load %arg2[%swap3A_1642, %swap3A_1643, %swap3A_1644] : memref<2x32x16384xf32, #tpu.memory_space<vmem>>, vector<1x32x128xf32>
    %swap3A_1646 = vector.shape_cast %swap3A_1645 : vector<1x32x128xf32> to vector<32x128xf32>
    %swap3A_1647 = vector.shape_cast %slice3A_1641 : vector<32x128xf32> to vector<1x32x128xf32>
    tpu.vector_store %arg2[%swap3A_1642, %swap3A_1643, %swap3A_1644], %swap3A_1647 {strides = array<i32>} : memref<2x32x16384xf32, #tpu.memory_space<vmem>>, vector<1x32x128xf32>,
    %slice3A_1648 = vector.extract_strided_slice %transpose3A_1633 {offsets = [64, 0], sizes = [32, 128], strides = [1, 1]} : vector<128x128xf32> to vector<32x128xf32>
    %swap3A_1649 = arith.constant 1 : index
    %swap3A_1650 = arith.constant 0 : index
    %swap3A_1651 = arith.constant 10240 : index
    %swap3A_1652 = vector.load %arg2[%swap3A_1649, %swap3A_1650, %swap3A_1651] : memref<2x32x16384xf32, #tpu.memory_space<vmem>>, vector<1x32x128xf32>
    %swap3A_1653 = vector.shape_cast %swap3A_1652 : vector<1x32x128xf32> to vector<32x128xf32>
    %swap3A_1654 = vector.shape_cast %slice3A_1648 : vector<32x128xf32> to vector<1x32x128xf32>
    tpu.vector_store %arg2[%swap3A_1649, %swap3A_1650, %swap3A_1651], %swap3A_1654 {strides = array<i32>} : memref<2x32x16384xf32, #tpu.memory_space<vmem>>, vector<1x32x128xf32>,
    %slice3A_1655 = vector.extract_strided_slice %transpose3A_1633 {offsets = [96, 0], sizes = [32, 128], strides = [1, 1]} : vector<128x128xf32> to vector<32x128xf32>
    %swap3A_1656 = arith.constant 1 : index
    %swap3A_1657 = arith.constant 0 : index
    %swap3A_1658 = arith.constant 14336 : index
    %swap3A_1659 = vector.load %arg2[%swap3A_1656, %swap3A_1657, %swap3A_1658] : memref<2x32x16384xf32, #tpu.memory_space<vmem>>, vector<1x32x128xf32>
    %swap3A_1660 = vector.shape_cast %swap3A_1659 : vector<1x32x128xf32> to vector<32x128xf32>
    %swap3A_1661 = vector.shape_cast %slice3A_1655 : vector<32x128xf32> to vector<1x32x128xf32>
    tpu.vector_store %arg2[%swap3A_1656, %swap3A_1657, %swap3A_1658], %swap3A_1661 {strides = array<i32>} : memref<2x32x16384xf32, #tpu.memory_space<vmem>>, vector<1x32x128xf32>,
    %get3A_1662 = arith.constant 1 : index
    %get3A_1663 = arith.constant 2176 : index
    %get3A_1664 = arith.constant 0 : index
    %get3A_1665 = vector.load %arg1[%get3A_1662, %get3A_1663, %get3A_1664] : memref<2x4096x128xf32, #tpu.memory_space<vmem>>, vector<1x128x128xf32>
    %get3A_1666 = vector.shape_cast %get3A_1665 : vector<1x128x128xf32> to vector<128x128xf32>
    %transpose3A_1667 = tpu.transpose %get3A_1666, [1, 0] : vector<128x128xf32> -> vector<128x128xf32>
    %slice3A_1668 = vector.extract_strided_slice %transpose3A_1667 {offsets = [0, 0], sizes = [32, 128], strides = [1, 1]} : vector<128x128xf32> to vector<32x128xf32>
    %swap3A_1669 = arith.constant 1 : index
    %swap3A_1670 = arith.constant 0 : index
    %swap3A_1671 = arith.constant 2176 : index
    %swap3A_1672 = vector.load %arg2[%swap3A_1669, %swap3A_1670, %swap3A_1671] : memref<2x32x16384xf32, #tpu.memory_space<vmem>>, vector<1x32x128xf32>
    %swap3A_1673 = vector.shape_cast %swap3A_1672 : vector<1x32x128xf32> to vector<32x128xf32>
    %swap3A_1674 = vector.shape_cast %slice3A_1668 : vector<32x128xf32> to vector<1x32x128xf32>
    tpu.vector_store %arg2[%swap3A_1669, %swap3A_1670, %swap3A_1671], %swap3A_1674 {strides = array<i32>} : memref<2x32x16384xf32, #tpu.memory_space<vmem>>, vector<1x32x128xf32>,
    %slice3A_1675 = vector.extract_strided_slice %transpose3A_1667 {offsets = [32, 0], sizes = [32, 128], strides = [1, 1]} : vector<128x128xf32> to vector<32x128xf32>
    %swap3A_1676 = arith.constant 1 : index
    %swap3A_1677 = arith.constant 0 : index
    %swap3A_1678 = arith.constant 6272 : index
    %swap3A_1679 = vector.load %arg2[%swap3A_1676, %swap3A_1677, %swap3A_1678] : memref<2x32x16384xf32, #tpu.memory_space<vmem>>, vector<1x32x128xf32>
    %swap3A_1680 = vector.shape_cast %swap3A_1679 : vector<1x32x128xf32> to vector<32x128xf32>
    %swap3A_1681 = vector.shape_cast %slice3A_1675 : vector<32x128xf32> to vector<1x32x128xf32>
    tpu.vector_store %arg2[%swap3A_1676, %swap3A_1677, %swap3A_1678], %swap3A_1681 {strides = array<i32>} : memref<2x32x16384xf32, #tpu.memory_space<vmem>>, vector<1x32x128xf32>,
    %slice3A_1682 = vector.extract_strided_slice %transpose3A_1667 {offsets = [64, 0], sizes = [32, 128], strides = [1, 1]} : vector<128x128xf32> to vector<32x128xf32>
    %swap3A_1683 = arith.constant 1 : index
    %swap3A_1684 = arith.constant 0 : index
    %swap3A_1685 = arith.constant 10368 : index
    %swap3A_1686 = vector.load %arg2[%swap3A_1683, %swap3A_1684, %swap3A_1685] : memref<2x32x16384xf32, #tpu.memory_space<vmem>>, vector<1x32x128xf32>
    %swap3A_1687 = vector.shape_cast %swap3A_1686 : vector<1x32x128xf32> to vector<32x128xf32>
    %swap3A_1688 = vector.shape_cast %slice3A_1682 : vector<32x128xf32> to vector<1x32x128xf32>
    tpu.vector_store %arg2[%swap3A_1683, %swap3A_1684, %swap3A_1685], %swap3A_1688 {strides = array<i32>} : memref<2x32x16384xf32, #tpu.memory_space<vmem>>, vector<1x32x128xf32>,
    %slice3A_1689 = vector.extract_strided_slice %transpose3A_1667 {offsets = [96, 0], sizes = [32, 128], strides = [1, 1]} : vector<128x128xf32> to vector<32x128xf32>
    %swap3A_1690 = arith.constant 1 : index
    %swap3A_1691 = arith.constant 0 : index
    %swap3A_1692 = arith.constant 14464 : index
    %swap3A_1693 = vector.load %arg2[%swap3A_1690, %swap3A_1691, %swap3A_1692] : memref<2x32x16384xf32, #tpu.memory_space<vmem>>, vector<1x32x128xf32>
    %swap3A_1694 = vector.shape_cast %swap3A_1693 : vector<1x32x128xf32> to vector<32x128xf32>
    %swap3A_1695 = vector.shape_cast %slice3A_1689 : vector<32x128xf32> to vector<1x32x128xf32>
    tpu.vector_store %arg2[%swap3A_1690, %swap3A_1691, %swap3A_1692], %swap3A_1695 {strides = array<i32>} : memref<2x32x16384xf32, #tpu.memory_space<vmem>>, vector<1x32x128xf32>,
    %get3A_1696 = arith.constant 1 : index
    %get3A_1697 = arith.constant 2304 : index
    %get3A_1698 = arith.constant 0 : index
    %get3A_1699 = vector.load %arg1[%get3A_1696, %get3A_1697, %get3A_1698] : memref<2x4096x128xf32, #tpu.memory_space<vmem>>, vector<1x128x128xf32>
    %get3A_1700 = vector.shape_cast %get3A_1699 : vector<1x128x128xf32> to vector<128x128xf32>
    %transpose3A_1701 = tpu.transpose %get3A_1700, [1, 0] : vector<128x128xf32> -> vector<128x128xf32>
    %slice3A_1702 = vector.extract_strided_slice %transpose3A_1701 {offsets = [0, 0], sizes = [32, 128], strides = [1, 1]} : vector<128x128xf32> to vector<32x128xf32>
    %swap3A_1703 = arith.constant 1 : index
    %swap3A_1704 = arith.constant 0 : index
    %swap3A_1705 = arith.constant 2304 : index
    %swap3A_1706 = vector.load %arg2[%swap3A_1703, %swap3A_1704, %swap3A_1705] : memref<2x32x16384xf32, #tpu.memory_space<vmem>>, vector<1x32x128xf32>
    %swap3A_1707 = vector.shape_cast %swap3A_1706 : vector<1x32x128xf32> to vector<32x128xf32>
    %swap3A_1708 = vector.shape_cast %slice3A_1702 : vector<32x128xf32> to vector<1x32x128xf32>
    tpu.vector_store %arg2[%swap3A_1703, %swap3A_1704, %swap3A_1705], %swap3A_1708 {strides = array<i32>} : memref<2x32x16384xf32, #tpu.memory_space<vmem>>, vector<1x32x128xf32>,
    %slice3A_1709 = vector.extract_strided_slice %transpose3A_1701 {offsets = [32, 0], sizes = [32, 128], strides = [1, 1]} : vector<128x128xf32> to vector<32x128xf32>
    %swap3A_1710 = arith.constant 1 : index
    %swap3A_1711 = arith.constant 0 : index
    %swap3A_1712 = arith.constant 6400 : index
    %swap3A_1713 = vector.load %arg2[%swap3A_1710, %swap3A_1711, %swap3A_1712] : memref<2x32x16384xf32, #tpu.memory_space<vmem>>, vector<1x32x128xf32>
    %swap3A_1714 = vector.shape_cast %swap3A_1713 : vector<1x32x128xf32> to vector<32x128xf32>
    %swap3A_1715 = vector.shape_cast %slice3A_1709 : vector<32x128xf32> to vector<1x32x128xf32>
    tpu.vector_store %arg2[%swap3A_1710, %swap3A_1711, %swap3A_1712], %swap3A_1715 {strides = array<i32>} : memref<2x32x16384xf32, #tpu.memory_space<vmem>>, vector<1x32x128xf32>,
    %slice3A_1716 = vector.extract_strided_slice %transpose3A_1701 {offsets = [64, 0], sizes = [32, 128], strides = [1, 1]} : vector<128x128xf32> to vector<32x128xf32>
    %swap3A_1717 = arith.constant 1 : index
    %swap3A_1718 = arith.constant 0 : index
    %swap3A_1719 = arith.constant 10496 : index
    %swap3A_1720 = vector.load %arg2[%swap3A_1717, %swap3A_1718, %swap3A_1719] : memref<2x32x16384xf32, #tpu.memory_space<vmem>>, vector<1x32x128xf32>
    %swap3A_1721 = vector.shape_cast %swap3A_1720 : vector<1x32x128xf32> to vector<32x128xf32>
    %swap3A_1722 = vector.shape_cast %slice3A_1716 : vector<32x128xf32> to vector<1x32x128xf32>
    tpu.vector_store %arg2[%swap3A_1717, %swap3A_1718, %swap3A_1719], %swap3A_1722 {strides = array<i32>} : memref<2x32x16384xf32, #tpu.memory_space<vmem>>, vector<1x32x128xf32>,
    %slice3A_1723 = vector.extract_strided_slice %transpose3A_1701 {offsets = [96, 0], sizes = [32, 128], strides = [1, 1]} : vector<128x128xf32> to vector<32x128xf32>
    %swap3A_1724 = arith.constant 1 : index
    %swap3A_1725 = arith.constant 0 : index
    %swap3A_1726 = arith.constant 14592 : index
    %swap3A_1727 = vector.load %arg2[%swap3A_1724, %swap3A_1725, %swap3A_1726] : memref<2x32x16384xf32, #tpu.memory_space<vmem>>, vector<1x32x128xf32>
    %swap3A_1728 = vector.shape_cast %swap3A_1727 : vector<1x32x128xf32> to vector<32x128xf32>
    %swap3A_1729 = vector.shape_cast %slice3A_1723 : vector<32x128xf32> to vector<1x32x128xf32>
    tpu.vector_store %arg2[%swap3A_1724, %swap3A_1725, %swap3A_1726], %swap3A_1729 {strides = array<i32>} : memref<2x32x16384xf32, #tpu.memory_space<vmem>>, vector<1x32x128xf32>,
    %get3A_1730 = arith.constant 1 : index
    %get3A_1731 = arith.constant 2432 : index
    %get3A_1732 = arith.constant 0 : index
    %get3A_1733 = vector.load %arg1[%get3A_1730, %get3A_1731, %get3A_1732] : memref<2x4096x128xf32, #tpu.memory_space<vmem>>, vector<1x128x128xf32>
    %get3A_1734 = vector.shape_cast %get3A_1733 : vector<1x128x128xf32> to vector<128x128xf32>
    %transpose3A_1735 = tpu.transpose %get3A_1734, [1, 0] : vector<128x128xf32> -> vector<128x128xf32>
    %slice3A_1736 = vector.extract_strided_slice %transpose3A_1735 {offsets = [0, 0], sizes = [32, 128], strides = [1, 1]} : vector<128x128xf32> to vector<32x128xf32>
    %swap3A_1737 = arith.constant 1 : index
    %swap3A_1738 = arith.constant 0 : index
    %swap3A_1739 = arith.constant 2432 : index
    %swap3A_1740 = vector.load %arg2[%swap3A_1737, %swap3A_1738, %swap3A_1739] : memref<2x32x16384xf32, #tpu.memory_space<vmem>>, vector<1x32x128xf32>
    %swap3A_1741 = vector.shape_cast %swap3A_1740 : vector<1x32x128xf32> to vector<32x128xf32>
    %swap3A_1742 = vector.shape_cast %slice3A_1736 : vector<32x128xf32> to vector<1x32x128xf32>
    tpu.vector_store %arg2[%swap3A_1737, %swap3A_1738, %swap3A_1739], %swap3A_1742 {strides = array<i32>} : memref<2x32x16384xf32, #tpu.memory_space<vmem>>, vector<1x32x128xf32>,
    %slice3A_1743 = vector.extract_strided_slice %transpose3A_1735 {offsets = [32, 0], sizes = [32, 128], strides = [1, 1]} : vector<128x128xf32> to vector<32x128xf32>
    %swap3A_1744 = arith.constant 1 : index
    %swap3A_1745 = arith.constant 0 : index
    %swap3A_1746 = arith.constant 6528 : index
    %swap3A_1747 = vector.load %arg2[%swap3A_1744, %swap3A_1745, %swap3A_1746] : memref<2x32x16384xf32, #tpu.memory_space<vmem>>, vector<1x32x128xf32>
    %swap3A_1748 = vector.shape_cast %swap3A_1747 : vector<1x32x128xf32> to vector<32x128xf32>
    %swap3A_1749 = vector.shape_cast %slice3A_1743 : vector<32x128xf32> to vector<1x32x128xf32>
    tpu.vector_store %arg2[%swap3A_1744, %swap3A_1745, %swap3A_1746], %swap3A_1749 {strides = array<i32>} : memref<2x32x16384xf32, #tpu.memory_space<vmem>>, vector<1x32x128xf32>,
    %slice3A_1750 = vector.extract_strided_slice %transpose3A_1735 {offsets = [64, 0], sizes = [32, 128], strides = [1, 1]} : vector<128x128xf32> to vector<32x128xf32>
    %swap3A_1751 = arith.constant 1 : index
    %swap3A_1752 = arith.constant 0 : index
    %swap3A_1753 = arith.constant 10624 : index
    %swap3A_1754 = vector.load %arg2[%swap3A_1751, %swap3A_1752, %swap3A_1753] : memref<2x32x16384xf32, #tpu.memory_space<vmem>>, vector<1x32x128xf32>
    %swap3A_1755 = vector.shape_cast %swap3A_1754 : vector<1x32x128xf32> to vector<32x128xf32>
    %swap3A_1756 = vector.shape_cast %slice3A_1750 : vector<32x128xf32> to vector<1x32x128xf32>
    tpu.vector_store %arg2[%swap3A_1751, %swap3A_1752, %swap3A_1753], %swap3A_1756 {strides = array<i32>} : memref<2x32x16384xf32, #tpu.memory_space<vmem>>, vector<1x32x128xf32>,
    %slice3A_1757 = vector.extract_strided_slice %transpose3A_1735 {offsets = [96, 0], sizes = [32, 128], strides = [1, 1]} : vector<128x128xf32> to vector<32x128xf32>
    %swap3A_1758 = arith.constant 1 : index
    %swap3A_1759 = arith.constant 0 : index
    %swap3A_1760 = arith.constant 14720 : index
    %swap3A_1761 = vector.load %arg2[%swap3A_1758, %swap3A_1759, %swap3A_1760] : memref<2x32x16384xf32, #tpu.memory_space<vmem>>, vector<1x32x128xf32>
    %swap3A_1762 = vector.shape_cast %swap3A_1761 : vector<1x32x128xf32> to vector<32x128xf32>
    %swap3A_1763 = vector.shape_cast %slice3A_1757 : vector<32x128xf32> to vector<1x32x128xf32>
    tpu.vector_store %arg2[%swap3A_1758, %swap3A_1759, %swap3A_1760], %swap3A_1763 {strides = array<i32>} : memref<2x32x16384xf32, #tpu.memory_space<vmem>>, vector<1x32x128xf32>,
    %get3A_1764 = arith.constant 1 : index
    %get3A_1765 = arith.constant 2560 : index
    %get3A_1766 = arith.constant 0 : index
    %get3A_1767 = vector.load %arg1[%get3A_1764, %get3A_1765, %get3A_1766] : memref<2x4096x128xf32, #tpu.memory_space<vmem>>, vector<1x128x128xf32>
    %get3A_1768 = vector.shape_cast %get3A_1767 : vector<1x128x128xf32> to vector<128x128xf32>
    %transpose3A_1769 = tpu.transpose %get3A_1768, [1, 0] : vector<128x128xf32> -> vector<128x128xf32>
    %slice3A_1770 = vector.extract_strided_slice %transpose3A_1769 {offsets = [0, 0], sizes = [32, 128], strides = [1, 1]} : vector<128x128xf32> to vector<32x128xf32>
    %swap3A_1771 = arith.constant 1 : index
    %swap3A_1772 = arith.constant 0 : index
    %swap3A_1773 = arith.constant 2560 : index
    %swap3A_1774 = vector.load %arg2[%swap3A_1771, %swap3A_1772, %swap3A_1773] : memref<2x32x16384xf32, #tpu.memory_space<vmem>>, vector<1x32x128xf32>
    %swap3A_1775 = vector.shape_cast %swap3A_1774 : vector<1x32x128xf32> to vector<32x128xf32>
    %swap3A_1776 = vector.shape_cast %slice3A_1770 : vector<32x128xf32> to vector<1x32x128xf32>
    tpu.vector_store %arg2[%swap3A_1771, %swap3A_1772, %swap3A_1773], %swap3A_1776 {strides = array<i32>} : memref<2x32x16384xf32, #tpu.memory_space<vmem>>, vector<1x32x128xf32>,
    %slice3A_1777 = vector.extract_strided_slice %transpose3A_1769 {offsets = [32, 0], sizes = [32, 128], strides = [1, 1]} : vector<128x128xf32> to vector<32x128xf32>
    %swap3A_1778 = arith.constant 1 : index
    %swap3A_1779 = arith.constant 0 : index
    %swap3A_1780 = arith.constant 6656 : index
    %swap3A_1781 = vector.load %arg2[%swap3A_1778, %swap3A_1779, %swap3A_1780] : memref<2x32x16384xf32, #tpu.memory_space<vmem>>, vector<1x32x128xf32>
    %swap3A_1782 = vector.shape_cast %swap3A_1781 : vector<1x32x128xf32> to vector<32x128xf32>
    %swap3A_1783 = vector.shape_cast %slice3A_1777 : vector<32x128xf32> to vector<1x32x128xf32>
    tpu.vector_store %arg2[%swap3A_1778, %swap3A_1779, %swap3A_1780], %swap3A_1783 {strides = array<i32>} : memref<2x32x16384xf32, #tpu.memory_space<vmem>>, vector<1x32x128xf32>,
    %slice3A_1784 = vector.extract_strided_slice %transpose3A_1769 {offsets = [64, 0], sizes = [32, 128], strides = [1, 1]} : vector<128x128xf32> to vector<32x128xf32>
    %swap3A_1785 = arith.constant 1 : index
    %swap3A_1786 = arith.constant 0 : index
    %swap3A_1787 = arith.constant 10752 : index
    %swap3A_1788 = vector.load %arg2[%swap3A_1785, %swap3A_1786, %swap3A_1787] : memref<2x32x16384xf32, #tpu.memory_space<vmem>>, vector<1x32x128xf32>
    %swap3A_1789 = vector.shape_cast %swap3A_1788 : vector<1x32x128xf32> to vector<32x128xf32>
    %swap3A_1790 = vector.shape_cast %slice3A_1784 : vector<32x128xf32> to vector<1x32x128xf32>
    tpu.vector_store %arg2[%swap3A_1785, %swap3A_1786, %swap3A_1787], %swap3A_1790 {strides = array<i32>} : memref<2x32x16384xf32, #tpu.memory_space<vmem>>, vector<1x32x128xf32>,
    %slice3A_1791 = vector.extract_strided_slice %transpose3A_1769 {offsets = [96, 0], sizes = [32, 128], strides = [1, 1]} : vector<128x128xf32> to vector<32x128xf32>
    %swap3A_1792 = arith.constant 1 : index
    %swap3A_1793 = arith.constant 0 : index
    %swap3A_1794 = arith.constant 14848 : index
    %swap3A_1795 = vector.load %arg2[%swap3A_1792, %swap3A_1793, %swap3A_1794] : memref<2x32x16384xf32, #tpu.memory_space<vmem>>, vector<1x32x128xf32>
    %swap3A_1796 = vector.shape_cast %swap3A_1795 : vector<1x32x128xf32> to vector<32x128xf32>
    %swap3A_1797 = vector.shape_cast %slice3A_1791 : vector<32x128xf32> to vector<1x32x128xf32>
    tpu.vector_store %arg2[%swap3A_1792, %swap3A_1793, %swap3A_1794], %swap3A_1797 {strides = array<i32>} : memref<2x32x16384xf32, #tpu.memory_space<vmem>>, vector<1x32x128xf32>,
    %get3A_1798 = arith.constant 1 : index
    %get3A_1799 = arith.constant 2688 : index
    %get3A_1800 = arith.constant 0 : index
    %get3A_1801 = vector.load %arg1[%get3A_1798, %get3A_1799, %get3A_1800] : memref<2x4096x128xf32, #tpu.memory_space<vmem>>, vector<1x128x128xf32>
    %get3A_1802 = vector.shape_cast %get3A_1801 : vector<1x128x128xf32> to vector<128x128xf32>
    %transpose3A_1803 = tpu.transpose %get3A_1802, [1, 0] : vector<128x128xf32> -> vector<128x128xf32>
    %slice3A_1804 = vector.extract_strided_slice %transpose3A_1803 {offsets = [0, 0], sizes = [32, 128], strides = [1, 1]} : vector<128x128xf32> to vector<32x128xf32>
    %swap3A_1805 = arith.constant 1 : index
    %swap3A_1806 = arith.constant 0 : index
    %swap3A_1807 = arith.constant 2688 : index
    %swap3A_1808 = vector.load %arg2[%swap3A_1805, %swap3A_1806, %swap3A_1807] : memref<2x32x16384xf32, #tpu.memory_space<vmem>>, vector<1x32x128xf32>
    %swap3A_1809 = vector.shape_cast %swap3A_1808 : vector<1x32x128xf32> to vector<32x128xf32>
    %swap3A_1810 = vector.shape_cast %slice3A_1804 : vector<32x128xf32> to vector<1x32x128xf32>
    tpu.vector_store %arg2[%swap3A_1805, %swap3A_1806, %swap3A_1807], %swap3A_1810 {strides = array<i32>} : memref<2x32x16384xf32, #tpu.memory_space<vmem>>, vector<1x32x128xf32>,
    %slice3A_1811 = vector.extract_strided_slice %transpose3A_1803 {offsets = [32, 0], sizes = [32, 128], strides = [1, 1]} : vector<128x128xf32> to vector<32x128xf32>
    %swap3A_1812 = arith.constant 1 : index
    %swap3A_1813 = arith.constant 0 : index
    %swap3A_1814 = arith.constant 6784 : index
    %swap3A_1815 = vector.load %arg2[%swap3A_1812, %swap3A_1813, %swap3A_1814] : memref<2x32x16384xf32, #tpu.memory_space<vmem>>, vector<1x32x128xf32>
    %swap3A_1816 = vector.shape_cast %swap3A_1815 : vector<1x32x128xf32> to vector<32x128xf32>
    %swap3A_1817 = vector.shape_cast %slice3A_1811 : vector<32x128xf32> to vector<1x32x128xf32>
    tpu.vector_store %arg2[%swap3A_1812, %swap3A_1813, %swap3A_1814], %swap3A_1817 {strides = array<i32>} : memref<2x32x16384xf32, #tpu.memory_space<vmem>>, vector<1x32x128xf32>,
    %slice3A_1818 = vector.extract_strided_slice %transpose3A_1803 {offsets = [64, 0], sizes = [32, 128], strides = [1, 1]} : vector<128x128xf32> to vector<32x128xf32>
    %swap3A_1819 = arith.constant 1 : index
    %swap3A_1820 = arith.constant 0 : index
    %swap3A_1821 = arith.constant 10880 : index
    %swap3A_1822 = vector.load %arg2[%swap3A_1819, %swap3A_1820, %swap3A_1821] : memref<2x32x16384xf32, #tpu.memory_space<vmem>>, vector<1x32x128xf32>
    %swap3A_1823 = vector.shape_cast %swap3A_1822 : vector<1x32x128xf32> to vector<32x128xf32>
    %swap3A_1824 = vector.shape_cast %slice3A_1818 : vector<32x128xf32> to vector<1x32x128xf32>
    tpu.vector_store %arg2[%swap3A_1819, %swap3A_1820, %swap3A_1821], %swap3A_1824 {strides = array<i32>} : memref<2x32x16384xf32, #tpu.memory_space<vmem>>, vector<1x32x128xf32>,
    %slice3A_1825 = vector.extract_strided_slice %transpose3A_1803 {offsets = [96, 0], sizes = [32, 128], strides = [1, 1]} : vector<128x128xf32> to vector<32x128xf32>
    %swap3A_1826 = arith.constant 1 : index
    %swap3A_1827 = arith.constant 0 : index
    %swap3A_1828 = arith.constant 14976 : index
    %swap3A_1829 = vector.load %arg2[%swap3A_1826, %swap3A_1827, %swap3A_1828] : memref<2x32x16384xf32, #tpu.memory_space<vmem>>, vector<1x32x128xf32>
    %swap3A_1830 = vector.shape_cast %swap3A_1829 : vector<1x32x128xf32> to vector<32x128xf32>
    %swap3A_1831 = vector.shape_cast %slice3A_1825 : vector<32x128xf32> to vector<1x32x128xf32>
    tpu.vector_store %arg2[%swap3A_1826, %swap3A_1827, %swap3A_1828], %swap3A_1831 {strides = array<i32>} : memref<2x32x16384xf32, #tpu.memory_space<vmem>>, vector<1x32x128xf32>,
    %get3A_1832 = arith.constant 1 : index
    %get3A_1833 = arith.constant 2816 : index
    %get3A_1834 = arith.constant 0 : index
    %get3A_1835 = vector.load %arg1[%get3A_1832, %get3A_1833, %get3A_1834] : memref<2x4096x128xf32, #tpu.memory_space<vmem>>, vector<1x128x128xf32>
    %get3A_1836 = vector.shape_cast %get3A_1835 : vector<1x128x128xf32> to vector<128x128xf32>
    %transpose3A_1837 = tpu.transpose %get3A_1836, [1, 0] : vector<128x128xf32> -> vector<128x128xf32>
    %slice3A_1838 = vector.extract_strided_slice %transpose3A_1837 {offsets = [0, 0], sizes = [32, 128], strides = [1, 1]} : vector<128x128xf32> to vector<32x128xf32>
    %swap3A_1839 = arith.constant 1 : index
    %swap3A_1840 = arith.constant 0 : index
    %swap3A_1841 = arith.constant 2816 : index
    %swap3A_1842 = vector.load %arg2[%swap3A_1839, %swap3A_1840, %swap3A_1841] : memref<2x32x16384xf32, #tpu.memory_space<vmem>>, vector<1x32x128xf32>
    %swap3A_1843 = vector.shape_cast %swap3A_1842 : vector<1x32x128xf32> to vector<32x128xf32>
    %swap3A_1844 = vector.shape_cast %slice3A_1838 : vector<32x128xf32> to vector<1x32x128xf32>
    tpu.vector_store %arg2[%swap3A_1839, %swap3A_1840, %swap3A_1841], %swap3A_1844 {strides = array<i32>} : memref<2x32x16384xf32, #tpu.memory_space<vmem>>, vector<1x32x128xf32>,
    %slice3A_1845 = vector.extract_strided_slice %transpose3A_1837 {offsets = [32, 0], sizes = [32, 128], strides = [1, 1]} : vector<128x128xf32> to vector<32x128xf32>
    %swap3A_1846 = arith.constant 1 : index
    %swap3A_1847 = arith.constant 0 : index
    %swap3A_1848 = arith.constant 6912 : index
    %swap3A_1849 = vector.load %arg2[%swap3A_1846, %swap3A_1847, %swap3A_1848] : memref<2x32x16384xf32, #tpu.memory_space<vmem>>, vector<1x32x128xf32>
    %swap3A_1850 = vector.shape_cast %swap3A_1849 : vector<1x32x128xf32> to vector<32x128xf32>
    %swap3A_1851 = vector.shape_cast %slice3A_1845 : vector<32x128xf32> to vector<1x32x128xf32>
    tpu.vector_store %arg2[%swap3A_1846, %swap3A_1847, %swap3A_1848], %swap3A_1851 {strides = array<i32>} : memref<2x32x16384xf32, #tpu.memory_space<vmem>>, vector<1x32x128xf32>,
    %slice3A_1852 = vector.extract_strided_slice %transpose3A_1837 {offsets = [64, 0], sizes = [32, 128], strides = [1, 1]} : vector<128x128xf32> to vector<32x128xf32>
    %swap3A_1853 = arith.constant 1 : index
    %swap3A_1854 = arith.constant 0 : index
    %swap3A_1855 = arith.constant 11008 : index
    %swap3A_1856 = vector.load %arg2[%swap3A_1853, %swap3A_1854, %swap3A_1855] : memref<2x32x16384xf32, #tpu.memory_space<vmem>>, vector<1x32x128xf32>
    %swap3A_1857 = vector.shape_cast %swap3A_1856 : vector<1x32x128xf32> to vector<32x128xf32>
    %swap3A_1858 = vector.shape_cast %slice3A_1852 : vector<32x128xf32> to vector<1x32x128xf32>
    tpu.vector_store %arg2[%swap3A_1853, %swap3A_1854, %swap3A_1855], %swap3A_1858 {strides = array<i32>} : memref<2x32x16384xf32, #tpu.memory_space<vmem>>, vector<1x32x128xf32>,
    %slice3A_1859 = vector.extract_strided_slice %transpose3A_1837 {offsets = [96, 0], sizes = [32, 128], strides = [1, 1]} : vector<128x128xf32> to vector<32x128xf32>
    %swap3A_1860 = arith.constant 1 : index
    %swap3A_1861 = arith.constant 0 : index
    %swap3A_1862 = arith.constant 15104 : index
    %swap3A_1863 = vector.load %arg2[%swap3A_1860, %swap3A_1861, %swap3A_1862] : memref<2x32x16384xf32, #tpu.memory_space<vmem>>, vector<1x32x128xf32>
    %swap3A_1864 = vector.shape_cast %swap3A_1863 : vector<1x32x128xf32> to vector<32x128xf32>
    %swap3A_1865 = vector.shape_cast %slice3A_1859 : vector<32x128xf32> to vector<1x32x128xf32>
    tpu.vector_store %arg2[%swap3A_1860, %swap3A_1861, %swap3A_1862], %swap3A_1865 {strides = array<i32>} : memref<2x32x16384xf32, #tpu.memory_space<vmem>>, vector<1x32x128xf32>,
    %get3A_1866 = arith.constant 1 : index
    %get3A_1867 = arith.constant 2944 : index
    %get3A_1868 = arith.constant 0 : index
    %get3A_1869 = vector.load %arg1[%get3A_1866, %get3A_1867, %get3A_1868] : memref<2x4096x128xf32, #tpu.memory_space<vmem>>, vector<1x128x128xf32>
    %get3A_1870 = vector.shape_cast %get3A_1869 : vector<1x128x128xf32> to vector<128x128xf32>
    %transpose3A_1871 = tpu.transpose %get3A_1870, [1, 0] : vector<128x128xf32> -> vector<128x128xf32>
    %slice3A_1872 = vector.extract_strided_slice %transpose3A_1871 {offsets = [0, 0], sizes = [32, 128], strides = [1, 1]} : vector<128x128xf32> to vector<32x128xf32>
    %swap3A_1873 = arith.constant 1 : index
    %swap3A_1874 = arith.constant 0 : index
    %swap3A_1875 = arith.constant 2944 : index
    %swap3A_1876 = vector.load %arg2[%swap3A_1873, %swap3A_1874, %swap3A_1875] : memref<2x32x16384xf32, #tpu.memory_space<vmem>>, vector<1x32x128xf32>
    %swap3A_1877 = vector.shape_cast %swap3A_1876 : vector<1x32x128xf32> to vector<32x128xf32>
    %swap3A_1878 = vector.shape_cast %slice3A_1872 : vector<32x128xf32> to vector<1x32x128xf32>
    tpu.vector_store %arg2[%swap3A_1873, %swap3A_1874, %swap3A_1875], %swap3A_1878 {strides = array<i32>} : memref<2x32x16384xf32, #tpu.memory_space<vmem>>, vector<1x32x128xf32>,
    %slice3A_1879 = vector.extract_strided_slice %transpose3A_1871 {offsets = [32, 0], sizes = [32, 128], strides = [1, 1]} : vector<128x128xf32> to vector<32x128xf32>
    %swap3A_1880 = arith.constant 1 : index
    %swap3A_1881 = arith.constant 0 : index
    %swap3A_1882 = arith.constant 7040 : index
    %swap3A_1883 = vector.load %arg2[%swap3A_1880, %swap3A_1881, %swap3A_1882] : memref<2x32x16384xf32, #tpu.memory_space<vmem>>, vector<1x32x128xf32>
    %swap3A_1884 = vector.shape_cast %swap3A_1883 : vector<1x32x128xf32> to vector<32x128xf32>
    %swap3A_1885 = vector.shape_cast %slice3A_1879 : vector<32x128xf32> to vector<1x32x128xf32>
    tpu.vector_store %arg2[%swap3A_1880, %swap3A_1881, %swap3A_1882], %swap3A_1885 {strides = array<i32>} : memref<2x32x16384xf32, #tpu.memory_space<vmem>>, vector<1x32x128xf32>,
    %slice3A_1886 = vector.extract_strided_slice %transpose3A_1871 {offsets = [64, 0], sizes = [32, 128], strides = [1, 1]} : vector<128x128xf32> to vector<32x128xf32>
    %swap3A_1887 = arith.constant 1 : index
    %swap3A_1888 = arith.constant 0 : index
    %swap3A_1889 = arith.constant 11136 : index
    %swap3A_1890 = vector.load %arg2[%swap3A_1887, %swap3A_1888, %swap3A_1889] : memref<2x32x16384xf32, #tpu.memory_space<vmem>>, vector<1x32x128xf32>
    %swap3A_1891 = vector.shape_cast %swap3A_1890 : vector<1x32x128xf32> to vector<32x128xf32>
    %swap3A_1892 = vector.shape_cast %slice3A_1886 : vector<32x128xf32> to vector<1x32x128xf32>
    tpu.vector_store %arg2[%swap3A_1887, %swap3A_1888, %swap3A_1889], %swap3A_1892 {strides = array<i32>} : memref<2x32x16384xf32, #tpu.memory_space<vmem>>, vector<1x32x128xf32>,
    %slice3A_1893 = vector.extract_strided_slice %transpose3A_1871 {offsets = [96, 0], sizes = [32, 128], strides = [1, 1]} : vector<128x128xf32> to vector<32x128xf32>
    %swap3A_1894 = arith.constant 1 : index
    %swap3A_1895 = arith.constant 0 : index
    %swap3A_1896 = arith.constant 15232 : index
    %swap3A_1897 = vector.load %arg2[%swap3A_1894, %swap3A_1895, %swap3A_1896] : memref<2x32x16384xf32, #tpu.memory_space<vmem>>, vector<1x32x128xf32>
    %swap3A_1898 = vector.shape_cast %swap3A_1897 : vector<1x32x128xf32> to vector<32x128xf32>
    %swap3A_1899 = vector.shape_cast %slice3A_1893 : vector<32x128xf32> to vector<1x32x128xf32>
    tpu.vector_store %arg2[%swap3A_1894, %swap3A_1895, %swap3A_1896], %swap3A_1899 {strides = array<i32>} : memref<2x32x16384xf32, #tpu.memory_space<vmem>>, vector<1x32x128xf32>,
    %get3A_1900 = arith.constant 1 : index
    %get3A_1901 = arith.constant 3072 : index
    %get3A_1902 = arith.constant 0 : index
    %get3A_1903 = vector.load %arg1[%get3A_1900, %get3A_1901, %get3A_1902] : memref<2x4096x128xf32, #tpu.memory_space<vmem>>, vector<1x128x128xf32>
    %get3A_1904 = vector.shape_cast %get3A_1903 : vector<1x128x128xf32> to vector<128x128xf32>
    %transpose3A_1905 = tpu.transpose %get3A_1904, [1, 0] : vector<128x128xf32> -> vector<128x128xf32>
    %slice3A_1906 = vector.extract_strided_slice %transpose3A_1905 {offsets = [0, 0], sizes = [32, 128], strides = [1, 1]} : vector<128x128xf32> to vector<32x128xf32>
    %swap3A_1907 = arith.constant 1 : index
    %swap3A_1908 = arith.constant 0 : index
    %swap3A_1909 = arith.constant 3072 : index
    %swap3A_1910 = vector.load %arg2[%swap3A_1907, %swap3A_1908, %swap3A_1909] : memref<2x32x16384xf32, #tpu.memory_space<vmem>>, vector<1x32x128xf32>
    %swap3A_1911 = vector.shape_cast %swap3A_1910 : vector<1x32x128xf32> to vector<32x128xf32>
    %swap3A_1912 = vector.shape_cast %slice3A_1906 : vector<32x128xf32> to vector<1x32x128xf32>
    tpu.vector_store %arg2[%swap3A_1907, %swap3A_1908, %swap3A_1909], %swap3A_1912 {strides = array<i32>} : memref<2x32x16384xf32, #tpu.memory_space<vmem>>, vector<1x32x128xf32>,
    %slice3A_1913 = vector.extract_strided_slice %transpose3A_1905 {offsets = [32, 0], sizes = [32, 128], strides = [1, 1]} : vector<128x128xf32> to vector<32x128xf32>
    %swap3A_1914 = arith.constant 1 : index
    %swap3A_1915 = arith.constant 0 : index
    %swap3A_1916 = arith.constant 7168 : index
    %swap3A_1917 = vector.load %arg2[%swap3A_1914, %swap3A_1915, %swap3A_1916] : memref<2x32x16384xf32, #tpu.memory_space<vmem>>, vector<1x32x128xf32>
    %swap3A_1918 = vector.shape_cast %swap3A_1917 : vector<1x32x128xf32> to vector<32x128xf32>
    %swap3A_1919 = vector.shape_cast %slice3A_1913 : vector<32x128xf32> to vector<1x32x128xf32>
    tpu.vector_store %arg2[%swap3A_1914, %swap3A_1915, %swap3A_1916], %swap3A_1919 {strides = array<i32>} : memref<2x32x16384xf32, #tpu.memory_space<vmem>>, vector<1x32x128xf32>,
    %slice3A_1920 = vector.extract_strided_slice %transpose3A_1905 {offsets = [64, 0], sizes = [32, 128], strides = [1, 1]} : vector<128x128xf32> to vector<32x128xf32>
    %swap3A_1921 = arith.constant 1 : index
    %swap3A_1922 = arith.constant 0 : index
    %swap3A_1923 = arith.constant 11264 : index
    %swap3A_1924 = vector.load %arg2[%swap3A_1921, %swap3A_1922, %swap3A_1923] : memref<2x32x16384xf32, #tpu.memory_space<vmem>>, vector<1x32x128xf32>
    %swap3A_1925 = vector.shape_cast %swap3A_1924 : vector<1x32x128xf32> to vector<32x128xf32>
    %swap3A_1926 = vector.shape_cast %slice3A_1920 : vector<32x128xf32> to vector<1x32x128xf32>
    tpu.vector_store %arg2[%swap3A_1921, %swap3A_1922, %swap3A_1923], %swap3A_1926 {strides = array<i32>} : memref<2x32x16384xf32, #tpu.memory_space<vmem>>, vector<1x32x128xf32>,
    %slice3A_1927 = vector.extract_strided_slice %transpose3A_1905 {offsets = [96, 0], sizes = [32, 128], strides = [1, 1]} : vector<128x128xf32> to vector<32x128xf32>
    %swap3A_1928 = arith.constant 1 : index
    %swap3A_1929 = arith.constant 0 : index
    %swap3A_1930 = arith.constant 15360 : index
    %swap3A_1931 = vector.load %arg2[%swap3A_1928, %swap3A_1929, %swap3A_1930] : memref<2x32x16384xf32, #tpu.memory_space<vmem>>, vector<1x32x128xf32>
    %swap3A_1932 = vector.shape_cast %swap3A_1931 : vector<1x32x128xf32> to vector<32x128xf32>
    %swap3A_1933 = vector.shape_cast %slice3A_1927 : vector<32x128xf32> to vector<1x32x128xf32>
    tpu.vector_store %arg2[%swap3A_1928, %swap3A_1929, %swap3A_1930], %swap3A_1933 {strides = array<i32>} : memref<2x32x16384xf32, #tpu.memory_space<vmem>>, vector<1x32x128xf32>,
    %get3A_1934 = arith.constant 1 : index
    %get3A_1935 = arith.constant 3200 : index
    %get3A_1936 = arith.constant 0 : index
    %get3A_1937 = vector.load %arg1[%get3A_1934, %get3A_1935, %get3A_1936] : memref<2x4096x128xf32, #tpu.memory_space<vmem>>, vector<1x128x128xf32>
    %get3A_1938 = vector.shape_cast %get3A_1937 : vector<1x128x128xf32> to vector<128x128xf32>
    %transpose3A_1939 = tpu.transpose %get3A_1938, [1, 0] : vector<128x128xf32> -> vector<128x128xf32>
    %slice3A_1940 = vector.extract_strided_slice %transpose3A_1939 {offsets = [0, 0], sizes = [32, 128], strides = [1, 1]} : vector<128x128xf32> to vector<32x128xf32>
    %swap3A_1941 = arith.constant 1 : index
    %swap3A_1942 = arith.constant 0 : index
    %swap3A_1943 = arith.constant 3200 : index
    %swap3A_1944 = vector.load %arg2[%swap3A_1941, %swap3A_1942, %swap3A_1943] : memref<2x32x16384xf32, #tpu.memory_space<vmem>>, vector<1x32x128xf32>
    %swap3A_1945 = vector.shape_cast %swap3A_1944 : vector<1x32x128xf32> to vector<32x128xf32>
    %swap3A_1946 = vector.shape_cast %slice3A_1940 : vector<32x128xf32> to vector<1x32x128xf32>
    tpu.vector_store %arg2[%swap3A_1941, %swap3A_1942, %swap3A_1943], %swap3A_1946 {strides = array<i32>} : memref<2x32x16384xf32, #tpu.memory_space<vmem>>, vector<1x32x128xf32>,
    %slice3A_1947 = vector.extract_strided_slice %transpose3A_1939 {offsets = [32, 0], sizes = [32, 128], strides = [1, 1]} : vector<128x128xf32> to vector<32x128xf32>
    %swap3A_1948 = arith.constant 1 : index
    %swap3A_1949 = arith.constant 0 : index
    %swap3A_1950 = arith.constant 7296 : index
    %swap3A_1951 = vector.load %arg2[%swap3A_1948, %swap3A_1949, %swap3A_1950] : memref<2x32x16384xf32, #tpu.memory_space<vmem>>, vector<1x32x128xf32>
    %swap3A_1952 = vector.shape_cast %swap3A_1951 : vector<1x32x128xf32> to vector<32x128xf32>
    %swap3A_1953 = vector.shape_cast %slice3A_1947 : vector<32x128xf32> to vector<1x32x128xf32>
    tpu.vector_store %arg2[%swap3A_1948, %swap3A_1949, %swap3A_1950], %swap3A_1953 {strides = array<i32>} : memref<2x32x16384xf32, #tpu.memory_space<vmem>>, vector<1x32x128xf32>,
    %slice3A_1954 = vector.extract_strided_slice %transpose3A_1939 {offsets = [64, 0], sizes = [32, 128], strides = [1, 1]} : vector<128x128xf32> to vector<32x128xf32>
    %swap3A_1955 = arith.constant 1 : index
    %swap3A_1956 = arith.constant 0 : index
    %swap3A_1957 = arith.constant 11392 : index
    %swap3A_1958 = vector.load %arg2[%swap3A_1955, %swap3A_1956, %swap3A_1957] : memref<2x32x16384xf32, #tpu.memory_space<vmem>>, vector<1x32x128xf32>
    %swap3A_1959 = vector.shape_cast %swap3A_1958 : vector<1x32x128xf32> to vector<32x128xf32>
    %swap3A_1960 = vector.shape_cast %slice3A_1954 : vector<32x128xf32> to vector<1x32x128xf32>
    tpu.vector_store %arg2[%swap3A_1955, %swap3A_1956, %swap3A_1957], %swap3A_1960 {strides = array<i32>} : memref<2x32x16384xf32, #tpu.memory_space<vmem>>, vector<1x32x128xf32>,
    %slice3A_1961 = vector.extract_strided_slice %transpose3A_1939 {offsets = [96, 0], sizes = [32, 128], strides = [1, 1]} : vector<128x128xf32> to vector<32x128xf32>
    %swap3A_1962 = arith.constant 1 : index
    %swap3A_1963 = arith.constant 0 : index
    %swap3A_1964 = arith.constant 15488 : index
    %swap3A_1965 = vector.load %arg2[%swap3A_1962, %swap3A_1963, %swap3A_1964] : memref<2x32x16384xf32, #tpu.memory_space<vmem>>, vector<1x32x128xf32>
    %swap3A_1966 = vector.shape_cast %swap3A_1965 : vector<1x32x128xf32> to vector<32x128xf32>
    %swap3A_1967 = vector.shape_cast %slice3A_1961 : vector<32x128xf32> to vector<1x32x128xf32>
    tpu.vector_store %arg2[%swap3A_1962, %swap3A_1963, %swap3A_1964], %swap3A_1967 {strides = array<i32>} : memref<2x32x16384xf32, #tpu.memory_space<vmem>>, vector<1x32x128xf32>,
    %get3A_1968 = arith.constant 1 : index
    %get3A_1969 = arith.constant 3328 : index
    %get3A_1970 = arith.constant 0 : index
    %get3A_1971 = vector.load %arg1[%get3A_1968, %get3A_1969, %get3A_1970] : memref<2x4096x128xf32, #tpu.memory_space<vmem>>, vector<1x128x128xf32>
    %get3A_1972 = vector.shape_cast %get3A_1971 : vector<1x128x128xf32> to vector<128x128xf32>
    %transpose3A_1973 = tpu.transpose %get3A_1972, [1, 0] : vector<128x128xf32> -> vector<128x128xf32>
    %slice3A_1974 = vector.extract_strided_slice %transpose3A_1973 {offsets = [0, 0], sizes = [32, 128], strides = [1, 1]} : vector<128x128xf32> to vector<32x128xf32>
    %swap3A_1975 = arith.constant 1 : index
    %swap3A_1976 = arith.constant 0 : index
    %swap3A_1977 = arith.constant 3328 : index
    %swap3A_1978 = vector.load %arg2[%swap3A_1975, %swap3A_1976, %swap3A_1977] : memref<2x32x16384xf32, #tpu.memory_space<vmem>>, vector<1x32x128xf32>
    %swap3A_1979 = vector.shape_cast %swap3A_1978 : vector<1x32x128xf32> to vector<32x128xf32>
    %swap3A_1980 = vector.shape_cast %slice3A_1974 : vector<32x128xf32> to vector<1x32x128xf32>
    tpu.vector_store %arg2[%swap3A_1975, %swap3A_1976, %swap3A_1977], %swap3A_1980 {strides = array<i32>} : memref<2x32x16384xf32, #tpu.memory_space<vmem>>, vector<1x32x128xf32>,
    %slice3A_1981 = vector.extract_strided_slice %transpose3A_1973 {offsets = [32, 0], sizes = [32, 128], strides = [1, 1]} : vector<128x128xf32> to vector<32x128xf32>
    %swap3A_1982 = arith.constant 1 : index
    %swap3A_1983 = arith.constant 0 : index
    %swap3A_1984 = arith.constant 7424 : index
    %swap3A_1985 = vector.load %arg2[%swap3A_1982, %swap3A_1983, %swap3A_1984] : memref<2x32x16384xf32, #tpu.memory_space<vmem>>, vector<1x32x128xf32>
    %swap3A_1986 = vector.shape_cast %swap3A_1985 : vector<1x32x128xf32> to vector<32x128xf32>
    %swap3A_1987 = vector.shape_cast %slice3A_1981 : vector<32x128xf32> to vector<1x32x128xf32>
    tpu.vector_store %arg2[%swap3A_1982, %swap3A_1983, %swap3A_1984], %swap3A_1987 {strides = array<i32>} : memref<2x32x16384xf32, #tpu.memory_space<vmem>>, vector<1x32x128xf32>,
    %slice3A_1988 = vector.extract_strided_slice %transpose3A_1973 {offsets = [64, 0], sizes = [32, 128], strides = [1, 1]} : vector<128x128xf32> to vector<32x128xf32>
    %swap3A_1989 = arith.constant 1 : index
    %swap3A_1990 = arith.constant 0 : index
    %swap3A_1991 = arith.constant 11520 : index
    %swap3A_1992 = vector.load %arg2[%swap3A_1989, %swap3A_1990, %swap3A_1991] : memref<2x32x16384xf32, #tpu.memory_space<vmem>>, vector<1x32x128xf32>
    %swap3A_1993 = vector.shape_cast %swap3A_1992 : vector<1x32x128xf32> to vector<32x128xf32>
    %swap3A_1994 = vector.shape_cast %slice3A_1988 : vector<32x128xf32> to vector<1x32x128xf32>
    tpu.vector_store %arg2[%swap3A_1989, %swap3A_1990, %swap3A_1991], %swap3A_1994 {strides = array<i32>} : memref<2x32x16384xf32, #tpu.memory_space<vmem>>, vector<1x32x128xf32>,
    %slice3A_1995 = vector.extract_strided_slice %transpose3A_1973 {offsets = [96, 0], sizes = [32, 128], strides = [1, 1]} : vector<128x128xf32> to vector<32x128xf32>
    %swap3A_1996 = arith.constant 1 : index
    %swap3A_1997 = arith.constant 0 : index
    %swap3A_1998 = arith.constant 15616 : index
    %swap3A_1999 = vector.load %arg2[%swap3A_1996, %swap3A_1997, %swap3A_1998] : memref<2x32x16384xf32, #tpu.memory_space<vmem>>, vector<1x32x128xf32>
    %swap3A_2000 = vector.shape_cast %swap3A_1999 : vector<1x32x128xf32> to vector<32x128xf32>
    %swap3A_2001 = vector.shape_cast %slice3A_1995 : vector<32x128xf32> to vector<1x32x128xf32>
    tpu.vector_store %arg2[%swap3A_1996, %swap3A_1997, %swap3A_1998], %swap3A_2001 {strides = array<i32>} : memref<2x32x16384xf32, #tpu.memory_space<vmem>>, vector<1x32x128xf32>,
    %get3A_2002 = arith.constant 1 : index
    %get3A_2003 = arith.constant 3456 : index
    %get3A_2004 = arith.constant 0 : index
    %get3A_2005 = vector.load %arg1[%get3A_2002, %get3A_2003, %get3A_2004] : memref<2x4096x128xf32, #tpu.memory_space<vmem>>, vector<1x128x128xf32>
    %get3A_2006 = vector.shape_cast %get3A_2005 : vector<1x128x128xf32> to vector<128x128xf32>
    %transpose3A_2007 = tpu.transpose %get3A_2006, [1, 0] : vector<128x128xf32> -> vector<128x128xf32>
    %slice3A_2008 = vector.extract_strided_slice %transpose3A_2007 {offsets = [0, 0], sizes = [32, 128], strides = [1, 1]} : vector<128x128xf32> to vector<32x128xf32>
    %swap3A_2009 = arith.constant 1 : index
    %swap3A_2010 = arith.constant 0 : index
    %swap3A_2011 = arith.constant 3456 : index
    %swap3A_2012 = vector.load %arg2[%swap3A_2009, %swap3A_2010, %swap3A_2011] : memref<2x32x16384xf32, #tpu.memory_space<vmem>>, vector<1x32x128xf32>
    %swap3A_2013 = vector.shape_cast %swap3A_2012 : vector<1x32x128xf32> to vector<32x128xf32>
    %swap3A_2014 = vector.shape_cast %slice3A_2008 : vector<32x128xf32> to vector<1x32x128xf32>
    tpu.vector_store %arg2[%swap3A_2009, %swap3A_2010, %swap3A_2011], %swap3A_2014 {strides = array<i32>} : memref<2x32x16384xf32, #tpu.memory_space<vmem>>, vector<1x32x128xf32>,
    %slice3A_2015 = vector.extract_strided_slice %transpose3A_2007 {offsets = [32, 0], sizes = [32, 128], strides = [1, 1]} : vector<128x128xf32> to vector<32x128xf32>
    %swap3A_2016 = arith.constant 1 : index
    %swap3A_2017 = arith.constant 0 : index
    %swap3A_2018 = arith.constant 7552 : index
    %swap3A_2019 = vector.load %arg2[%swap3A_2016, %swap3A_2017, %swap3A_2018] : memref<2x32x16384xf32, #tpu.memory_space<vmem>>, vector<1x32x128xf32>
    %swap3A_2020 = vector.shape_cast %swap3A_2019 : vector<1x32x128xf32> to vector<32x128xf32>
    %swap3A_2021 = vector.shape_cast %slice3A_2015 : vector<32x128xf32> to vector<1x32x128xf32>
    tpu.vector_store %arg2[%swap3A_2016, %swap3A_2017, %swap3A_2018], %swap3A_2021 {strides = array<i32>} : memref<2x32x16384xf32, #tpu.memory_space<vmem>>, vector<1x32x128xf32>,
    %slice3A_2022 = vector.extract_strided_slice %transpose3A_2007 {offsets = [64, 0], sizes = [32, 128], strides = [1, 1]} : vector<128x128xf32> to vector<32x128xf32>
    %swap3A_2023 = arith.constant 1 : index
    %swap3A_2024 = arith.constant 0 : index
    %swap3A_2025 = arith.constant 11648 : index
    %swap3A_2026 = vector.load %arg2[%swap3A_2023, %swap3A_2024, %swap3A_2025] : memref<2x32x16384xf32, #tpu.memory_space<vmem>>, vector<1x32x128xf32>
    %swap3A_2027 = vector.shape_cast %swap3A_2026 : vector<1x32x128xf32> to vector<32x128xf32>
    %swap3A_2028 = vector.shape_cast %slice3A_2022 : vector<32x128xf32> to vector<1x32x128xf32>
    tpu.vector_store %arg2[%swap3A_2023, %swap3A_2024, %swap3A_2025], %swap3A_2028 {strides = array<i32>} : memref<2x32x16384xf32, #tpu.memory_space<vmem>>, vector<1x32x128xf32>,
    %slice3A_2029 = vector.extract_strided_slice %transpose3A_2007 {offsets = [96, 0], sizes = [32, 128], strides = [1, 1]} : vector<128x128xf32> to vector<32x128xf32>
    %swap3A_2030 = arith.constant 1 : index
    %swap3A_2031 = arith.constant 0 : index
    %swap3A_2032 = arith.constant 15744 : index
    %swap3A_2033 = vector.load %arg2[%swap3A_2030, %swap3A_2031, %swap3A_2032] : memref<2x32x16384xf32, #tpu.memory_space<vmem>>, vector<1x32x128xf32>
    %swap3A_2034 = vector.shape_cast %swap3A_2033 : vector<1x32x128xf32> to vector<32x128xf32>
    %swap3A_2035 = vector.shape_cast %slice3A_2029 : vector<32x128xf32> to vector<1x32x128xf32>
    tpu.vector_store %arg2[%swap3A_2030, %swap3A_2031, %swap3A_2032], %swap3A_2035 {strides = array<i32>} : memref<2x32x16384xf32, #tpu.memory_space<vmem>>, vector<1x32x128xf32>,
    %get3A_2036 = arith.constant 1 : index
    %get3A_2037 = arith.constant 3584 : index
    %get3A_2038 = arith.constant 0 : index
    %get3A_2039 = vector.load %arg1[%get3A_2036, %get3A_2037, %get3A_2038] : memref<2x4096x128xf32, #tpu.memory_space<vmem>>, vector<1x128x128xf32>
    %get3A_2040 = vector.shape_cast %get3A_2039 : vector<1x128x128xf32> to vector<128x128xf32>
    %transpose3A_2041 = tpu.transpose %get3A_2040, [1, 0] : vector<128x128xf32> -> vector<128x128xf32>
    %slice3A_2042 = vector.extract_strided_slice %transpose3A_2041 {offsets = [0, 0], sizes = [32, 128], strides = [1, 1]} : vector<128x128xf32> to vector<32x128xf32>
    %swap3A_2043 = arith.constant 1 : index
    %swap3A_2044 = arith.constant 0 : index
    %swap3A_2045 = arith.constant 3584 : index
    %swap3A_2046 = vector.load %arg2[%swap3A_2043, %swap3A_2044, %swap3A_2045] : memref<2x32x16384xf32, #tpu.memory_space<vmem>>, vector<1x32x128xf32>
    %swap3A_2047 = vector.shape_cast %swap3A_2046 : vector<1x32x128xf32> to vector<32x128xf32>
    %swap3A_2048 = vector.shape_cast %slice3A_2042 : vector<32x128xf32> to vector<1x32x128xf32>
    tpu.vector_store %arg2[%swap3A_2043, %swap3A_2044, %swap3A_2045], %swap3A_2048 {strides = array<i32>} : memref<2x32x16384xf32, #tpu.memory_space<vmem>>, vector<1x32x128xf32>,
    %slice3A_2049 = vector.extract_strided_slice %transpose3A_2041 {offsets = [32, 0], sizes = [32, 128], strides = [1, 1]} : vector<128x128xf32> to vector<32x128xf32>
    %swap3A_2050 = arith.constant 1 : index
    %swap3A_2051 = arith.constant 0 : index
    %swap3A_2052 = arith.constant 7680 : index
    %swap3A_2053 = vector.load %arg2[%swap3A_2050, %swap3A_2051, %swap3A_2052] : memref<2x32x16384xf32, #tpu.memory_space<vmem>>, vector<1x32x128xf32>
    %swap3A_2054 = vector.shape_cast %swap3A_2053 : vector<1x32x128xf32> to vector<32x128xf32>
    %swap3A_2055 = vector.shape_cast %slice3A_2049 : vector<32x128xf32> to vector<1x32x128xf32>
    tpu.vector_store %arg2[%swap3A_2050, %swap3A_2051, %swap3A_2052], %swap3A_2055 {strides = array<i32>} : memref<2x32x16384xf32, #tpu.memory_space<vmem>>, vector<1x32x128xf32>,
    %slice3A_2056 = vector.extract_strided_slice %transpose3A_2041 {offsets = [64, 0], sizes = [32, 128], strides = [1, 1]} : vector<128x128xf32> to vector<32x128xf32>
    %swap3A_2057 = arith.constant 1 : index
    %swap3A_2058 = arith.constant 0 : index
    %swap3A_2059 = arith.constant 11776 : index
    %swap3A_2060 = vector.load %arg2[%swap3A_2057, %swap3A_2058, %swap3A_2059] : memref<2x32x16384xf32, #tpu.memory_space<vmem>>, vector<1x32x128xf32>
    %swap3A_2061 = vector.shape_cast %swap3A_2060 : vector<1x32x128xf32> to vector<32x128xf32>
    %swap3A_2062 = vector.shape_cast %slice3A_2056 : vector<32x128xf32> to vector<1x32x128xf32>
    tpu.vector_store %arg2[%swap3A_2057, %swap3A_2058, %swap3A_2059], %swap3A_2062 {strides = array<i32>} : memref<2x32x16384xf32, #tpu.memory_space<vmem>>, vector<1x32x128xf32>,
    %slice3A_2063 = vector.extract_strided_slice %transpose3A_2041 {offsets = [96, 0], sizes = [32, 128], strides = [1, 1]} : vector<128x128xf32> to vector<32x128xf32>
    %swap3A_2064 = arith.constant 1 : index
    %swap3A_2065 = arith.constant 0 : index
    %swap3A_2066 = arith.constant 15872 : index
    %swap3A_2067 = vector.load %arg2[%swap3A_2064, %swap3A_2065, %swap3A_2066] : memref<2x32x16384xf32, #tpu.memory_space<vmem>>, vector<1x32x128xf32>
    %swap3A_2068 = vector.shape_cast %swap3A_2067 : vector<1x32x128xf32> to vector<32x128xf32>
    %swap3A_2069 = vector.shape_cast %slice3A_2063 : vector<32x128xf32> to vector<1x32x128xf32>
    tpu.vector_store %arg2[%swap3A_2064, %swap3A_2065, %swap3A_2066], %swap3A_2069 {strides = array<i32>} : memref<2x32x16384xf32, #tpu.memory_space<vmem>>, vector<1x32x128xf32>,
    %get3A_2070 = arith.constant 1 : index
    %get3A_2071 = arith.constant 3712 : index
    %get3A_2072 = arith.constant 0 : index
    %get3A_2073 = vector.load %arg1[%get3A_2070, %get3A_2071, %get3A_2072] : memref<2x4096x128xf32, #tpu.memory_space<vmem>>, vector<1x128x128xf32>
    %get3A_2074 = vector.shape_cast %get3A_2073 : vector<1x128x128xf32> to vector<128x128xf32>
    %transpose3A_2075 = tpu.transpose %get3A_2074, [1, 0] : vector<128x128xf32> -> vector<128x128xf32>
    %slice3A_2076 = vector.extract_strided_slice %transpose3A_2075 {offsets = [0, 0], sizes = [32, 128], strides = [1, 1]} : vector<128x128xf32> to vector<32x128xf32>
    %swap3A_2077 = arith.constant 1 : index
    %swap3A_2078 = arith.constant 0 : index
    %swap3A_2079 = arith.constant 3712 : index
    %swap3A_2080 = vector.load %arg2[%swap3A_2077, %swap3A_2078, %swap3A_2079] : memref<2x32x16384xf32, #tpu.memory_space<vmem>>, vector<1x32x128xf32>
    %swap3A_2081 = vector.shape_cast %swap3A_2080 : vector<1x32x128xf32> to vector<32x128xf32>
    %swap3A_2082 = vector.shape_cast %slice3A_2076 : vector<32x128xf32> to vector<1x32x128xf32>
    tpu.vector_store %arg2[%swap3A_2077, %swap3A_2078, %swap3A_2079], %swap3A_2082 {strides = array<i32>} : memref<2x32x16384xf32, #tpu.memory_space<vmem>>, vector<1x32x128xf32>,
    %slice3A_2083 = vector.extract_strided_slice %transpose3A_2075 {offsets = [32, 0], sizes = [32, 128], strides = [1, 1]} : vector<128x128xf32> to vector<32x128xf32>
    %swap3A_2084 = arith.constant 1 : index
    %swap3A_2085 = arith.constant 0 : index
    %swap3A_2086 = arith.constant 7808 : index
    %swap3A_2087 = vector.load %arg2[%swap3A_2084, %swap3A_2085, %swap3A_2086] : memref<2x32x16384xf32, #tpu.memory_space<vmem>>, vector<1x32x128xf32>
    %swap3A_2088 = vector.shape_cast %swap3A_2087 : vector<1x32x128xf32> to vector<32x128xf32>
    %swap3A_2089 = vector.shape_cast %slice3A_2083 : vector<32x128xf32> to vector<1x32x128xf32>
    tpu.vector_store %arg2[%swap3A_2084, %swap3A_2085, %swap3A_2086], %swap3A_2089 {strides = array<i32>} : memref<2x32x16384xf32, #tpu.memory_space<vmem>>, vector<1x32x128xf32>,
    %slice3A_2090 = vector.extract_strided_slice %transpose3A_2075 {offsets = [64, 0], sizes = [32, 128], strides = [1, 1]} : vector<128x128xf32> to vector<32x128xf32>
    %swap3A_2091 = arith.constant 1 : index
    %swap3A_2092 = arith.constant 0 : index
    %swap3A_2093 = arith.constant 11904 : index
    %swap3A_2094 = vector.load %arg2[%swap3A_2091, %swap3A_2092, %swap3A_2093] : memref<2x32x16384xf32, #tpu.memory_space<vmem>>, vector<1x32x128xf32>
    %swap3A_2095 = vector.shape_cast %swap3A_2094 : vector<1x32x128xf32> to vector<32x128xf32>
    %swap3A_2096 = vector.shape_cast %slice3A_2090 : vector<32x128xf32> to vector<1x32x128xf32>
    tpu.vector_store %arg2[%swap3A_2091, %swap3A_2092, %swap3A_2093], %swap3A_2096 {strides = array<i32>} : memref<2x32x16384xf32, #tpu.memory_space<vmem>>, vector<1x32x128xf32>,
    %slice3A_2097 = vector.extract_strided_slice %transpose3A_2075 {offsets = [96, 0], sizes = [32, 128], strides = [1, 1]} : vector<128x128xf32> to vector<32x128xf32>
    %swap3A_2098 = arith.constant 1 : index
    %swap3A_2099 = arith.constant 0 : index
    %swap3A_2100 = arith.constant 16000 : index
    %swap3A_2101 = vector.load %arg2[%swap3A_2098, %swap3A_2099, %swap3A_2100] : memref<2x32x16384xf32, #tpu.memory_space<vmem>>, vector<1x32x128xf32>
    %swap3A_2102 = vector.shape_cast %swap3A_2101 : vector<1x32x128xf32> to vector<32x128xf32>
    %swap3A_2103 = vector.shape_cast %slice3A_2097 : vector<32x128xf32> to vector<1x32x128xf32>
    tpu.vector_store %arg2[%swap3A_2098, %swap3A_2099, %swap3A_2100], %swap3A_2103 {strides = array<i32>} : memref<2x32x16384xf32, #tpu.memory_space<vmem>>, vector<1x32x128xf32>,
    %get3A_2104 = arith.constant 1 : index
    %get3A_2105 = arith.constant 3840 : index
    %get3A_2106 = arith.constant 0 : index
    %get3A_2107 = vector.load %arg1[%get3A_2104, %get3A_2105, %get3A_2106] : memref<2x4096x128xf32, #tpu.memory_space<vmem>>, vector<1x128x128xf32>
    %get3A_2108 = vector.shape_cast %get3A_2107 : vector<1x128x128xf32> to vector<128x128xf32>
    %transpose3A_2109 = tpu.transpose %get3A_2108, [1, 0] : vector<128x128xf32> -> vector<128x128xf32>
    %slice3A_2110 = vector.extract_strided_slice %transpose3A_2109 {offsets = [0, 0], sizes = [32, 128], strides = [1, 1]} : vector<128x128xf32> to vector<32x128xf32>
    %swap3A_2111 = arith.constant 1 : index
    %swap3A_2112 = arith.constant 0 : index
    %swap3A_2113 = arith.constant 3840 : index
    %swap3A_2114 = vector.load %arg2[%swap3A_2111, %swap3A_2112, %swap3A_2113] : memref<2x32x16384xf32, #tpu.memory_space<vmem>>, vector<1x32x128xf32>
    %swap3A_2115 = vector.shape_cast %swap3A_2114 : vector<1x32x128xf32> to vector<32x128xf32>
    %swap3A_2116 = vector.shape_cast %slice3A_2110 : vector<32x128xf32> to vector<1x32x128xf32>
    tpu.vector_store %arg2[%swap3A_2111, %swap3A_2112, %swap3A_2113], %swap3A_2116 {strides = array<i32>} : memref<2x32x16384xf32, #tpu.memory_space<vmem>>, vector<1x32x128xf32>,
    %slice3A_2117 = vector.extract_strided_slice %transpose3A_2109 {offsets = [32, 0], sizes = [32, 128], strides = [1, 1]} : vector<128x128xf32> to vector<32x128xf32>
    %swap3A_2118 = arith.constant 1 : index
    %swap3A_2119 = arith.constant 0 : index
    %swap3A_2120 = arith.constant 7936 : index
    %swap3A_2121 = vector.load %arg2[%swap3A_2118, %swap3A_2119, %swap3A_2120] : memref<2x32x16384xf32, #tpu.memory_space<vmem>>, vector<1x32x128xf32>
    %swap3A_2122 = vector.shape_cast %swap3A_2121 : vector<1x32x128xf32> to vector<32x128xf32>
    %swap3A_2123 = vector.shape_cast %slice3A_2117 : vector<32x128xf32> to vector<1x32x128xf32>
    tpu.vector_store %arg2[%swap3A_2118, %swap3A_2119, %swap3A_2120], %swap3A_2123 {strides = array<i32>} : memref<2x32x16384xf32, #tpu.memory_space<vmem>>, vector<1x32x128xf32>,
    %slice3A_2124 = vector.extract_strided_slice %transpose3A_2109 {offsets = [64, 0], sizes = [32, 128], strides = [1, 1]} : vector<128x128xf32> to vector<32x128xf32>
    %swap3A_2125 = arith.constant 1 : index
    %swap3A_2126 = arith.constant 0 : index
    %swap3A_2127 = arith.constant 12032 : index
    %swap3A_2128 = vector.load %arg2[%swap3A_2125, %swap3A_2126, %swap3A_2127] : memref<2x32x16384xf32, #tpu.memory_space<vmem>>, vector<1x32x128xf32>
    %swap3A_2129 = vector.shape_cast %swap3A_2128 : vector<1x32x128xf32> to vector<32x128xf32>
    %swap3A_2130 = vector.shape_cast %slice3A_2124 : vector<32x128xf32> to vector<1x32x128xf32>
    tpu.vector_store %arg2[%swap3A_2125, %swap3A_2126, %swap3A_2127], %swap3A_2130 {strides = array<i32>} : memref<2x32x16384xf32, #tpu.memory_space<vmem>>, vector<1x32x128xf32>,
    %slice3A_2131 = vector.extract_strided_slice %transpose3A_2109 {offsets = [96, 0], sizes = [32, 128], strides = [1, 1]} : vector<128x128xf32> to vector<32x128xf32>
    %swap3A_2132 = arith.constant 1 : index
    %swap3A_2133 = arith.constant 0 : index
    %swap3A_2134 = arith.constant 16128 : index
    %swap3A_2135 = vector.load %arg2[%swap3A_2132, %swap3A_2133, %swap3A_2134] : memref<2x32x16384xf32, #tpu.memory_space<vmem>>, vector<1x32x128xf32>
    %swap3A_2136 = vector.shape_cast %swap3A_2135 : vector<1x32x128xf32> to vector<32x128xf32>
    %swap3A_2137 = vector.shape_cast %slice3A_2131 : vector<32x128xf32> to vector<1x32x128xf32>
    tpu.vector_store %arg2[%swap3A_2132, %swap3A_2133, %swap3A_2134], %swap3A_2137 {strides = array<i32>} : memref<2x32x16384xf32, #tpu.memory_space<vmem>>, vector<1x32x128xf32>,
    %get3A_2138 = arith.constant 1 : index
    %get3A_2139 = arith.constant 3968 : index
    %get3A_2140 = arith.constant 0 : index
    %get3A_2141 = vector.load %arg1[%get3A_2138, %get3A_2139, %get3A_2140] : memref<2x4096x128xf32, #tpu.memory_space<vmem>>, vector<1x128x128xf32>
    %get3A_2142 = vector.shape_cast %get3A_2141 : vector<1x128x128xf32> to vector<128x128xf32>
    %transpose3A_2143 = tpu.transpose %get3A_2142, [1, 0] : vector<128x128xf32> -> vector<128x128xf32>
    %slice3A_2144 = vector.extract_strided_slice %transpose3A_2143 {offsets = [0, 0], sizes = [32, 128], strides = [1, 1]} : vector<128x128xf32> to vector<32x128xf32>
    %swap3A_2145 = arith.constant 1 : index
    %swap3A_2146 = arith.constant 0 : index
    %swap3A_2147 = arith.constant 3968 : index
    %swap3A_2148 = vector.load %arg2[%swap3A_2145, %swap3A_2146, %swap3A_2147] : memref<2x32x16384xf32, #tpu.memory_space<vmem>>, vector<1x32x128xf32>
    %swap3A_2149 = vector.shape_cast %swap3A_2148 : vector<1x32x128xf32> to vector<32x128xf32>
    %swap3A_2150 = vector.shape_cast %slice3A_2144 : vector<32x128xf32> to vector<1x32x128xf32>
    tpu.vector_store %arg2[%swap3A_2145, %swap3A_2146, %swap3A_2147], %swap3A_2150 {strides = array<i32>} : memref<2x32x16384xf32, #tpu.memory_space<vmem>>, vector<1x32x128xf32>,
    %slice3A_2151 = vector.extract_strided_slice %transpose3A_2143 {offsets = [32, 0], sizes = [32, 128], strides = [1, 1]} : vector<128x128xf32> to vector<32x128xf32>
    %swap3A_2152 = arith.constant 1 : index
    %swap3A_2153 = arith.constant 0 : index
    %swap3A_2154 = arith.constant 8064 : index
    %swap3A_2155 = vector.load %arg2[%swap3A_2152, %swap3A_2153, %swap3A_2154] : memref<2x32x16384xf32, #tpu.memory_space<vmem>>, vector<1x32x128xf32>
    %swap3A_2156 = vector.shape_cast %swap3A_2155 : vector<1x32x128xf32> to vector<32x128xf32>
    %swap3A_2157 = vector.shape_cast %slice3A_2151 : vector<32x128xf32> to vector<1x32x128xf32>
    tpu.vector_store %arg2[%swap3A_2152, %swap3A_2153, %swap3A_2154], %swap3A_2157 {strides = array<i32>} : memref<2x32x16384xf32, #tpu.memory_space<vmem>>, vector<1x32x128xf32>,
    %slice3A_2158 = vector.extract_strided_slice %transpose3A_2143 {offsets = [64, 0], sizes = [32, 128], strides = [1, 1]} : vector<128x128xf32> to vector<32x128xf32>
    %swap3A_2159 = arith.constant 1 : index
    %swap3A_2160 = arith.constant 0 : index
    %swap3A_2161 = arith.constant 12160 : index
    %swap3A_2162 = vector.load %arg2[%swap3A_2159, %swap3A_2160, %swap3A_2161] : memref<2x32x16384xf32, #tpu.memory_space<vmem>>, vector<1x32x128xf32>
    %swap3A_2163 = vector.shape_cast %swap3A_2162 : vector<1x32x128xf32> to vector<32x128xf32>
    %swap3A_2164 = vector.shape_cast %slice3A_2158 : vector<32x128xf32> to vector<1x32x128xf32>
    tpu.vector_store %arg2[%swap3A_2159, %swap3A_2160, %swap3A_2161], %swap3A_2164 {strides = array<i32>} : memref<2x32x16384xf32, #tpu.memory_space<vmem>>, vector<1x32x128xf32>,
    %slice3A_2165 = vector.extract_strided_slice %transpose3A_2143 {offsets = [96, 0], sizes = [32, 128], strides = [1, 1]} : vector<128x128xf32> to vector<32x128xf32>
    %swap3A_2166 = arith.constant 1 : index
    %swap3A_2167 = arith.constant 0 : index
    %swap3A_2168 = arith.constant 16256 : index
    %swap3A_2169 = vector.load %arg2[%swap3A_2166, %swap3A_2167, %swap3A_2168] : memref<2x32x16384xf32, #tpu.memory_space<vmem>>, vector<1x32x128xf32>
    %swap3A_2170 = vector.shape_cast %swap3A_2169 : vector<1x32x128xf32> to vector<32x128xf32>
    %swap3A_2171 = vector.shape_cast %slice3A_2165 : vector<32x128xf32> to vector<1x32x128xf32>
    tpu.vector_store %arg2[%swap3A_2166, %swap3A_2167, %swap3A_2168], %swap3A_2171 {strides = array<i32>} : memref<2x32x16384xf32, #tpu.memory_space<vmem>>, vector<1x32x128xf32>,
    return
  }
  func.func @transform_0(%arg0: i32) -> (i32, i32, i32) {
    %c0_i32 = arith.constant 0 : i32
    %c0_i32_0 = arith.constant 0 : i32
    %c0_i32_1 = arith.constant 0 : i32
    return %arg0, %c0_i32, %c0_i32_0 : i32, i32, i32
  }
  func.func @transform_1(%arg0: i32) -> (i32, i32, i32) {
    %c0_i32 = arith.constant 0 : i32
    %c0_i32_0 = arith.constant 0 : i32
    %c0_i32_1 = arith.constant 0 : i32
    return %arg0, %c0_i32, %c0_i32_0 : i32, i32, i32
  }
}

</mosaic_0001>

<sc_bundles>
// kernel: kernel.5.cloned.1.call-start
scs
__scs_entry_jumppad:
0x0: {  	(pc) =	sbr.rel $0x88, $3  }
0x1: {  	(tag) =	ssettag $0x0;
	lr =	simm.s32 $0x1  }
0x2: {  	[smem:$0x3F9F] =	sst lr;
	_ =	strace $0xD0000000  }
0x3: {  	_ = 	snop  }
0x4: {  	_ = 	snop  }
0x5: {  	_ = 	snop  }
0x6: {  	_ = 	snop  }
0x7: {  	_ = 	snop  }
__scs_overlays_trampoline_lowered:
0x8: {  	[smem:$0x3FAE] =	sst s0  }
0x9: {  	[smem:$0x3FAF] =	sst s1  }
0xa: {  	[smem:$0x3FB0] =	sst s2  }
0xb: {  	[smem:$0x3FB1] =	sst s3  }
0xc: {  	[smem:$0x3FB2] =	sst s4  }
0xd: {  	[smem:$0x3FB3] =	sst s5  }
0xe: {  	[smem:$0x3FB4] =	sst s6  }
0xf: {  	[smem:$0x3FB5] =	sst s7  }
0x10: {  	[smem:$0x3FB6] =	sst s8  }
0x11: {  	[smem:$0x3FB7] =	sst s9;
	s0 =	simm.s32 @!p0 $0x0  }
0x12: {  	s1 =	sld [smem:$0x3F9D];
	s0 =	simm.s32 @p0 $0x1  }
0x13: {  	[smem:$0x3FB8] =	sst s0;
	s0 =	simm.s32 @!p1 $0x0  }
0x14: {  	s2 =	sld [smem:$0x3F9C];
	s0 =	simm.s32 @p1 $0x1  }
0x15: {  	[smem:$0x3FB9] =	sst s0;
	s0 =	simm.s32 @!p2 $0x0  }
0x16: {  	s3 =	sld [smem:$0x3FDB];
	s0 =	simm.s32 @p2 $0x1  }
0x17: {  	s4 =	simm.s32 $0x1BF5;
	[smem:$0x3FBB] =	sst s0  }
0x18: {  	s0 =	sld [smem:$0x3F9E];
	_ =	swait.ge [sflag:s4], $0x0  }
0x19: {  	s7 =	sld [smem:$0x3F9F]  }
0x1a: {  	s8 =	sadd.s32 $0xFFFFE003, lr  }
0x1b: {  	s9 =	sadd.s32 $0xFFFFFEF7, lr;
	s5 =	simm.s32 $0xFFFFFFFF;
	p2 =	slt.u32 s8, $0xFFFFF086  }
0x1c: {  	p1 =	slt.u32 s9, $0xF7A;
	s5 =	simm.s32 @!p2 $0x0  }
0x1d: {  	s5 =	simm.s32 @p1 $0x1;
	p0 =	seq.s32 s7, s2  }
0x1e: {  	s7 =	smul.u32 @!p0 $0xF7A, s2;
	p2 =	seq.s32 @!p0 s5, $0x0  }
0x1f: {  	s9 =	smul.u32 $0xF7A, s1;
	s8 =	simm.s32 @!p0 $0x1BF5;
	p2 =	por !p2, p0  }
0x20: {  	[sflag:s8] =	ssyncset.s32 @!p0 $0xFFFFF086;
	s6 =	sadd.s32 @!p0 s3, s7;
	s7 =	simm.s32 @!p0 $0x108  }
0x21: {  	s3 =	sadd.s32 s3, s9;
	s6 =	sadd.s32 @!p0 $0x88, s6;
	s7 =	simm.s32 @p2 $0x1082  }
0x22: {  	[simem:s7], [sflag:s8] =	dma.local @!p0 [hbm:s6], $0xF7A  }
0x23: {  	s9 =	sor.u32 $0xD0000000, s2;
	s6 =	simm.s32 $0x108;
	_ =	swait.ge @!p0 [sflag:s8], $0x0  }
0x24: {  	s3 =	sadd.s32 $0x88, s3;
	s6 =	simm.s32 @!p1 $0x1082;
	[sflag:s4] =	ssyncset.s32 $0xFFFFF086  }
0x25: {  	[simem:s6], [sflag:s4] =	dma.local [hbm:s3], $0xF7A  }
0x26: {  	[smem:$0x3F9F] =	sst s1;
	(tag) =	ssettag s2;
	_ =	strace s9  }
0x27: {  	s1 =	sld [smem:$0x3FAF]  }
0x28: {  	s2 =	sld [smem:$0x3FB0]  }
0x29: {  	s4 =	sld [smem:$0x3FB2]  }
0x2a: {  	p0 =	seq.s32 s5, $0x0;
	s5 =	sld [smem:$0x3FB3]  }
0x2b: {  	s6 =	sld [smem:$0x3FB4]  }
0x2c: {  	s7 =	sld [smem:$0x3FB5]  }
0x2d: {  	s3 =	simm.s32 $0x108;
	s8 =	sld [smem:$0x3FB6]  }
0x2e: {  	s3 =	simm.s32 @!p0 $0x1082;
	s9 =	sld [smem:$0x3FB7]  }
0x2f: {  	lr =	sadd.s32 s0, s3;
	s0 =	sld [smem:$0x3FAE]  }
0x30: {  	s3 =	sld [smem:$0x3FB1]  }
0x31: {  	[smem:$0x3FBA] =	sst s10  }
0x32: {  	s10 =	sld [smem:$0x3FB8];
	_ =	sdelay $0x3  }
0x33: {  	p0 =	seq.s32 s10, $0x1;
	s10 =	sld [smem:$0x3FBA];
	_ =	sdelay $0x3  }
0x34: {  	[smem:$0x3FBA] =	sst s10  }
0x35: {  	s10 =	sld [smem:$0x3FB9];
	_ =	sdelay $0x3  }
0x36: {  	p1 =	seq.s32 s10, $0x1;
	s10 =	sld [smem:$0x3FBA];
	_ =	sdelay $0x3  }
0x37: {  	[smem:$0x3FBA] =	sst s10  }
0x38: {  	s10 =	sld [smem:$0x3FBB]  }
0x39: {  	_ = 	snop;
	(pc) =	sbr.ind lr, $3  }
0x3a: {  	_ = 	snop  }
0x3b: {  	_ = 	snop  }
0x3c: {  	p2 =	seq.s32 s10, $0x1;
	s10 =	sld [smem:$0x3FBA]  }
0x3d: {  	_ =	shalt  }
0x3e: {  	_ =	shalt  }
0x3f: {  	_ =	shalt  }
0x40: {  	_ =	shalt  }
0x41: {  	_ =	shalt  }
0x42: {  	_ =	shalt  }
0x43: {  	_ =	shalt  }
0x44: {  	_ =	shalt  }
0x45: {  	_ =	shalt  }
0x46: {  	_ =	shalt  }
0x47: {  	_ =	shalt  }
0x48: {  	_ =	shalt  }
0x49: {  	_ =	shalt  }
0x4a: {  	_ =	shalt  }
0x4b: {  	_ =	shalt  }
0x4c: {  	_ =	shalt  }
0x4d: {  	_ =	shalt  }
0x4e: {  	_ =	shalt  }
0x4f: {  	_ =	shalt  }
0x50: {  	_ =	shalt  }
0x51: {  	_ =	shalt  }
0x52: {  	_ =	shalt  }
0x53: {  	_ =	shalt  }
0x54: {  	_ =	shalt  }
0x55: {  	_ =	shalt  }
0x56: {  	_ =	shalt  }
0x57: {  	_ =	shalt  }
0x58: {  	_ =	shalt  }
0x59: {  	_ =	shalt  }
0x5a: {  	_ =	shalt  }
0x5b: {  	_ =	shalt  }
0x5c: {  	_ =	shalt  }
0x5d: {  	_ =	shalt  }
0x5e: {  	_ =	shalt  }
0x5f: {  	_ =	shalt  }
0x60: {  	_ =	shalt  }
0x61: {  	_ =	shalt  }
0x62: {  	_ =	shalt  }
0x63: {  	_ =	shalt  }
0x64: {  	_ =	shalt  }
0x65: {  	_ =	shalt  }
0x66: {  	_ =	shalt  }
0x67: {  	_ =	shalt  }
0x68: {  	_ =	shalt  }
0x69: {  	_ =	shalt  }
0x6a: {  	_ =	shalt  }
0x6b: {  	_ =	shalt  }
0x6c: {  	_ =	shalt  }
0x6d: {  	_ =	shalt  }
0x6e: {  	_ =	shalt  }
0x6f: {  	_ =	shalt  }
0x70: {  	_ =	shalt  }
0x71: {  	_ =	shalt  }
0x72: {  	_ =	shalt  }
0x73: {  	_ =	shalt  }
0x74: {  	_ =	shalt  }
0x75: {  	_ =	shalt  }
0x76: {  	_ =	shalt  }
0x77: {  	_ =	shalt  }
0x78: {  	_ =	shalt  }
0x79: {  	_ =	shalt  }
0x7a: {  	_ =	shalt  }
0x7b: {  	_ =	shalt  }
0x7c: {  	_ =	shalt  }
0x7d: {  	_ =	shalt  }
0x7e: {  	_ =	shalt  }
0x7f: {  	_ =	shalt  }
0x80: {  	_ =	shalt  }
0x81: {  	_ =	shalt  }
0x82: {  	_ =	shalt  }
0x83: {  	_ =	shalt  }
0x84: {  	_ =	shalt  }
0x85: {  	_ =	shalt  }
0x86: {  	_ =	shalt  }
0x87: {  	_ =	shalt  }
.Lfunc_end0:
.L_simem_size_0:
called_computation_lowered:
.L_overlay_start_0:
0x88: {  	s2 =	sld [smem:$0x3FD9]  }
0x89: {  	s3 =	sld [smem:$0x3FFE];
	_ =	sdelay $0x1  }
0x8a: {  	s1 =	srdreg.scid  }
0x8b: {  	s0 =	sand.u32 $0x1, s1  }
0x8c: {  	s17 =	sshll.u32 s0, $0xA;
	s2 =	sadd.s32 s3, s2  }
0x8d: {  	s2 =	sadd.s32 s2, s17  }
0x8e: {  	[smem:$0x3FC6] =	sst s2  }
0x8f: {  	_ = 	snop  }
0x90: {  	s2 =	sld [smem:$0x3FD0];
	(tm) =	ssettm $0x1  }
0x91: {  	s18 =	sld [smem:$0x3FFB];
	_ =	sdelay $0x3  }
0x92: {  	_ =	strace s18  }
0x93: {  	s3 =	sld [smem:$0x3FFC];
	_ =	sdelay $0x3  }
0x94: {  	_ =	strace s3  }
0x95: {  	s3 =	sld [smem:$0x3FFD];
	_ =	sdelay $0x3  }
0x96: {  	_ =	strace s3  }
0x97: {  	_ =	strace $0x8FFFFFFF  }
0x98: {  	s19 =	sld [smem:$0x3FDB];
	_ =	sdelay $0x1  }
0x99: {  	s4 =	simm.s32 $_scs_section_size  }
0x9a: {  	s5 =	simm.s32 $_size__tile_overlayer_lowered;
	s6 =	simm.s32 $_tile_overlayer_lowered  }
0x9b: {  	s22 =	simm.s32 $0x1BFF;
	s21 =	sshll.u32 s6, $0x1;
	s3 =	sadd.s32 s4, s19  }
0x9c: {  	s7 =	simm.s32 $0x0;
	s20 =	sshll.u32 s5, $0x1;
	s5 =	sadd.s32 s21, s3  }
0x9d: {  	[timem:s7], [sflag:s22] =	dma.local [hbm:s5], s20  }
0x9e: {  	_ =	swait.ge [sflag:s22], s20  }
0x9f: {  	s4 =	ssub.s32 $0x0, s20;
	[sflag:s22] =	ssyncset.done $0x0  }
0xa0: {  	[sflag:s22] =	ssyncadd.s32 s4;
	_ =	sdelay $0x1  }
0xa1: {  	s23 =	simm.s32 $0x1B8B  }
0xa2: {  	_ =	swait.ge [sflag:s23], $0x1  }
0xa3: {  	[sflag:s23] =	ssyncset.done $0x0  }
0xa4: {  	s25 =	simm.s32 $0x1B8E;
	s24 =	sld [smem:$0x3FFE];
	[sflag:s23] =	ssyncadd.s32 $0xFFFFFFFF  }
0xa5: {  	s26 =	simm.s32 $execute0_lowered;
	[smem:$0x3FD2] =	sst s25  }
0xa6: {  	s5 =	sshll.u32 s26, $0x1;
	_ =	strace $0x80000046;
	[dreg:$0x1] =	wrdreg $0xFFFFFFFF  }
0xa7: {  	s28 =	simm.s32 $_size_execute0_lowered;
	s3 =	sadd.s32 s3, s5;
	[dreg:$0x0] =	wrdreg $0x0  }
0xa8: {  	s5 =	sshll.u32 s28, $0x1;
	[dreg:$0x2] =	wrdreg s3  }
0xa9: {  	[dreg:$0x3] =	wrdreg s5  }
0xaa: {  	[dreg:$0x4] =	wrdreg $0xC0  }
0xab: {  	_ =	task [dreg:s7], $0x5FFFF  }
0xac: {  	[dreg:$0x1] =	wrdreg $0xFFFFFFFF  }
0xad: {  	[dreg:$0x0] =	wrdreg $0x60  }
0xae: {  	[dreg:$0x2] =	wrdreg s2  }
0xaf: {  	[dreg:$0x3] =	wrdreg s24  }
0xb0: {  	[dreg:$0x4] =	wrdreg $0x9  }
0xb1: {  	_ =	task.clear_ibuf [dreg:s7], $0x5FFFF;
	_ =	strace $0x90000046  }
0xb2: {  	s29 =	simm.s32 $0x9;
	_ =	strace $0x80000048  }
0xb3: {  	_ =	swait.ge [sflag:s29], $0x1  }
0xb4: {  	[sflag:s29] =	ssyncadd.s32 $0xFFFFFFFF  }
0xb5: {  	_ =	strace $0x90000048  }
0xb6: {  	_ =	sfence  }
0xb7: {  	s30 =	sld [smem:$0x0];
	_ =	sdelay $0x2  }
0xb8: {  	s31 =	sshll.u32 s1, $0xD;
	s1 =	sshrl.u32 s1, $0x2  }
0xb9: {  	s3 =	sand.u32 $0x4000, s31;
	s1 =	sadd.s32 s1, s30  }
0xba: {  	s0 =	sor.u32 s3, s0;
	s1 =	sshll.u32 s1, $0x11  }
0xbb: {  	s0 =	sor.u32 s1, s0  }
0xbc: {  	s0 =	sadd.s32 $0x8F2B, s0  }
0xbd: {  	[sflag:s0] =	ssyncadd.remote.s32 $0x1  }
0xbe: {  	_ =	sfence.sel $0xFFFF  }
0xbf: {  	[dreg:$0x0] =	wrdreg $0xFFFFFFFF;
	(pc) =	sbr.abs _section_cstart, $3  }
0xc0: {  	[dreg:$0x1] =	wrdreg $0xFFFFFFFF  }
0xc1: {  	_ =	task.clear_ibuf [dreg:s7], $0x2FFFF;
	_ =	strace $0x9FFFFFFF  }
0xc2: {  	(tm) =	ssettm $0x7FFFFFFF  }
0xc3: {  	_ =	shalt  }
tec
execute0_lowered:
.L_overlay_start_1:
0x0: {  	(tag) =	ssettag $0x1  }
0x1: {  	s1 =	rddreg [dreg:$0x0]  }
0x2: {  	s5 =	rddreg [dreg:$0x1]  }
0x3: {  	s0 =	rddreg [dreg:$0x2];
	s3 =	simm.s32 $0x0;
	s4 =	srdreg.scid  }
0x4: {  	s2 =	stileid.u32;
	s14 =	simm.s32 $0x5;
	s15 =	simm.s32 $0x200  }
0x5: {  	s16 =	simm.s32 $0x400;
	s17 =	simm.s32 $0x4400;
	s18 =	simm.s32 $0x1  }
0x6: {  	s19 =	simm.s32 $0x20;
	s20 =	simm.s32 $0x80;
	s21 =	simm.s32 $0x3  }
0x7: {  	s22 =	simm.s32 $0x2;
	s23 =	simm.s32 $0x4;
	s24 =	simm.s32 $0x0  }
0x8: {  	[smem:$0x7FF] =	sst s3;
	s4 =	sand.u32 $0x1, s4;
	s6 =	sshll.u32 s2, $0x1  }
0x9: {  	s9 =	sshll.u32 s2, $0x3;
	_ =	strace $0x80000047;
	s8 =	sor.u32 s4, s6  }
0xa: {  	s30 =	ssub.s32 $0x2, s4;
	s4 =	sadd.s32 $0x400, s5;
	s7 =	sshll.u32 s8, $0x10  }
0xb: {  	s5 =	sadd.s32 $0x400400, s5;
	s10 =	sshrl.u32 s30, $0x1;
	s7 =	sor.u32 s9, s7  }
0xc: {  	s13 =	ssub.s32 s30, s10;
	s6 =	sand.u32 $0x70060, s7;
	s7 =	sshll.u32 s8, $0x9  }
0xd: {  	s8 =	sshll.u32 s8, $0x6;
	s13 =	smax.u32 s13, $0x1;
	s31 =	sshrl.u32 s6, $0x3  }
0xe: {  	s8 =	sadd.s32 s1, s8;
	s9 =	sor.u32 $0x8000, s7;
	s12 =	sadd.s32 s31, s5  }
0xf: {  	s10 =	sadd.s32 $0xC800, s8;
	s11 =	sadd.s32 $0x180000, s12;
	s12 =	sadd.s32 $0x190000, s12  }
.LBB2_1:
0x10: {  	[tilespmem:s3], [sflag:$0x5] =	stream.linear.gather [hbm4b:s8+s3], $0x200, $0x38;
	[tilespmem:$0x8400] =	vst v63  }
0x11: {  	_ =	swait.ge [sflag:s14], $0x200  }
0x12: {  	[sflag:s14] =	ssyncset.done $0x0  }
0x13: {  	s25 =	simm.s32 $0x0;
	s26 =	simm.s32 $0x40;
	[sflag:s14] =	ssyncadd.s32 $0xFFFFFE00  }
.LBB2_2:
0x14: {  	p0 =	sne.s32 s26, $0x7C0;
	v0 =	vld [tilespmem:s25+$0x0];
	_ =	sdelay $0x4  }
.Ltmp0:
0x15: {  	v1 =	vshll.u32 v0, $0x2;
	(pc) =	sbr.rel @p0 .LBB2_2-.Ltmp0, $4  }
0x16: {  	v2 =	vand.u32 $0xFFFFFE00, v0;
	v0 =	vshrl.u32 v0, $0x7;
	v1 =	vand.u32 $0x1FC, v1  }
0x17: {  	v0 =	vand.u32 $0x3, v0;
	v1 =	vor.u32 v2, v1  }
0x18: {  	v0 =	vor.u32 v0, v1  }
0x19: {  	[tilespmem:s25+$0x0] =	vst v0;
	s25 =	sshra.s32 s26, $0x2;
	s26 =	sadd.s32 $0x40, s26  }
0x1a: {  	v0 =	vld [tilespmem:s25+$0x0];
	_ =	sdelay $0x4  }
0x1b: {  	v1 =	vshll.u32 v0, $0x2  }
0x1c: {  	v2 =	vand.u32 $0xFFFFFE00, v0;
	v0 =	vshrl.u32 v0, $0x7;
	v1 =	vand.u32 $0x1FC, v1  }
0x1d: {  	v0 =	vand.u32 $0x3, v0;
	v1 =	vor.u32 v2, v1  }
0x1e: {  	v0 =	vor.u32 v0, v1  }
0x1f: {  	s26 =	simm.s32 $0x0;
	[tilespmem:s25+$0x0] =	vst v0;
	s25 =	simm.s32 $0x0  }
0x20: {  	[tilespmem:s16], [sflag:$0x1] =	stream.indirect.gather [hbm4b:s4+s15], $0x20, s25, s15, $0xb8;
	[tilespmem:$0x8400] =	vst v63  }
.LBB2_4:
0x21: {  	s28 =	sshll.u32 s26, $0x1  }
0x22: {  	p0 =	seq.s32 s26, $0x0;
	s28 =	sor.u32 $0x1, s28  }
0x23: {  	s29 =	simm.s32 @!p0 $0x4;
	s30 =	sshll.u32 s28, $0xE  }
0x24: {  	_ =	swait.ge @!p0 [sflag:s29], $0x4000;
	s30 =	sor.u32 s7, s30  }
0x25: {  	[sflag:s29] =	ssyncset.done @!p0 $0x0;
	s30 =	sshrl.u32 s30, $0x3  }
0x26: {  	[sflag:s29] =	ssyncadd.s32 @!p0 $0xFFFFC000;
	s29 =	sadd.s32 s1, s30  }
0x27: {  	[tilespmem:s15], [sflag:$0x5] =	stream.linear.gather [hbm4b:s29+s25], $0x200, $0x38;
	[tilespmem:$0x8400] =	vst v63  }
0x28: {  	_ =	swait.ge [sflag:s14], $0x200  }
0x29: {  	[sflag:s14] =	ssyncset.done $0x0  }
0x2a: {  	s30 =	simm.s32 $0x40;
	s29 =	simm.s32 $0x0;
	[sflag:s14] =	ssyncadd.s32 $0xFFFFFE00  }
.LBB2_5:
0x2b: {  	p0 =	sne.s32 s30, $0x7C0;
	v0 =	vld [tilespmem:s29+$0x200];
	_ =	sdelay $0x4  }
.Ltmp1:
0x2c: {  	v1 =	vshll.u32 v0, $0x2;
	(pc) =	sbr.rel @p0 .LBB2_5-.Ltmp1, $4  }
0x2d: {  	v2 =	vand.u32 $0xFFFFFE00, v0;
	v0 =	vshrl.u32 v0, $0x7;
	v1 =	vand.u32 $0x1FC, v1  }
0x2e: {  	v0 =	vand.u32 $0x3, v0;
	v1 =	vor.u32 v2, v1  }
0x2f: {  	v0 =	vor.u32 v0, v1  }
0x30: {  	[tilespmem:s29+$0x200] =	vst v0;
	s29 =	sshra.s32 s30, $0x2;
	s30 =	sadd.s32 $0x40, s30  }
0x31: {  	v0 =	vld [tilespmem:s29+$0x200];
	_ =	sdelay $0x4  }
0x32: {  	v1 =	vshll.u32 v0, $0x2  }
0x33: {  	v2 =	vand.u32 $0xFFFFFE00, v0;
	v0 =	vshrl.u32 v0, $0x7;
	v1 =	vand.u32 $0x1FC, v1  }
0x34: {  	v0 =	vand.u32 $0x3, v0;
	v1 =	vor.u32 v2, v1  }
0x35: {  	v0 =	vor.u32 v0, v1  }
0x36: {  	[tilespmem:s29+$0x200] =	vst v0;
	s29 =	sshll.u32 s26, $0x14  }
0x37: {  	[tilespmem:s17], [sflag:$0x2] =	stream.indirect.gather [hbm4b:s4+s15], $0x20, s15, s15, $0xb8;
	[tilespmem:$0x8400] =	vst v63  }
0x38: {  	s29 =	sor.u32 s6, s29;
	_ =	swait.ge [sflag:s18], $0x4000  }
0x39: {  	s29 =	sshrl.u32 s29, $0x3;
	[sflag:s18] =	ssyncset.done $0x0  }
0x3a: {  	s29 =	sadd.s32 s5, s29;
	[sflag:s18] =	ssyncadd.s32 $0xFFFFC000  }
0x3b: {  	[hbm4b:s29+s19] =	stream.strided.scatter [tilespmem:s16], [sflag:$0x3], $0x4000, s20, s19, $0x38;
	[tilespmem:$0x8400] =	vst v63  }
0x3c: {  	s29 =	sshll.u32 s26, $0xF  }
0x3d: {  	_ =	swait.ge [sflag:s21], $0x4000;
	s29 =	sadd.s32 s9, s29  }
0x3e: {  	[sflag:s21] =	ssyncset.done $0x0;
	s29 =	sshrl.u32 s29, $0x3  }
0x3f: {  	s30 =	simm.s32 $0x0;
	[sflag:s21] =	ssyncadd.s32 $0xFFFFC000;
	s29 =	sadd.s32 s1, s29  }
0x40: {  	[tilespmem:s30], [sflag:$0x5] =	stream.linear.gather [hbm4b:s29+s30], $0x200, $0x38;
	[tilespmem:$0x8400] =	vst v63  }
0x41: {  	_ =	swait.ge [sflag:s14], $0x200  }
0x42: {  	[sflag:s14] =	ssyncset.done $0x0  }
0x43: {  	s29 =	simm.s32 $0x0;
	s30 =	simm.s32 $0x40;
	[sflag:s14] =	ssyncadd.s32 $0xFFFFFE00  }
.LBB2_7:
0x44: {  	p0 =	sne.s32 s30, $0x7C0;
	v0 =	vld [tilespmem:s29+$0x0];
	_ =	sdelay $0x4  }
.Ltmp2:
0x45: {  	v1 =	vshll.u32 v0, $0x2;
	(pc) =	sbr.rel @p0 .LBB2_7-.Ltmp2, $4  }
0x46: {  	v2 =	vand.u32 $0xFFFFFE00, v0;
	v0 =	vshrl.u32 v0, $0x7;
	v1 =	vand.u32 $0x1FC, v1  }
0x47: {  	v0 =	vand.u32 $0x3, v0;
	v1 =	vor.u32 v2, v1  }
0x48: {  	v0 =	vor.u32 v0, v1  }
0x49: {  	[tilespmem:s29+$0x0] =	vst v0;
	s29 =	sshra.s32 s30, $0x2;
	s30 =	sadd.s32 $0x40, s30  }
0x4a: {  	v0 =	vld [tilespmem:s29+$0x0];
	_ =	sdelay $0x4  }
0x4b: {  	v1 =	vshll.u32 v0, $0x2  }
0x4c: {  	v2 =	vand.u32 $0xFFFFFE00, v0;
	v0 =	vshrl.u32 v0, $0x7;
	v1 =	vand.u32 $0x1FC, v1  }
0x4d: {  	v0 =	vand.u32 $0x3, v0;
	v1 =	vor.u32 v2, v1  }
0x4e: {  	s26 =	sadd.s32 $0x1, s26;
	v0 =	vor.u32 v0, v1  }
0x4f: {  	p0 =	sne.s32 s26, $0xC;
	[tilespmem:s29+$0x0] =	vst v0  }
0x50: {  	[tilespmem:s16], [sflag:$0x1] =	stream.indirect.gather [hbm4b:s4+s15], $0x20, s3, s15, $0xb8;
	[tilespmem:$0x8400] =	vst v63  }
.Ltmp3:
0x51: {  	s28 =	sshll.u32 s28, $0x13;
	(pc) =	sbr.rel @p0 .LBB2_4-.Ltmp3, $4  }
0x52: {  	s28 =	sor.u32 s6, s28;
	_ =	swait.ge [sflag:s22], $0x4000  }
0x53: {  	s28 =	sshrl.u32 s28, $0x3;
	[sflag:s22] =	ssyncset.done $0x0  }
0x54: {  	s28 =	sadd.s32 s5, s28;
	[sflag:s22] =	ssyncadd.s32 $0xFFFFC000  }
0x55: {  	[hbm4b:s28+s19] =	stream.strided.scatter [tilespmem:s17], [sflag:$0x4], $0x4000, s20, s19, $0x38;
	[tilespmem:$0x8400] =	vst v63  }
0x56: {  	_ =	swait.ge [sflag:s23], $0x4000  }
0x57: {  	[sflag:s23] =	ssyncset.done $0x0  }
0x58: {  	s25 =	simm.s32 $0x0;
	[sflag:s23] =	ssyncadd.s32 $0xFFFFC000  }
0x59: {  	[tilespmem:s15], [sflag:$0x5] =	stream.linear.gather [hbm4b:s10+s25], $0x200, $0x38;
	[tilespmem:$0x8400] =	vst v63  }
0x5a: {  	_ =	swait.ge [sflag:s14], $0x200  }
0x5b: {  	[sflag:s14] =	ssyncset.done $0x0  }
0x5c: {  	s26 =	simm.s32 $0x40;
	s25 =	simm.s32 $0x0;
	[sflag:s14] =	ssyncadd.s32 $0xFFFFFE00  }
.LBB2_10:
0x5d: {  	p0 =	sne.s32 s26, $0x7C0;
	v0 =	vld [tilespmem:s25+$0x200];
	_ =	sdelay $0x4  }
.Ltmp4:
0x5e: {  	v1 =	vshll.u32 v0, $0x2;
	(pc) =	sbr.rel @p0 .LBB2_10-.Ltmp4, $4  }
0x5f: {  	v2 =	vand.u32 $0xFFFFFE00, v0;
	v0 =	vshrl.u32 v0, $0x7;
	v1 =	vand.u32 $0x1FC, v1  }
0x60: {  	v0 =	vand.u32 $0x3, v0;
	v1 =	vor.u32 v2, v1  }
0x61: {  	v0 =	vor.u32 v0, v1  }
0x62: {  	[tilespmem:s25+$0x200] =	vst v0;
	s25 =	sshra.s32 s26, $0x2;
	s26 =	sadd.s32 $0x40, s26  }
0x63: {  	v0 =	vld [tilespmem:s25+$0x200];
	_ =	sdelay $0x4  }
0x64: {  	v1 =	vshll.u32 v0, $0x2  }
0x65: {  	v2 =	vand.u32 $0xFFFFFE00, v0;
	v0 =	vshrl.u32 v0, $0x7;
	v1 =	vand.u32 $0x1FC, v1  }
0x66: {  	v0 =	vand.u32 $0x3, v0;
	v1 =	vor.u32 v2, v1  }
0x67: {  	v0 =	vor.u32 v0, v1  }
0x68: {  	[tilespmem:s25+$0x200] =	vst v0  }
0x69: {  	[tilespmem:s17], [sflag:$0x2] =	stream.indirect.gather [hbm4b:s4+s15], $0x20, s15, s15, $0xb8;
	[tilespmem:$0x8400] =	vst v63  }
0x6a: {  	_ =	swait.ge [sflag:s18], $0x4000  }
0x6b: {  	[sflag:s18] =	ssyncset.done $0x0  }
0x6c: {  	[sflag:s18] =	ssyncadd.s32 $0xFFFFC000  }
0x6d: {  	[hbm4b:s11+s19] =	stream.strided.scatter [tilespmem:s16], [sflag:$0x3], $0x4000, s20, s19, $0x38;
	[tilespmem:$0x8400] =	vst v63  }
0x6e: {  	_ =	swait.ge [sflag:s21], $0x4000  }
0x6f: {  	[sflag:s21] =	ssyncset.done $0x0  }
0x70: {  	[sflag:s21] =	ssyncadd.s32 $0xFFFFC000  }
0x71: {  	s24 =	sadd.s32 $0x1, s24;
	_ =	swait.ge [sflag:s22], $0x4000  }
0x72: {  	p0 =	sne.s32 s24, s13;
	[sflag:s22] =	ssyncset.done $0x0  }
.Ltmp5:
0x73: {  	[sflag:s22] =	ssyncadd.s32 $0xFFFFC000;
	(pc) =	sbr.rel @p0 .LBB2_1-.Ltmp5, $4  }
0x74: {  	[hbm4b:s12+s19] =	stream.strided.scatter [tilespmem:s17], [sflag:$0x4], $0x4000, s20, s19, $0x38;
	[tilespmem:$0x8400] =	vst v63  }
0x75: {  	_ =	swait.ge [sflag:s23], $0x4000  }
0x76: {  	[sflag:s23] =	ssyncset.done $0x0  }
0x77: {  	[sflag:s23] =	ssyncadd.s32 $0xFFFFC000  }
0x78: {  	_ =	sfence.sel $0x180000  }
0x79: {  	[bflag:$0x0] =	sbarrier.arrive $0xFFFF  }
0x7a: {  	p0 =	sne.s32 s2, $0x0;
	_ =	strace $0x90000047  }
0x7b: {  	s0 =	sadd.s32 @!p0 $0x100000, s0;
	[bflag:$0x2] =	sbarrier.arrive $0xFFFF  }
0x7c: {  	[sflag:s0] =	ssyncadd.tile.s32 @!p0 $0x1;
	_ =	shalt  }
.Lfunc_end2:
_tile_overlayer_lowered:
.L_overlay_start_2:
0x7d: {  	(tag) =	ssettag $0x2  }
0x7e: {  	s0 =	rddreg [dreg:$0x0];
	s2 =	stileid.u32  }
0x7f: {  	s1 =	rddreg [dreg:$0x1];
	p0 =	sne.s32 s2, $0x0  }
0x80: {  	s3 =	rddreg [dreg:$0x2];
	[bflag:$0x3] =	sbarrier.arrive $0xFFFF;
	s2 =	simm.s32 @!p0 $0x1C05  }
0x81: {  	[timem:s3], [sflag:s2] =	dma.local @!p0 [hbm:s0], s1  }
0x82: {  	s0 =	simm.s32 @!p0 $0x5  }
0x83: {  	_ =	swait.ge @!p0 [sflag:s0], s1  }
0x84: {  	s1 =	ssub.s32 @!p0 $0x0, s1;
	[sflag:s0] =	ssyncset.done @!p0 $0x0  }
0x85: {  	[sflag:s0] =	ssyncadd.s32 @!p0 s1  }
0x86: {  	[bflag:$0x3] =	sbarrier.arrive $0xFFFF  }
0x87: {  	_ =	shalt  }

</sc_bundles>
